<compile_context>
chip_gen: v7x
topology: tpu7x:2x2x1
jax: 0.10.2.dev20260603
libtpu: 0.0.44.dev20260713+nightly
codegen_flags: <defaults>
</compile_context>

<pallas_src>
import jax
import jax.numpy as jnp
from jax import lax
from jax.experimental import pallas as pl
from jax.experimental.pallas import tpu as pltpu
from jax.experimental.pallas import tpu_sc as plsc

N = 10000
E = 320000
D = 128
H1 = 16
H2 = 32

NC = 2
NS = 16
NW = NC * NS
L = 16

E_PAD = 327680
N_ACC = 10240
EC = E_PAD // NC
C = 8192
NCHS = EC // C
SUB = C // NS
SUBN = N_ACC // NS

_f32 = jnp.float32
_i32 = jnp.int32

_mesh = plsc.VectorSubcoreMesh(
    core_axis_name="c", subcore_axis_name="s", num_cores=NC, num_subcores=NS)

_sc_params = pltpu.CompilerParams(needs_layout_passes=False)


def _sds(shape, dtype=_f32):
    return jax.ShapeDtypeStruct(shape, dtype)


def _zero_table(ref, n):
    zv = jnp.zeros((L,), _f32)

    def zstep(i, carry):
        ref[pl.ds(i * L, L)] = zv
        return carry

    lax.fori_loop(0, n // L, zstep, 0)



def _mm1_body(x_ref, wl_ref, wr_ref, xl_ref, xr_ref):
    x = x_ref[...]
    dn = (((0,), (1,)), ((), ()))
    xl_ref[...] = lax.dot_general(wl_ref[...], x, dn,
                                  preferred_element_type=_f32)
    xr_ref[...] = lax.dot_general(wr_ref[...], x, dn,
                                  preferred_element_type=_f32)


def _mm2_body(p_ref, b1_ref, wl_ref, wr_ref, xl_ref, xr_ref):
    ht = p_ref[:, 0, :] + p_ref[:, 1, :] + b1_ref[...][:, None]
    ht = jnp.maximum(ht, 0.0)
    dn = (((0,), (0,)), ((), ()))
    xl_ref[...] = lax.dot_general(wl_ref[...], ht, dn,
                                  preferred_element_type=_f32)
    xr_ref[...] = lax.dot_general(wr_ref[...], ht, dn,
                                  preferred_element_type=_f32)


_mm1 = pl.pallas_call(
    _mm1_body, out_shape=[_sds((H1, N_ACC)), _sds((H1, N_ACC))])

_mm2 = pl.pallas_call(
    _mm2_body, out_shape=[_sds((H2, N_ACC)), _sds((H2, N_ACC))])



def _pass1_body(xl1t, xr1t, pkf, ewf, wrep, arep,
                u_out, den_out,
                xa, xb, dk, kbuf, ebuf, pbuf, lbuf, ubuf, rbuf2, wv_r,
                av_r, psh, rsem):
    c = lax.axis_index("c")
    s = lax.axis_index("s")
    wid = s * NC + c

    pltpu.sync_copy(xl1t.at[s], xa)
    pltpu.sync_copy(xr1t.at[s], xb)
    pltpu.sync_copy(wrep.at[pl.ds(s * L, L)], wv_r)
    pltpu.sync_copy(arep.at[pl.ds(s * L, L)], av_r)
    w_v = wv_r[...]
    a_v = av_r[...]
    _zero_table(dk, N_ACC)

    def chunk(ci, carry):
        eb = c * EC + ci * C
        d1 = pltpu.async_copy(pkf.at[pl.ds(eb, C)], kbuf, rsem)
        d3 = pltpu.async_copy(ewf.at[pl.ds(eb, C)], ebuf, rsem)
        d1.wait(); d3.wait()

        @plsc.parallel_loop(0, C // L, unroll=8)
        def grp(g):
            pk = kbuf[pl.ds(g * L, L)]
            s_v = jnp.bitwise_and(pk, 0xFFFF)
            d_v = lax.shift_right_logical(pk, 16)
            ew_v = ebuf[pl.ds(g * L, L)]
            a = plsc.load_gather(xa, [s_v])
            b = plsc.load_gather(xb, [d_v])
            e = a + b + ew_v * w_v
            e = jnp.maximum(e, 0.2 * e)
            pbuf[pl.ds(g * L, L)] = a_v * e

        poff = (ci % 2) * (NS * C)
        pltpu.sync_copy(pbuf, psh.at[pl.ds(poff + s * C, C)])
        plsc.subcore_barrier()
        descs = []
        for t in range(NS):
            descs.append(pltpu.async_copy(
                psh.at[pl.ds(poff + t * C + s * SUB, SUB)],
                lbuf.at[pl.ds(t * SUB, SUB)], rsem))
        for dsc in descs:
            dsc.wait()

        @plsc.parallel_loop(0, SUB // L, unroll=4)
        def red(g2):
            acc = lbuf[pl.ds(g2 * L, L)]
            for t in range(1, NS):
                acc = acc + lbuf[pl.ds(t * SUB + g2 * L, L)]
            u_v = jnp.exp(acc)
            ubuf[pl.ds(g2 * L, L)] = u_v
            d2 = lax.shift_right_logical(
                kbuf[pl.ds(s * SUB + g2 * L, L)], 16)
            plsc.addupdate_scatter(dk, [d2], u_v)
        pltpu.sync_copy(ubuf, u_out.at[pl.ds(eb + s * SUB, SUB)])
        return carry

    lax.fori_loop(0, NCHS, chunk, 0)

    plsc.subcore_barrier()
    pltpu.sync_copy(dk, psh.at[pl.ds(s * N_ACC, N_ACC)])
    plsc.subcore_barrier()
    descs = []
    for t in range(NS):
        descs.append(pltpu.async_copy(
            psh.at[pl.ds(t * N_ACC + s * SUBN, SUBN)],
            rbuf2.at[pl.ds(t * SUBN, SUBN)], rsem))
    for dsc in descs:
        dsc.wait()

    @plsc.parallel_loop(0, SUBN // L, unroll=4)
    def dred(g2):
        acc = rbuf2[pl.ds(g2 * L, L)]
        for t in range(1, NS):
            acc = acc + rbuf2[pl.ds(t * SUBN + g2 * L, L)]
        dk[pl.ds(g2 * L, L)] = acc

    pltpu.sync_copy(dk.at[pl.ds(0, SUBN)],
                    den_out.at[pl.ds(c * N_ACC + s * SUBN, SUBN)])


_pass1 = pl.kernel(
    _pass1_body,
    out_type=[_sds((E_PAD,)), _sds((NC * N_ACC,))],
    mesh=_mesh,
    compiler_params=_sc_params,
    scratch_types=[
        pltpu.VMEM((N_ACC,), _f32),
        pltpu.VMEM((N_ACC,), _f32),
        pltpu.VMEM((N_ACC,), _f32),
        pltpu.VMEM((C,), _i32),
        pltpu.VMEM((C,), _f32),
        pltpu.VMEM((C,), _f32),
        pltpu.VMEM((NS * SUB,), _f32),
        pltpu.VMEM((SUB,), _f32),
        pltpu.VMEM((NS * SUBN,), _f32),
        pltpu.VMEM((L,), _f32),
        pltpu.VMEM((L,), _f32),
        pltpu.VMEM_SHARED((2 * NS * C,), _f32),
        pltpu.SemaphoreType.DMA,
    ],
)



def _pass2_body(xl1t, pkf, u_in, denm,
                a_out, out_parts,
                xa, dm, dtmp, ok, kbuf, ubuf, abuf, rsem):
    c = lax.axis_index("c")
    s = lax.axis_index("s")
    wid = s * NC + c

    pltpu.sync_copy(xl1t.at[s], xa)
    pltpu.sync_copy(denm.at[pl.ds(0, N_ACC)], dm)
    pltpu.sync_copy(denm.at[pl.ds(N_ACC, N_ACC)], dtmp)

    @plsc.parallel_loop(0, N_ACC // L, unroll=8)
    def mrg(i):
        dm[pl.ds(i * L, L)] = dm[pl.ds(i * L, L)] + dtmp[pl.ds(i * L, L)]

    _zero_table(ok, N_ACC)

    def chunk(ci, carry):
        eb = c * EC + ci * C
        d1 = pltpu.async_copy(pkf.at[pl.ds(eb, C)], kbuf, rsem)
        d3 = pltpu.async_copy(u_in.at[pl.ds(eb, C)], ubuf, rsem)
        d1.wait(); d3.wait()

        @plsc.parallel_loop(0, C // L, unroll=8)
        def grp(g):
            pk = kbuf[pl.ds(g * L, L)]
            s_v = jnp.bitwise_and(pk, 0xFFFF)
            d_v = lax.shift_right_logical(pk, 16)
            den = plsc.load_gather(dm, [d_v])
            u_v = ubuf[pl.ds(g * L, L)]
            alpha = u_v / (den + 1e-16)
            abuf[pl.ds(g * L, L)] = alpha
            aa = plsc.load_gather(xa, [s_v])
            plsc.addupdate_scatter(ok, [d_v], aa * alpha)

        @pl.when(s == 0)
        def _():
            pltpu.sync_copy(abuf, a_out.at[pl.ds(eb, C)])
        return carry

    lax.fori_loop(0, NCHS, chunk, 0)
    pltpu.sync_copy(ok, out_parts.at[pl.ds(wid * N_ACC, N_ACC)])


_pass2 = pl.kernel(
    _pass2_body,
    out_type=[_sds((E_PAD,)), _sds((NW * N_ACC,))],
    mesh=_mesh,
    compiler_params=_sc_params,
    scratch_types=[
        pltpu.VMEM((N_ACC,), _f32),
        pltpu.VMEM((N_ACC,), _f32),
        pltpu.VMEM((N_ACC,), _f32),
        pltpu.VMEM((N_ACC,), _f32),
        pltpu.VMEM((C,), _i32),
        pltpu.VMEM((C,), _f32),
        pltpu.VMEM((C,), _f32),
        pltpu.SemaphoreType.DMA,
    ],
)



def _pass3_body(xl2t, xr2t, pkf, alf, wrep, arep,
                u_out, den_out,
                xa1, xb1, xa2, xb2, dk, kbuf, ebuf, pbuf, lbuf, ubuf,
                rbuf2, wv1_r, av1_r, wv2_r, av2_r, psh, rsem):
    c = lax.axis_index("c")
    s = lax.axis_index("s")
    wid = s * NC + c
    s2 = s + NS

    pltpu.sync_copy(xl2t.at[s], xa1)
    pltpu.sync_copy(xr2t.at[s], xb1)
    pltpu.sync_copy(xl2t.at[s2], xa2)
    pltpu.sync_copy(xr2t.at[s2], xb2)
    pltpu.sync_copy(wrep.at[pl.ds(s * L, L)], wv1_r)
    pltpu.sync_copy(arep.at[pl.ds(s * L, L)], av1_r)
    pltpu.sync_copy(wrep.at[pl.ds(s2 * L, L)], wv2_r)
    pltpu.sync_copy(arep.at[pl.ds(s2 * L, L)], av2_r)
    w1_v = wv1_r[...]
    a1_v = av1_r[...]
    w2_v = wv2_r[...]
    a2_v = av2_r[...]
    _zero_table(dk, N_ACC)

    def chunk(ci, carry):
        eb = c * EC + ci * C
        d1 = pltpu.async_copy(pkf.at[pl.ds(eb, C)], kbuf, rsem)
        d3 = pltpu.async_copy(alf.at[pl.ds(eb, C)], ebuf, rsem)
        d1.wait(); d3.wait()

        @plsc.parallel_loop(0, C // L, unroll=8)
        def grp(g):
            pk = kbuf[pl.ds(g * L, L)]
            s_v = jnp.bitwise_and(pk, 0xFFFF)
            d_v = lax.shift_right_logical(pk, 16)
            al_v = ebuf[pl.ds(g * L, L)]
            e1 = (plsc.load_gather(xa1, [s_v]) + plsc.load_gather(xb1, [d_v])
                  + al_v * w1_v)
            e1 = jnp.maximum(e1, 0.2 * e1)
            e2 = (plsc.load_gather(xa2, [s_v]) + plsc.load_gather(xb2, [d_v])
                  + al_v * w2_v)
            e2 = jnp.maximum(e2, 0.2 * e2)
            pbuf[pl.ds(g * L, L)] = a1_v * e1 + a2_v * e2

        poff = (ci % 2) * (NS * C)
        pltpu.sync_copy(pbuf, psh.at[pl.ds(poff + s * C, C)])
        plsc.subcore_barrier()
        descs = []
        for t in range(NS):
            descs.append(pltpu.async_copy(
                psh.at[pl.ds(poff + t * C + s * SUB, SUB)],
                lbuf.at[pl.ds(t * SUB, SUB)], rsem))
        for dsc in descs:
            dsc.wait()

        @plsc.parallel_loop(0, SUB // L, unroll=4)
        def red(g2):
            acc = lbuf[pl.ds(g2 * L, L)]
            for t in range(1, NS):
                acc = acc + lbuf[pl.ds(t * SUB + g2 * L, L)]
            u_v = jnp.exp(acc)
            ubuf[pl.ds(g2 * L, L)] = u_v
            d2 = lax.shift_right_logical(
                kbuf[pl.ds(s * SUB + g2 * L, L)], 16)
            plsc.addupdate_scatter(dk, [d2], u_v)
        pltpu.sync_copy(ubuf, u_out.at[pl.ds(eb + s * SUB, SUB)])
        return carry

    lax.fori_loop(0, NCHS, chunk, 0)

    plsc.subcore_barrier()
    pltpu.sync_copy(dk, psh.at[pl.ds(s * N_ACC, N_ACC)])
    plsc.subcore_barrier()
    descs = []
    for t in range(NS):
        descs.append(pltpu.async_copy(
            psh.at[pl.ds(t * N_ACC + s * SUBN, SUBN)],
            rbuf2.at[pl.ds(t * SUBN, SUBN)], rsem))
    for dsc in descs:
        dsc.wait()

    @plsc.parallel_loop(0, SUBN // L, unroll=4)
    def dred(g2):
        acc = rbuf2[pl.ds(g2 * L, L)]
        for t in range(1, NS):
            acc = acc + rbuf2[pl.ds(t * SUBN + g2 * L, L)]
        dk[pl.ds(g2 * L, L)] = acc

    pltpu.sync_copy(dk.at[pl.ds(0, SUBN)],
                    den_out.at[pl.ds(c * N_ACC + s * SUBN, SUBN)])


_pass3 = pl.kernel(
    _pass3_body,
    out_type=[_sds((E_PAD,)), _sds((NC * N_ACC,))],
    mesh=_mesh,
    compiler_params=_sc_params,
    scratch_types=[
        pltpu.VMEM((N_ACC,), _f32),
        pltpu.VMEM((N_ACC,), _f32),
        pltpu.VMEM((N_ACC,), _f32),
        pltpu.VMEM((N_ACC,), _f32),
        pltpu.VMEM((N_ACC,), _f32),
        pltpu.VMEM((C,), _i32),
        pltpu.VMEM((C,), _f32),
        pltpu.VMEM((C,), _f32),
        pltpu.VMEM((NS * SUB,), _f32),
        pltpu.VMEM((SUB,), _f32),
        pltpu.VMEM((NS * SUBN,), _f32),
        pltpu.VMEM((L,), _f32),
        pltpu.VMEM((L,), _f32),
        pltpu.VMEM((L,), _f32),
        pltpu.VMEM((L,), _f32),
        pltpu.VMEM_SHARED((2 * NS * C,), _f32),
        pltpu.SemaphoreType.DMA,
    ],
)



EW4 = E // NW
C4 = 2000
NCH4 = EW4 // C4


def _pass4_body(dstf, u_in, denm, a_out, dm, dtmp, dbuf, ubuf, abuf):
    c = lax.axis_index("c")
    s = lax.axis_index("s")
    wid = s * NC + c

    pltpu.sync_copy(denm.at[pl.ds(0, N_ACC)], dm)
    pltpu.sync_copy(denm.at[pl.ds(N_ACC, N_ACC)], dtmp)

    @plsc.parallel_loop(0, N_ACC // L, unroll=8)
    def mrg(i):
        dm[pl.ds(i * L, L)] = dm[pl.ds(i * L, L)] + dtmp[pl.ds(i * L, L)]

    def chunk(ci, carry):
        eb = wid * EW4 + ci * C4
        pltpu.sync_copy(dstf.at[pl.ds(eb, C4)], dbuf)
        pltpu.sync_copy(u_in.at[pl.ds(eb, C4)], ubuf)

        @plsc.parallel_loop(0, C4 // L, unroll=8)
        def grp(g):
            d_v = dbuf[pl.ds(g * L, L)]
            den = plsc.load_gather(dm, [d_v])
            u_v = ubuf[pl.ds(g * L, L)]
            abuf[pl.ds(g * L, L)] = u_v / (den + 1e-16)
        pltpu.sync_copy(abuf, a_out.at[pl.ds(eb, C4)])
        return carry

    lax.fori_loop(0, NCH4, chunk, 0)


_pass4 = pl.kernel(
    _pass4_body,
    out_type=_sds((E,)),
    mesh=_mesh,
    compiler_params=_sc_params,
    scratch_types=[
        pltpu.VMEM((N_ACC,), _f32),
        pltpu.VMEM((N_ACC,), _f32),
        pltpu.VMEM((C4,), _i32),
        pltpu.VMEM((C4,), _f32),
        pltpu.VMEM((C4,), _f32),
    ],
)



@jax.jit
def kernel(x, edges, edge_weights, W1l, W1r, W1e, att1, b1,
           W2l, W2r, W2e, att2, b2):
    src = edges[0]
    dst = edges[1]
    pad = E_PAD - E
    srcf = jnp.concatenate([src, jnp.zeros((pad,), _i32)])
    dstf = jnp.concatenate([dst, jnp.full((pad,), N, _i32)])
    ewf = jnp.concatenate([edge_weights[:, 0], jnp.zeros((pad,), _f32)])

    x_pad = jnp.zeros((N_ACC, D), _f32).at[:N].set(x)

    w1e_rep = jnp.repeat(W1e[0], L)
    att1_rep = jnp.repeat(att1, L)
    w2e_rep = jnp.repeat(W2e[0], L)
    att2_rep = jnp.repeat(att2, L)

    pkf = jnp.bitwise_or(srcf, dstf << 16)

    xl1t, xr1t = _mm1(x_pad, W1l, W1r)
    u1, den1 = _pass1(xl1t, xr1t, pkf, ewf, w1e_rep, att1_rep)
    alpha1, outp = _pass2(xl1t, pkf, u1, den1)
    xl2t, xr2t = _mm2(outp.reshape(H1, NC, N_ACC), b1, W2l, W2r)
    u2, den2 = _pass3(xl2t, xr2t, pkf, alpha1, w2e_rep, att2_rep)
    alpha2 = _pass4(dstf, u2, den2)

    return (edges, alpha2[:, None])

# --- scband reference (transcript-rebuilt; emitter-appended) ---
"""Pipeline reference for scband-gatgnn-19937238188413 (READ-ONLY COPY).

The authoritative reference and input builder live on the scoring server;
editing this copy changes nothing except your own understanding.
"""

import jax, jax.numpy as jnp
import numpy as np

N = 10000
E = 320000
D = 128
H1 = 16
H2 = 32


def _glorot(key, shape):
    return jax.random.normal(key, shape, dtype=jnp.float32) * (1.0 / np.sqrt(shape[0]))


def setup_inputs(seed: int = 0):
    key = jax.random.key(seed)
    ks = jax.random.split(key, 16)
    x = jax.random.normal(ks[0], (N, D), dtype=jnp.float32)
    edges = jax.random.randint(ks[1], (2, E), 0, N, dtype=jnp.int32)
    edge_weights = jax.random.uniform(ks[2], (E, 1), dtype=jnp.float32)
    return {
        'x': x,
        'edges': edges,
        'edge_weights': edge_weights,
        'W1l': _glorot(ks[3], (D, H1)),
        'W1r': _glorot(ks[4], (D, H1)),
        'W1e': _glorot(ks[5], (1, H1)),
        'att1': _glorot(ks[6], (H1,)),
        'b1': jnp.zeros((H1,), jnp.float32),
        'W2l': _glorot(ks[7], (H1, H2)),
        'W2r': _glorot(ks[8], (H1, H2)),
        'W2e': _glorot(ks[9], (1, H2)),
        'att2': _glorot(ks[10], (H2,)),
        'b2': jnp.zeros((H2,), jnp.float32),
    }


def gatv2_layer(x, src, dst, edge_attr, Wl, Wr, We, att, bias, n_nodes):
    # GATv2Conv, heads=1, concat=False, add_self_loops=False, edge_dim=edge_attr.shape[1]
    xl = x @ Wl                      # source transform (lin_l)
    xr = x @ Wr                      # target transform (lin_r)
    e = xl[src] + xr[dst] + edge_attr @ We
    e = jax.nn.leaky_relu(e, negative_slope=0.2)
    logits = e @ att                 # [E]
    m = jax.ops.segment_max(logits, dst, num_segments=n_nodes)
    unnorm = jnp.exp(logits - m[dst])
    denom = jax.ops.segment_sum(unnorm, dst, num_segments=n_nodes)
    alpha = unnorm / (denom[dst] + 1e-16)
    out = jax.ops.segment_sum(xl[src] * alpha[:, None], dst, num_segments=n_nodes)
    return out + bias, alpha


def reference(x, edges, edge_weights, W1l, W1r, W1e, att1, b1, W2l, W2r, W2e, att2, b2):
    src, dst = edges[0], edges[1]
    h, alpha1 = gatv2_layer(x, src, dst, edge_weights, W1l, W1r, W1e, att1, b1, N)
    h = jax.nn.relu(h)
    _, alpha2 = gatv2_layer(h, src, dst, alpha1[:, None], W2l, W2r, W2e, att2, b2, N)
    return (edges, alpha2[:, None])

if __name__ == "__main__":
    import jax
    _d = setup_inputs()
    print(jax.jit(kernel)(*tuple(_d.values())))

</pallas_src>

<mosaic_0001>
#map = affine_map<(d0, d1) -> (0, 0)>
#map1 = affine_map<(d0, d1) -> (0)>
module attributes {stable_mosaic.version = 14 : i64} {
  func.func @_pass2_body(%arg0: i32, %arg1: i32, %arg2: memref<16x10240xf32, #tpu.memory_space<hbm>>, %arg3: memref<327680xi32, #tpu.memory_space<hbm>>, %arg4: memref<327680xf32, #tpu.memory_space<hbm>>, %arg5: memref<20480xf32, #tpu.memory_space<hbm>>, %arg6: memref<327680xf32, #tpu.memory_space<hbm>>, %arg7: memref<327680xf32, #tpu.memory_space<hbm>>, %arg8: memref<10240xf32, #tpu.memory_space<vmem>>, %arg9: memref<10240xf32, #tpu.memory_space<vmem>>, %arg10: memref<10240xf32, #tpu.memory_space<vmem>>, %arg11: memref<10240xf32, #tpu.memory_space<vmem>>, %arg12: memref<8192xi32, #tpu.memory_space<vmem>>, %arg13: memref<8192xf32, #tpu.memory_space<vmem>>, %arg14: memref<8192xf32, #tpu.memory_space<vmem>>, %arg15: memref<!tpu.dma_semaphore, #tpu.memory_space<semaphore_mem>>) attributes {dimension_semantics = [#tpu.dimension_semantics<core_parallel>, #tpu.dimension_semantics<subcore_parallel>], iteration_bounds = array<i64: 2, 16>, scalar_prefetch = 0 : i64, scratch_operands = 8 : i64, tpu.core_type = #tpu.core_type<sc_vector_subcore>, window_params = [{transform_indices = #map}, {transform_indices = #map1}, {transform_indices = #map1}, {transform_indices = #map1}, {transform_indices = #map1}, {transform_indices = #map1}]} {
    %mul3A = arith.constant 2 : i32
    %mul3A_0 = arith.muli %arg1, %mul3A : i32
    %add3A = arith.addi %mul3A_0, %arg0 : i32
    "tpu.region"() ({
      %run_scoped3A = tpu.sem_alloc : memref<!tpu.dma_semaphore, #tpu.memory_space<semaphore_mem>>
      %dma_start3A = arith.constant 0 : i32
      %dma_start3A_17 = tpu.memref_slice %arg2[%arg1, %dma_start3A] : memref<16x10240xf32, #tpu.memory_space<hbm>> -> memref<1x10240xf32, #tpu.memory_space<hbm>>
      %dma_start3A_18 = tpu.memref_squeeze %dma_start3A_17 : memref<1x10240xf32, #tpu.memory_space<hbm>> -> memref<10240xf32, #tpu.memory_space<hbm>>
      %dma_start3A_19 = arith.constant 0 : i32
      %dma_start3A_20 = tpu.memref_slice %arg2[%arg1, %dma_start3A_19] : memref<16x10240xf32, #tpu.memory_space<hbm>> -> memref<1x10240xf32, #tpu.memory_space<hbm>>
      %dma_start3A_21 = tpu.memref_squeeze %dma_start3A_20 : memref<1x10240xf32, #tpu.memory_space<hbm>> -> memref<10240xf32, #tpu.memory_space<hbm>>
      tpu.enqueue_dma source(%dma_start3A_21 : memref<10240xf32, #tpu.memory_space<hbm>>) target(%arg8 : memref<10240xf32, #tpu.memory_space<vmem>>) target_semaphore(%run_scoped3A : memref<!tpu.dma_semaphore, #tpu.memory_space<semaphore_mem>>)
      %dma_wait3A = arith.constant 0 : i32
      %dma_wait3A_22 = tpu.memref_slice %arg2[%arg1, %dma_wait3A] : memref<16x10240xf32, #tpu.memory_space<hbm>> -> memref<1x10240xf32, #tpu.memory_space<hbm>>
      %dma_wait3A_23 = tpu.memref_squeeze %dma_wait3A_22 : memref<1x10240xf32, #tpu.memory_space<hbm>> -> memref<10240xf32, #tpu.memory_space<hbm>>
      %dma_wait3A_24 = arith.constant 0 : i32
      %dma_wait3A_25 = tpu.memref_slice %arg2[%arg1, %dma_wait3A_24] : memref<16x10240xf32, #tpu.memory_space<hbm>> -> memref<1x10240xf32, #tpu.memory_space<hbm>>
      %dma_wait3A_26 = tpu.memref_squeeze %dma_wait3A_25 : memref<1x10240xf32, #tpu.memory_space<hbm>> -> memref<10240xf32, #tpu.memory_space<hbm>>
      tpu.wait_dma2 semaphore(%run_scoped3A : memref<!tpu.dma_semaphore, #tpu.memory_space<semaphore_mem>>) src(%dma_wait3A_26 : memref<10240xf32, #tpu.memory_space<hbm>>) dst(%arg8 : memref<10240xf32, #tpu.memory_space<vmem>>)
      tpu.yield
    }) : () -> ()
    "tpu.region"() ({
      %run_scoped3A = tpu.sem_alloc : memref<!tpu.dma_semaphore, #tpu.memory_space<semaphore_mem>>
      %dma_start3A = arith.constant 0 : i32
      %dma_start3A_17 = tpu.memref_slice %arg5[%dma_start3A] : memref<20480xf32, #tpu.memory_space<hbm>> -> memref<10240xf32, #tpu.memory_space<hbm>>
      %dma_start3A_18 = arith.constant 0 : i32
      %dma_start3A_19 = tpu.memref_slice %arg5[%dma_start3A_18] : memref<20480xf32, #tpu.memory_space<hbm>> -> memref<10240xf32, #tpu.memory_space<hbm>>
      tpu.enqueue_dma source(%dma_start3A_19 : memref<10240xf32, #tpu.memory_space<hbm>>) target(%arg9 : memref<10240xf32, #tpu.memory_space<vmem>>) target_semaphore(%run_scoped3A : memref<!tpu.dma_semaphore, #tpu.memory_space<semaphore_mem>>)
      %dma_wait3A = arith.constant 0 : i32
      %dma_wait3A_20 = tpu.memref_slice %arg5[%dma_wait3A] : memref<20480xf32, #tpu.memory_space<hbm>> -> memref<10240xf32, #tpu.memory_space<hbm>>
      %dma_wait3A_21 = arith.constant 0 : i32
      %dma_wait3A_22 = tpu.memref_slice %arg5[%dma_wait3A_21] : memref<20480xf32, #tpu.memory_space<hbm>> -> memref<10240xf32, #tpu.memory_space<hbm>>
      tpu.wait_dma2 semaphore(%run_scoped3A : memref<!tpu.dma_semaphore, #tpu.memory_space<semaphore_mem>>) src(%dma_wait3A_22 : memref<10240xf32, #tpu.memory_space<hbm>>) dst(%arg9 : memref<10240xf32, #tpu.memory_space<vmem>>)
      tpu.yield
    }) : () -> ()
    "tpu.region"() ({
      %run_scoped3A = tpu.sem_alloc : memref<!tpu.dma_semaphore, #tpu.memory_space<semaphore_mem>>
      %dma_start3A = arith.constant 10240 : i32
      %dma_start3A_17 = tpu.memref_slice %arg5[%dma_start3A] : memref<20480xf32, #tpu.memory_space<hbm>> -> memref<10240xf32, #tpu.memory_space<hbm>>
      %dma_start3A_18 = arith.constant 10240 : i32
      %dma_start3A_19 = tpu.memref_slice %arg5[%dma_start3A_18] : memref<20480xf32, #tpu.memory_space<hbm>> -> memref<10240xf32, #tpu.memory_space<hbm>>
      tpu.enqueue_dma source(%dma_start3A_19 : memref<10240xf32, #tpu.memory_space<hbm>>) target(%arg10 : memref<10240xf32, #tpu.memory_space<vmem>>) target_semaphore(%run_scoped3A : memref<!tpu.dma_semaphore, #tpu.memory_space<semaphore_mem>>)
      %dma_wait3A = arith.constant 10240 : i32
      %dma_wait3A_20 = tpu.memref_slice %arg5[%dma_wait3A] : memref<20480xf32, #tpu.memory_space<hbm>> -> memref<10240xf32, #tpu.memory_space<hbm>>
      %dma_wait3A_21 = arith.constant 10240 : i32
      %dma_wait3A_22 = tpu.memref_slice %arg5[%dma_wait3A_21] : memref<20480xf32, #tpu.memory_space<hbm>> -> memref<10240xf32, #tpu.memory_space<hbm>>
      tpu.wait_dma2 semaphore(%run_scoped3A : memref<!tpu.dma_semaphore, #tpu.memory_space<semaphore_mem>>) src(%dma_wait3A_22 : memref<10240xf32, #tpu.memory_space<hbm>>) dst(%arg10 : memref<10240xf32, #tpu.memory_space<vmem>>)
      tpu.yield
    }) : () -> ()
    %parallel_loop3A = arith.constant 0 : i32
    %parallel_loop3A_1 = arith.constant 640 : i32
    %parallel_loop3A_2 = arith.constant 1 : i32
    scf.for %parallel_loop3A_17 = %parallel_loop3A to %parallel_loop3A_1 step %parallel_loop3A_2  : i32 {
      %parallel_loop3A_18 = arith.constant 16 : i32
      %parallel_loop3A_19 = arith.muli %parallel_loop3A_17, %parallel_loop3A_18 : i32
      %parallel_loop3A_20 = arith.index_cast %parallel_loop3A_19 : i32 to index
      %parallel_loop3A_21 = tpu.vector_load %arg9[%parallel_loop3A_20] {strides = array<i32>} : memref<10240xf32, #tpu.memory_space<vmem>>, vector<16xf32>,
      %parallel_loop3A_22 = arith.constant 16 : i32
      %parallel_loop3A_23 = arith.muli %parallel_loop3A_17, %parallel_loop3A_22 : i32
      %parallel_loop3A_24 = arith.index_cast %parallel_loop3A_23 : i32 to index
      %parallel_loop3A_25 = tpu.vector_load %arg10[%parallel_loop3A_24] {strides = array<i32>} : memref<10240xf32, #tpu.memory_space<vmem>>, vector<16xf32>,
      %parallel_loop3A_26 = arith.addf %parallel_loop3A_21, %parallel_loop3A_25 : vector<16xf32>
      %parallel_loop3A_27 = arith.constant 16 : i32
      %parallel_loop3A_28 = arith.muli %parallel_loop3A_17, %parallel_loop3A_27 : i32
      %parallel_loop3A_29 = arith.index_cast %parallel_loop3A_28 : i32 to index
      %parallel_loop3A_30 = tpu.vector_load %arg9[%parallel_loop3A_29] {strides = array<i32>} : memref<10240xf32, #tpu.memory_space<vmem>>, vector<16xf32>,
      tpu.vector_store %arg9[%parallel_loop3A_29], %parallel_loop3A_26 {strides = array<i32>} : memref<10240xf32, #tpu.memory_space<vmem>>, vector<16xf32>,
    } {sc.loop_unroll_factor = 8 : i64, sc.parallel_access}
    %broadcast_in_dim3A = arith.constant 0.000000e+00 : f32
    %broadcast_in_dim3A_3 = vector.broadcast %broadcast_in_dim3A : f32 to vector<16xf32>
    %scan3A = arith.constant 0 : i32
    %scan3A_4 = arith.constant 0 : i32
    %scan3A_5 = arith.constant 640 : i32
    %scan3A_6 = arith.addi %scan3A_4, %scan3A_5 : i32
    %scan3A_7 = arith.constant 1 : i32
    scf.for %scan3A_17 = %scan3A_4 to %scan3A_6 step %scan3A_7  : i32 {
      %mul3A_18 = arith.constant 16 : i32
      %mul3A_19 = arith.muli %scan3A_17, %mul3A_18 : i32
      %swap3A = arith.index_cast %mul3A_19 : i32 to index
      %swap3A_20 = tpu.vector_load %arg11[%swap3A] {strides = array<i32>} : memref<10240xf32, #tpu.memory_space<vmem>>, vector<16xf32>,
      tpu.vector_store %arg11[%swap3A], %broadcast_in_dim3A_3 {strides = array<i32>} : memref<10240xf32, #tpu.memory_space<vmem>>, vector<16xf32>,
    }
    %scan3A_8 = arith.constant 640 : i32
    %scan3A_9 = arith.constant 0 : i32
    %scan3A_10 = arith.constant 0 : i32
    %scan3A_11 = arith.constant 20 : i32
    %scan3A_12 = arith.addi %scan3A_10, %scan3A_11 : i32
    %scan3A_13 = arith.constant 1 : i32
    scf.for %scan3A_17 = %scan3A_10 to %scan3A_12 step %scan3A_13  : i32 {
      %mul3A_18 = arith.constant 163840 : i32
      %mul3A_19 = arith.muli %arg0, %mul3A_18 : i32
      %mul3A_20 = arith.constant 8192 : i32
      %mul3A_21 = arith.muli %scan3A_17, %mul3A_20 : i32
      %add3A_22 = arith.addi %mul3A_19, %mul3A_21 : i32
      %dma_start3A = tpu.memref_slice %arg3[%add3A_22] : memref<327680xi32, #tpu.memory_space<hbm>> -> memref<8192xi32, #tpu.memory_space<hbm>>
      %dma_start3A_23 = tpu.memref_slice %arg3[%add3A_22] : memref<327680xi32, #tpu.memory_space<hbm>> -> memref<8192xi32, #tpu.memory_space<hbm>>
      tpu.enqueue_dma source(%dma_start3A_23 : memref<8192xi32, #tpu.memory_space<hbm>>) target(%arg12 : memref<8192xi32, #tpu.memory_space<vmem>>) target_semaphore(%arg15 : memref<!tpu.dma_semaphore, #tpu.memory_space<semaphore_mem>>)
      %dma_start3A_24 = tpu.memref_slice %arg4[%add3A_22] : memref<327680xf32, #tpu.memory_space<hbm>> -> memref<8192xf32, #tpu.memory_space<hbm>>
      %dma_start3A_25 = tpu.memref_slice %arg4[%add3A_22] : memref<327680xf32, #tpu.memory_space<hbm>> -> memref<8192xf32, #tpu.memory_space<hbm>>
      tpu.enqueue_dma source(%dma_start3A_25 : memref<8192xf32, #tpu.memory_space<hbm>>) target(%arg13 : memref<8192xf32, #tpu.memory_space<vmem>>) target_semaphore(%arg15 : memref<!tpu.dma_semaphore, #tpu.memory_space<semaphore_mem>>)
      %dma_wait3A = tpu.memref_slice %arg3[%add3A_22] : memref<327680xi32, #tpu.memory_space<hbm>> -> memref<8192xi32, #tpu.memory_space<hbm>>
      %dma_wait3A_26 = tpu.memref_slice %arg3[%add3A_22] : memref<327680xi32, #tpu.memory_space<hbm>> -> memref<8192xi32, #tpu.memory_space<hbm>>
      tpu.wait_dma2 semaphore(%arg15 : memref<!tpu.dma_semaphore, #tpu.memory_space<semaphore_mem>>) src(%dma_wait3A_26 : memref<8192xi32, #tpu.memory_space<hbm>>) dst(%arg12 : memref<8192xi32, #tpu.memory_space<vmem>>)
      %dma_wait3A_27 = tpu.memref_slice %arg4[%add3A_22] : memref<327680xf32, #tpu.memory_space<hbm>> -> memref<8192xf32, #tpu.memory_space<hbm>>
      %dma_wait3A_28 = tpu.memref_slice %arg4[%add3A_22] : memref<327680xf32, #tpu.memory_space<hbm>> -> memref<8192xf32, #tpu.memory_space<hbm>>
      tpu.wait_dma2 semaphore(%arg15 : memref<!tpu.dma_semaphore, #tpu.memory_space<semaphore_mem>>) src(%dma_wait3A_28 : memref<8192xf32, #tpu.memory_space<hbm>>) dst(%arg13 : memref<8192xf32, #tpu.memory_space<vmem>>)
      %parallel_loop3A_29 = arith.constant 0 : i32
      %parallel_loop3A_30 = arith.constant 512 : i32
      %parallel_loop3A_31 = arith.constant 1 : i32
      scf.for %parallel_loop3A_34 = %parallel_loop3A_29 to %parallel_loop3A_30 step %parallel_loop3A_31  : i32 {
        %parallel_loop3A_35 = arith.constant 16 : i32
        %parallel_loop3A_36 = arith.muli %parallel_loop3A_34, %parallel_loop3A_35 : i32
        %parallel_loop3A_37 = arith.index_cast %parallel_loop3A_36 : i32 to index
        %parallel_loop3A_38 = tpu.vector_load %arg12[%parallel_loop3A_37] {strides = array<i32>} : memref<8192xi32, #tpu.memory_space<vmem>>, vector<16xi32>,
        %parallel_loop3A_39 = arith.constant 65535 : i32
        %parallel_loop3A_40 = vector.broadcast %parallel_loop3A_39 : i32 to vector<16xi32>
        %parallel_loop3A_41 = arith.andi %parallel_loop3A_38, %parallel_loop3A_40 : vector<16xi32>
        %parallel_loop3A_42 = arith.constant 16 : i32
        %parallel_loop3A_43 = vector.broadcast %parallel_loop3A_42 : i32 to vector<16xi32>
        %parallel_loop3A_44 = arith.shrui %parallel_loop3A_38, %parallel_loop3A_43 : vector<16xi32>
        %parallel_loop3A_45 = tpu.vector_load_idx %arg9[%parallel_loop3A_44] : memref<10240xf32, #tpu.memory_space<vmem>>[vector<16xi32>], vector<16xf32>,
        %parallel_loop3A_46 = arith.constant 16 : i32
        %parallel_loop3A_47 = arith.muli %parallel_loop3A_34, %parallel_loop3A_46 : i32
        %parallel_loop3A_48 = arith.index_cast %parallel_loop3A_47 : i32 to index
        %parallel_loop3A_49 = tpu.vector_load %arg13[%parallel_loop3A_48] {strides = array<i32>} : memref<8192xf32, #tpu.memory_space<vmem>>, vector<16xf32>,
        %parallel_loop3A_50 = arith.constant 1.000000e-16 : f32
        %parallel_loop3A_51 = vector.broadcast %parallel_loop3A_50 : f32 to vector<16xf32>
        %parallel_loop3A_52 = arith.addf %parallel_loop3A_45, %parallel_loop3A_51 : vector<16xf32>
        %parallel_loop3A_53 = arith.divf %parallel_loop3A_49, %parallel_loop3A_52 : vector<16xf32>
        %parallel_loop3A_54 = arith.constant 16 : i32
        %parallel_loop3A_55 = arith.muli %parallel_loop3A_34, %parallel_loop3A_54 : i32
        %parallel_loop3A_56 = arith.index_cast %parallel_loop3A_55 : i32 to index
        %parallel_loop3A_57 = tpu.vector_load %arg14[%parallel_loop3A_56] {strides = array<i32>} : memref<8192xf32, #tpu.memory_space<vmem>>, vector<16xf32>,
        tpu.vector_store %arg14[%parallel_loop3A_56], %parallel_loop3A_53 {strides = array<i32>} : memref<8192xf32, #tpu.memory_space<vmem>>, vector<16xf32>,
        %parallel_loop3A_58 = tpu.vector_load_idx %arg8[%parallel_loop3A_41] : memref<10240xf32, #tpu.memory_space<vmem>>[vector<16xi32>], vector<16xf32>,
        %parallel_loop3A_59 = arith.mulf %parallel_loop3A_58, %parallel_loop3A_53 : vector<16xf32>
        tpu.vector_store_idx %arg11[%parallel_loop3A_44], %parallel_loop3A_59 {add = true} : memref<10240xf32, #tpu.memory_space<vmem>>[vector<16xi32>], vector<16xf32>,
      } {sc.loop_unroll_factor = 8 : i64, sc.parallel_access}
      %eq3A = arith.constant 0 : i32
      %eq3A_32 = arith.cmpi eq, %arg1, %eq3A : i32
      %convert_element_type3A = arith.extui %eq3A_32 : i1 to i32
      %cond3A = arith.constant 0 : i32
      %cond3A_33 = arith.cmpi ne, %convert_element_type3A, %cond3A : i32
      scf.if %cond3A_33 {
        "tpu.region"() ({
          %run_scoped3A = tpu.sem_alloc : memref<!tpu.dma_semaphore, #tpu.memory_space<semaphore_mem>>
          %dma_start3A_34 = tpu.memref_slice %arg6[%add3A_22] : memref<327680xf32, #tpu.memory_space<hbm>> -> memref<8192xf32, #tpu.memory_space<hbm>>
          %dma_start3A_35 = tpu.memref_slice %arg6[%add3A_22] : memref<327680xf32, #tpu.memory_space<hbm>> -> memref<8192xf32, #tpu.memory_space<hbm>>
          tpu.enqueue_dma source(%arg14 : memref<8192xf32, #tpu.memory_space<vmem>>) target(%dma_start3A_35 : memref<8192xf32, #tpu.memory_space<hbm>>) target_semaphore(%run_scoped3A : memref<!tpu.dma_semaphore, #tpu.memory_space<semaphore_mem>>)
          %dma_wait3A_36 = tpu.memref_slice %arg6[%add3A_22] : memref<327680xf32, #tpu.memory_space<hbm>> -> memref<8192xf32, #tpu.memory_space<hbm>>
          %dma_wait3A_37 = tpu.memref_slice %arg6[%add3A_22] : memref<327680xf32, #tpu.memory_space<hbm>> -> memref<8192xf32, #tpu.memory_space<hbm>>
          tpu.wait_dma2 semaphore(%run_scoped3A : memref<!tpu.dma_semaphore, #tpu.memory_space<semaphore_mem>>) src(%arg14 : memref<8192xf32, #tpu.memory_space<vmem>>) dst(%dma_wait3A_37 : memref<8192xf32, #tpu.memory_space<hbm>>)
          tpu.yield
        }) : () -> ()
      } else {
      }
    }
    %scan3A_14 = arith.constant 20 : i32
    %mul3A_15 = arith.constant 10240 : i32
    %mul3A_16 = arith.muli %add3A, %mul3A_15 : i32
    "tpu.region"() ({
      %run_scoped3A = tpu.sem_alloc : memref<!tpu.dma_semaphore, #tpu.memory_space<semaphore_mem>>
      %dma_start3A = tpu.memref_slice %arg7[%mul3A_16] : memref<327680xf32, #tpu.memory_space<hbm>> -> memref<10240xf32, #tpu.memory_space<hbm>>
      %dma_start3A_17 = tpu.memref_slice %arg7[%mul3A_16] : memref<327680xf32, #tpu.memory_space<hbm>> -> memref<10240xf32, #tpu.memory_space<hbm>>
      tpu.enqueue_dma source(%arg11 : memref<10240xf32, #tpu.memory_space<vmem>>) target(%dma_start3A_17 : memref<10240xf32, #tpu.memory_space<hbm>>) target_semaphore(%run_scoped3A : memref<!tpu.dma_semaphore, #tpu.memory_space<semaphore_mem>>)
      %dma_wait3A = tpu.memref_slice %arg7[%mul3A_16] : memref<327680xf32, #tpu.memory_space<hbm>> -> memref<10240xf32, #tpu.memory_space<hbm>>
      %dma_wait3A_18 = tpu.memref_slice %arg7[%mul3A_16] : memref<327680xf32, #tpu.memory_space<hbm>> -> memref<10240xf32, #tpu.memory_space<hbm>>
      tpu.wait_dma2 semaphore(%run_scoped3A : memref<!tpu.dma_semaphore, #tpu.memory_space<semaphore_mem>>) src(%arg11 : memref<10240xf32, #tpu.memory_space<vmem>>) dst(%dma_wait3A_18 : memref<10240xf32, #tpu.memory_space<hbm>>)
      tpu.yield
    }) : () -> ()
    return
  }
}

#map = affine_map<(d0, d1) -> (0)>
module attributes {stable_mosaic.version = 14 : i64} {
  func.func @_pass4_body(%arg0: i32, %arg1: i32, %arg2: memref<327680xi32, #tpu.memory_space<hbm>>, %arg3: memref<327680xf32, #tpu.memory_space<hbm>>, %arg4: memref<20480xf32, #tpu.memory_space<hbm>>, %arg5: memref<320000xf32, #tpu.memory_space<hbm>>, %arg6: memref<10240xf32, #tpu.memory_space<vmem>>, %arg7: memref<10240xf32, #tpu.memory_space<vmem>>, %arg8: memref<2000xi32, #tpu.memory_space<vmem>>, %arg9: memref<2000xf32, #tpu.memory_space<vmem>>, %arg10: memref<2000xf32, #tpu.memory_space<vmem>>) attributes {dimension_semantics = [#tpu.dimension_semantics<core_parallel>, #tpu.dimension_semantics<subcore_parallel>], iteration_bounds = array<i64: 2, 16>, scalar_prefetch = 0 : i64, scratch_operands = 5 : i64, tpu.core_type = #tpu.core_type<sc_vector_subcore>, window_params = [{transform_indices = #map}, {transform_indices = #map}, {transform_indices = #map}, {transform_indices = #map}]} {
    %mul3A = arith.constant 2 : i32
    %mul3A_0 = arith.muli %arg1, %mul3A : i32
    %add3A = arith.addi %mul3A_0, %arg0 : i32
    "tpu.region"() ({
      %run_scoped3A = tpu.sem_alloc : memref<!tpu.dma_semaphore, #tpu.memory_space<semaphore_mem>>
      %dma_start3A = arith.constant 0 : i32
      %dma_start3A_8 = tpu.memref_slice %arg4[%dma_start3A] : memref<20480xf32, #tpu.memory_space<hbm>> -> memref<10240xf32, #tpu.memory_space<hbm>>
      %dma_start3A_9 = arith.constant 0 : i32
      %dma_start3A_10 = tpu.memref_slice %arg4[%dma_start3A_9] : memref<20480xf32, #tpu.memory_space<hbm>> -> memref<10240xf32, #tpu.memory_space<hbm>>
      tpu.enqueue_dma source(%dma_start3A_10 : memref<10240xf32, #tpu.memory_space<hbm>>) target(%arg6 : memref<10240xf32, #tpu.memory_space<vmem>>) target_semaphore(%run_scoped3A : memref<!tpu.dma_semaphore, #tpu.memory_space<semaphore_mem>>)
      %dma_wait3A = arith.constant 0 : i32
      %dma_wait3A_11 = tpu.memref_slice %arg4[%dma_wait3A] : memref<20480xf32, #tpu.memory_space<hbm>> -> memref<10240xf32, #tpu.memory_space<hbm>>
      %dma_wait3A_12 = arith.constant 0 : i32
      %dma_wait3A_13 = tpu.memref_slice %arg4[%dma_wait3A_12] : memref<20480xf32, #tpu.memory_space<hbm>> -> memref<10240xf32, #tpu.memory_space<hbm>>
      tpu.wait_dma2 semaphore(%run_scoped3A : memref<!tpu.dma_semaphore, #tpu.memory_space<semaphore_mem>>) src(%dma_wait3A_13 : memref<10240xf32, #tpu.memory_space<hbm>>) dst(%arg6 : memref<10240xf32, #tpu.memory_space<vmem>>)
      tpu.yield
    }) : () -> ()
    "tpu.region"() ({
      %run_scoped3A = tpu.sem_alloc : memref<!tpu.dma_semaphore, #tpu.memory_space<semaphore_mem>>
      %dma_start3A = arith.constant 10240 : i32
      %dma_start3A_8 = tpu.memref_slice %arg4[%dma_start3A] : memref<20480xf32, #tpu.memory_space<hbm>> -> memref<10240xf32, #tpu.memory_space<hbm>>
      %dma_start3A_9 = arith.constant 10240 : i32
      %dma_start3A_10 = tpu.memref_slice %arg4[%dma_start3A_9] : memref<20480xf32, #tpu.memory_space<hbm>> -> memref<10240xf32, #tpu.memory_space<hbm>>
      tpu.enqueue_dma source(%dma_start3A_10 : memref<10240xf32, #tpu.memory_space<hbm>>) target(%arg7 : memref<10240xf32, #tpu.memory_space<vmem>>) target_semaphore(%run_scoped3A : memref<!tpu.dma_semaphore, #tpu.memory_space<semaphore_mem>>)
      %dma_wait3A = arith.constant 10240 : i32
      %dma_wait3A_11 = tpu.memref_slice %arg4[%dma_wait3A] : memref<20480xf32, #tpu.memory_space<hbm>> -> memref<10240xf32, #tpu.memory_space<hbm>>
      %dma_wait3A_12 = arith.constant 10240 : i32
      %dma_wait3A_13 = tpu.memref_slice %arg4[%dma_wait3A_12] : memref<20480xf32, #tpu.memory_space<hbm>> -> memref<10240xf32, #tpu.memory_space<hbm>>
      tpu.wait_dma2 semaphore(%run_scoped3A : memref<!tpu.dma_semaphore, #tpu.memory_space<semaphore_mem>>) src(%dma_wait3A_13 : memref<10240xf32, #tpu.memory_space<hbm>>) dst(%arg7 : memref<10240xf32, #tpu.memory_space<vmem>>)
      tpu.yield
    }) : () -> ()
    %parallel_loop3A = arith.constant 0 : i32
    %parallel_loop3A_1 = arith.constant 640 : i32
    %parallel_loop3A_2 = arith.constant 1 : i32
    scf.for %parallel_loop3A_8 = %parallel_loop3A to %parallel_loop3A_1 step %parallel_loop3A_2  : i32 {
      %parallel_loop3A_9 = arith.constant 16 : i32
      %parallel_loop3A_10 = arith.muli %parallel_loop3A_8, %parallel_loop3A_9 : i32
      %parallel_loop3A_11 = arith.index_cast %parallel_loop3A_10 : i32 to index
      %parallel_loop3A_12 = tpu.vector_load %arg6[%parallel_loop3A_11] {strides = array<i32>} : memref<10240xf32, #tpu.memory_space<vmem>>, vector<16xf32>,
      %parallel_loop3A_13 = arith.constant 16 : i32
      %parallel_loop3A_14 = arith.muli %parallel_loop3A_8, %parallel_loop3A_13 : i32
      %parallel_loop3A_15 = arith.index_cast %parallel_loop3A_14 : i32 to index
      %parallel_loop3A_16 = tpu.vector_load %arg7[%parallel_loop3A_15] {strides = array<i32>} : memref<10240xf32, #tpu.memory_space<vmem>>, vector<16xf32>,
      %parallel_loop3A_17 = arith.addf %parallel_loop3A_12, %parallel_loop3A_16 : vector<16xf32>
      %parallel_loop3A_18 = arith.constant 16 : i32
      %parallel_loop3A_19 = arith.muli %parallel_loop3A_8, %parallel_loop3A_18 : i32
      %parallel_loop3A_20 = arith.index_cast %parallel_loop3A_19 : i32 to index
      %parallel_loop3A_21 = tpu.vector_load %arg6[%parallel_loop3A_20] {strides = array<i32>} : memref<10240xf32, #tpu.memory_space<vmem>>, vector<16xf32>,
      tpu.vector_store %arg6[%parallel_loop3A_20], %parallel_loop3A_17 {strides = array<i32>} : memref<10240xf32, #tpu.memory_space<vmem>>, vector<16xf32>,
    } {sc.loop_unroll_factor = 8 : i64, sc.parallel_access}
    %scan3A = arith.constant 0 : i32
    %scan3A_3 = arith.constant 0 : i32
    %scan3A_4 = arith.constant 5 : i32
    %scan3A_5 = arith.addi %scan3A_3, %scan3A_4 : i32
    %scan3A_6 = arith.constant 1 : i32
    scf.for %scan3A_8 = %scan3A_3 to %scan3A_5 step %scan3A_6  : i32 {
      %mul3A_9 = arith.constant 10000 : i32
      %mul3A_10 = arith.muli %add3A, %mul3A_9 : i32
      %mul3A_11 = arith.constant 2000 : i32
      %mul3A_12 = arith.muli %scan3A_8, %mul3A_11 : i32
      %add3A_13 = arith.addi %mul3A_10, %mul3A_12 : i32
      "tpu.region"() ({
        %run_scoped3A = tpu.sem_alloc : memref<!tpu.dma_semaphore, #tpu.memory_space<semaphore_mem>>
        %dma_start3A = tpu.memref_slice %arg2[%add3A_13] : memref<327680xi32, #tpu.memory_space<hbm>> -> memref<2000xi32, #tpu.memory_space<hbm>>
        %dma_start3A_17 = tpu.memref_slice %arg2[%add3A_13] : memref<327680xi32, #tpu.memory_space<hbm>> -> memref<2000xi32, #tpu.memory_space<hbm>>
        tpu.enqueue_dma source(%dma_start3A_17 : memref<2000xi32, #tpu.memory_space<hbm>>) target(%arg8 : memref<2000xi32, #tpu.memory_space<vmem>>) target_semaphore(%run_scoped3A : memref<!tpu.dma_semaphore, #tpu.memory_space<semaphore_mem>>)
        %dma_wait3A = tpu.memref_slice %arg2[%add3A_13] : memref<327680xi32, #tpu.memory_space<hbm>> -> memref<2000xi32, #tpu.memory_space<hbm>>
        %dma_wait3A_18 = tpu.memref_slice %arg2[%add3A_13] : memref<327680xi32, #tpu.memory_space<hbm>> -> memref<2000xi32, #tpu.memory_space<hbm>>
        tpu.wait_dma2 semaphore(%run_scoped3A : memref<!tpu.dma_semaphore, #tpu.memory_space<semaphore_mem>>) src(%dma_wait3A_18 : memref<2000xi32, #tpu.memory_space<hbm>>) dst(%arg8 : memref<2000xi32, #tpu.memory_space<vmem>>)
        tpu.yield
      }) : () -> ()
      "tpu.region"() ({
        %run_scoped3A = tpu.sem_alloc : memref<!tpu.dma_semaphore, #tpu.memory_space<semaphore_mem>>
        %dma_start3A = tpu.memref_slice %arg3[%add3A_13] : memref<327680xf32, #tpu.memory_space<hbm>> -> memref<2000xf32, #tpu.memory_space<hbm>>
        %dma_start3A_17 = tpu.memref_slice %arg3[%add3A_13] : memref<327680xf32, #tpu.memory_space<hbm>> -> memref<2000xf32, #tpu.memory_space<hbm>>
        tpu.enqueue_dma source(%dma_start3A_17 : memref<2000xf32, #tpu.memory_space<hbm>>) target(%arg9 : memref<2000xf32, #tpu.memory_space<vmem>>) target_semaphore(%run_scoped3A : memref<!tpu.dma_semaphore, #tpu.memory_space<semaphore_mem>>)
        %dma_wait3A = tpu.memref_slice %arg3[%add3A_13] : memref<327680xf32, #tpu.memory_space<hbm>> -> memref<2000xf32, #tpu.memory_space<hbm>>
        %dma_wait3A_18 = tpu.memref_slice %arg3[%add3A_13] : memref<327680xf32, #tpu.memory_space<hbm>> -> memref<2000xf32, #tpu.memory_space<hbm>>
        tpu.wait_dma2 semaphore(%run_scoped3A : memref<!tpu.dma_semaphore, #tpu.memory_space<semaphore_mem>>) src(%dma_wait3A_18 : memref<2000xf32, #tpu.memory_space<hbm>>) dst(%arg9 : memref<2000xf32, #tpu.memory_space<vmem>>)
        tpu.yield
      }) : () -> ()
      %parallel_loop3A_14 = arith.constant 0 : i32
      %parallel_loop3A_15 = arith.constant 125 : i32
      %parallel_loop3A_16 = arith.constant 1 : i32
      scf.for %parallel_loop3A_17 = %parallel_loop3A_14 to %parallel_loop3A_15 step %parallel_loop3A_16  : i32 {
        %parallel_loop3A_18 = arith.constant 16 : i32
        %parallel_loop3A_19 = arith.muli %parallel_loop3A_17, %parallel_loop3A_18 : i32
        %parallel_loop3A_20 = arith.index_cast %parallel_loop3A_19 : i32 to index
        %parallel_loop3A_21 = tpu.vector_load %arg8[%parallel_loop3A_20] {strides = array<i32>} : memref<2000xi32, #tpu.memory_space<vmem>>, vector<16xi32>,
        %parallel_loop3A_22 = tpu.vector_load_idx %arg6[%parallel_loop3A_21] : memref<10240xf32, #tpu.memory_space<vmem>>[vector<16xi32>], vector<16xf32>,
        %parallel_loop3A_23 = arith.constant 16 : i32
        %parallel_loop3A_24 = arith.muli %parallel_loop3A_17, %parallel_loop3A_23 : i32
        %parallel_loop3A_25 = arith.index_cast %parallel_loop3A_24 : i32 to index
        %parallel_loop3A_26 = tpu.vector_load %arg9[%parallel_loop3A_25] {strides = array<i32>} : memref<2000xf32, #tpu.memory_space<vmem>>, vector<16xf32>,
        %parallel_loop3A_27 = arith.constant 1.000000e-16 : f32
        %parallel_loop3A_28 = vector.broadcast %parallel_loop3A_27 : f32 to vector<16xf32>
        %parallel_loop3A_29 = arith.addf %parallel_loop3A_22, %parallel_loop3A_28 : vector<16xf32>
        %parallel_loop3A_30 = arith.divf %parallel_loop3A_26, %parallel_loop3A_29 : vector<16xf32>
        %parallel_loop3A_31 = arith.constant 16 : i32
        %parallel_loop3A_32 = arith.muli %parallel_loop3A_17, %parallel_loop3A_31 : i32
        %parallel_loop3A_33 = arith.index_cast %parallel_loop3A_32 : i32 to index
        %parallel_loop3A_34 = tpu.vector_load %arg10[%parallel_loop3A_33] {strides = array<i32>} : memref<2000xf32, #tpu.memory_space<vmem>>, vector<16xf32>,
        tpu.vector_store %arg10[%parallel_loop3A_33], %parallel_loop3A_30 {strides = array<i32>} : memref<2000xf32, #tpu.memory_space<vmem>>, vector<16xf32>,
      } {sc.loop_unroll_factor = 8 : i64, sc.parallel_access}
      "tpu.region"() ({
        %run_scoped3A = tpu.sem_alloc : memref<!tpu.dma_semaphore, #tpu.memory_space<semaphore_mem>>
        %dma_start3A = tpu.memref_slice %arg5[%add3A_13] : memref<320000xf32, #tpu.memory_space<hbm>> -> memref<2000xf32, #tpu.memory_space<hbm>>
        %dma_start3A_17 = tpu.memref_slice %arg5[%add3A_13] : memref<320000xf32, #tpu.memory_space<hbm>> -> memref<2000xf32, #tpu.memory_space<hbm>>
        tpu.enqueue_dma source(%arg10 : memref<2000xf32, #tpu.memory_space<vmem>>) target(%dma_start3A_17 : memref<2000xf32, #tpu.memory_space<hbm>>) target_semaphore(%run_scoped3A : memref<!tpu.dma_semaphore, #tpu.memory_space<semaphore_mem>>)
        %dma_wait3A = tpu.memref_slice %arg5[%add3A_13] : memref<320000xf32, #tpu.memory_space<hbm>> -> memref<2000xf32, #tpu.memory_space<hbm>>
        %dma_wait3A_18 = tpu.memref_slice %arg5[%add3A_13] : memref<320000xf32, #tpu.memory_space<hbm>> -> memref<2000xf32, #tpu.memory_space<hbm>>
        tpu.wait_dma2 semaphore(%run_scoped3A : memref<!tpu.dma_semaphore, #tpu.memory_space<semaphore_mem>>) src(%arg10 : memref<2000xf32, #tpu.memory_space<vmem>>) dst(%dma_wait3A_18 : memref<2000xf32, #tpu.memory_space<hbm>>)
        tpu.yield
      }) : () -> ()
    }
    %scan3A_7 = arith.constant 5 : i32
    return
  }
}

#map = affine_map<(d0, d1) -> (0, 0)>
#map1 = affine_map<(d0, d1) -> (0)>
module attributes {stable_mosaic.version = 14 : i64} {
  func.func @_pass1_body(%arg0: i32, %arg1: i32, %arg2: memref<16x10240xf32, #tpu.memory_space<hbm>>, %arg3: memref<16x10240xf32, #tpu.memory_space<hbm>>, %arg4: memref<327680xi32, #tpu.memory_space<hbm>>, %arg5: memref<327680xf32, #tpu.memory_space<hbm>>, %arg6: memref<256xf32, #tpu.memory_space<hbm>>, %arg7: memref<256xf32, #tpu.memory_space<hbm>>, %arg8: memref<327680xf32, #tpu.memory_space<hbm>>, %arg9: memref<20480xf32, #tpu.memory_space<hbm>>, %arg10: memref<10240xf32, #tpu.memory_space<vmem>>, %arg11: memref<10240xf32, #tpu.memory_space<vmem>>, %arg12: memref<10240xf32, #tpu.memory_space<vmem>>, %arg13: memref<8192xi32, #tpu.memory_space<vmem>>, %arg14: memref<8192xf32, #tpu.memory_space<vmem>>, %arg15: memref<8192xf32, #tpu.memory_space<vmem>>, %arg16: memref<8192xf32, #tpu.memory_space<vmem>>, %arg17: memref<512xf32, #tpu.memory_space<vmem>>, %arg18: memref<10240xf32, #tpu.memory_space<vmem>>, %arg19: memref<16xf32, #tpu.memory_space<vmem>>, %arg20: memref<16xf32, #tpu.memory_space<vmem>>, %arg21: memref<262144xf32, #tpu.memory_space<vmem_shared>>, %arg22: memref<!tpu.dma_semaphore, #tpu.memory_space<semaphore_mem>>) attributes {dimension_semantics = [#tpu.dimension_semantics<core_parallel>, #tpu.dimension_semantics<subcore_parallel>], iteration_bounds = array<i64: 2, 16>, scalar_prefetch = 0 : i64, scratch_operands = 13 : i64, tpu.core_type = #tpu.core_type<sc_vector_subcore>, window_params = [{transform_indices = #map}, {transform_indices = #map}, {transform_indices = #map1}, {transform_indices = #map1}, {transform_indices = #map1}, {transform_indices = #map1}, {transform_indices = #map1}, {transform_indices = #map1}]} {
    %mul3A = arith.constant 2 : i32
    %mul3A_0 = arith.muli %arg1, %mul3A : i32
    %add3A = arith.addi %mul3A_0, %arg0 : i32
    "tpu.region"() ({
      %run_scoped3A = tpu.sem_alloc : memref<!tpu.dma_semaphore, #tpu.memory_space<semaphore_mem>>
      %dma_start3A_284 = arith.constant 0 : i32
      %dma_start3A_285 = tpu.memref_slice %arg2[%arg1, %dma_start3A_284] : memref<16x10240xf32, #tpu.memory_space<hbm>> -> memref<1x10240xf32, #tpu.memory_space<hbm>>
      %dma_start3A_286 = tpu.memref_squeeze %dma_start3A_285 : memref<1x10240xf32, #tpu.memory_space<hbm>> -> memref<10240xf32, #tpu.memory_space<hbm>>
      %dma_start3A_287 = arith.constant 0 : i32
      %dma_start3A_288 = tpu.memref_slice %arg2[%arg1, %dma_start3A_287] : memref<16x10240xf32, #tpu.memory_space<hbm>> -> memref<1x10240xf32, #tpu.memory_space<hbm>>
      %dma_start3A_289 = tpu.memref_squeeze %dma_start3A_288 : memref<1x10240xf32, #tpu.memory_space<hbm>> -> memref<10240xf32, #tpu.memory_space<hbm>>
      tpu.enqueue_dma source(%dma_start3A_289 : memref<10240xf32, #tpu.memory_space<hbm>>) target(%arg10 : memref<10240xf32, #tpu.memory_space<vmem>>) target_semaphore(%run_scoped3A : memref<!tpu.dma_semaphore, #tpu.memory_space<semaphore_mem>>)
      %dma_wait3A_290 = arith.constant 0 : i32
      %dma_wait3A_291 = tpu.memref_slice %arg2[%arg1, %dma_wait3A_290] : memref<16x10240xf32, #tpu.memory_space<hbm>> -> memref<1x10240xf32, #tpu.memory_space<hbm>>
      %dma_wait3A_292 = tpu.memref_squeeze %dma_wait3A_291 : memref<1x10240xf32, #tpu.memory_space<hbm>> -> memref<10240xf32, #tpu.memory_space<hbm>>
      %dma_wait3A_293 = arith.constant 0 : i32
      %dma_wait3A_294 = tpu.memref_slice %arg2[%arg1, %dma_wait3A_293] : memref<16x10240xf32, #tpu.memory_space<hbm>> -> memref<1x10240xf32, #tpu.memory_space<hbm>>
      %dma_wait3A_295 = tpu.memref_squeeze %dma_wait3A_294 : memref<1x10240xf32, #tpu.memory_space<hbm>> -> memref<10240xf32, #tpu.memory_space<hbm>>
      tpu.wait_dma2 semaphore(%run_scoped3A : memref<!tpu.dma_semaphore, #tpu.memory_space<semaphore_mem>>) src(%dma_wait3A_295 : memref<10240xf32, #tpu.memory_space<hbm>>) dst(%arg10 : memref<10240xf32, #tpu.memory_space<vmem>>)
      tpu.yield
    }) : () -> ()
    "tpu.region"() ({
      %run_scoped3A = tpu.sem_alloc : memref<!tpu.dma_semaphore, #tpu.memory_space<semaphore_mem>>
      %dma_start3A_284 = arith.constant 0 : i32
      %dma_start3A_285 = tpu.memref_slice %arg3[%arg1, %dma_start3A_284] : memref<16x10240xf32, #tpu.memory_space<hbm>> -> memref<1x10240xf32, #tpu.memory_space<hbm>>
      %dma_start3A_286 = tpu.memref_squeeze %dma_start3A_285 : memref<1x10240xf32, #tpu.memory_space<hbm>> -> memref<10240xf32, #tpu.memory_space<hbm>>
      %dma_start3A_287 = arith.constant 0 : i32
      %dma_start3A_288 = tpu.memref_slice %arg3[%arg1, %dma_start3A_287] : memref<16x10240xf32, #tpu.memory_space<hbm>> -> memref<1x10240xf32, #tpu.memory_space<hbm>>
      %dma_start3A_289 = tpu.memref_squeeze %dma_start3A_288 : memref<1x10240xf32, #tpu.memory_space<hbm>> -> memref<10240xf32, #tpu.memory_space<hbm>>
      tpu.enqueue_dma source(%dma_start3A_289 : memref<10240xf32, #tpu.memory_space<hbm>>) target(%arg11 : memref<10240xf32, #tpu.memory_space<vmem>>) target_semaphore(%run_scoped3A : memref<!tpu.dma_semaphore, #tpu.memory_space<semaphore_mem>>)
      %dma_wait3A_290 = arith.constant 0 : i32
      %dma_wait3A_291 = tpu.memref_slice %arg3[%arg1, %dma_wait3A_290] : memref<16x10240xf32, #tpu.memory_space<hbm>> -> memref<1x10240xf32, #tpu.memory_space<hbm>>
      %dma_wait3A_292 = tpu.memref_squeeze %dma_wait3A_291 : memref<1x10240xf32, #tpu.memory_space<hbm>> -> memref<10240xf32, #tpu.memory_space<hbm>>
      %dma_wait3A_293 = arith.constant 0 : i32
      %dma_wait3A_294 = tpu.memref_slice %arg3[%arg1, %dma_wait3A_293] : memref<16x10240xf32, #tpu.memory_space<hbm>> -> memref<1x10240xf32, #tpu.memory_space<hbm>>
      %dma_wait3A_295 = tpu.memref_squeeze %dma_wait3A_294 : memref<1x10240xf32, #tpu.memory_space<hbm>> -> memref<10240xf32, #tpu.memory_space<hbm>>
      tpu.wait_dma2 semaphore(%run_scoped3A : memref<!tpu.dma_semaphore, #tpu.memory_space<semaphore_mem>>) src(%dma_wait3A_295 : memref<10240xf32, #tpu.memory_space<hbm>>) dst(%arg11 : memref<10240xf32, #tpu.memory_space<vmem>>)
      tpu.yield
    }) : () -> ()
    %mul3A_1 = arith.constant 16 : i32
    %mul3A_2 = arith.muli %arg1, %mul3A_1 : i32
    "tpu.region"() ({
      %run_scoped3A = tpu.sem_alloc : memref<!tpu.dma_semaphore, #tpu.memory_space<semaphore_mem>>
      %dma_start3A_284 = tpu.memref_slice %arg6[%mul3A_2] : memref<256xf32, #tpu.memory_space<hbm>> -> memref<16xf32, #tpu.memory_space<hbm>>
      %dma_start3A_285 = tpu.memref_slice %arg6[%mul3A_2] : memref<256xf32, #tpu.memory_space<hbm>> -> memref<16xf32, #tpu.memory_space<hbm>>
      tpu.enqueue_dma source(%dma_start3A_285 : memref<16xf32, #tpu.memory_space<hbm>>) target(%arg19 : memref<16xf32, #tpu.memory_space<vmem>>) target_semaphore(%run_scoped3A : memref<!tpu.dma_semaphore, #tpu.memory_space<semaphore_mem>>)
      %dma_wait3A_286 = tpu.memref_slice %arg6[%mul3A_2] : memref<256xf32, #tpu.memory_space<hbm>> -> memref<16xf32, #tpu.memory_space<hbm>>
      %dma_wait3A_287 = tpu.memref_slice %arg6[%mul3A_2] : memref<256xf32, #tpu.memory_space<hbm>> -> memref<16xf32, #tpu.memory_space<hbm>>
      tpu.wait_dma2 semaphore(%run_scoped3A : memref<!tpu.dma_semaphore, #tpu.memory_space<semaphore_mem>>) src(%dma_wait3A_287 : memref<16xf32, #tpu.memory_space<hbm>>) dst(%arg19 : memref<16xf32, #tpu.memory_space<vmem>>)
      tpu.yield
    }) : () -> ()
    %mul3A_3 = arith.constant 16 : i32
    %mul3A_4 = arith.muli %arg1, %mul3A_3 : i32
    "tpu.region"() ({
      %run_scoped3A = tpu.sem_alloc : memref<!tpu.dma_semaphore, #tpu.memory_space<semaphore_mem>>
      %dma_start3A_284 = tpu.memref_slice %arg7[%mul3A_4] : memref<256xf32, #tpu.memory_space<hbm>> -> memref<16xf32, #tpu.memory_space<hbm>>
      %dma_start3A_285 = tpu.memref_slice %arg7[%mul3A_4] : memref<256xf32, #tpu.memory_space<hbm>> -> memref<16xf32, #tpu.memory_space<hbm>>
      tpu.enqueue_dma source(%dma_start3A_285 : memref<16xf32, #tpu.memory_space<hbm>>) target(%arg20 : memref<16xf32, #tpu.memory_space<vmem>>) target_semaphore(%run_scoped3A : memref<!tpu.dma_semaphore, #tpu.memory_space<semaphore_mem>>)
      %dma_wait3A_286 = tpu.memref_slice %arg7[%mul3A_4] : memref<256xf32, #tpu.memory_space<hbm>> -> memref<16xf32, #tpu.memory_space<hbm>>
      %dma_wait3A_287 = tpu.memref_slice %arg7[%mul3A_4] : memref<256xf32, #tpu.memory_space<hbm>> -> memref<16xf32, #tpu.memory_space<hbm>>
      tpu.wait_dma2 semaphore(%run_scoped3A : memref<!tpu.dma_semaphore, #tpu.memory_space<semaphore_mem>>) src(%dma_wait3A_287 : memref<16xf32, #tpu.memory_space<hbm>>) dst(%arg20 : memref<16xf32, #tpu.memory_space<vmem>>)
      tpu.yield
    }) : () -> ()
    %get3A = arith.constant 0 : index
    %get3A_5 = tpu.vector_load %arg19[%get3A] {strides = array<i32>} : memref<16xf32, #tpu.memory_space<vmem>>, vector<16xf32>,
    %get3A_6 = arith.constant 0 : index
    %get3A_7 = tpu.vector_load %arg20[%get3A_6] {strides = array<i32>} : memref<16xf32, #tpu.memory_space<vmem>>, vector<16xf32>,
    %broadcast_in_dim3A = arith.constant 0.000000e+00 : f32
    %broadcast_in_dim3A_8 = vector.broadcast %broadcast_in_dim3A : f32 to vector<16xf32>
    %scan3A = arith.constant 0 : i32
    %scan3A_9 = arith.constant 0 : i32
    %scan3A_10 = arith.constant 640 : i32
    %scan3A_11 = arith.addi %scan3A_9, %scan3A_10 : i32
    %scan3A_12 = arith.constant 1 : i32
    scf.for %scan3A_284 = %scan3A_9 to %scan3A_11 step %scan3A_12  : i32 {
      %mul3A_285 = arith.constant 16 : i32
      %mul3A_286 = arith.muli %scan3A_284, %mul3A_285 : i32
      %swap3A = arith.index_cast %mul3A_286 : i32 to index
      %swap3A_287 = tpu.vector_load %arg12[%swap3A] {strides = array<i32>} : memref<10240xf32, #tpu.memory_space<vmem>>, vector<16xf32>,
      tpu.vector_store %arg12[%swap3A], %broadcast_in_dim3A_8 {strides = array<i32>} : memref<10240xf32, #tpu.memory_space<vmem>>, vector<16xf32>,
    }
    %scan3A_13 = arith.constant 640 : i32
    %scan3A_14 = arith.constant 0 : i32
    %scan3A_15 = arith.constant 0 : i32
    %scan3A_16 = arith.constant 20 : i32
    %scan3A_17 = arith.addi %scan3A_15, %scan3A_16 : i32
    %scan3A_18 = arith.constant 1 : i32
    scf.for %scan3A_284 = %scan3A_15 to %scan3A_17 step %scan3A_18  : i32 {
      %mul3A_285 = arith.constant 163840 : i32
      %mul3A_286 = arith.muli %arg0, %mul3A_285 : i32
      %mul3A_287 = arith.constant 8192 : i32
      %mul3A_288 = arith.muli %scan3A_284, %mul3A_287 : i32
      %add3A_289 = arith.addi %mul3A_286, %mul3A_288 : i32
      %dma_start3A_290 = tpu.memref_slice %arg4[%add3A_289] : memref<327680xi32, #tpu.memory_space<hbm>> -> memref<8192xi32, #tpu.memory_space<hbm>>
      %dma_start3A_291 = tpu.memref_slice %arg4[%add3A_289] : memref<327680xi32, #tpu.memory_space<hbm>> -> memref<8192xi32, #tpu.memory_space<hbm>>
      tpu.enqueue_dma source(%dma_start3A_291 : memref<8192xi32, #tpu.memory_space<hbm>>) target(%arg13 : memref<8192xi32, #tpu.memory_space<vmem>>) target_semaphore(%arg22 : memref<!tpu.dma_semaphore, #tpu.memory_space<semaphore_mem>>)
      %dma_start3A_292 = tpu.memref_slice %arg5[%add3A_289] : memref<327680xf32, #tpu.memory_space<hbm>> -> memref<8192xf32, #tpu.memory_space<hbm>>
      %dma_start3A_293 = tpu.memref_slice %arg5[%add3A_289] : memref<327680xf32, #tpu.memory_space<hbm>> -> memref<8192xf32, #tpu.memory_space<hbm>>
      tpu.enqueue_dma source(%dma_start3A_293 : memref<8192xf32, #tpu.memory_space<hbm>>) target(%arg14 : memref<8192xf32, #tpu.memory_space<vmem>>) target_semaphore(%arg22 : memref<!tpu.dma_semaphore, #tpu.memory_space<semaphore_mem>>)
      %dma_wait3A_294 = tpu.memref_slice %arg4[%add3A_289] : memref<327680xi32, #tpu.memory_space<hbm>> -> memref<8192xi32, #tpu.memory_space<hbm>>
      %dma_wait3A_295 = tpu.memref_slice %arg4[%add3A_289] : memref<327680xi32, #tpu.memory_space<hbm>> -> memref<8192xi32, #tpu.memory_space<hbm>>
      tpu.wait_dma2 semaphore(%arg22 : memref<!tpu.dma_semaphore, #tpu.memory_space<semaphore_mem>>) src(%dma_wait3A_295 : memref<8192xi32, #tpu.memory_space<hbm>>) dst(%arg13 : memref<8192xi32, #tpu.memory_space<vmem>>)
      %dma_wait3A_296 = tpu.memref_slice %arg5[%add3A_289] : memref<327680xf32, #tpu.memory_space<hbm>> -> memref<8192xf32, #tpu.memory_space<hbm>>
      %dma_wait3A_297 = tpu.memref_slice %arg5[%add3A_289] : memref<327680xf32, #tpu.memory_space<hbm>> -> memref<8192xf32, #tpu.memory_space<hbm>>
      tpu.wait_dma2 semaphore(%arg22 : memref<!tpu.dma_semaphore, #tpu.memory_space<semaphore_mem>>) src(%dma_wait3A_297 : memref<8192xf32, #tpu.memory_space<hbm>>) dst(%arg14 : memref<8192xf32, #tpu.memory_space<vmem>>)
      %parallel_loop3A_298 = arith.constant 0 : i32
      %parallel_loop3A_299 = arith.constant 512 : i32
      %parallel_loop3A_300 = arith.constant 1 : i32
      scf.for %parallel_loop3A_594 = %parallel_loop3A_298 to %parallel_loop3A_299 step %parallel_loop3A_300  : i32 {
        %parallel_loop3A_595 = arith.constant 16 : i32
        %parallel_loop3A_596 = arith.muli %parallel_loop3A_594, %parallel_loop3A_595 : i32
        %parallel_loop3A_597 = arith.index_cast %parallel_loop3A_596 : i32 to index
        %parallel_loop3A_598 = tpu.vector_load %arg13[%parallel_loop3A_597] {strides = array<i32>} : memref<8192xi32, #tpu.memory_space<vmem>>, vector<16xi32>,
        %parallel_loop3A_599 = arith.constant 65535 : i32
        %parallel_loop3A_600 = vector.broadcast %parallel_loop3A_599 : i32 to vector<16xi32>
        %parallel_loop3A_601 = arith.andi %parallel_loop3A_598, %parallel_loop3A_600 : vector<16xi32>
        %parallel_loop3A_602 = arith.constant 16 : i32
        %parallel_loop3A_603 = vector.broadcast %parallel_loop3A_602 : i32 to vector<16xi32>
        %parallel_loop3A_604 = arith.shrui %parallel_loop3A_598, %parallel_loop3A_603 : vector<16xi32>
        %parallel_loop3A_605 = arith.constant 16 : i32
        %parallel_loop3A_606 = arith.muli %parallel_loop3A_594, %parallel_loop3A_605 : i32
        %parallel_loop3A_607 = arith.index_cast %parallel_loop3A_606 : i32 to index
        %parallel_loop3A_608 = tpu.vector_load %arg14[%parallel_loop3A_607] {strides = array<i32>} : memref<8192xf32, #tpu.memory_space<vmem>>, vector<16xf32>,
        %parallel_loop3A_609 = tpu.vector_load_idx %arg10[%parallel_loop3A_601] : memref<10240xf32, #tpu.memory_space<vmem>>[vector<16xi32>], vector<16xf32>,
        %parallel_loop3A_610 = tpu.vector_load_idx %arg11[%parallel_loop3A_604] : memref<10240xf32, #tpu.memory_space<vmem>>[vector<16xi32>], vector<16xf32>,
        %parallel_loop3A_611 = arith.addf %parallel_loop3A_609, %parallel_loop3A_610 : vector<16xf32>
        %parallel_loop3A_612 = arith.mulf %parallel_loop3A_608, %get3A_5 : vector<16xf32>
        %parallel_loop3A_613 = arith.addf %parallel_loop3A_611, %parallel_loop3A_612 : vector<16xf32>
        %parallel_loop3A_614 = arith.constant 2.000000e-01 : f32
        %parallel_loop3A_615 = vector.broadcast %parallel_loop3A_614 : f32 to vector<16xf32>
        %parallel_loop3A_616 = arith.mulf %parallel_loop3A_615, %parallel_loop3A_613 : vector<16xf32>
        %parallel_loop3A_617 = arith.maximumf %parallel_loop3A_613, %parallel_loop3A_616 : vector<16xf32>
        %parallel_loop3A_618 = arith.mulf %get3A_7, %parallel_loop3A_617 : vector<16xf32>
        %parallel_loop3A_619 = arith.constant 16 : i32
        %parallel_loop3A_620 = arith.muli %parallel_loop3A_594, %parallel_loop3A_619 : i32
        %parallel_loop3A_621 = arith.index_cast %parallel_loop3A_620 : i32 to index
        %parallel_loop3A_622 = tpu.vector_load %arg15[%parallel_loop3A_621] {strides = array<i32>} : memref<8192xf32, #tpu.memory_space<vmem>>, vector<16xf32>,
        tpu.vector_store %arg15[%parallel_loop3A_621], %parallel_loop3A_618 {strides = array<i32>} : memref<8192xf32, #tpu.memory_space<vmem>>, vector<16xf32>,
      } {sc.loop_unroll_factor = 8 : i64, sc.parallel_access}
      %jit3A = arith.constant 2 : i32
      %eq3A = arith.constant 0 : i32
      %eq3A_301 = arith.cmpi eq, %jit3A, %eq3A : i32
      %jit3A_302 = arith.constant 1 : i32
      %select_n3A = arith.select %eq3A_301, %jit3A_302, %jit3A : i32
      %rem3A = arith.remsi %scan3A_284, %select_n3A : i32
      %ne3A = arith.constant 0 : i32
      %ne3A_303 = arith.cmpi ne, %rem3A, %ne3A : i32
      %lt3A = arith.constant 0 : i32
      %lt3A_304 = arith.cmpi slt, %rem3A, %lt3A : i32
      %lt3A_305 = arith.constant 0 : i32
      %lt3A_306 = arith.cmpi slt, %select_n3A, %lt3A_305 : i32
      %ne3A_307 = arith.xori %lt3A_304, %lt3A_306 : i1
      %and3A = arith.andi %ne3A_307, %ne3A_303 : i1
      %add3A_308 = arith.addi %rem3A, %select_n3A : i32
      %select_n3A_309 = arith.select %and3A, %add3A_308, %rem3A : i32
      %mul3A_310 = arith.constant 131072 : i32
      %mul3A_311 = arith.muli %select_n3A_309, %mul3A_310 : i32
      %mul3A_312 = arith.constant 8192 : i32
      %mul3A_313 = arith.muli %arg1, %mul3A_312 : i32
      %add3A_314 = arith.addi %mul3A_311, %mul3A_313 : i32
      "tpu.region"() ({
        %run_scoped3A = tpu.sem_alloc : memref<!tpu.dma_semaphore, #tpu.memory_space<semaphore_mem>>
        %dma_start3A_594 = tpu.memref_slice %arg21[%add3A_314] : memref<262144xf32, #tpu.memory_space<vmem_shared>> -> memref<8192xf32, #tpu.memory_space<vmem_shared>>
        %dma_start3A_595 = tpu.memref_slice %arg21[%add3A_314] : memref<262144xf32, #tpu.memory_space<vmem_shared>> -> memref<8192xf32, #tpu.memory_space<vmem_shared>>
        tpu.enqueue_dma source(%arg15 : memref<8192xf32, #tpu.memory_space<vmem>>) target(%dma_start3A_595 : memref<8192xf32, #tpu.memory_space<vmem_shared>>) target_semaphore(%run_scoped3A : memref<!tpu.dma_semaphore, #tpu.memory_space<semaphore_mem>>)
        %dma_wait3A_596 = tpu.memref_slice %arg21[%add3A_314] : memref<262144xf32, #tpu.memory_space<vmem_shared>> -> memref<8192xf32, #tpu.memory_space<vmem_shared>>
        %dma_wait3A_597 = tpu.memref_slice %arg21[%add3A_314] : memref<262144xf32, #tpu.memory_space<vmem_shared>> -> memref<8192xf32, #tpu.memory_space<vmem_shared>>
        tpu.wait_dma2 semaphore(%run_scoped3A : memref<!tpu.dma_semaphore, #tpu.memory_space<semaphore_mem>>) src(%arg15 : memref<8192xf32, #tpu.memory_space<vmem>>) dst(%dma_wait3A_597 : memref<8192xf32, #tpu.memory_space<vmem_shared>>)
        tpu.yield
      }) : () -> ()
      %barrier3A_315 = arith.constant 0 : index
      tpu.barrier barrier_id(%barrier3A_315)
      %add3A_316 = arith.constant 0 : i32
      %add3A_317 = arith.addi %mul3A_311, %add3A_316 : i32
      %mul3A_318 = arith.constant 512 : i32
      %mul3A_319 = arith.muli %arg1, %mul3A_318 : i32
      %add3A_320 = arith.addi %add3A_317, %mul3A_319 : i32
      %dma_start3A_321 = arith.constant 0 : i32
      %dma_start3A_322 = tpu.memref_slice %arg16[%dma_start3A_321] : memref<8192xf32, #tpu.memory_space<vmem>> -> memref<512xf32, #tpu.memory_space<vmem>>
      %dma_start3A_323 = tpu.memref_slice %arg21[%add3A_320] : memref<262144xf32, #tpu.memory_space<vmem_shared>> -> memref<512xf32, #tpu.memory_space<vmem_shared>>
      %dma_start3A_324 = arith.constant 0 : i32
      %dma_start3A_325 = tpu.memref_slice %arg16[%dma_start3A_324] : memref<8192xf32, #tpu.memory_space<vmem>> -> memref<512xf32, #tpu.memory_space<vmem>>
      %dma_start3A_326 = tpu.memref_slice %arg21[%add3A_320] : memref<262144xf32, #tpu.memory_space<vmem_shared>> -> memref<512xf32, #tpu.memory_space<vmem_shared>>
      tpu.enqueue_dma source(%dma_start3A_326 : memref<512xf32, #tpu.memory_space<vmem_shared>>) target(%dma_start3A_325 : memref<512xf32, #tpu.memory_space<vmem>>) target_semaphore(%arg22 : memref<!tpu.dma_semaphore, #tpu.memory_space<semaphore_mem>>)
      %add3A_327 = arith.constant 8192 : i32
      %add3A_328 = arith.addi %mul3A_311, %add3A_327 : i32
      %mul3A_329 = arith.constant 512 : i32
      %mul3A_330 = arith.muli %arg1, %mul3A_329 : i32
      %add3A_331 = arith.addi %add3A_328, %mul3A_330 : i32
      %dma_start3A_332 = arith.constant 512 : i32
      %dma_start3A_333 = tpu.memref_slice %arg16[%dma_start3A_332] : memref<8192xf32, #tpu.memory_space<vmem>> -> memref<512xf32, #tpu.memory_space<vmem>>
      %dma_start3A_334 = tpu.memref_slice %arg21[%add3A_331] : memref<262144xf32, #tpu.memory_space<vmem_shared>> -> memref<512xf32, #tpu.memory_space<vmem_shared>>
      %dma_start3A_335 = arith.constant 512 : i32
      %dma_start3A_336 = tpu.memref_slice %arg16[%dma_start3A_335] : memref<8192xf32, #tpu.memory_space<vmem>> -> memref<512xf32, #tpu.memory_space<vmem>>
      %dma_start3A_337 = tpu.memref_slice %arg21[%add3A_331] : memref<262144xf32, #tpu.memory_space<vmem_shared>> -> memref<512xf32, #tpu.memory_space<vmem_shared>>
      tpu.enqueue_dma source(%dma_start3A_337 : memref<512xf32, #tpu.memory_space<vmem_shared>>) target(%dma_start3A_336 : memref<512xf32, #tpu.memory_space<vmem>>) target_semaphore(%arg22 : memref<!tpu.dma_semaphore, #tpu.memory_space<semaphore_mem>>)
      %add3A_338 = arith.constant 16384 : i32
      %add3A_339 = arith.addi %mul3A_311, %add3A_338 : i32
      %mul3A_340 = arith.constant 512 : i32
      %mul3A_341 = arith.muli %arg1, %mul3A_340 : i32
      %add3A_342 = arith.addi %add3A_339, %mul3A_341 : i32
      %dma_start3A_343 = arith.constant 1024 : i32
      %dma_start3A_344 = tpu.memref_slice %arg16[%dma_start3A_343] : memref<8192xf32, #tpu.memory_space<vmem>> -> memref<512xf32, #tpu.memory_space<vmem>>
      %dma_start3A_345 = tpu.memref_slice %arg21[%add3A_342] : memref<262144xf32, #tpu.memory_space<vmem_shared>> -> memref<512xf32, #tpu.memory_space<vmem_shared>>
      %dma_start3A_346 = arith.constant 1024 : i32
      %dma_start3A_347 = tpu.memref_slice %arg16[%dma_start3A_346] : memref<8192xf32, #tpu.memory_space<vmem>> -> memref<512xf32, #tpu.memory_space<vmem>>
      %dma_start3A_348 = tpu.memref_slice %arg21[%add3A_342] : memref<262144xf32, #tpu.memory_space<vmem_shared>> -> memref<512xf32, #tpu.memory_space<vmem_shared>>
      tpu.enqueue_dma source(%dma_start3A_348 : memref<512xf32, #tpu.memory_space<vmem_shared>>) target(%dma_start3A_347 : memref<512xf32, #tpu.memory_space<vmem>>) target_semaphore(%arg22 : memref<!tpu.dma_semaphore, #tpu.memory_space<semaphore_mem>>)
      %add3A_349 = arith.constant 24576 : i32
      %add3A_350 = arith.addi %mul3A_311, %add3A_349 : i32
      %mul3A_351 = arith.constant 512 : i32
      %mul3A_352 = arith.muli %arg1, %mul3A_351 : i32
      %add3A_353 = arith.addi %add3A_350, %mul3A_352 : i32
      %dma_start3A_354 = arith.constant 1536 : i32
      %dma_start3A_355 = tpu.memref_slice %arg16[%dma_start3A_354] : memref<8192xf32, #tpu.memory_space<vmem>> -> memref<512xf32, #tpu.memory_space<vmem>>
      %dma_start3A_356 = tpu.memref_slice %arg21[%add3A_353] : memref<262144xf32, #tpu.memory_space<vmem_shared>> -> memref<512xf32, #tpu.memory_space<vmem_shared>>
      %dma_start3A_357 = arith.constant 1536 : i32
      %dma_start3A_358 = tpu.memref_slice %arg16[%dma_start3A_357] : memref<8192xf32, #tpu.memory_space<vmem>> -> memref<512xf32, #tpu.memory_space<vmem>>
      %dma_start3A_359 = tpu.memref_slice %arg21[%add3A_353] : memref<262144xf32, #tpu.memory_space<vmem_shared>> -> memref<512xf32, #tpu.memory_space<vmem_shared>>
      tpu.enqueue_dma source(%dma_start3A_359 : memref<512xf32, #tpu.memory_space<vmem_shared>>) target(%dma_start3A_358 : memref<512xf32, #tpu.memory_space<vmem>>) target_semaphore(%arg22 : memref<!tpu.dma_semaphore, #tpu.memory_space<semaphore_mem>>)
      %add3A_360 = arith.constant 32768 : i32
      %add3A_361 = arith.addi %mul3A_311, %add3A_360 : i32
      %mul3A_362 = arith.constant 512 : i32
      %mul3A_363 = arith.muli %arg1, %mul3A_362 : i32
      %add3A_364 = arith.addi %add3A_361, %mul3A_363 : i32
      %dma_start3A_365 = arith.constant 2048 : i32
      %dma_start3A_366 = tpu.memref_slice %arg16[%dma_start3A_365] : memref<8192xf32, #tpu.memory_space<vmem>> -> memref<512xf32, #tpu.memory_space<vmem>>
      %dma_start3A_367 = tpu.memref_slice %arg21[%add3A_364] : memref<262144xf32, #tpu.memory_space<vmem_shared>> -> memref<512xf32, #tpu.memory_space<vmem_shared>>
      %dma_start3A_368 = arith.constant 2048 : i32
      %dma_start3A_369 = tpu.memref_slice %arg16[%dma_start3A_368] : memref<8192xf32, #tpu.memory_space<vmem>> -> memref<512xf32, #tpu.memory_space<vmem>>
      %dma_start3A_370 = tpu.memref_slice %arg21[%add3A_364] : memref<262144xf32, #tpu.memory_space<vmem_shared>> -> memref<512xf32, #tpu.memory_space<vmem_shared>>
      tpu.enqueue_dma source(%dma_start3A_370 : memref<512xf32, #tpu.memory_space<vmem_shared>>) target(%dma_start3A_369 : memref<512xf32, #tpu.memory_space<vmem>>) target_semaphore(%arg22 : memref<!tpu.dma_semaphore, #tpu.memory_space<semaphore_mem>>)
      %add3A_371 = arith.constant 40960 : i32
      %add3A_372 = arith.addi %mul3A_311, %add3A_371 : i32
      %mul3A_373 = arith.constant 512 : i32
      %mul3A_374 = arith.muli %arg1, %mul3A_373 : i32
      %add3A_375 = arith.addi %add3A_372, %mul3A_374 : i32
      %dma_start3A_376 = arith.constant 2560 : i32
      %dma_start3A_377 = tpu.memref_slice %arg16[%dma_start3A_376] : memref<8192xf32, #tpu.memory_space<vmem>> -> memref<512xf32, #tpu.memory_space<vmem>>
      %dma_start3A_378 = tpu.memref_slice %arg21[%add3A_375] : memref<262144xf32, #tpu.memory_space<vmem_shared>> -> memref<512xf32, #tpu.memory_space<vmem_shared>>
      %dma_start3A_379 = arith.constant 2560 : i32
      %dma_start3A_380 = tpu.memref_slice %arg16[%dma_start3A_379] : memref<8192xf32, #tpu.memory_space<vmem>> -> memref<512xf32, #tpu.memory_space<vmem>>
      %dma_start3A_381 = tpu.memref_slice %arg21[%add3A_375] : memref<262144xf32, #tpu.memory_space<vmem_shared>> -> memref<512xf32, #tpu.memory_space<vmem_shared>>
      tpu.enqueue_dma source(%dma_start3A_381 : memref<512xf32, #tpu.memory_space<vmem_shared>>) target(%dma_start3A_380 : memref<512xf32, #tpu.memory_space<vmem>>) target_semaphore(%arg22 : memref<!tpu.dma_semaphore, #tpu.memory_space<semaphore_mem>>)
      %add3A_382 = arith.constant 49152 : i32
      %add3A_383 = arith.addi %mul3A_311, %add3A_382 : i32
      %mul3A_384 = arith.constant 512 : i32
      %mul3A_385 = arith.muli %arg1, %mul3A_384 : i32
      %add3A_386 = arith.addi %add3A_383, %mul3A_385 : i32
      %dma_start3A_387 = arith.constant 3072 : i32
      %dma_start3A_388 = tpu.memref_slice %arg16[%dma_start3A_387] : memref<8192xf32, #tpu.memory_space<vmem>> -> memref<512xf32, #tpu.memory_space<vmem>>
      %dma_start3A_389 = tpu.memref_slice %arg21[%add3A_386] : memref<262144xf32, #tpu.memory_space<vmem_shared>> -> memref<512xf32, #tpu.memory_space<vmem_shared>>
      %dma_start3A_390 = arith.constant 3072 : i32
      %dma_start3A_391 = tpu.memref_slice %arg16[%dma_start3A_390] : memref<8192xf32, #tpu.memory_space<vmem>> -> memref<512xf32, #tpu.memory_space<vmem>>
      %dma_start3A_392 = tpu.memref_slice %arg21[%add3A_386] : memref<262144xf32, #tpu.memory_space<vmem_shared>> -> memref<512xf32, #tpu.memory_space<vmem_shared>>
      tpu.enqueue_dma source(%dma_start3A_392 : memref<512xf32, #tpu.memory_space<vmem_shared>>) target(%dma_start3A_391 : memref<512xf32, #tpu.memory_space<vmem>>) target_semaphore(%arg22 : memref<!tpu.dma_semaphore, #tpu.memory_space<semaphore_mem>>)
      %add3A_393 = arith.constant 57344 : i32
      %add3A_394 = arith.addi %mul3A_311, %add3A_393 : i32
      %mul3A_395 = arith.constant 512 : i32
      %mul3A_396 = arith.muli %arg1, %mul3A_395 : i32
      %add3A_397 = arith.addi %add3A_394, %mul3A_396 : i32
      %dma_start3A_398 = arith.constant 3584 : i32
      %dma_start3A_399 = tpu.memref_slice %arg16[%dma_start3A_398] : memref<8192xf32, #tpu.memory_space<vmem>> -> memref<512xf32, #tpu.memory_space<vmem>>
      %dma_start3A_400 = tpu.memref_slice %arg21[%add3A_397] : memref<262144xf32, #tpu.memory_space<vmem_shared>> -> memref<512xf32, #tpu.memory_space<vmem_shared>>
      %dma_start3A_401 = arith.constant 3584 : i32
      %dma_start3A_402 = tpu.memref_slice %arg16[%dma_start3A_401] : memref<8192xf32, #tpu.memory_space<vmem>> -> memref<512xf32, #tpu.memory_space<vmem>>
      %dma_start3A_403 = tpu.memref_slice %arg21[%add3A_397] : memref<262144xf32, #tpu.memory_space<vmem_shared>> -> memref<512xf32, #tpu.memory_space<vmem_shared>>
      tpu.enqueue_dma source(%dma_start3A_403 : memref<512xf32, #tpu.memory_space<vmem_shared>>) target(%dma_start3A_402 : memref<512xf32, #tpu.memory_space<vmem>>) target_semaphore(%arg22 : memref<!tpu.dma_semaphore, #tpu.memory_space<semaphore_mem>>)
      %add3A_404 = arith.constant 65536 : i32
      %add3A_405 = arith.addi %mul3A_311, %add3A_404 : i32
      %mul3A_406 = arith.constant 512 : i32
      %mul3A_407 = arith.muli %arg1, %mul3A_406 : i32
      %add3A_408 = arith.addi %add3A_405, %mul3A_407 : i32
      %dma_start3A_409 = arith.constant 4096 : i32
      %dma_start3A_410 = tpu.memref_slice %arg16[%dma_start3A_409] : memref<8192xf32, #tpu.memory_space<vmem>> -> memref<512xf32, #tpu.memory_space<vmem>>
      %dma_start3A_411 = tpu.memref_slice %arg21[%add3A_408] : memref<262144xf32, #tpu.memory_space<vmem_shared>> -> memref<512xf32, #tpu.memory_space<vmem_shared>>
      %dma_start3A_412 = arith.constant 4096 : i32
      %dma_start3A_413 = tpu.memref_slice %arg16[%dma_start3A_412] : memref<8192xf32, #tpu.memory_space<vmem>> -> memref<512xf32, #tpu.memory_space<vmem>>
      %dma_start3A_414 = tpu.memref_slice %arg21[%add3A_408] : memref<262144xf32, #tpu.memory_space<vmem_shared>> -> memref<512xf32, #tpu.memory_space<vmem_shared>>
      tpu.enqueue_dma source(%dma_start3A_414 : memref<512xf32, #tpu.memory_space<vmem_shared>>) target(%dma_start3A_413 : memref<512xf32, #tpu.memory_space<vmem>>) target_semaphore(%arg22 : memref<!tpu.dma_semaphore, #tpu.memory_space<semaphore_mem>>)
      %add3A_415 = arith.constant 73728 : i32
      %add3A_416 = arith.addi %mul3A_311, %add3A_415 : i32
      %mul3A_417 = arith.constant 512 : i32
      %mul3A_418 = arith.muli %arg1, %mul3A_417 : i32
      %add3A_419 = arith.addi %add3A_416, %mul3A_418 : i32
      %dma_start3A_420 = arith.constant 4608 : i32
      %dma_start3A_421 = tpu.memref_slice %arg16[%dma_start3A_420] : memref<8192xf32, #tpu.memory_space<vmem>> -> memref<512xf32, #tpu.memory_space<vmem>>
      %dma_start3A_422 = tpu.memref_slice %arg21[%add3A_419] : memref<262144xf32, #tpu.memory_space<vmem_shared>> -> memref<512xf32, #tpu.memory_space<vmem_shared>>
      %dma_start3A_423 = arith.constant 4608 : i32
      %dma_start3A_424 = tpu.memref_slice %arg16[%dma_start3A_423] : memref<8192xf32, #tpu.memory_space<vmem>> -> memref<512xf32, #tpu.memory_space<vmem>>
      %dma_start3A_425 = tpu.memref_slice %arg21[%add3A_419] : memref<262144xf32, #tpu.memory_space<vmem_shared>> -> memref<512xf32, #tpu.memory_space<vmem_shared>>
      tpu.enqueue_dma source(%dma_start3A_425 : memref<512xf32, #tpu.memory_space<vmem_shared>>) target(%dma_start3A_424 : memref<512xf32, #tpu.memory_space<vmem>>) target_semaphore(%arg22 : memref<!tpu.dma_semaphore, #tpu.memory_space<semaphore_mem>>)
      %add3A_426 = arith.constant 81920 : i32
      %add3A_427 = arith.addi %mul3A_311, %add3A_426 : i32
      %mul3A_428 = arith.constant 512 : i32
      %mul3A_429 = arith.muli %arg1, %mul3A_428 : i32
      %add3A_430 = arith.addi %add3A_427, %mul3A_429 : i32
      %dma_start3A_431 = arith.constant 5120 : i32
      %dma_start3A_432 = tpu.memref_slice %arg16[%dma_start3A_431] : memref<8192xf32, #tpu.memory_space<vmem>> -> memref<512xf32, #tpu.memory_space<vmem>>
      %dma_start3A_433 = tpu.memref_slice %arg21[%add3A_430] : memref<262144xf32, #tpu.memory_space<vmem_shared>> -> memref<512xf32, #tpu.memory_space<vmem_shared>>
      %dma_start3A_434 = arith.constant 5120 : i32
      %dma_start3A_435 = tpu.memref_slice %arg16[%dma_start3A_434] : memref<8192xf32, #tpu.memory_space<vmem>> -> memref<512xf32, #tpu.memory_space<vmem>>
      %dma_start3A_436 = tpu.memref_slice %arg21[%add3A_430] : memref<262144xf32, #tpu.memory_space<vmem_shared>> -> memref<512xf32, #tpu.memory_space<vmem_shared>>
      tpu.enqueue_dma source(%dma_start3A_436 : memref<512xf32, #tpu.memory_space<vmem_shared>>) target(%dma_start3A_435 : memref<512xf32, #tpu.memory_space<vmem>>) target_semaphore(%arg22 : memref<!tpu.dma_semaphore, #tpu.memory_space<semaphore_mem>>)
      %add3A_437 = arith.constant 90112 : i32
      %add3A_438 = arith.addi %mul3A_311, %add3A_437 : i32
      %mul3A_439 = arith.constant 512 : i32
      %mul3A_440 = arith.muli %arg1, %mul3A_439 : i32
      %add3A_441 = arith.addi %add3A_438, %mul3A_440 : i32
      %dma_start3A_442 = arith.constant 5632 : i32
      %dma_start3A_443 = tpu.memref_slice %arg16[%dma_start3A_442] : memref<8192xf32, #tpu.memory_space<vmem>> -> memref<512xf32, #tpu.memory_space<vmem>>
      %dma_start3A_444 = tpu.memref_slice %arg21[%add3A_441] : memref<262144xf32, #tpu.memory_space<vmem_shared>> -> memref<512xf32, #tpu.memory_space<vmem_shared>>
      %dma_start3A_445 = arith.constant 5632 : i32
      %dma_start3A_446 = tpu.memref_slice %arg16[%dma_start3A_445] : memref<8192xf32, #tpu.memory_space<vmem>> -> memref<512xf32, #tpu.memory_space<vmem>>
      %dma_start3A_447 = tpu.memref_slice %arg21[%add3A_441] : memref<262144xf32, #tpu.memory_space<vmem_shared>> -> memref<512xf32, #tpu.memory_space<vmem_shared>>
      tpu.enqueue_dma source(%dma_start3A_447 : memref<512xf32, #tpu.memory_space<vmem_shared>>) target(%dma_start3A_446 : memref<512xf32, #tpu.memory_space<vmem>>) target_semaphore(%arg22 : memref<!tpu.dma_semaphore, #tpu.memory_space<semaphore_mem>>)
      %add3A_448 = arith.constant 98304 : i32
      %add3A_449 = arith.addi %mul3A_311, %add3A_448 : i32
      %mul3A_450 = arith.constant 512 : i32
      %mul3A_451 = arith.muli %arg1, %mul3A_450 : i32
      %add3A_452 = arith.addi %add3A_449, %mul3A_451 : i32
      %dma_start3A_453 = arith.constant 6144 : i32
      %dma_start3A_454 = tpu.memref_slice %arg16[%dma_start3A_453] : memref<8192xf32, #tpu.memory_space<vmem>> -> memref<512xf32, #tpu.memory_space<vmem>>
      %dma_start3A_455 = tpu.memref_slice %arg21[%add3A_452] : memref<262144xf32, #tpu.memory_space<vmem_shared>> -> memref<512xf32, #tpu.memory_space<vmem_shared>>
      %dma_start3A_456 = arith.constant 6144 : i32
      %dma_start3A_457 = tpu.memref_slice %arg16[%dma_start3A_456] : memref<8192xf32, #tpu.memory_space<vmem>> -> memref<512xf32, #tpu.memory_space<vmem>>
      %dma_start3A_458 = tpu.memref_slice %arg21[%add3A_452] : memref<262144xf32, #tpu.memory_space<vmem_shared>> -> memref<512xf32, #tpu.memory_space<vmem_shared>>
      tpu.enqueue_dma source(%dma_start3A_458 : memref<512xf32, #tpu.memory_space<vmem_shared>>) target(%dma_start3A_457 : memref<512xf32, #tpu.memory_space<vmem>>) target_semaphore(%arg22 : memref<!tpu.dma_semaphore, #tpu.memory_space<semaphore_mem>>)
      %add3A_459 = arith.constant 106496 : i32
      %add3A_460 = arith.addi %mul3A_311, %add3A_459 : i32
      %mul3A_461 = arith.constant 512 : i32
      %mul3A_462 = arith.muli %arg1, %mul3A_461 : i32
      %add3A_463 = arith.addi %add3A_460, %mul3A_462 : i32
      %dma_start3A_464 = arith.constant 6656 : i32
      %dma_start3A_465 = tpu.memref_slice %arg16[%dma_start3A_464] : memref<8192xf32, #tpu.memory_space<vmem>> -> memref<512xf32, #tpu.memory_space<vmem>>
      %dma_start3A_466 = tpu.memref_slice %arg21[%add3A_463] : memref<262144xf32, #tpu.memory_space<vmem_shared>> -> memref<512xf32, #tpu.memory_space<vmem_shared>>
      %dma_start3A_467 = arith.constant 6656 : i32
      %dma_start3A_468 = tpu.memref_slice %arg16[%dma_start3A_467] : memref<8192xf32, #tpu.memory_space<vmem>> -> memref<512xf32, #tpu.memory_space<vmem>>
      %dma_start3A_469 = tpu.memref_slice %arg21[%add3A_463] : memref<262144xf32, #tpu.memory_space<vmem_shared>> -> memref<512xf32, #tpu.memory_space<vmem_shared>>
      tpu.enqueue_dma source(%dma_start3A_469 : memref<512xf32, #tpu.memory_space<vmem_shared>>) target(%dma_start3A_468 : memref<512xf32, #tpu.memory_space<vmem>>) target_semaphore(%arg22 : memref<!tpu.dma_semaphore, #tpu.memory_space<semaphore_mem>>)
      %add3A_470 = arith.constant 114688 : i32
      %add3A_471 = arith.addi %mul3A_311, %add3A_470 : i32
      %mul3A_472 = arith.constant 512 : i32
      %mul3A_473 = arith.muli %arg1, %mul3A_472 : i32
      %add3A_474 = arith.addi %add3A_471, %mul3A_473 : i32
      %dma_start3A_475 = arith.constant 7168 : i32
      %dma_start3A_476 = tpu.memref_slice %arg16[%dma_start3A_475] : memref<8192xf32, #tpu.memory_space<vmem>> -> memref<512xf32, #tpu.memory_space<vmem>>
      %dma_start3A_477 = tpu.memref_slice %arg21[%add3A_474] : memref<262144xf32, #tpu.memory_space<vmem_shared>> -> memref<512xf32, #tpu.memory_space<vmem_shared>>
      %dma_start3A_478 = arith.constant 7168 : i32
      %dma_start3A_479 = tpu.memref_slice %arg16[%dma_start3A_478] : memref<8192xf32, #tpu.memory_space<vmem>> -> memref<512xf32, #tpu.memory_space<vmem>>
      %dma_start3A_480 = tpu.memref_slice %arg21[%add3A_474] : memref<262144xf32, #tpu.memory_space<vmem_shared>> -> memref<512xf32, #tpu.memory_space<vmem_shared>>
      tpu.enqueue_dma source(%dma_start3A_480 : memref<512xf32, #tpu.memory_space<vmem_shared>>) target(%dma_start3A_479 : memref<512xf32, #tpu.memory_space<vmem>>) target_semaphore(%arg22 : memref<!tpu.dma_semaphore, #tpu.memory_space<semaphore_mem>>)
      %add3A_481 = arith.constant 122880 : i32
      %add3A_482 = arith.addi %mul3A_311, %add3A_481 : i32
      %mul3A_483 = arith.constant 512 : i32
      %mul3A_484 = arith.muli %arg1, %mul3A_483 : i32
      %add3A_485 = arith.addi %add3A_482, %mul3A_484 : i32
      %dma_start3A_486 = arith.constant 7680 : i32
      %dma_start3A_487 = tpu.memref_slice %arg16[%dma_start3A_486] : memref<8192xf32, #tpu.memory_space<vmem>> -> memref<512xf32, #tpu.memory_space<vmem>>
      %dma_start3A_488 = tpu.memref_slice %arg21[%add3A_485] : memref<262144xf32, #tpu.memory_space<vmem_shared>> -> memref<512xf32, #tpu.memory_space<vmem_shared>>
      %dma_start3A_489 = arith.constant 7680 : i32
      %dma_start3A_490 = tpu.memref_slice %arg16[%dma_start3A_489] : memref<8192xf32, #tpu.memory_space<vmem>> -> memref<512xf32, #tpu.memory_space<vmem>>
      %dma_start3A_491 = tpu.memref_slice %arg21[%add3A_485] : memref<262144xf32, #tpu.memory_space<vmem_shared>> -> memref<512xf32, #tpu.memory_space<vmem_shared>>
      tpu.enqueue_dma source(%dma_start3A_491 : memref<512xf32, #tpu.memory_space<vmem_shared>>) target(%dma_start3A_490 : memref<512xf32, #tpu.memory_space<vmem>>) target_semaphore(%arg22 : memref<!tpu.dma_semaphore, #tpu.memory_space<semaphore_mem>>)
      %dma_wait3A_492 = arith.constant 0 : i32
      %dma_wait3A_493 = tpu.memref_slice %arg16[%dma_wait3A_492] : memref<8192xf32, #tpu.memory_space<vmem>> -> memref<512xf32, #tpu.memory_space<vmem>>
      %dma_wait3A_494 = tpu.memref_slice %arg21[%add3A_320] : memref<262144xf32, #tpu.memory_space<vmem_shared>> -> memref<512xf32, #tpu.memory_space<vmem_shared>>
      %dma_wait3A_495 = arith.constant 0 : i32
      %dma_wait3A_496 = tpu.memref_slice %arg16[%dma_wait3A_495] : memref<8192xf32, #tpu.memory_space<vmem>> -> memref<512xf32, #tpu.memory_space<vmem>>
      %dma_wait3A_497 = tpu.memref_slice %arg21[%add3A_320] : memref<262144xf32, #tpu.memory_space<vmem_shared>> -> memref<512xf32, #tpu.memory_space<vmem_shared>>
      tpu.wait_dma2 semaphore(%arg22 : memref<!tpu.dma_semaphore, #tpu.memory_space<semaphore_mem>>) src(%dma_wait3A_497 : memref<512xf32, #tpu.memory_space<vmem_shared>>) dst(%dma_wait3A_496 : memref<512xf32, #tpu.memory_space<vmem>>)
      %dma_wait3A_498 = arith.constant 512 : i32
      %dma_wait3A_499 = tpu.memref_slice %arg16[%dma_wait3A_498] : memref<8192xf32, #tpu.memory_space<vmem>> -> memref<512xf32, #tpu.memory_space<vmem>>
      %dma_wait3A_500 = tpu.memref_slice %arg21[%add3A_331] : memref<262144xf32, #tpu.memory_space<vmem_shared>> -> memref<512xf32, #tpu.memory_space<vmem_shared>>
      %dma_wait3A_501 = arith.constant 512 : i32
      %dma_wait3A_502 = tpu.memref_slice %arg16[%dma_wait3A_501] : memref<8192xf32, #tpu.memory_space<vmem>> -> memref<512xf32, #tpu.memory_space<vmem>>
      %dma_wait3A_503 = tpu.memref_slice %arg21[%add3A_331] : memref<262144xf32, #tpu.memory_space<vmem_shared>> -> memref<512xf32, #tpu.memory_space<vmem_shared>>
      tpu.wait_dma2 semaphore(%arg22 : memref<!tpu.dma_semaphore, #tpu.memory_space<semaphore_mem>>) src(%dma_wait3A_503 : memref<512xf32, #tpu.memory_space<vmem_shared>>) dst(%dma_wait3A_502 : memref<512xf32, #tpu.memory_space<vmem>>)
      %dma_wait3A_504 = arith.constant 1024 : i32
      %dma_wait3A_505 = tpu.memref_slice %arg16[%dma_wait3A_504] : memref<8192xf32, #tpu.memory_space<vmem>> -> memref<512xf32, #tpu.memory_space<vmem>>
      %dma_wait3A_506 = tpu.memref_slice %arg21[%add3A_342] : memref<262144xf32, #tpu.memory_space<vmem_shared>> -> memref<512xf32, #tpu.memory_space<vmem_shared>>
      %dma_wait3A_507 = arith.constant 1024 : i32
      %dma_wait3A_508 = tpu.memref_slice %arg16[%dma_wait3A_507] : memref<8192xf32, #tpu.memory_space<vmem>> -> memref<512xf32, #tpu.memory_space<vmem>>
      %dma_wait3A_509 = tpu.memref_slice %arg21[%add3A_342] : memref<262144xf32, #tpu.memory_space<vmem_shared>> -> memref<512xf32, #tpu.memory_space<vmem_shared>>
      tpu.wait_dma2 semaphore(%arg22 : memref<!tpu.dma_semaphore, #tpu.memory_space<semaphore_mem>>) src(%dma_wait3A_509 : memref<512xf32, #tpu.memory_space<vmem_shared>>) dst(%dma_wait3A_508 : memref<512xf32, #tpu.memory_space<vmem>>)
      %dma_wait3A_510 = arith.constant 1536 : i32
      %dma_wait3A_511 = tpu.memref_slice %arg16[%dma_wait3A_510] : memref<8192xf32, #tpu.memory_space<vmem>> -> memref<512xf32, #tpu.memory_space<vmem>>
      %dma_wait3A_512 = tpu.memref_slice %arg21[%add3A_353] : memref<262144xf32, #tpu.memory_space<vmem_shared>> -> memref<512xf32, #tpu.memory_space<vmem_shared>>
      %dma_wait3A_513 = arith.constant 1536 : i32
      %dma_wait3A_514 = tpu.memref_slice %arg16[%dma_wait3A_513] : memref<8192xf32, #tpu.memory_space<vmem>> -> memref<512xf32, #tpu.memory_space<vmem>>
      %dma_wait3A_515 = tpu.memref_slice %arg21[%add3A_353] : memref<262144xf32, #tpu.memory_space<vmem_shared>> -> memref<512xf32, #tpu.memory_space<vmem_shared>>
      tpu.wait_dma2 semaphore(%arg22 : memref<!tpu.dma_semaphore, #tpu.memory_space<semaphore_mem>>) src(%dma_wait3A_515 : memref<512xf32, #tpu.memory_space<vmem_shared>>) dst(%dma_wait3A_514 : memref<512xf32, #tpu.memory_space<vmem>>)
      %dma_wait3A_516 = arith.constant 2048 : i32
      %dma_wait3A_517 = tpu.memref_slice %arg16[%dma_wait3A_516] : memref<8192xf32, #tpu.memory_space<vmem>> -> memref<512xf32, #tpu.memory_space<vmem>>
      %dma_wait3A_518 = tpu.memref_slice %arg21[%add3A_364] : memref<262144xf32, #tpu.memory_space<vmem_shared>> -> memref<512xf32, #tpu.memory_space<vmem_shared>>
      %dma_wait3A_519 = arith.constant 2048 : i32
      %dma_wait3A_520 = tpu.memref_slice %arg16[%dma_wait3A_519] : memref<8192xf32, #tpu.memory_space<vmem>> -> memref<512xf32, #tpu.memory_space<vmem>>
      %dma_wait3A_521 = tpu.memref_slice %arg21[%add3A_364] : memref<262144xf32, #tpu.memory_space<vmem_shared>> -> memref<512xf32, #tpu.memory_space<vmem_shared>>
      tpu.wait_dma2 semaphore(%arg22 : memref<!tpu.dma_semaphore, #tpu.memory_space<semaphore_mem>>) src(%dma_wait3A_521 : memref<512xf32, #tpu.memory_space<vmem_shared>>) dst(%dma_wait3A_520 : memref<512xf32, #tpu.memory_space<vmem>>)
      %dma_wait3A_522 = arith.constant 2560 : i32
      %dma_wait3A_523 = tpu.memref_slice %arg16[%dma_wait3A_522] : memref<8192xf32, #tpu.memory_space<vmem>> -> memref<512xf32, #tpu.memory_space<vmem>>
      %dma_wait3A_524 = tpu.memref_slice %arg21[%add3A_375] : memref<262144xf32, #tpu.memory_space<vmem_shared>> -> memref<512xf32, #tpu.memory_space<vmem_shared>>
      %dma_wait3A_525 = arith.constant 2560 : i32
      %dma_wait3A_526 = tpu.memref_slice %arg16[%dma_wait3A_525] : memref<8192xf32, #tpu.memory_space<vmem>> -> memref<512xf32, #tpu.memory_space<vmem>>
      %dma_wait3A_527 = tpu.memref_slice %arg21[%add3A_375] : memref<262144xf32, #tpu.memory_space<vmem_shared>> -> memref<512xf32, #tpu.memory_space<vmem_shared>>
      tpu.wait_dma2 semaphore(%arg22 : memref<!tpu.dma_semaphore, #tpu.memory_space<semaphore_mem>>) src(%dma_wait3A_527 : memref<512xf32, #tpu.memory_space<vmem_shared>>) dst(%dma_wait3A_526 : memref<512xf32, #tpu.memory_space<vmem>>)
      %dma_wait3A_528 = arith.constant 3072 : i32
      %dma_wait3A_529 = tpu.memref_slice %arg16[%dma_wait3A_528] : memref<8192xf32, #tpu.memory_space<vmem>> -> memref<512xf32, #tpu.memory_space<vmem>>
      %dma_wait3A_530 = tpu.memref_slice %arg21[%add3A_386] : memref<262144xf32, #tpu.memory_space<vmem_shared>> -> memref<512xf32, #tpu.memory_space<vmem_shared>>
      %dma_wait3A_531 = arith.constant 3072 : i32
      %dma_wait3A_532 = tpu.memref_slice %arg16[%dma_wait3A_531] : memref<8192xf32, #tpu.memory_space<vmem>> -> memref<512xf32, #tpu.memory_space<vmem>>
      %dma_wait3A_533 = tpu.memref_slice %arg21[%add3A_386] : memref<262144xf32, #tpu.memory_space<vmem_shared>> -> memref<512xf32, #tpu.memory_space<vmem_shared>>
      tpu.wait_dma2 semaphore(%arg22 : memref<!tpu.dma_semaphore, #tpu.memory_space<semaphore_mem>>) src(%dma_wait3A_533 : memref<512xf32, #tpu.memory_space<vmem_shared>>) dst(%dma_wait3A_532 : memref<512xf32, #tpu.memory_space<vmem>>)
      %dma_wait3A_534 = arith.constant 3584 : i32
      %dma_wait3A_535 = tpu.memref_slice %arg16[%dma_wait3A_534] : memref<8192xf32, #tpu.memory_space<vmem>> -> memref<512xf32, #tpu.memory_space<vmem>>
      %dma_wait3A_536 = tpu.memref_slice %arg21[%add3A_397] : memref<262144xf32, #tpu.memory_space<vmem_shared>> -> memref<512xf32, #tpu.memory_space<vmem_shared>>
      %dma_wait3A_537 = arith.constant 3584 : i32
      %dma_wait3A_538 = tpu.memref_slice %arg16[%dma_wait3A_537] : memref<8192xf32, #tpu.memory_space<vmem>> -> memref<512xf32, #tpu.memory_space<vmem>>
      %dma_wait3A_539 = tpu.memref_slice %arg21[%add3A_397] : memref<262144xf32, #tpu.memory_space<vmem_shared>> -> memref<512xf32, #tpu.memory_space<vmem_shared>>
      tpu.wait_dma2 semaphore(%arg22 : memref<!tpu.dma_semaphore, #tpu.memory_space<semaphore_mem>>) src(%dma_wait3A_539 : memref<512xf32, #tpu.memory_space<vmem_shared>>) dst(%dma_wait3A_538 : memref<512xf32, #tpu.memory_space<vmem>>)
      %dma_wait3A_540 = arith.constant 4096 : i32
      %dma_wait3A_541 = tpu.memref_slice %arg16[%dma_wait3A_540] : memref<8192xf32, #tpu.memory_space<vmem>> -> memref<512xf32, #tpu.memory_space<vmem>>
      %dma_wait3A_542 = tpu.memref_slice %arg21[%add3A_408] : memref<262144xf32, #tpu.memory_space<vmem_shared>> -> memref<512xf32, #tpu.memory_space<vmem_shared>>
      %dma_wait3A_543 = arith.constant 4096 : i32
      %dma_wait3A_544 = tpu.memref_slice %arg16[%dma_wait3A_543] : memref<8192xf32, #tpu.memory_space<vmem>> -> memref<512xf32, #tpu.memory_space<vmem>>
      %dma_wait3A_545 = tpu.memref_slice %arg21[%add3A_408] : memref<262144xf32, #tpu.memory_space<vmem_shared>> -> memref<512xf32, #tpu.memory_space<vmem_shared>>
      tpu.wait_dma2 semaphore(%arg22 : memref<!tpu.dma_semaphore, #tpu.memory_space<semaphore_mem>>) src(%dma_wait3A_545 : memref<512xf32, #tpu.memory_space<vmem_shared>>) dst(%dma_wait3A_544 : memref<512xf32, #tpu.memory_space<vmem>>)
      %dma_wait3A_546 = arith.constant 4608 : i32
      %dma_wait3A_547 = tpu.memref_slice %arg16[%dma_wait3A_546] : memref<8192xf32, #tpu.memory_space<vmem>> -> memref<512xf32, #tpu.memory_space<vmem>>
      %dma_wait3A_548 = tpu.memref_slice %arg21[%add3A_419] : memref<262144xf32, #tpu.memory_space<vmem_shared>> -> memref<512xf32, #tpu.memory_space<vmem_shared>>
      %dma_wait3A_549 = arith.constant 4608 : i32
      %dma_wait3A_550 = tpu.memref_slice %arg16[%dma_wait3A_549] : memref<8192xf32, #tpu.memory_space<vmem>> -> memref<512xf32, #tpu.memory_space<vmem>>
      %dma_wait3A_551 = tpu.memref_slice %arg21[%add3A_419] : memref<262144xf32, #tpu.memory_space<vmem_shared>> -> memref<512xf32, #tpu.memory_space<vmem_shared>>
      tpu.wait_dma2 semaphore(%arg22 : memref<!tpu.dma_semaphore, #tpu.memory_space<semaphore_mem>>) src(%dma_wait3A_551 : memref<512xf32, #tpu.memory_space<vmem_shared>>) dst(%dma_wait3A_550 : memref<512xf32, #tpu.memory_space<vmem>>)
      %dma_wait3A_552 = arith.constant 5120 : i32
      %dma_wait3A_553 = tpu.memref_slice %arg16[%dma_wait3A_552] : memref<8192xf32, #tpu.memory_space<vmem>> -> memref<512xf32, #tpu.memory_space<vmem>>
      %dma_wait3A_554 = tpu.memref_slice %arg21[%add3A_430] : memref<262144xf32, #tpu.memory_space<vmem_shared>> -> memref<512xf32, #tpu.memory_space<vmem_shared>>
      %dma_wait3A_555 = arith.constant 5120 : i32
      %dma_wait3A_556 = tpu.memref_slice %arg16[%dma_wait3A_555] : memref<8192xf32, #tpu.memory_space<vmem>> -> memref<512xf32, #tpu.memory_space<vmem>>
      %dma_wait3A_557 = tpu.memref_slice %arg21[%add3A_430] : memref<262144xf32, #tpu.memory_space<vmem_shared>> -> memref<512xf32, #tpu.memory_space<vmem_shared>>
      tpu.wait_dma2 semaphore(%arg22 : memref<!tpu.dma_semaphore, #tpu.memory_space<semaphore_mem>>) src(%dma_wait3A_557 : memref<512xf32, #tpu.memory_space<vmem_shared>>) dst(%dma_wait3A_556 : memref<512xf32, #tpu.memory_space<vmem>>)
      %dma_wait3A_558 = arith.constant 5632 : i32
      %dma_wait3A_559 = tpu.memref_slice %arg16[%dma_wait3A_558] : memref<8192xf32, #tpu.memory_space<vmem>> -> memref<512xf32, #tpu.memory_space<vmem>>
      %dma_wait3A_560 = tpu.memref_slice %arg21[%add3A_441] : memref<262144xf32, #tpu.memory_space<vmem_shared>> -> memref<512xf32, #tpu.memory_space<vmem_shared>>
      %dma_wait3A_561 = arith.constant 5632 : i32
      %dma_wait3A_562 = tpu.memref_slice %arg16[%dma_wait3A_561] : memref<8192xf32, #tpu.memory_space<vmem>> -> memref<512xf32, #tpu.memory_space<vmem>>
      %dma_wait3A_563 = tpu.memref_slice %arg21[%add3A_441] : memref<262144xf32, #tpu.memory_space<vmem_shared>> -> memref<512xf32, #tpu.memory_space<vmem_shared>>
      tpu.wait_dma2 semaphore(%arg22 : memref<!tpu.dma_semaphore, #tpu.memory_space<semaphore_mem>>) src(%dma_wait3A_563 : memref<512xf32, #tpu.memory_space<vmem_shared>>) dst(%dma_wait3A_562 : memref<512xf32, #tpu.memory_space<vmem>>)
      %dma_wait3A_564 = arith.constant 6144 : i32
      %dma_wait3A_565 = tpu.memref_slice %arg16[%dma_wait3A_564] : memref<8192xf32, #tpu.memory_space<vmem>> -> memref<512xf32, #tpu.memory_space<vmem>>
      %dma_wait3A_566 = tpu.memref_slice %arg21[%add3A_452] : memref<262144xf32, #tpu.memory_space<vmem_shared>> -> memref<512xf32, #tpu.memory_space<vmem_shared>>
      %dma_wait3A_567 = arith.constant 6144 : i32
      %dma_wait3A_568 = tpu.memref_slice %arg16[%dma_wait3A_567] : memref<8192xf32, #tpu.memory_space<vmem>> -> memref<512xf32, #tpu.memory_space<vmem>>
      %dma_wait3A_569 = tpu.memref_slice %arg21[%add3A_452] : memref<262144xf32, #tpu.memory_space<vmem_shared>> -> memref<512xf32, #tpu.memory_space<vmem_shared>>
      tpu.wait_dma2 semaphore(%arg22 : memref<!tpu.dma_semaphore, #tpu.memory_space<semaphore_mem>>) src(%dma_wait3A_569 : memref<512xf32, #tpu.memory_space<vmem_shared>>) dst(%dma_wait3A_568 : memref<512xf32, #tpu.memory_space<vmem>>)
      %dma_wait3A_570 = arith.constant 6656 : i32
      %dma_wait3A_571 = tpu.memref_slice %arg16[%dma_wait3A_570] : memref<8192xf32, #tpu.memory_space<vmem>> -> memref<512xf32, #tpu.memory_space<vmem>>
      %dma_wait3A_572 = tpu.memref_slice %arg21[%add3A_463] : memref<262144xf32, #tpu.memory_space<vmem_shared>> -> memref<512xf32, #tpu.memory_space<vmem_shared>>
      %dma_wait3A_573 = arith.constant 6656 : i32
      %dma_wait3A_574 = tpu.memref_slice %arg16[%dma_wait3A_573] : memref<8192xf32, #tpu.memory_space<vmem>> -> memref<512xf32, #tpu.memory_space<vmem>>
      %dma_wait3A_575 = tpu.memref_slice %arg21[%add3A_463] : memref<262144xf32, #tpu.memory_space<vmem_shared>> -> memref<512xf32, #tpu.memory_space<vmem_shared>>
      tpu.wait_dma2 semaphore(%arg22 : memref<!tpu.dma_semaphore, #tpu.memory_space<semaphore_mem>>) src(%dma_wait3A_575 : memref<512xf32, #tpu.memory_space<vmem_shared>>) dst(%dma_wait3A_574 : memref<512xf32, #tpu.memory_space<vmem>>)
      %dma_wait3A_576 = arith.constant 7168 : i32
      %dma_wait3A_577 = tpu.memref_slice %arg16[%dma_wait3A_576] : memref<8192xf32, #tpu.memory_space<vmem>> -> memref<512xf32, #tpu.memory_space<vmem>>
      %dma_wait3A_578 = tpu.memref_slice %arg21[%add3A_474] : memref<262144xf32, #tpu.memory_space<vmem_shared>> -> memref<512xf32, #tpu.memory_space<vmem_shared>>
      %dma_wait3A_579 = arith.constant 7168 : i32
      %dma_wait3A_580 = tpu.memref_slice %arg16[%dma_wait3A_579] : memref<8192xf32, #tpu.memory_space<vmem>> -> memref<512xf32, #tpu.memory_space<vmem>>
      %dma_wait3A_581 = tpu.memref_slice %arg21[%add3A_474] : memref<262144xf32, #tpu.memory_space<vmem_shared>> -> memref<512xf32, #tpu.memory_space<vmem_shared>>
      tpu.wait_dma2 semaphore(%arg22 : memref<!tpu.dma_semaphore, #tpu.memory_space<semaphore_mem>>) src(%dma_wait3A_581 : memref<512xf32, #tpu.memory_space<vmem_shared>>) dst(%dma_wait3A_580 : memref<512xf32, #tpu.memory_space<vmem>>)
      %dma_wait3A_582 = arith.constant 7680 : i32
      %dma_wait3A_583 = tpu.memref_slice %arg16[%dma_wait3A_582] : memref<8192xf32, #tpu.memory_space<vmem>> -> memref<512xf32, #tpu.memory_space<vmem>>
      %dma_wait3A_584 = tpu.memref_slice %arg21[%add3A_485] : memref<262144xf32, #tpu.memory_space<vmem_shared>> -> memref<512xf32, #tpu.memory_space<vmem_shared>>
      %dma_wait3A_585 = arith.constant 7680 : i32
      %dma_wait3A_586 = tpu.memref_slice %arg16[%dma_wait3A_585] : memref<8192xf32, #tpu.memory_space<vmem>> -> memref<512xf32, #tpu.memory_space<vmem>>
      %dma_wait3A_587 = tpu.memref_slice %arg21[%add3A_485] : memref<262144xf32, #tpu.memory_space<vmem_shared>> -> memref<512xf32, #tpu.memory_space<vmem_shared>>
      tpu.wait_dma2 semaphore(%arg22 : memref<!tpu.dma_semaphore, #tpu.memory_space<semaphore_mem>>) src(%dma_wait3A_587 : memref<512xf32, #tpu.memory_space<vmem_shared>>) dst(%dma_wait3A_586 : memref<512xf32, #tpu.memory_space<vmem>>)
      %parallel_loop3A_588 = arith.constant 0 : i32
      %parallel_loop3A_589 = arith.constant 32 : i32
      %parallel_loop3A_590 = arith.constant 1 : i32
      scf.for %parallel_loop3A_594 = %parallel_loop3A_588 to %parallel_loop3A_589 step %parallel_loop3A_590  : i32 {
        %parallel_loop3A_595 = arith.constant 16 : i32
        %parallel_loop3A_596 = arith.muli %parallel_loop3A_594, %parallel_loop3A_595 : i32
        %parallel_loop3A_597 = arith.index_cast %parallel_loop3A_596 : i32 to index
        %parallel_loop3A_598 = tpu.vector_load %arg16[%parallel_loop3A_597] {strides = array<i32>} : memref<8192xf32, #tpu.memory_space<vmem>>, vector<16xf32>,
        %parallel_loop3A_599 = arith.constant 16 : i32
        %parallel_loop3A_600 = arith.muli %parallel_loop3A_594, %parallel_loop3A_599 : i32
        %parallel_loop3A_601 = arith.constant 512 : i32
        %parallel_loop3A_602 = arith.addi %parallel_loop3A_601, %parallel_loop3A_600 : i32
        %parallel_loop3A_603 = arith.index_cast %parallel_loop3A_602 : i32 to index
        %parallel_loop3A_604 = tpu.vector_load %arg16[%parallel_loop3A_603] {strides = array<i32>} : memref<8192xf32, #tpu.memory_space<vmem>>, vector<16xf32>,
        %parallel_loop3A_605 = arith.addf %parallel_loop3A_598, %parallel_loop3A_604 : vector<16xf32>
        %parallel_loop3A_606 = arith.constant 16 : i32
        %parallel_loop3A_607 = arith.muli %parallel_loop3A_594, %parallel_loop3A_606 : i32
        %parallel_loop3A_608 = arith.constant 1024 : i32
        %parallel_loop3A_609 = arith.addi %parallel_loop3A_608, %parallel_loop3A_607 : i32
        %parallel_loop3A_610 = arith.index_cast %parallel_loop3A_609 : i32 to index
        %parallel_loop3A_611 = tpu.vector_load %arg16[%parallel_loop3A_610] {strides = array<i32>} : memref<8192xf32, #tpu.memory_space<vmem>>, vector<16xf32>,
        %parallel_loop3A_612 = arith.addf %parallel_loop3A_605, %parallel_loop3A_611 : vector<16xf32>
        %parallel_loop3A_613 = arith.constant 16 : i32
        %parallel_loop3A_614 = arith.muli %parallel_loop3A_594, %parallel_loop3A_613 : i32
        %parallel_loop3A_615 = arith.constant 1536 : i32
        %parallel_loop3A_616 = arith.addi %parallel_loop3A_615, %parallel_loop3A_614 : i32
        %parallel_loop3A_617 = arith.index_cast %parallel_loop3A_616 : i32 to index
        %parallel_loop3A_618 = tpu.vector_load %arg16[%parallel_loop3A_617] {strides = array<i32>} : memref<8192xf32, #tpu.memory_space<vmem>>, vector<16xf32>,
        %parallel_loop3A_619 = arith.addf %parallel_loop3A_612, %parallel_loop3A_618 : vector<16xf32>
        %parallel_loop3A_620 = arith.constant 16 : i32
        %parallel_loop3A_621 = arith.muli %parallel_loop3A_594, %parallel_loop3A_620 : i32
        %parallel_loop3A_622 = arith.constant 2048 : i32
        %parallel_loop3A_623 = arith.addi %parallel_loop3A_622, %parallel_loop3A_621 : i32
        %parallel_loop3A_624 = arith.index_cast %parallel_loop3A_623 : i32 to index
        %parallel_loop3A_625 = tpu.vector_load %arg16[%parallel_loop3A_624] {strides = array<i32>} : memref<8192xf32, #tpu.memory_space<vmem>>, vector<16xf32>,
        %parallel_loop3A_626 = arith.addf %parallel_loop3A_619, %parallel_loop3A_625 : vector<16xf32>
        %parallel_loop3A_627 = arith.constant 16 : i32
        %parallel_loop3A_628 = arith.muli %parallel_loop3A_594, %parallel_loop3A_627 : i32
        %parallel_loop3A_629 = arith.constant 2560 : i32
        %parallel_loop3A_630 = arith.addi %parallel_loop3A_629, %parallel_loop3A_628 : i32
        %parallel_loop3A_631 = arith.index_cast %parallel_loop3A_630 : i32 to index
        %parallel_loop3A_632 = tpu.vector_load %arg16[%parallel_loop3A_631] {strides = array<i32>} : memref<8192xf32, #tpu.memory_space<vmem>>, vector<16xf32>,
        %parallel_loop3A_633 = arith.addf %parallel_loop3A_626, %parallel_loop3A_632 : vector<16xf32>
        %parallel_loop3A_634 = arith.constant 16 : i32
        %parallel_loop3A_635 = arith.muli %parallel_loop3A_594, %parallel_loop3A_634 : i32
        %parallel_loop3A_636 = arith.constant 3072 : i32
        %parallel_loop3A_637 = arith.addi %parallel_loop3A_636, %parallel_loop3A_635 : i32
        %parallel_loop3A_638 = arith.index_cast %parallel_loop3A_637 : i32 to index
        %parallel_loop3A_639 = tpu.vector_load %arg16[%parallel_loop3A_638] {strides = array<i32>} : memref<8192xf32, #tpu.memory_space<vmem>>, vector<16xf32>,
        %parallel_loop3A_640 = arith.addf %parallel_loop3A_633, %parallel_loop3A_639 : vector<16xf32>
        %parallel_loop3A_641 = arith.constant 16 : i32
        %parallel_loop3A_642 = arith.muli %parallel_loop3A_594, %parallel_loop3A_641 : i32
        %parallel_loop3A_643 = arith.constant 3584 : i32
        %parallel_loop3A_644 = arith.addi %parallel_loop3A_643, %parallel_loop3A_642 : i32
        %parallel_loop3A_645 = arith.index_cast %parallel_loop3A_644 : i32 to index
        %parallel_loop3A_646 = tpu.vector_load %arg16[%parallel_loop3A_645] {strides = array<i32>} : memref<8192xf32, #tpu.memory_space<vmem>>, vector<16xf32>,
        %parallel_loop3A_647 = arith.addf %parallel_loop3A_640, %parallel_loop3A_646 : vector<16xf32>
        %parallel_loop3A_648 = arith.constant 16 : i32
        %parallel_loop3A_649 = arith.muli %parallel_loop3A_594, %parallel_loop3A_648 : i32
        %parallel_loop3A_650 = arith.constant 4096 : i32
        %parallel_loop3A_651 = arith.addi %parallel_loop3A_650, %parallel_loop3A_649 : i32
        %parallel_loop3A_652 = arith.index_cast %parallel_loop3A_651 : i32 to index
        %parallel_loop3A_653 = tpu.vector_load %arg16[%parallel_loop3A_652] {strides = array<i32>} : memref<8192xf32, #tpu.memory_space<vmem>>, vector<16xf32>,
        %parallel_loop3A_654 = arith.addf %parallel_loop3A_647, %parallel_loop3A_653 : vector<16xf32>
        %parallel_loop3A_655 = arith.constant 16 : i32
        %parallel_loop3A_656 = arith.muli %parallel_loop3A_594, %parallel_loop3A_655 : i32
        %parallel_loop3A_657 = arith.constant 4608 : i32
        %parallel_loop3A_658 = arith.addi %parallel_loop3A_657, %parallel_loop3A_656 : i32
        %parallel_loop3A_659 = arith.index_cast %parallel_loop3A_658 : i32 to index
        %parallel_loop3A_660 = tpu.vector_load %arg16[%parallel_loop3A_659] {strides = array<i32>} : memref<8192xf32, #tpu.memory_space<vmem>>, vector<16xf32>,
        %parallel_loop3A_661 = arith.addf %parallel_loop3A_654, %parallel_loop3A_660 : vector<16xf32>
        %parallel_loop3A_662 = arith.constant 16 : i32
        %parallel_loop3A_663 = arith.muli %parallel_loop3A_594, %parallel_loop3A_662 : i32
        %parallel_loop3A_664 = arith.constant 5120 : i32
        %parallel_loop3A_665 = arith.addi %parallel_loop3A_664, %parallel_loop3A_663 : i32
        %parallel_loop3A_666 = arith.index_cast %parallel_loop3A_665 : i32 to index
        %parallel_loop3A_667 = tpu.vector_load %arg16[%parallel_loop3A_666] {strides = array<i32>} : memref<8192xf32, #tpu.memory_space<vmem>>, vector<16xf32>,
        %parallel_loop3A_668 = arith.addf %parallel_loop3A_661, %parallel_loop3A_667 : vector<16xf32>
        %parallel_loop3A_669 = arith.constant 16 : i32
        %parallel_loop3A_670 = arith.muli %parallel_loop3A_594, %parallel_loop3A_669 : i32
        %parallel_loop3A_671 = arith.constant 5632 : i32
        %parallel_loop3A_672 = arith.addi %parallel_loop3A_671, %parallel_loop3A_670 : i32
        %parallel_loop3A_673 = arith.index_cast %parallel_loop3A_672 : i32 to index
        %parallel_loop3A_674 = tpu.vector_load %arg16[%parallel_loop3A_673] {strides = array<i32>} : memref<8192xf32, #tpu.memory_space<vmem>>, vector<16xf32>,
        %parallel_loop3A_675 = arith.addf %parallel_loop3A_668, %parallel_loop3A_674 : vector<16xf32>
        %parallel_loop3A_676 = arith.constant 16 : i32
        %parallel_loop3A_677 = arith.muli %parallel_loop3A_594, %parallel_loop3A_676 : i32
        %parallel_loop3A_678 = arith.constant 6144 : i32
        %parallel_loop3A_679 = arith.addi %parallel_loop3A_678, %parallel_loop3A_677 : i32
        %parallel_loop3A_680 = arith.index_cast %parallel_loop3A_679 : i32 to index
        %parallel_loop3A_681 = tpu.vector_load %arg16[%parallel_loop3A_680] {strides = array<i32>} : memref<8192xf32, #tpu.memory_space<vmem>>, vector<16xf32>,
        %parallel_loop3A_682 = arith.addf %parallel_loop3A_675, %parallel_loop3A_681 : vector<16xf32>
        %parallel_loop3A_683 = arith.constant 16 : i32
        %parallel_loop3A_684 = arith.muli %parallel_loop3A_594, %parallel_loop3A_683 : i32
        %parallel_loop3A_685 = arith.constant 6656 : i32
        %parallel_loop3A_686 = arith.addi %parallel_loop3A_685, %parallel_loop3A_684 : i32
        %parallel_loop3A_687 = arith.index_cast %parallel_loop3A_686 : i32 to index
        %parallel_loop3A_688 = tpu.vector_load %arg16[%parallel_loop3A_687] {strides = array<i32>} : memref<8192xf32, #tpu.memory_space<vmem>>, vector<16xf32>,
        %parallel_loop3A_689 = arith.addf %parallel_loop3A_682, %parallel_loop3A_688 : vector<16xf32>
        %parallel_loop3A_690 = arith.constant 16 : i32
        %parallel_loop3A_691 = arith.muli %parallel_loop3A_594, %parallel_loop3A_690 : i32
        %parallel_loop3A_692 = arith.constant 7168 : i32
        %parallel_loop3A_693 = arith.addi %parallel_loop3A_692, %parallel_loop3A_691 : i32
        %parallel_loop3A_694 = arith.index_cast %parallel_loop3A_693 : i32 to index
        %parallel_loop3A_695 = tpu.vector_load %arg16[%parallel_loop3A_694] {strides = array<i32>} : memref<8192xf32, #tpu.memory_space<vmem>>, vector<16xf32>,
        %parallel_loop3A_696 = arith.addf %parallel_loop3A_689, %parallel_loop3A_695 : vector<16xf32>
        %parallel_loop3A_697 = arith.constant 16 : i32
        %parallel_loop3A_698 = arith.muli %parallel_loop3A_594, %parallel_loop3A_697 : i32
        %parallel_loop3A_699 = arith.constant 7680 : i32
        %parallel_loop3A_700 = arith.addi %parallel_loop3A_699, %parallel_loop3A_698 : i32
        %parallel_loop3A_701 = arith.index_cast %parallel_loop3A_700 : i32 to index
        %parallel_loop3A_702 = tpu.vector_load %arg16[%parallel_loop3A_701] {strides = array<i32>} : memref<8192xf32, #tpu.memory_space<vmem>>, vector<16xf32>,
        %parallel_loop3A_703 = arith.addf %parallel_loop3A_696, %parallel_loop3A_702 : vector<16xf32>
        %parallel_loop3A_704 = math.exp %parallel_loop3A_703 : vector<16xf32>
        %parallel_loop3A_705 = arith.constant 16 : i32
        %parallel_loop3A_706 = arith.muli %parallel_loop3A_594, %parallel_loop3A_705 : i32
        %parallel_loop3A_707 = arith.index_cast %parallel_loop3A_706 : i32 to index
        %parallel_loop3A_708 = tpu.vector_load %arg17[%parallel_loop3A_707] {strides = array<i32>} : memref<512xf32, #tpu.memory_space<vmem>>, vector<16xf32>,
        tpu.vector_store %arg17[%parallel_loop3A_707], %parallel_loop3A_704 {strides = array<i32>} : memref<512xf32, #tpu.memory_space<vmem>>, vector<16xf32>,
        %parallel_loop3A_709 = arith.constant 512 : i32
        %parallel_loop3A_710 = arith.muli %arg1, %parallel_loop3A_709 : i32
        %parallel_loop3A_711 = arith.constant 16 : i32
        %parallel_loop3A_712 = arith.muli %parallel_loop3A_594, %parallel_loop3A_711 : i32
        %parallel_loop3A_713 = arith.addi %parallel_loop3A_710, %parallel_loop3A_712 : i32
        %parallel_loop3A_714 = arith.index_cast %parallel_loop3A_713 : i32 to index
        %parallel_loop3A_715 = tpu.vector_load %arg13[%parallel_loop3A_714] {strides = array<i32>} : memref<8192xi32, #tpu.memory_space<vmem>>, vector<16xi32>,
        %parallel_loop3A_716 = arith.constant 16 : i32
        %parallel_loop3A_717 = vector.broadcast %parallel_loop3A_716 : i32 to vector<16xi32>
        %parallel_loop3A_718 = arith.shrui %parallel_loop3A_715, %parallel_loop3A_717 : vector<16xi32>
        tpu.vector_store_idx %arg12[%parallel_loop3A_718], %parallel_loop3A_704 {add = true} : memref<10240xf32, #tpu.memory_space<vmem>>[vector<16xi32>], vector<16xf32>,
      } {sc.loop_unroll_factor = 4 : i64, sc.parallel_access}
      %mul3A_591 = arith.constant 512 : i32
      %mul3A_592 = arith.muli %arg1, %mul3A_591 : i32
      %add3A_593 = arith.addi %add3A_289, %mul3A_592 : i32
      "tpu.region"() ({
        %run_scoped3A = tpu.sem_alloc : memref<!tpu.dma_semaphore, #tpu.memory_space<semaphore_mem>>
        %dma_start3A_594 = tpu.memref_slice %arg8[%add3A_593] : memref<327680xf32, #tpu.memory_space<hbm>> -> memref<512xf32, #tpu.memory_space<hbm>>
        %dma_start3A_595 = tpu.memref_slice %arg8[%add3A_593] : memref<327680xf32, #tpu.memory_space<hbm>> -> memref<512xf32, #tpu.memory_space<hbm>>
        tpu.enqueue_dma source(%arg17 : memref<512xf32, #tpu.memory_space<vmem>>) target(%dma_start3A_595 : memref<512xf32, #tpu.memory_space<hbm>>) target_semaphore(%run_scoped3A : memref<!tpu.dma_semaphore, #tpu.memory_space<semaphore_mem>>)
        %dma_wait3A_596 = tpu.memref_slice %arg8[%add3A_593] : memref<327680xf32, #tpu.memory_space<hbm>> -> memref<512xf32, #tpu.memory_space<hbm>>
        %dma_wait3A_597 = tpu.memref_slice %arg8[%add3A_593] : memref<327680xf32, #tpu.memory_space<hbm>> -> memref<512xf32, #tpu.memory_space<hbm>>
        tpu.wait_dma2 semaphore(%run_scoped3A : memref<!tpu.dma_semaphore, #tpu.memory_space<semaphore_mem>>) src(%arg17 : memref<512xf32, #tpu.memory_space<vmem>>) dst(%dma_wait3A_597 : memref<512xf32, #tpu.memory_space<hbm>>)
        tpu.yield
      }) : () -> ()
    }
    %scan3A_19 = arith.constant 20 : i32
    %barrier3A = arith.constant 0 : index
    tpu.barrier barrier_id(%barrier3A)
    %mul3A_20 = arith.constant 10240 : i32
    %mul3A_21 = arith.muli %arg1, %mul3A_20 : i32
    "tpu.region"() ({
      %run_scoped3A = tpu.sem_alloc : memref<!tpu.dma_semaphore, #tpu.memory_space<semaphore_mem>>
      %dma_start3A_284 = tpu.memref_slice %arg21[%mul3A_21] : memref<262144xf32, #tpu.memory_space<vmem_shared>> -> memref<10240xf32, #tpu.memory_space<vmem_shared>>
      %dma_start3A_285 = tpu.memref_slice %arg21[%mul3A_21] : memref<262144xf32, #tpu.memory_space<vmem_shared>> -> memref<10240xf32, #tpu.memory_space<vmem_shared>>
      tpu.enqueue_dma source(%arg12 : memref<10240xf32, #tpu.memory_space<vmem>>) target(%dma_start3A_285 : memref<10240xf32, #tpu.memory_space<vmem_shared>>) target_semaphore(%run_scoped3A : memref<!tpu.dma_semaphore, #tpu.memory_space<semaphore_mem>>)
      %dma_wait3A_286 = tpu.memref_slice %arg21[%mul3A_21] : memref<262144xf32, #tpu.memory_space<vmem_shared>> -> memref<10240xf32, #tpu.memory_space<vmem_shared>>
      %dma_wait3A_287 = tpu.memref_slice %arg21[%mul3A_21] : memref<262144xf32, #tpu.memory_space<vmem_shared>> -> memref<10240xf32, #tpu.memory_space<vmem_shared>>
      tpu.wait_dma2 semaphore(%run_scoped3A : memref<!tpu.dma_semaphore, #tpu.memory_space<semaphore_mem>>) src(%arg12 : memref<10240xf32, #tpu.memory_space<vmem>>) dst(%dma_wait3A_287 : memref<10240xf32, #tpu.memory_space<vmem_shared>>)
      tpu.yield
    }) : () -> ()
    %barrier3A_22 = arith.constant 0 : index
    tpu.barrier barrier_id(%barrier3A_22)
    %mul3A_23 = arith.constant 640 : i32
    %mul3A_24 = arith.muli %arg1, %mul3A_23 : i32
    %add3A_25 = arith.constant 0 : i32
    %add3A_26 = arith.addi %add3A_25, %mul3A_24 : i32
    %dma_start3A = arith.constant 0 : i32
    %dma_start3A_27 = tpu.memref_slice %arg18[%dma_start3A] : memref<10240xf32, #tpu.memory_space<vmem>> -> memref<640xf32, #tpu.memory_space<vmem>>
    %dma_start3A_28 = tpu.memref_slice %arg21[%add3A_26] : memref<262144xf32, #tpu.memory_space<vmem_shared>> -> memref<640xf32, #tpu.memory_space<vmem_shared>>
    %dma_start3A_29 = arith.constant 0 : i32
    %dma_start3A_30 = tpu.memref_slice %arg18[%dma_start3A_29] : memref<10240xf32, #tpu.memory_space<vmem>> -> memref<640xf32, #tpu.memory_space<vmem>>
    %dma_start3A_31 = tpu.memref_slice %arg21[%add3A_26] : memref<262144xf32, #tpu.memory_space<vmem_shared>> -> memref<640xf32, #tpu.memory_space<vmem_shared>>
    tpu.enqueue_dma source(%dma_start3A_31 : memref<640xf32, #tpu.memory_space<vmem_shared>>) target(%dma_start3A_30 : memref<640xf32, #tpu.memory_space<vmem>>) target_semaphore(%arg22 : memref<!tpu.dma_semaphore, #tpu.memory_space<semaphore_mem>>)
    %mul3A_32 = arith.constant 640 : i32
    %mul3A_33 = arith.muli %arg1, %mul3A_32 : i32
    %add3A_34 = arith.constant 10240 : i32
    %add3A_35 = arith.addi %add3A_34, %mul3A_33 : i32
    %dma_start3A_36 = arith.constant 640 : i32
    %dma_start3A_37 = tpu.memref_slice %arg18[%dma_start3A_36] : memref<10240xf32, #tpu.memory_space<vmem>> -> memref<640xf32, #tpu.memory_space<vmem>>
    %dma_start3A_38 = tpu.memref_slice %arg21[%add3A_35] : memref<262144xf32, #tpu.memory_space<vmem_shared>> -> memref<640xf32, #tpu.memory_space<vmem_shared>>
    %dma_start3A_39 = arith.constant 640 : i32
    %dma_start3A_40 = tpu.memref_slice %arg18[%dma_start3A_39] : memref<10240xf32, #tpu.memory_space<vmem>> -> memref<640xf32, #tpu.memory_space<vmem>>
    %dma_start3A_41 = tpu.memref_slice %arg21[%add3A_35] : memref<262144xf32, #tpu.memory_space<vmem_shared>> -> memref<640xf32, #tpu.memory_space<vmem_shared>>
    tpu.enqueue_dma source(%dma_start3A_41 : memref<640xf32, #tpu.memory_space<vmem_shared>>) target(%dma_start3A_40 : memref<640xf32, #tpu.memory_space<vmem>>) target_semaphore(%arg22 : memref<!tpu.dma_semaphore, #tpu.memory_space<semaphore_mem>>)
    %mul3A_42 = arith.constant 640 : i32
    %mul3A_43 = arith.muli %arg1, %mul3A_42 : i32
    %add3A_44 = arith.constant 20480 : i32
    %add3A_45 = arith.addi %add3A_44, %mul3A_43 : i32
    %dma_start3A_46 = arith.constant 1280 : i32
    %dma_start3A_47 = tpu.memref_slice %arg18[%dma_start3A_46] : memref<10240xf32, #tpu.memory_space<vmem>> -> memref<640xf32, #tpu.memory_space<vmem>>
    %dma_start3A_48 = tpu.memref_slice %arg21[%add3A_45] : memref<262144xf32, #tpu.memory_space<vmem_shared>> -> memref<640xf32, #tpu.memory_space<vmem_shared>>
    %dma_start3A_49 = arith.constant 1280 : i32
    %dma_start3A_50 = tpu.memref_slice %arg18[%dma_start3A_49] : memref<10240xf32, #tpu.memory_space<vmem>> -> memref<640xf32, #tpu.memory_space<vmem>>
    %dma_start3A_51 = tpu.memref_slice %arg21[%add3A_45] : memref<262144xf32, #tpu.memory_space<vmem_shared>> -> memref<640xf32, #tpu.memory_space<vmem_shared>>
    tpu.enqueue_dma source(%dma_start3A_51 : memref<640xf32, #tpu.memory_space<vmem_shared>>) target(%dma_start3A_50 : memref<640xf32, #tpu.memory_space<vmem>>) target_semaphore(%arg22 : memref<!tpu.dma_semaphore, #tpu.memory_space<semaphore_mem>>)
    %mul3A_52 = arith.constant 640 : i32
    %mul3A_53 = arith.muli %arg1, %mul3A_52 : i32
    %add3A_54 = arith.constant 30720 : i32
    %add3A_55 = arith.addi %add3A_54, %mul3A_53 : i32
    %dma_start3A_56 = arith.constant 1920 : i32
    %dma_start3A_57 = tpu.memref_slice %arg18[%dma_start3A_56] : memref<10240xf32, #tpu.memory_space<vmem>> -> memref<640xf32, #tpu.memory_space<vmem>>
    %dma_start3A_58 = tpu.memref_slice %arg21[%add3A_55] : memref<262144xf32, #tpu.memory_space<vmem_shared>> -> memref<640xf32, #tpu.memory_space<vmem_shared>>
    %dma_start3A_59 = arith.constant 1920 : i32
    %dma_start3A_60 = tpu.memref_slice %arg18[%dma_start3A_59] : memref<10240xf32, #tpu.memory_space<vmem>> -> memref<640xf32, #tpu.memory_space<vmem>>
    %dma_start3A_61 = tpu.memref_slice %arg21[%add3A_55] : memref<262144xf32, #tpu.memory_space<vmem_shared>> -> memref<640xf32, #tpu.memory_space<vmem_shared>>
    tpu.enqueue_dma source(%dma_start3A_61 : memref<640xf32, #tpu.memory_space<vmem_shared>>) target(%dma_start3A_60 : memref<640xf32, #tpu.memory_space<vmem>>) target_semaphore(%arg22 : memref<!tpu.dma_semaphore, #tpu.memory_space<semaphore_mem>>)
    %mul3A_62 = arith.constant 640 : i32
    %mul3A_63 = arith.muli %arg1, %mul3A_62 : i32
    %add3A_64 = arith.constant 40960 : i32
    %add3A_65 = arith.addi %add3A_64, %mul3A_63 : i32
    %dma_start3A_66 = arith.constant 2560 : i32
    %dma_start3A_67 = tpu.memref_slice %arg18[%dma_start3A_66] : memref<10240xf32, #tpu.memory_space<vmem>> -> memref<640xf32, #tpu.memory_space<vmem>>
    %dma_start3A_68 = tpu.memref_slice %arg21[%add3A_65] : memref<262144xf32, #tpu.memory_space<vmem_shared>> -> memref<640xf32, #tpu.memory_space<vmem_shared>>
    %dma_start3A_69 = arith.constant 2560 : i32
    %dma_start3A_70 = tpu.memref_slice %arg18[%dma_start3A_69] : memref<10240xf32, #tpu.memory_space<vmem>> -> memref<640xf32, #tpu.memory_space<vmem>>
    %dma_start3A_71 = tpu.memref_slice %arg21[%add3A_65] : memref<262144xf32, #tpu.memory_space<vmem_shared>> -> memref<640xf32, #tpu.memory_space<vmem_shared>>
    tpu.enqueue_dma source(%dma_start3A_71 : memref<640xf32, #tpu.memory_space<vmem_shared>>) target(%dma_start3A_70 : memref<640xf32, #tpu.memory_space<vmem>>) target_semaphore(%arg22 : memref<!tpu.dma_semaphore, #tpu.memory_space<semaphore_mem>>)
    %mul3A_72 = arith.constant 640 : i32
    %mul3A_73 = arith.muli %arg1, %mul3A_72 : i32
    %add3A_74 = arith.constant 51200 : i32
    %add3A_75 = arith.addi %add3A_74, %mul3A_73 : i32
    %dma_start3A_76 = arith.constant 3200 : i32
    %dma_start3A_77 = tpu.memref_slice %arg18[%dma_start3A_76] : memref<10240xf32, #tpu.memory_space<vmem>> -> memref<640xf32, #tpu.memory_space<vmem>>
    %dma_start3A_78 = tpu.memref_slice %arg21[%add3A_75] : memref<262144xf32, #tpu.memory_space<vmem_shared>> -> memref<640xf32, #tpu.memory_space<vmem_shared>>
    %dma_start3A_79 = arith.constant 3200 : i32
    %dma_start3A_80 = tpu.memref_slice %arg18[%dma_start3A_79] : memref<10240xf32, #tpu.memory_space<vmem>> -> memref<640xf32, #tpu.memory_space<vmem>>
    %dma_start3A_81 = tpu.memref_slice %arg21[%add3A_75] : memref<262144xf32, #tpu.memory_space<vmem_shared>> -> memref<640xf32, #tpu.memory_space<vmem_shared>>
    tpu.enqueue_dma source(%dma_start3A_81 : memref<640xf32, #tpu.memory_space<vmem_shared>>) target(%dma_start3A_80 : memref<640xf32, #tpu.memory_space<vmem>>) target_semaphore(%arg22 : memref<!tpu.dma_semaphore, #tpu.memory_space<semaphore_mem>>)
    %mul3A_82 = arith.constant 640 : i32
    %mul3A_83 = arith.muli %arg1, %mul3A_82 : i32
    %add3A_84 = arith.constant 61440 : i32
    %add3A_85 = arith.addi %add3A_84, %mul3A_83 : i32
    %dma_start3A_86 = arith.constant 3840 : i32
    %dma_start3A_87 = tpu.memref_slice %arg18[%dma_start3A_86] : memref<10240xf32, #tpu.memory_space<vmem>> -> memref<640xf32, #tpu.memory_space<vmem>>
    %dma_start3A_88 = tpu.memref_slice %arg21[%add3A_85] : memref<262144xf32, #tpu.memory_space<vmem_shared>> -> memref<640xf32, #tpu.memory_space<vmem_shared>>
    %dma_start3A_89 = arith.constant 3840 : i32
    %dma_start3A_90 = tpu.memref_slice %arg18[%dma_start3A_89] : memref<10240xf32, #tpu.memory_space<vmem>> -> memref<640xf32, #tpu.memory_space<vmem>>
    %dma_start3A_91 = tpu.memref_slice %arg21[%add3A_85] : memref<262144xf32, #tpu.memory_space<vmem_shared>> -> memref<640xf32, #tpu.memory_space<vmem_shared>>
    tpu.enqueue_dma source(%dma_start3A_91 : memref<640xf32, #tpu.memory_space<vmem_shared>>) target(%dma_start3A_90 : memref<640xf32, #tpu.memory_space<vmem>>) target_semaphore(%arg22 : memref<!tpu.dma_semaphore, #tpu.memory_space<semaphore_mem>>)
    %mul3A_92 = arith.constant 640 : i32
    %mul3A_93 = arith.muli %arg1, %mul3A_92 : i32
    %add3A_94 = arith.constant 71680 : i32
    %add3A_95 = arith.addi %add3A_94, %mul3A_93 : i32
    %dma_start3A_96 = arith.constant 4480 : i32
    %dma_start3A_97 = tpu.memref_slice %arg18[%dma_start3A_96] : memref<10240xf32, #tpu.memory_space<vmem>> -> memref<640xf32, #tpu.memory_space<vmem>>
    %dma_start3A_98 = tpu.memref_slice %arg21[%add3A_95] : memref<262144xf32, #tpu.memory_space<vmem_shared>> -> memref<640xf32, #tpu.memory_space<vmem_shared>>
    %dma_start3A_99 = arith.constant 4480 : i32
    %dma_start3A_100 = tpu.memref_slice %arg18[%dma_start3A_99] : memref<10240xf32, #tpu.memory_space<vmem>> -> memref<640xf32, #tpu.memory_space<vmem>>
    %dma_start3A_101 = tpu.memref_slice %arg21[%add3A_95] : memref<262144xf32, #tpu.memory_space<vmem_shared>> -> memref<640xf32, #tpu.memory_space<vmem_shared>>
    tpu.enqueue_dma source(%dma_start3A_101 : memref<640xf32, #tpu.memory_space<vmem_shared>>) target(%dma_start3A_100 : memref<640xf32, #tpu.memory_space<vmem>>) target_semaphore(%arg22 : memref<!tpu.dma_semaphore, #tpu.memory_space<semaphore_mem>>)
    %mul3A_102 = arith.constant 640 : i32
    %mul3A_103 = arith.muli %arg1, %mul3A_102 : i32
    %add3A_104 = arith.constant 81920 : i32
    %add3A_105 = arith.addi %add3A_104, %mul3A_103 : i32
    %dma_start3A_106 = arith.constant 5120 : i32
    %dma_start3A_107 = tpu.memref_slice %arg18[%dma_start3A_106] : memref<10240xf32, #tpu.memory_space<vmem>> -> memref<640xf32, #tpu.memory_space<vmem>>
    %dma_start3A_108 = tpu.memref_slice %arg21[%add3A_105] : memref<262144xf32, #tpu.memory_space<vmem_shared>> -> memref<640xf32, #tpu.memory_space<vmem_shared>>
    %dma_start3A_109 = arith.constant 5120 : i32
    %dma_start3A_110 = tpu.memref_slice %arg18[%dma_start3A_109] : memref<10240xf32, #tpu.memory_space<vmem>> -> memref<640xf32, #tpu.memory_space<vmem>>
    %dma_start3A_111 = tpu.memref_slice %arg21[%add3A_105] : memref<262144xf32, #tpu.memory_space<vmem_shared>> -> memref<640xf32, #tpu.memory_space<vmem_shared>>
    tpu.enqueue_dma source(%dma_start3A_111 : memref<640xf32, #tpu.memory_space<vmem_shared>>) target(%dma_start3A_110 : memref<640xf32, #tpu.memory_space<vmem>>) target_semaphore(%arg22 : memref<!tpu.dma_semaphore, #tpu.memory_space<semaphore_mem>>)
    %mul3A_112 = arith.constant 640 : i32
    %mul3A_113 = arith.muli %arg1, %mul3A_112 : i32
    %add3A_114 = arith.constant 92160 : i32
    %add3A_115 = arith.addi %add3A_114, %mul3A_113 : i32
    %dma_start3A_116 = arith.constant 5760 : i32
    %dma_start3A_117 = tpu.memref_slice %arg18[%dma_start3A_116] : memref<10240xf32, #tpu.memory_space<vmem>> -> memref<640xf32, #tpu.memory_space<vmem>>
    %dma_start3A_118 = tpu.memref_slice %arg21[%add3A_115] : memref<262144xf32, #tpu.memory_space<vmem_shared>> -> memref<640xf32, #tpu.memory_space<vmem_shared>>
    %dma_start3A_119 = arith.constant 5760 : i32
    %dma_start3A_120 = tpu.memref_slice %arg18[%dma_start3A_119] : memref<10240xf32, #tpu.memory_space<vmem>> -> memref<640xf32, #tpu.memory_space<vmem>>
    %dma_start3A_121 = tpu.memref_slice %arg21[%add3A_115] : memref<262144xf32, #tpu.memory_space<vmem_shared>> -> memref<640xf32, #tpu.memory_space<vmem_shared>>
    tpu.enqueue_dma source(%dma_start3A_121 : memref<640xf32, #tpu.memory_space<vmem_shared>>) target(%dma_start3A_120 : memref<640xf32, #tpu.memory_space<vmem>>) target_semaphore(%arg22 : memref<!tpu.dma_semaphore, #tpu.memory_space<semaphore_mem>>)
    %mul3A_122 = arith.constant 640 : i32
    %mul3A_123 = arith.muli %arg1, %mul3A_122 : i32
    %add3A_124 = arith.constant 102400 : i32
    %add3A_125 = arith.addi %add3A_124, %mul3A_123 : i32
    %dma_start3A_126 = arith.constant 6400 : i32
    %dma_start3A_127 = tpu.memref_slice %arg18[%dma_start3A_126] : memref<10240xf32, #tpu.memory_space<vmem>> -> memref<640xf32, #tpu.memory_space<vmem>>
    %dma_start3A_128 = tpu.memref_slice %arg21[%add3A_125] : memref<262144xf32, #tpu.memory_space<vmem_shared>> -> memref<640xf32, #tpu.memory_space<vmem_shared>>
    %dma_start3A_129 = arith.constant 6400 : i32
    %dma_start3A_130 = tpu.memref_slice %arg18[%dma_start3A_129] : memref<10240xf32, #tpu.memory_space<vmem>> -> memref<640xf32, #tpu.memory_space<vmem>>
    %dma_start3A_131 = tpu.memref_slice %arg21[%add3A_125] : memref<262144xf32, #tpu.memory_space<vmem_shared>> -> memref<640xf32, #tpu.memory_space<vmem_shared>>
    tpu.enqueue_dma source(%dma_start3A_131 : memref<640xf32, #tpu.memory_space<vmem_shared>>) target(%dma_start3A_130 : memref<640xf32, #tpu.memory_space<vmem>>) target_semaphore(%arg22 : memref<!tpu.dma_semaphore, #tpu.memory_space<semaphore_mem>>)
    %mul3A_132 = arith.constant 640 : i32
    %mul3A_133 = arith.muli %arg1, %mul3A_132 : i32
    %add3A_134 = arith.constant 112640 : i32
    %add3A_135 = arith.addi %add3A_134, %mul3A_133 : i32
    %dma_start3A_136 = arith.constant 7040 : i32
    %dma_start3A_137 = tpu.memref_slice %arg18[%dma_start3A_136] : memref<10240xf32, #tpu.memory_space<vmem>> -> memref<640xf32, #tpu.memory_space<vmem>>
    %dma_start3A_138 = tpu.memref_slice %arg21[%add3A_135] : memref<262144xf32, #tpu.memory_space<vmem_shared>> -> memref<640xf32, #tpu.memory_space<vmem_shared>>
    %dma_start3A_139 = arith.constant 7040 : i32
    %dma_start3A_140 = tpu.memref_slice %arg18[%dma_start3A_139] : memref<10240xf32, #tpu.memory_space<vmem>> -> memref<640xf32, #tpu.memory_space<vmem>>
    %dma_start3A_141 = tpu.memref_slice %arg21[%add3A_135] : memref<262144xf32, #tpu.memory_space<vmem_shared>> -> memref<640xf32, #tpu.memory_space<vmem_shared>>
    tpu.enqueue_dma source(%dma_start3A_141 : memref<640xf32, #tpu.memory_space<vmem_shared>>) target(%dma_start3A_140 : memref<640xf32, #tpu.memory_space<vmem>>) target_semaphore(%arg22 : memref<!tpu.dma_semaphore, #tpu.memory_space<semaphore_mem>>)
    %mul3A_142 = arith.constant 640 : i32
    %mul3A_143 = arith.muli %arg1, %mul3A_142 : i32
    %add3A_144 = arith.constant 122880 : i32
    %add3A_145 = arith.addi %add3A_144, %mul3A_143 : i32
    %dma_start3A_146 = arith.constant 7680 : i32
    %dma_start3A_147 = tpu.memref_slice %arg18[%dma_start3A_146] : memref<10240xf32, #tpu.memory_space<vmem>> -> memref<640xf32, #tpu.memory_space<vmem>>
    %dma_start3A_148 = tpu.memref_slice %arg21[%add3A_145] : memref<262144xf32, #tpu.memory_space<vmem_shared>> -> memref<640xf32, #tpu.memory_space<vmem_shared>>
    %dma_start3A_149 = arith.constant 7680 : i32
    %dma_start3A_150 = tpu.memref_slice %arg18[%dma_start3A_149] : memref<10240xf32, #tpu.memory_space<vmem>> -> memref<640xf32, #tpu.memory_space<vmem>>
    %dma_start3A_151 = tpu.memref_slice %arg21[%add3A_145] : memref<262144xf32, #tpu.memory_space<vmem_shared>> -> memref<640xf32, #tpu.memory_space<vmem_shared>>
    tpu.enqueue_dma source(%dma_start3A_151 : memref<640xf32, #tpu.memory_space<vmem_shared>>) target(%dma_start3A_150 : memref<640xf32, #tpu.memory_space<vmem>>) target_semaphore(%arg22 : memref<!tpu.dma_semaphore, #tpu.memory_space<semaphore_mem>>)
    %mul3A_152 = arith.constant 640 : i32
    %mul3A_153 = arith.muli %arg1, %mul3A_152 : i32
    %add3A_154 = arith.constant 133120 : i32
    %add3A_155 = arith.addi %add3A_154, %mul3A_153 : i32
    %dma_start3A_156 = arith.constant 8320 : i32
    %dma_start3A_157 = tpu.memref_slice %arg18[%dma_start3A_156] : memref<10240xf32, #tpu.memory_space<vmem>> -> memref<640xf32, #tpu.memory_space<vmem>>
    %dma_start3A_158 = tpu.memref_slice %arg21[%add3A_155] : memref<262144xf32, #tpu.memory_space<vmem_shared>> -> memref<640xf32, #tpu.memory_space<vmem_shared>>
    %dma_start3A_159 = arith.constant 8320 : i32
    %dma_start3A_160 = tpu.memref_slice %arg18[%dma_start3A_159] : memref<10240xf32, #tpu.memory_space<vmem>> -> memref<640xf32, #tpu.memory_space<vmem>>
    %dma_start3A_161 = tpu.memref_slice %arg21[%add3A_155] : memref<262144xf32, #tpu.memory_space<vmem_shared>> -> memref<640xf32, #tpu.memory_space<vmem_shared>>
    tpu.enqueue_dma source(%dma_start3A_161 : memref<640xf32, #tpu.memory_space<vmem_shared>>) target(%dma_start3A_160 : memref<640xf32, #tpu.memory_space<vmem>>) target_semaphore(%arg22 : memref<!tpu.dma_semaphore, #tpu.memory_space<semaphore_mem>>)
    %mul3A_162 = arith.constant 640 : i32
    %mul3A_163 = arith.muli %arg1, %mul3A_162 : i32
    %add3A_164 = arith.constant 143360 : i32
    %add3A_165 = arith.addi %add3A_164, %mul3A_163 : i32
    %dma_start3A_166 = arith.constant 8960 : i32
    %dma_start3A_167 = tpu.memref_slice %arg18[%dma_start3A_166] : memref<10240xf32, #tpu.memory_space<vmem>> -> memref<640xf32, #tpu.memory_space<vmem>>
    %dma_start3A_168 = tpu.memref_slice %arg21[%add3A_165] : memref<262144xf32, #tpu.memory_space<vmem_shared>> -> memref<640xf32, #tpu.memory_space<vmem_shared>>
    %dma_start3A_169 = arith.constant 8960 : i32
    %dma_start3A_170 = tpu.memref_slice %arg18[%dma_start3A_169] : memref<10240xf32, #tpu.memory_space<vmem>> -> memref<640xf32, #tpu.memory_space<vmem>>
    %dma_start3A_171 = tpu.memref_slice %arg21[%add3A_165] : memref<262144xf32, #tpu.memory_space<vmem_shared>> -> memref<640xf32, #tpu.memory_space<vmem_shared>>
    tpu.enqueue_dma source(%dma_start3A_171 : memref<640xf32, #tpu.memory_space<vmem_shared>>) target(%dma_start3A_170 : memref<640xf32, #tpu.memory_space<vmem>>) target_semaphore(%arg22 : memref<!tpu.dma_semaphore, #tpu.memory_space<semaphore_mem>>)
    %mul3A_172 = arith.constant 640 : i32
    %mul3A_173 = arith.muli %arg1, %mul3A_172 : i32
    %add3A_174 = arith.constant 153600 : i32
    %add3A_175 = arith.addi %add3A_174, %mul3A_173 : i32
    %dma_start3A_176 = arith.constant 9600 : i32
    %dma_start3A_177 = tpu.memref_slice %arg18[%dma_start3A_176] : memref<10240xf32, #tpu.memory_space<vmem>> -> memref<640xf32, #tpu.memory_space<vmem>>
    %dma_start3A_178 = tpu.memref_slice %arg21[%add3A_175] : memref<262144xf32, #tpu.memory_space<vmem_shared>> -> memref<640xf32, #tpu.memory_space<vmem_shared>>
    %dma_start3A_179 = arith.constant 9600 : i32
    %dma_start3A_180 = tpu.memref_slice %arg18[%dma_start3A_179] : memref<10240xf32, #tpu.memory_space<vmem>> -> memref<640xf32, #tpu.memory_space<vmem>>
    %dma_start3A_181 = tpu.memref_slice %arg21[%add3A_175] : memref<262144xf32, #tpu.memory_space<vmem_shared>> -> memref<640xf32, #tpu.memory_space<vmem_shared>>
    tpu.enqueue_dma source(%dma_start3A_181 : memref<640xf32, #tpu.memory_space<vmem_shared>>) target(%dma_start3A_180 : memref<640xf32, #tpu.memory_space<vmem>>) target_semaphore(%arg22 : memref<!tpu.dma_semaphore, #tpu.memory_space<semaphore_mem>>)
    %dma_wait3A = arith.constant 0 : i32
    %dma_wait3A_182 = tpu.memref_slice %arg18[%dma_wait3A] : memref<10240xf32, #tpu.memory_space<vmem>> -> memref<640xf32, #tpu.memory_space<vmem>>
    %dma_wait3A_183 = tpu.memref_slice %arg21[%add3A_26] : memref<262144xf32, #tpu.memory_space<vmem_shared>> -> memref<640xf32, #tpu.memory_space<vmem_shared>>
    %dma_wait3A_184 = arith.constant 0 : i32
    %dma_wait3A_185 = tpu.memref_slice %arg18[%dma_wait3A_184] : memref<10240xf32, #tpu.memory_space<vmem>> -> memref<640xf32, #tpu.memory_space<vmem>>
    %dma_wait3A_186 = tpu.memref_slice %arg21[%add3A_26] : memref<262144xf32, #tpu.memory_space<vmem_shared>> -> memref<640xf32, #tpu.memory_space<vmem_shared>>
    tpu.wait_dma2 semaphore(%arg22 : memref<!tpu.dma_semaphore, #tpu.memory_space<semaphore_mem>>) src(%dma_wait3A_186 : memref<640xf32, #tpu.memory_space<vmem_shared>>) dst(%dma_wait3A_185 : memref<640xf32, #tpu.memory_space<vmem>>)
    %dma_wait3A_187 = arith.constant 640 : i32
    %dma_wait3A_188 = tpu.memref_slice %arg18[%dma_wait3A_187] : memref<10240xf32, #tpu.memory_space<vmem>> -> memref<640xf32, #tpu.memory_space<vmem>>
    %dma_wait3A_189 = tpu.memref_slice %arg21[%add3A_35] : memref<262144xf32, #tpu.memory_space<vmem_shared>> -> memref<640xf32, #tpu.memory_space<vmem_shared>>
    %dma_wait3A_190 = arith.constant 640 : i32
    %dma_wait3A_191 = tpu.memref_slice %arg18[%dma_wait3A_190] : memref<10240xf32, #tpu.memory_space<vmem>> -> memref<640xf32, #tpu.memory_space<vmem>>
    %dma_wait3A_192 = tpu.memref_slice %arg21[%add3A_35] : memref<262144xf32, #tpu.memory_space<vmem_shared>> -> memref<640xf32, #tpu.memory_space<vmem_shared>>
    tpu.wait_dma2 semaphore(%arg22 : memref<!tpu.dma_semaphore, #tpu.memory_space<semaphore_mem>>) src(%dma_wait3A_192 : memref<640xf32, #tpu.memory_space<vmem_shared>>) dst(%dma_wait3A_191 : memref<640xf32, #tpu.memory_space<vmem>>)
    %dma_wait3A_193 = arith.constant 1280 : i32
    %dma_wait3A_194 = tpu.memref_slice %arg18[%dma_wait3A_193] : memref<10240xf32, #tpu.memory_space<vmem>> -> memref<640xf32, #tpu.memory_space<vmem>>
    %dma_wait3A_195 = tpu.memref_slice %arg21[%add3A_45] : memref<262144xf32, #tpu.memory_space<vmem_shared>> -> memref<640xf32, #tpu.memory_space<vmem_shared>>
    %dma_wait3A_196 = arith.constant 1280 : i32
    %dma_wait3A_197 = tpu.memref_slice %arg18[%dma_wait3A_196] : memref<10240xf32, #tpu.memory_space<vmem>> -> memref<640xf32, #tpu.memory_space<vmem>>
    %dma_wait3A_198 = tpu.memref_slice %arg21[%add3A_45] : memref<262144xf32, #tpu.memory_space<vmem_shared>> -> memref<640xf32, #tpu.memory_space<vmem_shared>>
    tpu.wait_dma2 semaphore(%arg22 : memref<!tpu.dma_semaphore, #tpu.memory_space<semaphore_mem>>) src(%dma_wait3A_198 : memref<640xf32, #tpu.memory_space<vmem_shared>>) dst(%dma_wait3A_197 : memref<640xf32, #tpu.memory_space<vmem>>)
    %dma_wait3A_199 = arith.constant 1920 : i32
    %dma_wait3A_200 = tpu.memref_slice %arg18[%dma_wait3A_199] : memref<10240xf32, #tpu.memory_space<vmem>> -> memref<640xf32, #tpu.memory_space<vmem>>
    %dma_wait3A_201 = tpu.memref_slice %arg21[%add3A_55] : memref<262144xf32, #tpu.memory_space<vmem_shared>> -> memref<640xf32, #tpu.memory_space<vmem_shared>>
    %dma_wait3A_202 = arith.constant 1920 : i32
    %dma_wait3A_203 = tpu.memref_slice %arg18[%dma_wait3A_202] : memref<10240xf32, #tpu.memory_space<vmem>> -> memref<640xf32, #tpu.memory_space<vmem>>
    %dma_wait3A_204 = tpu.memref_slice %arg21[%add3A_55] : memref<262144xf32, #tpu.memory_space<vmem_shared>> -> memref<640xf32, #tpu.memory_space<vmem_shared>>
    tpu.wait_dma2 semaphore(%arg22 : memref<!tpu.dma_semaphore, #tpu.memory_space<semaphore_mem>>) src(%dma_wait3A_204 : memref<640xf32, #tpu.memory_space<vmem_shared>>) dst(%dma_wait3A_203 : memref<640xf32, #tpu.memory_space<vmem>>)
    %dma_wait3A_205 = arith.constant 2560 : i32
    %dma_wait3A_206 = tpu.memref_slice %arg18[%dma_wait3A_205] : memref<10240xf32, #tpu.memory_space<vmem>> -> memref<640xf32, #tpu.memory_space<vmem>>
    %dma_wait3A_207 = tpu.memref_slice %arg21[%add3A_65] : memref<262144xf32, #tpu.memory_space<vmem_shared>> -> memref<640xf32, #tpu.memory_space<vmem_shared>>
    %dma_wait3A_208 = arith.constant 2560 : i32
    %dma_wait3A_209 = tpu.memref_slice %arg18[%dma_wait3A_208] : memref<10240xf32, #tpu.memory_space<vmem>> -> memref<640xf32, #tpu.memory_space<vmem>>
    %dma_wait3A_210 = tpu.memref_slice %arg21[%add3A_65] : memref<262144xf32, #tpu.memory_space<vmem_shared>> -> memref<640xf32, #tpu.memory_space<vmem_shared>>
    tpu.wait_dma2 semaphore(%arg22 : memref<!tpu.dma_semaphore, #tpu.memory_space<semaphore_mem>>) src(%dma_wait3A_210 : memref<640xf32, #tpu.memory_space<vmem_shared>>) dst(%dma_wait3A_209 : memref<640xf32, #tpu.memory_space<vmem>>)
    %dma_wait3A_211 = arith.constant 3200 : i32
    %dma_wait3A_212 = tpu.memref_slice %arg18[%dma_wait3A_211] : memref<10240xf32, #tpu.memory_space<vmem>> -> memref<640xf32, #tpu.memory_space<vmem>>
    %dma_wait3A_213 = tpu.memref_slice %arg21[%add3A_75] : memref<262144xf32, #tpu.memory_space<vmem_shared>> -> memref<640xf32, #tpu.memory_space<vmem_shared>>
    %dma_wait3A_214 = arith.constant 3200 : i32
    %dma_wait3A_215 = tpu.memref_slice %arg18[%dma_wait3A_214] : memref<10240xf32, #tpu.memory_space<vmem>> -> memref<640xf32, #tpu.memory_space<vmem>>
    %dma_wait3A_216 = tpu.memref_slice %arg21[%add3A_75] : memref<262144xf32, #tpu.memory_space<vmem_shared>> -> memref<640xf32, #tpu.memory_space<vmem_shared>>
    tpu.wait_dma2 semaphore(%arg22 : memref<!tpu.dma_semaphore, #tpu.memory_space<semaphore_mem>>) src(%dma_wait3A_216 : memref<640xf32, #tpu.memory_space<vmem_shared>>) dst(%dma_wait3A_215 : memref<640xf32, #tpu.memory_space<vmem>>)
    %dma_wait3A_217 = arith.constant 3840 : i32
    %dma_wait3A_218 = tpu.memref_slice %arg18[%dma_wait3A_217] : memref<10240xf32, #tpu.memory_space<vmem>> -> memref<640xf32, #tpu.memory_space<vmem>>
    %dma_wait3A_219 = tpu.memref_slice %arg21[%add3A_85] : memref<262144xf32, #tpu.memory_space<vmem_shared>> -> memref<640xf32, #tpu.memory_space<vmem_shared>>
    %dma_wait3A_220 = arith.constant 3840 : i32
    %dma_wait3A_221 = tpu.memref_slice %arg18[%dma_wait3A_220] : memref<10240xf32, #tpu.memory_space<vmem>> -> memref<640xf32, #tpu.memory_space<vmem>>
    %dma_wait3A_222 = tpu.memref_slice %arg21[%add3A_85] : memref<262144xf32, #tpu.memory_space<vmem_shared>> -> memref<640xf32, #tpu.memory_space<vmem_shared>>
    tpu.wait_dma2 semaphore(%arg22 : memref<!tpu.dma_semaphore, #tpu.memory_space<semaphore_mem>>) src(%dma_wait3A_222 : memref<640xf32, #tpu.memory_space<vmem_shared>>) dst(%dma_wait3A_221 : memref<640xf32, #tpu.memory_space<vmem>>)
    %dma_wait3A_223 = arith.constant 4480 : i32
    %dma_wait3A_224 = tpu.memref_slice %arg18[%dma_wait3A_223] : memref<10240xf32, #tpu.memory_space<vmem>> -> memref<640xf32, #tpu.memory_space<vmem>>
    %dma_wait3A_225 = tpu.memref_slice %arg21[%add3A_95] : memref<262144xf32, #tpu.memory_space<vmem_shared>> -> memref<640xf32, #tpu.memory_space<vmem_shared>>
    %dma_wait3A_226 = arith.constant 4480 : i32
    %dma_wait3A_227 = tpu.memref_slice %arg18[%dma_wait3A_226] : memref<10240xf32, #tpu.memory_space<vmem>> -> memref<640xf32, #tpu.memory_space<vmem>>
    %dma_wait3A_228 = tpu.memref_slice %arg21[%add3A_95] : memref<262144xf32, #tpu.memory_space<vmem_shared>> -> memref<640xf32, #tpu.memory_space<vmem_shared>>
    tpu.wait_dma2 semaphore(%arg22 : memref<!tpu.dma_semaphore, #tpu.memory_space<semaphore_mem>>) src(%dma_wait3A_228 : memref<640xf32, #tpu.memory_space<vmem_shared>>) dst(%dma_wait3A_227 : memref<640xf32, #tpu.memory_space<vmem>>)
    %dma_wait3A_229 = arith.constant 5120 : i32
    %dma_wait3A_230 = tpu.memref_slice %arg18[%dma_wait3A_229] : memref<10240xf32, #tpu.memory_space<vmem>> -> memref<640xf32, #tpu.memory_space<vmem>>
    %dma_wait3A_231 = tpu.memref_slice %arg21[%add3A_105] : memref<262144xf32, #tpu.memory_space<vmem_shared>> -> memref<640xf32, #tpu.memory_space<vmem_shared>>
    %dma_wait3A_232 = arith.constant 5120 : i32
    %dma_wait3A_233 = tpu.memref_slice %arg18[%dma_wait3A_232] : memref<10240xf32, #tpu.memory_space<vmem>> -> memref<640xf32, #tpu.memory_space<vmem>>
    %dma_wait3A_234 = tpu.memref_slice %arg21[%add3A_105] : memref<262144xf32, #tpu.memory_space<vmem_shared>> -> memref<640xf32, #tpu.memory_space<vmem_shared>>
    tpu.wait_dma2 semaphore(%arg22 : memref<!tpu.dma_semaphore, #tpu.memory_space<semaphore_mem>>) src(%dma_wait3A_234 : memref<640xf32, #tpu.memory_space<vmem_shared>>) dst(%dma_wait3A_233 : memref<640xf32, #tpu.memory_space<vmem>>)
    %dma_wait3A_235 = arith.constant 5760 : i32
    %dma_wait3A_236 = tpu.memref_slice %arg18[%dma_wait3A_235] : memref<10240xf32, #tpu.memory_space<vmem>> -> memref<640xf32, #tpu.memory_space<vmem>>
    %dma_wait3A_237 = tpu.memref_slice %arg21[%add3A_115] : memref<262144xf32, #tpu.memory_space<vmem_shared>> -> memref<640xf32, #tpu.memory_space<vmem_shared>>
    %dma_wait3A_238 = arith.constant 5760 : i32
    %dma_wait3A_239 = tpu.memref_slice %arg18[%dma_wait3A_238] : memref<10240xf32, #tpu.memory_space<vmem>> -> memref<640xf32, #tpu.memory_space<vmem>>
    %dma_wait3A_240 = tpu.memref_slice %arg21[%add3A_115] : memref<262144xf32, #tpu.memory_space<vmem_shared>> -> memref<640xf32, #tpu.memory_space<vmem_shared>>
    tpu.wait_dma2 semaphore(%arg22 : memref<!tpu.dma_semaphore, #tpu.memory_space<semaphore_mem>>) src(%dma_wait3A_240 : memref<640xf32, #tpu.memory_space<vmem_shared>>) dst(%dma_wait3A_239 : memref<640xf32, #tpu.memory_space<vmem>>)
    %dma_wait3A_241 = arith.constant 6400 : i32
    %dma_wait3A_242 = tpu.memref_slice %arg18[%dma_wait3A_241] : memref<10240xf32, #tpu.memory_space<vmem>> -> memref<640xf32, #tpu.memory_space<vmem>>
    %dma_wait3A_243 = tpu.memref_slice %arg21[%add3A_125] : memref<262144xf32, #tpu.memory_space<vmem_shared>> -> memref<640xf32, #tpu.memory_space<vmem_shared>>
    %dma_wait3A_244 = arith.constant 6400 : i32
    %dma_wait3A_245 = tpu.memref_slice %arg18[%dma_wait3A_244] : memref<10240xf32, #tpu.memory_space<vmem>> -> memref<640xf32, #tpu.memory_space<vmem>>
    %dma_wait3A_246 = tpu.memref_slice %arg21[%add3A_125] : memref<262144xf32, #tpu.memory_space<vmem_shared>> -> memref<640xf32, #tpu.memory_space<vmem_shared>>
    tpu.wait_dma2 semaphore(%arg22 : memref<!tpu.dma_semaphore, #tpu.memory_space<semaphore_mem>>) src(%dma_wait3A_246 : memref<640xf32, #tpu.memory_space<vmem_shared>>) dst(%dma_wait3A_245 : memref<640xf32, #tpu.memory_space<vmem>>)
    %dma_wait3A_247 = arith.constant 7040 : i32
    %dma_wait3A_248 = tpu.memref_slice %arg18[%dma_wait3A_247] : memref<10240xf32, #tpu.memory_space<vmem>> -> memref<640xf32, #tpu.memory_space<vmem>>
    %dma_wait3A_249 = tpu.memref_slice %arg21[%add3A_135] : memref<262144xf32, #tpu.memory_space<vmem_shared>> -> memref<640xf32, #tpu.memory_space<vmem_shared>>
    %dma_wait3A_250 = arith.constant 7040 : i32
    %dma_wait3A_251 = tpu.memref_slice %arg18[%dma_wait3A_250] : memref<10240xf32, #tpu.memory_space<vmem>> -> memref<640xf32, #tpu.memory_space<vmem>>
    %dma_wait3A_252 = tpu.memref_slice %arg21[%add3A_135] : memref<262144xf32, #tpu.memory_space<vmem_shared>> -> memref<640xf32, #tpu.memory_space<vmem_shared>>
    tpu.wait_dma2 semaphore(%arg22 : memref<!tpu.dma_semaphore, #tpu.memory_space<semaphore_mem>>) src(%dma_wait3A_252 : memref<640xf32, #tpu.memory_space<vmem_shared>>) dst(%dma_wait3A_251 : memref<640xf32, #tpu.memory_space<vmem>>)
    %dma_wait3A_253 = arith.constant 7680 : i32
    %dma_wait3A_254 = tpu.memref_slice %arg18[%dma_wait3A_253] : memref<10240xf32, #tpu.memory_space<vmem>> -> memref<640xf32, #tpu.memory_space<vmem>>
    %dma_wait3A_255 = tpu.memref_slice %arg21[%add3A_145] : memref<262144xf32, #tpu.memory_space<vmem_shared>> -> memref<640xf32, #tpu.memory_space<vmem_shared>>
    %dma_wait3A_256 = arith.constant 7680 : i32
    %dma_wait3A_257 = tpu.memref_slice %arg18[%dma_wait3A_256] : memref<10240xf32, #tpu.memory_space<vmem>> -> memref<640xf32, #tpu.memory_space<vmem>>
    %dma_wait3A_258 = tpu.memref_slice %arg21[%add3A_145] : memref<262144xf32, #tpu.memory_space<vmem_shared>> -> memref<640xf32, #tpu.memory_space<vmem_shared>>
    tpu.wait_dma2 semaphore(%arg22 : memref<!tpu.dma_semaphore, #tpu.memory_space<semaphore_mem>>) src(%dma_wait3A_258 : memref<640xf32, #tpu.memory_space<vmem_shared>>) dst(%dma_wait3A_257 : memref<640xf32, #tpu.memory_space<vmem>>)
    %dma_wait3A_259 = arith.constant 8320 : i32
    %dma_wait3A_260 = tpu.memref_slice %arg18[%dma_wait3A_259] : memref<10240xf32, #tpu.memory_space<vmem>> -> memref<640xf32, #tpu.memory_space<vmem>>
    %dma_wait3A_261 = tpu.memref_slice %arg21[%add3A_155] : memref<262144xf32, #tpu.memory_space<vmem_shared>> -> memref<640xf32, #tpu.memory_space<vmem_shared>>
    %dma_wait3A_262 = arith.constant 8320 : i32
    %dma_wait3A_263 = tpu.memref_slice %arg18[%dma_wait3A_262] : memref<10240xf32, #tpu.memory_space<vmem>> -> memref<640xf32, #tpu.memory_space<vmem>>
    %dma_wait3A_264 = tpu.memref_slice %arg21[%add3A_155] : memref<262144xf32, #tpu.memory_space<vmem_shared>> -> memref<640xf32, #tpu.memory_space<vmem_shared>>
    tpu.wait_dma2 semaphore(%arg22 : memref<!tpu.dma_semaphore, #tpu.memory_space<semaphore_mem>>) src(%dma_wait3A_264 : memref<640xf32, #tpu.memory_space<vmem_shared>>) dst(%dma_wait3A_263 : memref<640xf32, #tpu.memory_space<vmem>>)
    %dma_wait3A_265 = arith.constant 8960 : i32
    %dma_wait3A_266 = tpu.memref_slice %arg18[%dma_wait3A_265] : memref<10240xf32, #tpu.memory_space<vmem>> -> memref<640xf32, #tpu.memory_space<vmem>>
    %dma_wait3A_267 = tpu.memref_slice %arg21[%add3A_165] : memref<262144xf32, #tpu.memory_space<vmem_shared>> -> memref<640xf32, #tpu.memory_space<vmem_shared>>
    %dma_wait3A_268 = arith.constant 8960 : i32
    %dma_wait3A_269 = tpu.memref_slice %arg18[%dma_wait3A_268] : memref<10240xf32, #tpu.memory_space<vmem>> -> memref<640xf32, #tpu.memory_space<vmem>>
    %dma_wait3A_270 = tpu.memref_slice %arg21[%add3A_165] : memref<262144xf32, #tpu.memory_space<vmem_shared>> -> memref<640xf32, #tpu.memory_space<vmem_shared>>
    tpu.wait_dma2 semaphore(%arg22 : memref<!tpu.dma_semaphore, #tpu.memory_space<semaphore_mem>>) src(%dma_wait3A_270 : memref<640xf32, #tpu.memory_space<vmem_shared>>) dst(%dma_wait3A_269 : memref<640xf32, #tpu.memory_space<vmem>>)
    %dma_wait3A_271 = arith.constant 9600 : i32
    %dma_wait3A_272 = tpu.memref_slice %arg18[%dma_wait3A_271] : memref<10240xf32, #tpu.memory_space<vmem>> -> memref<640xf32, #tpu.memory_space<vmem>>
    %dma_wait3A_273 = tpu.memref_slice %arg21[%add3A_175] : memref<262144xf32, #tpu.memory_space<vmem_shared>> -> memref<640xf32, #tpu.memory_space<vmem_shared>>
    %dma_wait3A_274 = arith.constant 9600 : i32
    %dma_wait3A_275 = tpu.memref_slice %arg18[%dma_wait3A_274] : memref<10240xf32, #tpu.memory_space<vmem>> -> memref<640xf32, #tpu.memory_space<vmem>>
    %dma_wait3A_276 = tpu.memref_slice %arg21[%add3A_175] : memref<262144xf32, #tpu.memory_space<vmem_shared>> -> memref<640xf32, #tpu.memory_space<vmem_shared>>
    tpu.wait_dma2 semaphore(%arg22 : memref<!tpu.dma_semaphore, #tpu.memory_space<semaphore_mem>>) src(%dma_wait3A_276 : memref<640xf32, #tpu.memory_space<vmem_shared>>) dst(%dma_wait3A_275 : memref<640xf32, #tpu.memory_space<vmem>>)
    %parallel_loop3A = arith.constant 0 : i32
    %parallel_loop3A_277 = arith.constant 40 : i32
    %parallel_loop3A_278 = arith.constant 1 : i32
    scf.for %parallel_loop3A_284 = %parallel_loop3A to %parallel_loop3A_277 step %parallel_loop3A_278  : i32 {
      %parallel_loop3A_285 = arith.constant 16 : i32
      %parallel_loop3A_286 = arith.muli %parallel_loop3A_284, %parallel_loop3A_285 : i32
      %parallel_loop3A_287 = arith.index_cast %parallel_loop3A_286 : i32 to index
      %parallel_loop3A_288 = tpu.vector_load %arg18[%parallel_loop3A_287] {strides = array<i32>} : memref<10240xf32, #tpu.memory_space<vmem>>, vector<16xf32>,
      %parallel_loop3A_289 = arith.constant 16 : i32
      %parallel_loop3A_290 = arith.muli %parallel_loop3A_284, %parallel_loop3A_289 : i32
      %parallel_loop3A_291 = arith.constant 640 : i32
      %parallel_loop3A_292 = arith.addi %parallel_loop3A_291, %parallel_loop3A_290 : i32
      %parallel_loop3A_293 = arith.index_cast %parallel_loop3A_292 : i32 to index
      %parallel_loop3A_294 = tpu.vector_load %arg18[%parallel_loop3A_293] {strides = array<i32>} : memref<10240xf32, #tpu.memory_space<vmem>>, vector<16xf32>,
      %parallel_loop3A_295 = arith.addf %parallel_loop3A_288, %parallel_loop3A_294 : vector<16xf32>
      %parallel_loop3A_296 = arith.constant 16 : i32
      %parallel_loop3A_297 = arith.muli %parallel_loop3A_284, %parallel_loop3A_296 : i32
      %parallel_loop3A_298 = arith.constant 1280 : i32
      %parallel_loop3A_299 = arith.addi %parallel_loop3A_298, %parallel_loop3A_297 : i32
      %parallel_loop3A_300 = arith.index_cast %parallel_loop3A_299 : i32 to index
      %parallel_loop3A_301 = tpu.vector_load %arg18[%parallel_loop3A_300] {strides = array<i32>} : memref<10240xf32, #tpu.memory_space<vmem>>, vector<16xf32>,
      %parallel_loop3A_302 = arith.addf %parallel_loop3A_295, %parallel_loop3A_301 : vector<16xf32>
      %parallel_loop3A_303 = arith.constant 16 : i32
      %parallel_loop3A_304 = arith.muli %parallel_loop3A_284, %parallel_loop3A_303 : i32
      %parallel_loop3A_305 = arith.constant 1920 : i32
      %parallel_loop3A_306 = arith.addi %parallel_loop3A_305, %parallel_loop3A_304 : i32
      %parallel_loop3A_307 = arith.index_cast %parallel_loop3A_306 : i32 to index
      %parallel_loop3A_308 = tpu.vector_load %arg18[%parallel_loop3A_307] {strides = array<i32>} : memref<10240xf32, #tpu.memory_space<vmem>>, vector<16xf32>,
      %parallel_loop3A_309 = arith.addf %parallel_loop3A_302, %parallel_loop3A_308 : vector<16xf32>
      %parallel_loop3A_310 = arith.constant 16 : i32
      %parallel_loop3A_311 = arith.muli %parallel_loop3A_284, %parallel_loop3A_310 : i32
      %parallel_loop3A_312 = arith.constant 2560 : i32
      %parallel_loop3A_313 = arith.addi %parallel_loop3A_312, %parallel_loop3A_311 : i32
      %parallel_loop3A_314 = arith.index_cast %parallel_loop3A_313 : i32 to index
      %parallel_loop3A_315 = tpu.vector_load %arg18[%parallel_loop3A_314] {strides = array<i32>} : memref<10240xf32, #tpu.memory_space<vmem>>, vector<16xf32>,
      %parallel_loop3A_316 = arith.addf %parallel_loop3A_309, %parallel_loop3A_315 : vector<16xf32>
      %parallel_loop3A_317 = arith.constant 16 : i32
      %parallel_loop3A_318 = arith.muli %parallel_loop3A_284, %parallel_loop3A_317 : i32
      %parallel_loop3A_319 = arith.constant 3200 : i32
      %parallel_loop3A_320 = arith.addi %parallel_loop3A_319, %parallel_loop3A_318 : i32
      %parallel_loop3A_321 = arith.index_cast %parallel_loop3A_320 : i32 to index
      %parallel_loop3A_322 = tpu.vector_load %arg18[%parallel_loop3A_321] {strides = array<i32>} : memref<10240xf32, #tpu.memory_space<vmem>>, vector<16xf32>,
      %parallel_loop3A_323 = arith.addf %parallel_loop3A_316, %parallel_loop3A_322 : vector<16xf32>
      %parallel_loop3A_324 = arith.constant 16 : i32
      %parallel_loop3A_325 = arith.muli %parallel_loop3A_284, %parallel_loop3A_324 : i32
      %parallel_loop3A_326 = arith.constant 3840 : i32
      %parallel_loop3A_327 = arith.addi %parallel_loop3A_326, %parallel_loop3A_325 : i32
      %parallel_loop3A_328 = arith.index_cast %parallel_loop3A_327 : i32 to index
      %parallel_loop3A_329 = tpu.vector_load %arg18[%parallel_loop3A_328] {strides = array<i32>} : memref<10240xf32, #tpu.memory_space<vmem>>, vector<16xf32>,
      %parallel_loop3A_330 = arith.addf %parallel_loop3A_323, %parallel_loop3A_329 : vector<16xf32>
      %parallel_loop3A_331 = arith.constant 16 : i32
      %parallel_loop3A_332 = arith.muli %parallel_loop3A_284, %parallel_loop3A_331 : i32
      %parallel_loop3A_333 = arith.constant 4480 : i32
      %parallel_loop3A_334 = arith.addi %parallel_loop3A_333, %parallel_loop3A_332 : i32
      %parallel_loop3A_335 = arith.index_cast %parallel_loop3A_334 : i32 to index
      %parallel_loop3A_336 = tpu.vector_load %arg18[%parallel_loop3A_335] {strides = array<i32>} : memref<10240xf32, #tpu.memory_space<vmem>>, vector<16xf32>,
      %parallel_loop3A_337 = arith.addf %parallel_loop3A_330, %parallel_loop3A_336 : vector<16xf32>
      %parallel_loop3A_338 = arith.constant 16 : i32
      %parallel_loop3A_339 = arith.muli %parallel_loop3A_284, %parallel_loop3A_338 : i32
      %parallel_loop3A_340 = arith.constant 5120 : i32
      %parallel_loop3A_341 = arith.addi %parallel_loop3A_340, %parallel_loop3A_339 : i32
      %parallel_loop3A_342 = arith.index_cast %parallel_loop3A_341 : i32 to index
      %parallel_loop3A_343 = tpu.vector_load %arg18[%parallel_loop3A_342] {strides = array<i32>} : memref<10240xf32, #tpu.memory_space<vmem>>, vector<16xf32>,
      %parallel_loop3A_344 = arith.addf %parallel_loop3A_337, %parallel_loop3A_343 : vector<16xf32>
      %parallel_loop3A_345 = arith.constant 16 : i32
      %parallel_loop3A_346 = arith.muli %parallel_loop3A_284, %parallel_loop3A_345 : i32
      %parallel_loop3A_347 = arith.constant 5760 : i32
      %parallel_loop3A_348 = arith.addi %parallel_loop3A_347, %parallel_loop3A_346 : i32
      %parallel_loop3A_349 = arith.index_cast %parallel_loop3A_348 : i32 to index
      %parallel_loop3A_350 = tpu.vector_load %arg18[%parallel_loop3A_349] {strides = array<i32>} : memref<10240xf32, #tpu.memory_space<vmem>>, vector<16xf32>,
      %parallel_loop3A_351 = arith.addf %parallel_loop3A_344, %parallel_loop3A_350 : vector<16xf32>
      %parallel_loop3A_352 = arith.constant 16 : i32
      %parallel_loop3A_353 = arith.muli %parallel_loop3A_284, %parallel_loop3A_352 : i32
      %parallel_loop3A_354 = arith.constant 6400 : i32
      %parallel_loop3A_355 = arith.addi %parallel_loop3A_354, %parallel_loop3A_353 : i32
      %parallel_loop3A_356 = arith.index_cast %parallel_loop3A_355 : i32 to index
      %parallel_loop3A_357 = tpu.vector_load %arg18[%parallel_loop3A_356] {strides = array<i32>} : memref<10240xf32, #tpu.memory_space<vmem>>, vector<16xf32>,
      %parallel_loop3A_358 = arith.addf %parallel_loop3A_351, %parallel_loop3A_357 : vector<16xf32>
      %parallel_loop3A_359 = arith.constant 16 : i32
      %parallel_loop3A_360 = arith.muli %parallel_loop3A_284, %parallel_loop3A_359 : i32
      %parallel_loop3A_361 = arith.constant 7040 : i32
      %parallel_loop3A_362 = arith.addi %parallel_loop3A_361, %parallel_loop3A_360 : i32
      %parallel_loop3A_363 = arith.index_cast %parallel_loop3A_362 : i32 to index
      %parallel_loop3A_364 = tpu.vector_load %arg18[%parallel_loop3A_363] {strides = array<i32>} : memref<10240xf32, #tpu.memory_space<vmem>>, vector<16xf32>,
      %parallel_loop3A_365 = arith.addf %parallel_loop3A_358, %parallel_loop3A_364 : vector<16xf32>
      %parallel_loop3A_366 = arith.constant 16 : i32
      %parallel_loop3A_367 = arith.muli %parallel_loop3A_284, %parallel_loop3A_366 : i32
      %parallel_loop3A_368 = arith.constant 7680 : i32
      %parallel_loop3A_369 = arith.addi %parallel_loop3A_368, %parallel_loop3A_367 : i32
      %parallel_loop3A_370 = arith.index_cast %parallel_loop3A_369 : i32 to index
      %parallel_loop3A_371 = tpu.vector_load %arg18[%parallel_loop3A_370] {strides = array<i32>} : memref<10240xf32, #tpu.memory_space<vmem>>, vector<16xf32>,
      %parallel_loop3A_372 = arith.addf %parallel_loop3A_365, %parallel_loop3A_371 : vector<16xf32>
      %parallel_loop3A_373 = arith.constant 16 : i32
      %parallel_loop3A_374 = arith.muli %parallel_loop3A_284, %parallel_loop3A_373 : i32
      %parallel_loop3A_375 = arith.constant 8320 : i32
      %parallel_loop3A_376 = arith.addi %parallel_loop3A_375, %parallel_loop3A_374 : i32
      %parallel_loop3A_377 = arith.index_cast %parallel_loop3A_376 : i32 to index
      %parallel_loop3A_378 = tpu.vector_load %arg18[%parallel_loop3A_377] {strides = array<i32>} : memref<10240xf32, #tpu.memory_space<vmem>>, vector<16xf32>,
      %parallel_loop3A_379 = arith.addf %parallel_loop3A_372, %parallel_loop3A_378 : vector<16xf32>
      %parallel_loop3A_380 = arith.constant 16 : i32
      %parallel_loop3A_381 = arith.muli %parallel_loop3A_284, %parallel_loop3A_380 : i32
      %parallel_loop3A_382 = arith.constant 8960 : i32
      %parallel_loop3A_383 = arith.addi %parallel_loop3A_382, %parallel_loop3A_381 : i32
      %parallel_loop3A_384 = arith.index_cast %parallel_loop3A_383 : i32 to index
      %parallel_loop3A_385 = tpu.vector_load %arg18[%parallel_loop3A_384] {strides = array<i32>} : memref<10240xf32, #tpu.memory_space<vmem>>, vector<16xf32>,
      %parallel_loop3A_386 = arith.addf %parallel_loop3A_379, %parallel_loop3A_385 : vector<16xf32>
      %parallel_loop3A_387 = arith.constant 16 : i32
      %parallel_loop3A_388 = arith.muli %parallel_loop3A_284, %parallel_loop3A_387 : i32
      %parallel_loop3A_389 = arith.constant 9600 : i32
      %parallel_loop3A_390 = arith.addi %parallel_loop3A_389, %parallel_loop3A_388 : i32
      %parallel_loop3A_391 = arith.index_cast %parallel_loop3A_390 : i32 to index
      %parallel_loop3A_392 = tpu.vector_load %arg18[%parallel_loop3A_391] {strides = array<i32>} : memref<10240xf32, #tpu.memory_space<vmem>>, vector<16xf32>,
      %parallel_loop3A_393 = arith.addf %parallel_loop3A_386, %parallel_loop3A_392 : vector<16xf32>
      %parallel_loop3A_394 = arith.constant 16 : i32
      %parallel_loop3A_395 = arith.muli %parallel_loop3A_284, %parallel_loop3A_394 : i32
      %parallel_loop3A_396 = arith.index_cast %parallel_loop3A_395 : i32 to index
      %parallel_loop3A_397 = tpu.vector_load %arg12[%parallel_loop3A_396] {strides = array<i32>} : memref<10240xf32, #tpu.memory_space<vmem>>, vector<16xf32>,
      tpu.vector_store %arg12[%parallel_loop3A_396], %parallel_loop3A_393 {strides = array<i32>} : memref<10240xf32, #tpu.memory_space<vmem>>, vector<16xf32>,
    } {sc.loop_unroll_factor = 4 : i64, sc.parallel_access}
    %mul3A_279 = arith.constant 10240 : i32
    %mul3A_280 = arith.muli %arg0, %mul3A_279 : i32
    %mul3A_281 = arith.constant 640 : i32
    %mul3A_282 = arith.muli %arg1, %mul3A_281 : i32
    %add3A_283 = arith.addi %mul3A_280, %mul3A_282 : i32
    "tpu.region"() ({
      %run_scoped3A = tpu.sem_alloc : memref<!tpu.dma_semaphore, #tpu.memory_space<semaphore_mem>>
      %dma_start3A_284 = arith.constant 0 : i32
      %dma_start3A_285 = tpu.memref_slice %arg12[%dma_start3A_284] : memref<10240xf32, #tpu.memory_space<vmem>> -> memref<640xf32, #tpu.memory_space<vmem>>
      %dma_start3A_286 = tpu.memref_slice %arg9[%add3A_283] : memref<20480xf32, #tpu.memory_space<hbm>> -> memref<640xf32, #tpu.memory_space<hbm>>
      %dma_start3A_287 = tpu.memref_slice %arg9[%add3A_283] : memref<20480xf32, #tpu.memory_space<hbm>> -> memref<640xf32, #tpu.memory_space<hbm>>
      %dma_start3A_288 = arith.constant 0 : i32
      %dma_start3A_289 = tpu.memref_slice %arg12[%dma_start3A_288] : memref<10240xf32, #tpu.memory_space<vmem>> -> memref<640xf32, #tpu.memory_space<vmem>>
      tpu.enqueue_dma source(%dma_start3A_289 : memref<640xf32, #tpu.memory_space<vmem>>) target(%dma_start3A_287 : memref<640xf32, #tpu.memory_space<hbm>>) target_semaphore(%run_scoped3A : memref<!tpu.dma_semaphore, #tpu.memory_space<semaphore_mem>>)
      %dma_wait3A_290 = arith.constant 0 : i32
      %dma_wait3A_291 = tpu.memref_slice %arg12[%dma_wait3A_290] : memref<10240xf32, #tpu.memory_space<vmem>> -> memref<640xf32, #tpu.memory_space<vmem>>
      %dma_wait3A_292 = tpu.memref_slice %arg9[%add3A_283] : memref<20480xf32, #tpu.memory_space<hbm>> -> memref<640xf32, #tpu.memory_space<hbm>>
      %dma_wait3A_293 = tpu.memref_slice %arg9[%add3A_283] : memref<20480xf32, #tpu.memory_space<hbm>> -> memref<640xf32, #tpu.memory_space<hbm>>
      %dma_wait3A_294 = arith.constant 0 : i32
      %dma_wait3A_295 = tpu.memref_slice %arg12[%dma_wait3A_294] : memref<10240xf32, #tpu.memory_space<vmem>> -> memref<640xf32, #tpu.memory_space<vmem>>
      tpu.wait_dma2 semaphore(%run_scoped3A : memref<!tpu.dma_semaphore, #tpu.memory_space<semaphore_mem>>) src(%dma_wait3A_295 : memref<640xf32, #tpu.memory_space<vmem>>) dst(%dma_wait3A_293 : memref<640xf32, #tpu.memory_space<hbm>>)
      tpu.yield
    }) : () -> ()
    return
  }
}

#map = affine_map<(d0, d1) -> (0, 0)>
#map1 = affine_map<(d0, d1) -> (0)>
module attributes {stable_mosaic.version = 14 : i64} {
  func.func @_pass3_body(%arg0: i32, %arg1: i32, %arg2: memref<32x10240xf32, #tpu.memory_space<hbm>>, %arg3: memref<32x10240xf32, #tpu.memory_space<hbm>>, %arg4: memref<327680xi32, #tpu.memory_space<hbm>>, %arg5: memref<327680xf32, #tpu.memory_space<hbm>>, %arg6: memref<512xf32, #tpu.memory_space<hbm>>, %arg7: memref<512xf32, #tpu.memory_space<hbm>>, %arg8: memref<327680xf32, #tpu.memory_space<hbm>>, %arg9: memref<20480xf32, #tpu.memory_space<hbm>>, %arg10: memref<10240xf32, #tpu.memory_space<vmem>>, %arg11: memref<10240xf32, #tpu.memory_space<vmem>>, %arg12: memref<10240xf32, #tpu.memory_space<vmem>>, %arg13: memref<10240xf32, #tpu.memory_space<vmem>>, %arg14: memref<10240xf32, #tpu.memory_space<vmem>>, %arg15: memref<8192xi32, #tpu.memory_space<vmem>>, %arg16: memref<8192xf32, #tpu.memory_space<vmem>>, %arg17: memref<8192xf32, #tpu.memory_space<vmem>>, %arg18: memref<8192xf32, #tpu.memory_space<vmem>>, %arg19: memref<512xf32, #tpu.memory_space<vmem>>, %arg20: memref<10240xf32, #tpu.memory_space<vmem>>, %arg21: memref<16xf32, #tpu.memory_space<vmem>>, %arg22: memref<16xf32, #tpu.memory_space<vmem>>, %arg23: memref<16xf32, #tpu.memory_space<vmem>>, %arg24: memref<16xf32, #tpu.memory_space<vmem>>, %arg25: memref<262144xf32, #tpu.memory_space<vmem_shared>>, %arg26: memref<!tpu.dma_semaphore, #tpu.memory_space<semaphore_mem>>) attributes {dimension_semantics = [#tpu.dimension_semantics<core_parallel>, #tpu.dimension_semantics<subcore_parallel>], iteration_bounds = array<i64: 2, 16>, scalar_prefetch = 0 : i64, scratch_operands = 17 : i64, tpu.core_type = #tpu.core_type<sc_vector_subcore>, window_params = [{transform_indices = #map}, {transform_indices = #map}, {transform_indices = #map1}, {transform_indices = #map1}, {transform_indices = #map1}, {transform_indices = #map1}, {transform_indices = #map1}, {transform_indices = #map1}]} {
    %mul3A = arith.constant 2 : i32
    %mul3A_0 = arith.muli %arg1, %mul3A : i32
    %add3A = arith.addi %mul3A_0, %arg0 : i32
    %add3A_1 = arith.constant 16 : i32
    %add3A_2 = arith.addi %arg1, %add3A_1 : i32
    "tpu.region"() ({
      %run_scoped3A = tpu.sem_alloc : memref<!tpu.dma_semaphore, #tpu.memory_space<semaphore_mem>>
      %dma_start3A_294 = arith.constant 0 : i32
      %dma_start3A_295 = tpu.memref_slice %arg2[%arg1, %dma_start3A_294] : memref<32x10240xf32, #tpu.memory_space<hbm>> -> memref<1x10240xf32, #tpu.memory_space<hbm>>
      %dma_start3A_296 = tpu.memref_squeeze %dma_start3A_295 : memref<1x10240xf32, #tpu.memory_space<hbm>> -> memref<10240xf32, #tpu.memory_space<hbm>>
      %dma_start3A_297 = arith.constant 0 : i32
      %dma_start3A_298 = tpu.memref_slice %arg2[%arg1, %dma_start3A_297] : memref<32x10240xf32, #tpu.memory_space<hbm>> -> memref<1x10240xf32, #tpu.memory_space<hbm>>
      %dma_start3A_299 = tpu.memref_squeeze %dma_start3A_298 : memref<1x10240xf32, #tpu.memory_space<hbm>> -> memref<10240xf32, #tpu.memory_space<hbm>>
      tpu.enqueue_dma source(%dma_start3A_299 : memref<10240xf32, #tpu.memory_space<hbm>>) target(%arg10 : memref<10240xf32, #tpu.memory_space<vmem>>) target_semaphore(%run_scoped3A : memref<!tpu.dma_semaphore, #tpu.memory_space<semaphore_mem>>)
      %dma_wait3A_300 = arith.constant 0 : i32
      %dma_wait3A_301 = tpu.memref_slice %arg2[%arg1, %dma_wait3A_300] : memref<32x10240xf32, #tpu.memory_space<hbm>> -> memref<1x10240xf32, #tpu.memory_space<hbm>>
      %dma_wait3A_302 = tpu.memref_squeeze %dma_wait3A_301 : memref<1x10240xf32, #tpu.memory_space<hbm>> -> memref<10240xf32, #tpu.memory_space<hbm>>
      %dma_wait3A_303 = arith.constant 0 : i32
      %dma_wait3A_304 = tpu.memref_slice %arg2[%arg1, %dma_wait3A_303] : memref<32x10240xf32, #tpu.memory_space<hbm>> -> memref<1x10240xf32, #tpu.memory_space<hbm>>
      %dma_wait3A_305 = tpu.memref_squeeze %dma_wait3A_304 : memref<1x10240xf32, #tpu.memory_space<hbm>> -> memref<10240xf32, #tpu.memory_space<hbm>>
      tpu.wait_dma2 semaphore(%run_scoped3A : memref<!tpu.dma_semaphore, #tpu.memory_space<semaphore_mem>>) src(%dma_wait3A_305 : memref<10240xf32, #tpu.memory_space<hbm>>) dst(%arg10 : memref<10240xf32, #tpu.memory_space<vmem>>)
      tpu.yield
    }) : () -> ()
    "tpu.region"() ({
      %run_scoped3A = tpu.sem_alloc : memref<!tpu.dma_semaphore, #tpu.memory_space<semaphore_mem>>
      %dma_start3A_294 = arith.constant 0 : i32
      %dma_start3A_295 = tpu.memref_slice %arg3[%arg1, %dma_start3A_294] : memref<32x10240xf32, #tpu.memory_space<hbm>> -> memref<1x10240xf32, #tpu.memory_space<hbm>>
      %dma_start3A_296 = tpu.memref_squeeze %dma_start3A_295 : memref<1x10240xf32, #tpu.memory_space<hbm>> -> memref<10240xf32, #tpu.memory_space<hbm>>
      %dma_start3A_297 = arith.constant 0 : i32
      %dma_start3A_298 = tpu.memref_slice %arg3[%arg1, %dma_start3A_297] : memref<32x10240xf32, #tpu.memory_space<hbm>> -> memref<1x10240xf32, #tpu.memory_space<hbm>>
      %dma_start3A_299 = tpu.memref_squeeze %dma_start3A_298 : memref<1x10240xf32, #tpu.memory_space<hbm>> -> memref<10240xf32, #tpu.memory_space<hbm>>
      tpu.enqueue_dma source(%dma_start3A_299 : memref<10240xf32, #tpu.memory_space<hbm>>) target(%arg11 : memref<10240xf32, #tpu.memory_space<vmem>>) target_semaphore(%run_scoped3A : memref<!tpu.dma_semaphore, #tpu.memory_space<semaphore_mem>>)
      %dma_wait3A_300 = arith.constant 0 : i32
      %dma_wait3A_301 = tpu.memref_slice %arg3[%arg1, %dma_wait3A_300] : memref<32x10240xf32, #tpu.memory_space<hbm>> -> memref<1x10240xf32, #tpu.memory_space<hbm>>
      %dma_wait3A_302 = tpu.memref_squeeze %dma_wait3A_301 : memref<1x10240xf32, #tpu.memory_space<hbm>> -> memref<10240xf32, #tpu.memory_space<hbm>>
      %dma_wait3A_303 = arith.constant 0 : i32
      %dma_wait3A_304 = tpu.memref_slice %arg3[%arg1, %dma_wait3A_303] : memref<32x10240xf32, #tpu.memory_space<hbm>> -> memref<1x10240xf32, #tpu.memory_space<hbm>>
      %dma_wait3A_305 = tpu.memref_squeeze %dma_wait3A_304 : memref<1x10240xf32, #tpu.memory_space<hbm>> -> memref<10240xf32, #tpu.memory_space<hbm>>
      tpu.wait_dma2 semaphore(%run_scoped3A : memref<!tpu.dma_semaphore, #tpu.memory_space<semaphore_mem>>) src(%dma_wait3A_305 : memref<10240xf32, #tpu.memory_space<hbm>>) dst(%arg11 : memref<10240xf32, #tpu.memory_space<vmem>>)
      tpu.yield
    }) : () -> ()
    "tpu.region"() ({
      %run_scoped3A = tpu.sem_alloc : memref<!tpu.dma_semaphore, #tpu.memory_space<semaphore_mem>>
      %dma_start3A_294 = arith.constant 0 : i32
      %dma_start3A_295 = tpu.memref_slice %arg2[%add3A_2, %dma_start3A_294] : memref<32x10240xf32, #tpu.memory_space<hbm>> -> memref<1x10240xf32, #tpu.memory_space<hbm>>
      %dma_start3A_296 = tpu.memref_squeeze %dma_start3A_295 : memref<1x10240xf32, #tpu.memory_space<hbm>> -> memref<10240xf32, #tpu.memory_space<hbm>>
      %dma_start3A_297 = arith.constant 0 : i32
      %dma_start3A_298 = tpu.memref_slice %arg2[%add3A_2, %dma_start3A_297] : memref<32x10240xf32, #tpu.memory_space<hbm>> -> memref<1x10240xf32, #tpu.memory_space<hbm>>
      %dma_start3A_299 = tpu.memref_squeeze %dma_start3A_298 : memref<1x10240xf32, #tpu.memory_space<hbm>> -> memref<10240xf32, #tpu.memory_space<hbm>>
      tpu.enqueue_dma source(%dma_start3A_299 : memref<10240xf32, #tpu.memory_space<hbm>>) target(%arg12 : memref<10240xf32, #tpu.memory_space<vmem>>) target_semaphore(%run_scoped3A : memref<!tpu.dma_semaphore, #tpu.memory_space<semaphore_mem>>)
      %dma_wait3A_300 = arith.constant 0 : i32
      %dma_wait3A_301 = tpu.memref_slice %arg2[%add3A_2, %dma_wait3A_300] : memref<32x10240xf32, #tpu.memory_space<hbm>> -> memref<1x10240xf32, #tpu.memory_space<hbm>>
      %dma_wait3A_302 = tpu.memref_squeeze %dma_wait3A_301 : memref<1x10240xf32, #tpu.memory_space<hbm>> -> memref<10240xf32, #tpu.memory_space<hbm>>
      %dma_wait3A_303 = arith.constant 0 : i32
      %dma_wait3A_304 = tpu.memref_slice %arg2[%add3A_2, %dma_wait3A_303] : memref<32x10240xf32, #tpu.memory_space<hbm>> -> memref<1x10240xf32, #tpu.memory_space<hbm>>
      %dma_wait3A_305 = tpu.memref_squeeze %dma_wait3A_304 : memref<1x10240xf32, #tpu.memory_space<hbm>> -> memref<10240xf32, #tpu.memory_space<hbm>>
      tpu.wait_dma2 semaphore(%run_scoped3A : memref<!tpu.dma_semaphore, #tpu.memory_space<semaphore_mem>>) src(%dma_wait3A_305 : memref<10240xf32, #tpu.memory_space<hbm>>) dst(%arg12 : memref<10240xf32, #tpu.memory_space<vmem>>)
      tpu.yield
    }) : () -> ()
    "tpu.region"() ({
      %run_scoped3A = tpu.sem_alloc : memref<!tpu.dma_semaphore, #tpu.memory_space<semaphore_mem>>
      %dma_start3A_294 = arith.constant 0 : i32
      %dma_start3A_295 = tpu.memref_slice %arg3[%add3A_2, %dma_start3A_294] : memref<32x10240xf32, #tpu.memory_space<hbm>> -> memref<1x10240xf32, #tpu.memory_space<hbm>>
      %dma_start3A_296 = tpu.memref_squeeze %dma_start3A_295 : memref<1x10240xf32, #tpu.memory_space<hbm>> -> memref<10240xf32, #tpu.memory_space<hbm>>
      %dma_start3A_297 = arith.constant 0 : i32
      %dma_start3A_298 = tpu.memref_slice %arg3[%add3A_2, %dma_start3A_297] : memref<32x10240xf32, #tpu.memory_space<hbm>> -> memref<1x10240xf32, #tpu.memory_space<hbm>>
      %dma_start3A_299 = tpu.memref_squeeze %dma_start3A_298 : memref<1x10240xf32, #tpu.memory_space<hbm>> -> memref<10240xf32, #tpu.memory_space<hbm>>
      tpu.enqueue_dma source(%dma_start3A_299 : memref<10240xf32, #tpu.memory_space<hbm>>) target(%arg13 : memref<10240xf32, #tpu.memory_space<vmem>>) target_semaphore(%run_scoped3A : memref<!tpu.dma_semaphore, #tpu.memory_space<semaphore_mem>>)
      %dma_wait3A_300 = arith.constant 0 : i32
      %dma_wait3A_301 = tpu.memref_slice %arg3[%add3A_2, %dma_wait3A_300] : memref<32x10240xf32, #tpu.memory_space<hbm>> -> memref<1x10240xf32, #tpu.memory_space<hbm>>
      %dma_wait3A_302 = tpu.memref_squeeze %dma_wait3A_301 : memref<1x10240xf32, #tpu.memory_space<hbm>> -> memref<10240xf32, #tpu.memory_space<hbm>>
      %dma_wait3A_303 = arith.constant 0 : i32
      %dma_wait3A_304 = tpu.memref_slice %arg3[%add3A_2, %dma_wait3A_303] : memref<32x10240xf32, #tpu.memory_space<hbm>> -> memref<1x10240xf32, #tpu.memory_space<hbm>>
      %dma_wait3A_305 = tpu.memref_squeeze %dma_wait3A_304 : memref<1x10240xf32, #tpu.memory_space<hbm>> -> memref<10240xf32, #tpu.memory_space<hbm>>
      tpu.wait_dma2 semaphore(%run_scoped3A : memref<!tpu.dma_semaphore, #tpu.memory_space<semaphore_mem>>) src(%dma_wait3A_305 : memref<10240xf32, #tpu.memory_space<hbm>>) dst(%arg13 : memref<10240xf32, #tpu.memory_space<vmem>>)
      tpu.yield
    }) : () -> ()
    %mul3A_3 = arith.constant 16 : i32
    %mul3A_4 = arith.muli %arg1, %mul3A_3 : i32
    "tpu.region"() ({
      %run_scoped3A = tpu.sem_alloc : memref<!tpu.dma_semaphore, #tpu.memory_space<semaphore_mem>>
      %dma_start3A_294 = tpu.memref_slice %arg6[%mul3A_4] : memref<512xf32, #tpu.memory_space<hbm>> -> memref<16xf32, #tpu.memory_space<hbm>>
      %dma_start3A_295 = tpu.memref_slice %arg6[%mul3A_4] : memref<512xf32, #tpu.memory_space<hbm>> -> memref<16xf32, #tpu.memory_space<hbm>>
      tpu.enqueue_dma source(%dma_start3A_295 : memref<16xf32, #tpu.memory_space<hbm>>) target(%arg21 : memref<16xf32, #tpu.memory_space<vmem>>) target_semaphore(%run_scoped3A : memref<!tpu.dma_semaphore, #tpu.memory_space<semaphore_mem>>)
      %dma_wait3A_296 = tpu.memref_slice %arg6[%mul3A_4] : memref<512xf32, #tpu.memory_space<hbm>> -> memref<16xf32, #tpu.memory_space<hbm>>
      %dma_wait3A_297 = tpu.memref_slice %arg6[%mul3A_4] : memref<512xf32, #tpu.memory_space<hbm>> -> memref<16xf32, #tpu.memory_space<hbm>>
      tpu.wait_dma2 semaphore(%run_scoped3A : memref<!tpu.dma_semaphore, #tpu.memory_space<semaphore_mem>>) src(%dma_wait3A_297 : memref<16xf32, #tpu.memory_space<hbm>>) dst(%arg21 : memref<16xf32, #tpu.memory_space<vmem>>)
      tpu.yield
    }) : () -> ()
    %mul3A_5 = arith.constant 16 : i32
    %mul3A_6 = arith.muli %arg1, %mul3A_5 : i32
    "tpu.region"() ({
      %run_scoped3A = tpu.sem_alloc : memref<!tpu.dma_semaphore, #tpu.memory_space<semaphore_mem>>
      %dma_start3A_294 = tpu.memref_slice %arg7[%mul3A_6] : memref<512xf32, #tpu.memory_space<hbm>> -> memref<16xf32, #tpu.memory_space<hbm>>
      %dma_start3A_295 = tpu.memref_slice %arg7[%mul3A_6] : memref<512xf32, #tpu.memory_space<hbm>> -> memref<16xf32, #tpu.memory_space<hbm>>
      tpu.enqueue_dma source(%dma_start3A_295 : memref<16xf32, #tpu.memory_space<hbm>>) target(%arg22 : memref<16xf32, #tpu.memory_space<vmem>>) target_semaphore(%run_scoped3A : memref<!tpu.dma_semaphore, #tpu.memory_space<semaphore_mem>>)
      %dma_wait3A_296 = tpu.memref_slice %arg7[%mul3A_6] : memref<512xf32, #tpu.memory_space<hbm>> -> memref<16xf32, #tpu.memory_space<hbm>>
      %dma_wait3A_297 = tpu.memref_slice %arg7[%mul3A_6] : memref<512xf32, #tpu.memory_space<hbm>> -> memref<16xf32, #tpu.memory_space<hbm>>
      tpu.wait_dma2 semaphore(%run_scoped3A : memref<!tpu.dma_semaphore, #tpu.memory_space<semaphore_mem>>) src(%dma_wait3A_297 : memref<16xf32, #tpu.memory_space<hbm>>) dst(%arg22 : memref<16xf32, #tpu.memory_space<vmem>>)
      tpu.yield
    }) : () -> ()
    %mul3A_7 = arith.constant 16 : i32
    %mul3A_8 = arith.muli %add3A_2, %mul3A_7 : i32
    "tpu.region"() ({
      %run_scoped3A = tpu.sem_alloc : memref<!tpu.dma_semaphore, #tpu.memory_space<semaphore_mem>>
      %dma_start3A_294 = tpu.memref_slice %arg6[%mul3A_8] : memref<512xf32, #tpu.memory_space<hbm>> -> memref<16xf32, #tpu.memory_space<hbm>>
      %dma_start3A_295 = tpu.memref_slice %arg6[%mul3A_8] : memref<512xf32, #tpu.memory_space<hbm>> -> memref<16xf32, #tpu.memory_space<hbm>>
      tpu.enqueue_dma source(%dma_start3A_295 : memref<16xf32, #tpu.memory_space<hbm>>) target(%arg23 : memref<16xf32, #tpu.memory_space<vmem>>) target_semaphore(%run_scoped3A : memref<!tpu.dma_semaphore, #tpu.memory_space<semaphore_mem>>)
      %dma_wait3A_296 = tpu.memref_slice %arg6[%mul3A_8] : memref<512xf32, #tpu.memory_space<hbm>> -> memref<16xf32, #tpu.memory_space<hbm>>
      %dma_wait3A_297 = tpu.memref_slice %arg6[%mul3A_8] : memref<512xf32, #tpu.memory_space<hbm>> -> memref<16xf32, #tpu.memory_space<hbm>>
      tpu.wait_dma2 semaphore(%run_scoped3A : memref<!tpu.dma_semaphore, #tpu.memory_space<semaphore_mem>>) src(%dma_wait3A_297 : memref<16xf32, #tpu.memory_space<hbm>>) dst(%arg23 : memref<16xf32, #tpu.memory_space<vmem>>)
      tpu.yield
    }) : () -> ()
    %mul3A_9 = arith.constant 16 : i32
    %mul3A_10 = arith.muli %add3A_2, %mul3A_9 : i32
    "tpu.region"() ({
      %run_scoped3A = tpu.sem_alloc : memref<!tpu.dma_semaphore, #tpu.memory_space<semaphore_mem>>
      %dma_start3A_294 = tpu.memref_slice %arg7[%mul3A_10] : memref<512xf32, #tpu.memory_space<hbm>> -> memref<16xf32, #tpu.memory_space<hbm>>
      %dma_start3A_295 = tpu.memref_slice %arg7[%mul3A_10] : memref<512xf32, #tpu.memory_space<hbm>> -> memref<16xf32, #tpu.memory_space<hbm>>
      tpu.enqueue_dma source(%dma_start3A_295 : memref<16xf32, #tpu.memory_space<hbm>>) target(%arg24 : memref<16xf32, #tpu.memory_space<vmem>>) target_semaphore(%run_scoped3A : memref<!tpu.dma_semaphore, #tpu.memory_space<semaphore_mem>>)
      %dma_wait3A_296 = tpu.memref_slice %arg7[%mul3A_10] : memref<512xf32, #tpu.memory_space<hbm>> -> memref<16xf32, #tpu.memory_space<hbm>>
      %dma_wait3A_297 = tpu.memref_slice %arg7[%mul3A_10] : memref<512xf32, #tpu.memory_space<hbm>> -> memref<16xf32, #tpu.memory_space<hbm>>
      tpu.wait_dma2 semaphore(%run_scoped3A : memref<!tpu.dma_semaphore, #tpu.memory_space<semaphore_mem>>) src(%dma_wait3A_297 : memref<16xf32, #tpu.memory_space<hbm>>) dst(%arg24 : memref<16xf32, #tpu.memory_space<vmem>>)
      tpu.yield
    }) : () -> ()
    %get3A = arith.constant 0 : index
    %get3A_11 = tpu.vector_load %arg21[%get3A] {strides = array<i32>} : memref<16xf32, #tpu.memory_space<vmem>>, vector<16xf32>,
    %get3A_12 = arith.constant 0 : index
    %get3A_13 = tpu.vector_load %arg22[%get3A_12] {strides = array<i32>} : memref<16xf32, #tpu.memory_space<vmem>>, vector<16xf32>,
    %get3A_14 = arith.constant 0 : index
    %get3A_15 = tpu.vector_load %arg23[%get3A_14] {strides = array<i32>} : memref<16xf32, #tpu.memory_space<vmem>>, vector<16xf32>,
    %get3A_16 = arith.constant 0 : index
    %get3A_17 = tpu.vector_load %arg24[%get3A_16] {strides = array<i32>} : memref<16xf32, #tpu.memory_space<vmem>>, vector<16xf32>,
    %broadcast_in_dim3A = arith.constant 0.000000e+00 : f32
    %broadcast_in_dim3A_18 = vector.broadcast %broadcast_in_dim3A : f32 to vector<16xf32>
    %scan3A = arith.constant 0 : i32
    %scan3A_19 = arith.constant 0 : i32
    %scan3A_20 = arith.constant 640 : i32
    %scan3A_21 = arith.addi %scan3A_19, %scan3A_20 : i32
    %scan3A_22 = arith.constant 1 : i32
    scf.for %scan3A_294 = %scan3A_19 to %scan3A_21 step %scan3A_22  : i32 {
      %mul3A_295 = arith.constant 16 : i32
      %mul3A_296 = arith.muli %scan3A_294, %mul3A_295 : i32
      %swap3A = arith.index_cast %mul3A_296 : i32 to index
      %swap3A_297 = tpu.vector_load %arg14[%swap3A] {strides = array<i32>} : memref<10240xf32, #tpu.memory_space<vmem>>, vector<16xf32>,
      tpu.vector_store %arg14[%swap3A], %broadcast_in_dim3A_18 {strides = array<i32>} : memref<10240xf32, #tpu.memory_space<vmem>>, vector<16xf32>,
    }
    %scan3A_23 = arith.constant 640 : i32
    %scan3A_24 = arith.constant 0 : i32
    %scan3A_25 = arith.constant 0 : i32
    %scan3A_26 = arith.constant 20 : i32
    %scan3A_27 = arith.addi %scan3A_25, %scan3A_26 : i32
    %scan3A_28 = arith.constant 1 : i32
    scf.for %scan3A_294 = %scan3A_25 to %scan3A_27 step %scan3A_28  : i32 {
      %mul3A_295 = arith.constant 163840 : i32
      %mul3A_296 = arith.muli %arg0, %mul3A_295 : i32
      %mul3A_297 = arith.constant 8192 : i32
      %mul3A_298 = arith.muli %scan3A_294, %mul3A_297 : i32
      %add3A_299 = arith.addi %mul3A_296, %mul3A_298 : i32
      %dma_start3A_300 = tpu.memref_slice %arg4[%add3A_299] : memref<327680xi32, #tpu.memory_space<hbm>> -> memref<8192xi32, #tpu.memory_space<hbm>>
      %dma_start3A_301 = tpu.memref_slice %arg4[%add3A_299] : memref<327680xi32, #tpu.memory_space<hbm>> -> memref<8192xi32, #tpu.memory_space<hbm>>
      tpu.enqueue_dma source(%dma_start3A_301 : memref<8192xi32, #tpu.memory_space<hbm>>) target(%arg15 : memref<8192xi32, #tpu.memory_space<vmem>>) target_semaphore(%arg26 : memref<!tpu.dma_semaphore, #tpu.memory_space<semaphore_mem>>)
      %dma_start3A_302 = tpu.memref_slice %arg5[%add3A_299] : memref<327680xf32, #tpu.memory_space<hbm>> -> memref<8192xf32, #tpu.memory_space<hbm>>
      %dma_start3A_303 = tpu.memref_slice %arg5[%add3A_299] : memref<327680xf32, #tpu.memory_space<hbm>> -> memref<8192xf32, #tpu.memory_space<hbm>>
      tpu.enqueue_dma source(%dma_start3A_303 : memref<8192xf32, #tpu.memory_space<hbm>>) target(%arg16 : memref<8192xf32, #tpu.memory_space<vmem>>) target_semaphore(%arg26 : memref<!tpu.dma_semaphore, #tpu.memory_space<semaphore_mem>>)
      %dma_wait3A_304 = tpu.memref_slice %arg4[%add3A_299] : memref<327680xi32, #tpu.memory_space<hbm>> -> memref<8192xi32, #tpu.memory_space<hbm>>
      %dma_wait3A_305 = tpu.memref_slice %arg4[%add3A_299] : memref<327680xi32, #tpu.memory_space<hbm>> -> memref<8192xi32, #tpu.memory_space<hbm>>
      tpu.wait_dma2 semaphore(%arg26 : memref<!tpu.dma_semaphore, #tpu.memory_space<semaphore_mem>>) src(%dma_wait3A_305 : memref<8192xi32, #tpu.memory_space<hbm>>) dst(%arg15 : memref<8192xi32, #tpu.memory_space<vmem>>)
      %dma_wait3A_306 = tpu.memref_slice %arg5[%add3A_299] : memref<327680xf32, #tpu.memory_space<hbm>> -> memref<8192xf32, #tpu.memory_space<hbm>>
      %dma_wait3A_307 = tpu.memref_slice %arg5[%add3A_299] : memref<327680xf32, #tpu.memory_space<hbm>> -> memref<8192xf32, #tpu.memory_space<hbm>>
      tpu.wait_dma2 semaphore(%arg26 : memref<!tpu.dma_semaphore, #tpu.memory_space<semaphore_mem>>) src(%dma_wait3A_307 : memref<8192xf32, #tpu.memory_space<hbm>>) dst(%arg16 : memref<8192xf32, #tpu.memory_space<vmem>>)
      %parallel_loop3A_308 = arith.constant 0 : i32
      %parallel_loop3A_309 = arith.constant 512 : i32
      %parallel_loop3A_310 = arith.constant 1 : i32
      scf.for %parallel_loop3A_604 = %parallel_loop3A_308 to %parallel_loop3A_309 step %parallel_loop3A_310  : i32 {
        %parallel_loop3A_605 = arith.constant 16 : i32
        %parallel_loop3A_606 = arith.muli %parallel_loop3A_604, %parallel_loop3A_605 : i32
        %parallel_loop3A_607 = arith.index_cast %parallel_loop3A_606 : i32 to index
        %parallel_loop3A_608 = tpu.vector_load %arg15[%parallel_loop3A_607] {strides = array<i32>} : memref<8192xi32, #tpu.memory_space<vmem>>, vector<16xi32>,
        %parallel_loop3A_609 = arith.constant 65535 : i32
        %parallel_loop3A_610 = vector.broadcast %parallel_loop3A_609 : i32 to vector<16xi32>
        %parallel_loop3A_611 = arith.andi %parallel_loop3A_608, %parallel_loop3A_610 : vector<16xi32>
        %parallel_loop3A_612 = arith.constant 16 : i32
        %parallel_loop3A_613 = vector.broadcast %parallel_loop3A_612 : i32 to vector<16xi32>
        %parallel_loop3A_614 = arith.shrui %parallel_loop3A_608, %parallel_loop3A_613 : vector<16xi32>
        %parallel_loop3A_615 = arith.constant 16 : i32
        %parallel_loop3A_616 = arith.muli %parallel_loop3A_604, %parallel_loop3A_615 : i32
        %parallel_loop3A_617 = arith.index_cast %parallel_loop3A_616 : i32 to index
        %parallel_loop3A_618 = tpu.vector_load %arg16[%parallel_loop3A_617] {strides = array<i32>} : memref<8192xf32, #tpu.memory_space<vmem>>, vector<16xf32>,
        %parallel_loop3A_619 = tpu.vector_load_idx %arg10[%parallel_loop3A_611] : memref<10240xf32, #tpu.memory_space<vmem>>[vector<16xi32>], vector<16xf32>,
        %parallel_loop3A_620 = tpu.vector_load_idx %arg11[%parallel_loop3A_614] : memref<10240xf32, #tpu.memory_space<vmem>>[vector<16xi32>], vector<16xf32>,
        %parallel_loop3A_621 = arith.addf %parallel_loop3A_619, %parallel_loop3A_620 : vector<16xf32>
        %parallel_loop3A_622 = arith.mulf %parallel_loop3A_618, %get3A_11 : vector<16xf32>
        %parallel_loop3A_623 = arith.addf %parallel_loop3A_621, %parallel_loop3A_622 : vector<16xf32>
        %parallel_loop3A_624 = arith.constant 2.000000e-01 : f32
        %parallel_loop3A_625 = vector.broadcast %parallel_loop3A_624 : f32 to vector<16xf32>
        %parallel_loop3A_626 = arith.mulf %parallel_loop3A_625, %parallel_loop3A_623 : vector<16xf32>
        %parallel_loop3A_627 = arith.maximumf %parallel_loop3A_623, %parallel_loop3A_626 : vector<16xf32>
        %parallel_loop3A_628 = tpu.vector_load_idx %arg12[%parallel_loop3A_611] : memref<10240xf32, #tpu.memory_space<vmem>>[vector<16xi32>], vector<16xf32>,
        %parallel_loop3A_629 = tpu.vector_load_idx %arg13[%parallel_loop3A_614] : memref<10240xf32, #tpu.memory_space<vmem>>[vector<16xi32>], vector<16xf32>,
        %parallel_loop3A_630 = arith.addf %parallel_loop3A_628, %parallel_loop3A_629 : vector<16xf32>
        %parallel_loop3A_631 = arith.mulf %parallel_loop3A_618, %get3A_15 : vector<16xf32>
        %parallel_loop3A_632 = arith.addf %parallel_loop3A_630, %parallel_loop3A_631 : vector<16xf32>
        %parallel_loop3A_633 = arith.constant 2.000000e-01 : f32
        %parallel_loop3A_634 = vector.broadcast %parallel_loop3A_633 : f32 to vector<16xf32>
        %parallel_loop3A_635 = arith.mulf %parallel_loop3A_634, %parallel_loop3A_632 : vector<16xf32>
        %parallel_loop3A_636 = arith.maximumf %parallel_loop3A_632, %parallel_loop3A_635 : vector<16xf32>
        %parallel_loop3A_637 = arith.mulf %get3A_13, %parallel_loop3A_627 : vector<16xf32>
        %parallel_loop3A_638 = arith.mulf %get3A_17, %parallel_loop3A_636 : vector<16xf32>
        %parallel_loop3A_639 = arith.addf %parallel_loop3A_637, %parallel_loop3A_638 : vector<16xf32>
        %parallel_loop3A_640 = arith.constant 16 : i32
        %parallel_loop3A_641 = arith.muli %parallel_loop3A_604, %parallel_loop3A_640 : i32
        %parallel_loop3A_642 = arith.index_cast %parallel_loop3A_641 : i32 to index
        %parallel_loop3A_643 = tpu.vector_load %arg17[%parallel_loop3A_642] {strides = array<i32>} : memref<8192xf32, #tpu.memory_space<vmem>>, vector<16xf32>,
        tpu.vector_store %arg17[%parallel_loop3A_642], %parallel_loop3A_639 {strides = array<i32>} : memref<8192xf32, #tpu.memory_space<vmem>>, vector<16xf32>,
      } {sc.loop_unroll_factor = 8 : i64, sc.parallel_access}
      %jit3A = arith.constant 2 : i32
      %eq3A = arith.constant 0 : i32
      %eq3A_311 = arith.cmpi eq, %jit3A, %eq3A : i32
      %jit3A_312 = arith.constant 1 : i32
      %select_n3A = arith.select %eq3A_311, %jit3A_312, %jit3A : i32
      %rem3A = arith.remsi %scan3A_294, %select_n3A : i32
      %ne3A = arith.constant 0 : i32
      %ne3A_313 = arith.cmpi ne, %rem3A, %ne3A : i32
      %lt3A = arith.constant 0 : i32
      %lt3A_314 = arith.cmpi slt, %rem3A, %lt3A : i32
      %lt3A_315 = arith.constant 0 : i32
      %lt3A_316 = arith.cmpi slt, %select_n3A, %lt3A_315 : i32
      %ne3A_317 = arith.xori %lt3A_314, %lt3A_316 : i1
      %and3A = arith.andi %ne3A_317, %ne3A_313 : i1
      %add3A_318 = arith.addi %rem3A, %select_n3A : i32
      %select_n3A_319 = arith.select %and3A, %add3A_318, %rem3A : i32
      %mul3A_320 = arith.constant 131072 : i32
      %mul3A_321 = arith.muli %select_n3A_319, %mul3A_320 : i32
      %mul3A_322 = arith.constant 8192 : i32
      %mul3A_323 = arith.muli %arg1, %mul3A_322 : i32
      %add3A_324 = arith.addi %mul3A_321, %mul3A_323 : i32
      "tpu.region"() ({
        %run_scoped3A = tpu.sem_alloc : memref<!tpu.dma_semaphore, #tpu.memory_space<semaphore_mem>>
        %dma_start3A_604 = tpu.memref_slice %arg25[%add3A_324] : memref<262144xf32, #tpu.memory_space<vmem_shared>> -> memref<8192xf32, #tpu.memory_space<vmem_shared>>
        %dma_start3A_605 = tpu.memref_slice %arg25[%add3A_324] : memref<262144xf32, #tpu.memory_space<vmem_shared>> -> memref<8192xf32, #tpu.memory_space<vmem_shared>>
        tpu.enqueue_dma source(%arg17 : memref<8192xf32, #tpu.memory_space<vmem>>) target(%dma_start3A_605 : memref<8192xf32, #tpu.memory_space<vmem_shared>>) target_semaphore(%run_scoped3A : memref<!tpu.dma_semaphore, #tpu.memory_space<semaphore_mem>>)
        %dma_wait3A_606 = tpu.memref_slice %arg25[%add3A_324] : memref<262144xf32, #tpu.memory_space<vmem_shared>> -> memref<8192xf32, #tpu.memory_space<vmem_shared>>
        %dma_wait3A_607 = tpu.memref_slice %arg25[%add3A_324] : memref<262144xf32, #tpu.memory_space<vmem_shared>> -> memref<8192xf32, #tpu.memory_space<vmem_shared>>
        tpu.wait_dma2 semaphore(%run_scoped3A : memref<!tpu.dma_semaphore, #tpu.memory_space<semaphore_mem>>) src(%arg17 : memref<8192xf32, #tpu.memory_space<vmem>>) dst(%dma_wait3A_607 : memref<8192xf32, #tpu.memory_space<vmem_shared>>)
        tpu.yield
      }) : () -> ()
      %barrier3A_325 = arith.constant 0 : index
      tpu.barrier barrier_id(%barrier3A_325)
      %add3A_326 = arith.constant 0 : i32
      %add3A_327 = arith.addi %mul3A_321, %add3A_326 : i32
      %mul3A_328 = arith.constant 512 : i32
      %mul3A_329 = arith.muli %arg1, %mul3A_328 : i32
      %add3A_330 = arith.addi %add3A_327, %mul3A_329 : i32
      %dma_start3A_331 = arith.constant 0 : i32
      %dma_start3A_332 = tpu.memref_slice %arg18[%dma_start3A_331] : memref<8192xf32, #tpu.memory_space<vmem>> -> memref<512xf32, #tpu.memory_space<vmem>>
      %dma_start3A_333 = tpu.memref_slice %arg25[%add3A_330] : memref<262144xf32, #tpu.memory_space<vmem_shared>> -> memref<512xf32, #tpu.memory_space<vmem_shared>>
      %dma_start3A_334 = arith.constant 0 : i32
      %dma_start3A_335 = tpu.memref_slice %arg18[%dma_start3A_334] : memref<8192xf32, #tpu.memory_space<vmem>> -> memref<512xf32, #tpu.memory_space<vmem>>
      %dma_start3A_336 = tpu.memref_slice %arg25[%add3A_330] : memref<262144xf32, #tpu.memory_space<vmem_shared>> -> memref<512xf32, #tpu.memory_space<vmem_shared>>
      tpu.enqueue_dma source(%dma_start3A_336 : memref<512xf32, #tpu.memory_space<vmem_shared>>) target(%dma_start3A_335 : memref<512xf32, #tpu.memory_space<vmem>>) target_semaphore(%arg26 : memref<!tpu.dma_semaphore, #tpu.memory_space<semaphore_mem>>)
      %add3A_337 = arith.constant 8192 : i32
      %add3A_338 = arith.addi %mul3A_321, %add3A_337 : i32
      %mul3A_339 = arith.constant 512 : i32
      %mul3A_340 = arith.muli %arg1, %mul3A_339 : i32
      %add3A_341 = arith.addi %add3A_338, %mul3A_340 : i32
      %dma_start3A_342 = arith.constant 512 : i32
      %dma_start3A_343 = tpu.memref_slice %arg18[%dma_start3A_342] : memref<8192xf32, #tpu.memory_space<vmem>> -> memref<512xf32, #tpu.memory_space<vmem>>
      %dma_start3A_344 = tpu.memref_slice %arg25[%add3A_341] : memref<262144xf32, #tpu.memory_space<vmem_shared>> -> memref<512xf32, #tpu.memory_space<vmem_shared>>
      %dma_start3A_345 = arith.constant 512 : i32
      %dma_start3A_346 = tpu.memref_slice %arg18[%dma_start3A_345] : memref<8192xf32, #tpu.memory_space<vmem>> -> memref<512xf32, #tpu.memory_space<vmem>>
      %dma_start3A_347 = tpu.memref_slice %arg25[%add3A_341] : memref<262144xf32, #tpu.memory_space<vmem_shared>> -> memref<512xf32, #tpu.memory_space<vmem_shared>>
      tpu.enqueue_dma source(%dma_start3A_347 : memref<512xf32, #tpu.memory_space<vmem_shared>>) target(%dma_start3A_346 : memref<512xf32, #tpu.memory_space<vmem>>) target_semaphore(%arg26 : memref<!tpu.dma_semaphore, #tpu.memory_space<semaphore_mem>>)
      %add3A_348 = arith.constant 16384 : i32
      %add3A_349 = arith.addi %mul3A_321, %add3A_348 : i32
      %mul3A_350 = arith.constant 512 : i32
      %mul3A_351 = arith.muli %arg1, %mul3A_350 : i32
      %add3A_352 = arith.addi %add3A_349, %mul3A_351 : i32
      %dma_start3A_353 = arith.constant 1024 : i32
      %dma_start3A_354 = tpu.memref_slice %arg18[%dma_start3A_353] : memref<8192xf32, #tpu.memory_space<vmem>> -> memref<512xf32, #tpu.memory_space<vmem>>
      %dma_start3A_355 = tpu.memref_slice %arg25[%add3A_352] : memref<262144xf32, #tpu.memory_space<vmem_shared>> -> memref<512xf32, #tpu.memory_space<vmem_shared>>
      %dma_start3A_356 = arith.constant 1024 : i32
      %dma_start3A_357 = tpu.memref_slice %arg18[%dma_start3A_356] : memref<8192xf32, #tpu.memory_space<vmem>> -> memref<512xf32, #tpu.memory_space<vmem>>
      %dma_start3A_358 = tpu.memref_slice %arg25[%add3A_352] : memref<262144xf32, #tpu.memory_space<vmem_shared>> -> memref<512xf32, #tpu.memory_space<vmem_shared>>
      tpu.enqueue_dma source(%dma_start3A_358 : memref<512xf32, #tpu.memory_space<vmem_shared>>) target(%dma_start3A_357 : memref<512xf32, #tpu.memory_space<vmem>>) target_semaphore(%arg26 : memref<!tpu.dma_semaphore, #tpu.memory_space<semaphore_mem>>)
      %add3A_359 = arith.constant 24576 : i32
      %add3A_360 = arith.addi %mul3A_321, %add3A_359 : i32
      %mul3A_361 = arith.constant 512 : i32
      %mul3A_362 = arith.muli %arg1, %mul3A_361 : i32
      %add3A_363 = arith.addi %add3A_360, %mul3A_362 : i32
      %dma_start3A_364 = arith.constant 1536 : i32
      %dma_start3A_365 = tpu.memref_slice %arg18[%dma_start3A_364] : memref<8192xf32, #tpu.memory_space<vmem>> -> memref<512xf32, #tpu.memory_space<vmem>>
      %dma_start3A_366 = tpu.memref_slice %arg25[%add3A_363] : memref<262144xf32, #tpu.memory_space<vmem_shared>> -> memref<512xf32, #tpu.memory_space<vmem_shared>>
      %dma_start3A_367 = arith.constant 1536 : i32
      %dma_start3A_368 = tpu.memref_slice %arg18[%dma_start3A_367] : memref<8192xf32, #tpu.memory_space<vmem>> -> memref<512xf32, #tpu.memory_space<vmem>>
      %dma_start3A_369 = tpu.memref_slice %arg25[%add3A_363] : memref<262144xf32, #tpu.memory_space<vmem_shared>> -> memref<512xf32, #tpu.memory_space<vmem_shared>>
      tpu.enqueue_dma source(%dma_start3A_369 : memref<512xf32, #tpu.memory_space<vmem_shared>>) target(%dma_start3A_368 : memref<512xf32, #tpu.memory_space<vmem>>) target_semaphore(%arg26 : memref<!tpu.dma_semaphore, #tpu.memory_space<semaphore_mem>>)
      %add3A_370 = arith.constant 32768 : i32
      %add3A_371 = arith.addi %mul3A_321, %add3A_370 : i32
      %mul3A_372 = arith.constant 512 : i32
      %mul3A_373 = arith.muli %arg1, %mul3A_372 : i32
      %add3A_374 = arith.addi %add3A_371, %mul3A_373 : i32
      %dma_start3A_375 = arith.constant 2048 : i32
      %dma_start3A_376 = tpu.memref_slice %arg18[%dma_start3A_375] : memref<8192xf32, #tpu.memory_space<vmem>> -> memref<512xf32, #tpu.memory_space<vmem>>
      %dma_start3A_377 = tpu.memref_slice %arg25[%add3A_374] : memref<262144xf32, #tpu.memory_space<vmem_shared>> -> memref<512xf32, #tpu.memory_space<vmem_shared>>
      %dma_start3A_378 = arith.constant 2048 : i32
      %dma_start3A_379 = tpu.memref_slice %arg18[%dma_start3A_378] : memref<8192xf32, #tpu.memory_space<vmem>> -> memref<512xf32, #tpu.memory_space<vmem>>
      %dma_start3A_380 = tpu.memref_slice %arg25[%add3A_374] : memref<262144xf32, #tpu.memory_space<vmem_shared>> -> memref<512xf32, #tpu.memory_space<vmem_shared>>
      tpu.enqueue_dma source(%dma_start3A_380 : memref<512xf32, #tpu.memory_space<vmem_shared>>) target(%dma_start3A_379 : memref<512xf32, #tpu.memory_space<vmem>>) target_semaphore(%arg26 : memref<!tpu.dma_semaphore, #tpu.memory_space<semaphore_mem>>)
      %add3A_381 = arith.constant 40960 : i32
      %add3A_382 = arith.addi %mul3A_321, %add3A_381 : i32
      %mul3A_383 = arith.constant 512 : i32
      %mul3A_384 = arith.muli %arg1, %mul3A_383 : i32
      %add3A_385 = arith.addi %add3A_382, %mul3A_384 : i32
      %dma_start3A_386 = arith.constant 2560 : i32
      %dma_start3A_387 = tpu.memref_slice %arg18[%dma_start3A_386] : memref<8192xf32, #tpu.memory_space<vmem>> -> memref<512xf32, #tpu.memory_space<vmem>>
      %dma_start3A_388 = tpu.memref_slice %arg25[%add3A_385] : memref<262144xf32, #tpu.memory_space<vmem_shared>> -> memref<512xf32, #tpu.memory_space<vmem_shared>>
      %dma_start3A_389 = arith.constant 2560 : i32
      %dma_start3A_390 = tpu.memref_slice %arg18[%dma_start3A_389] : memref<8192xf32, #tpu.memory_space<vmem>> -> memref<512xf32, #tpu.memory_space<vmem>>
      %dma_start3A_391 = tpu.memref_slice %arg25[%add3A_385] : memref<262144xf32, #tpu.memory_space<vmem_shared>> -> memref<512xf32, #tpu.memory_space<vmem_shared>>
      tpu.enqueue_dma source(%dma_start3A_391 : memref<512xf32, #tpu.memory_space<vmem_shared>>) target(%dma_start3A_390 : memref<512xf32, #tpu.memory_space<vmem>>) target_semaphore(%arg26 : memref<!tpu.dma_semaphore, #tpu.memory_space<semaphore_mem>>)
      %add3A_392 = arith.constant 49152 : i32
      %add3A_393 = arith.addi %mul3A_321, %add3A_392 : i32
      %mul3A_394 = arith.constant 512 : i32
      %mul3A_395 = arith.muli %arg1, %mul3A_394 : i32
      %add3A_396 = arith.addi %add3A_393, %mul3A_395 : i32
      %dma_start3A_397 = arith.constant 3072 : i32
      %dma_start3A_398 = tpu.memref_slice %arg18[%dma_start3A_397] : memref<8192xf32, #tpu.memory_space<vmem>> -> memref<512xf32, #tpu.memory_space<vmem>>
      %dma_start3A_399 = tpu.memref_slice %arg25[%add3A_396] : memref<262144xf32, #tpu.memory_space<vmem_shared>> -> memref<512xf32, #tpu.memory_space<vmem_shared>>
      %dma_start3A_400 = arith.constant 3072 : i32
      %dma_start3A_401 = tpu.memref_slice %arg18[%dma_start3A_400] : memref<8192xf32, #tpu.memory_space<vmem>> -> memref<512xf32, #tpu.memory_space<vmem>>
      %dma_start3A_402 = tpu.memref_slice %arg25[%add3A_396] : memref<262144xf32, #tpu.memory_space<vmem_shared>> -> memref<512xf32, #tpu.memory_space<vmem_shared>>
      tpu.enqueue_dma source(%dma_start3A_402 : memref<512xf32, #tpu.memory_space<vmem_shared>>) target(%dma_start3A_401 : memref<512xf32, #tpu.memory_space<vmem>>) target_semaphore(%arg26 : memref<!tpu.dma_semaphore, #tpu.memory_space<semaphore_mem>>)
      %add3A_403 = arith.constant 57344 : i32
      %add3A_404 = arith.addi %mul3A_321, %add3A_403 : i32
      %mul3A_405 = arith.constant 512 : i32
      %mul3A_406 = arith.muli %arg1, %mul3A_405 : i32
      %add3A_407 = arith.addi %add3A_404, %mul3A_406 : i32
      %dma_start3A_408 = arith.constant 3584 : i32
      %dma_start3A_409 = tpu.memref_slice %arg18[%dma_start3A_408] : memref<8192xf32, #tpu.memory_space<vmem>> -> memref<512xf32, #tpu.memory_space<vmem>>
      %dma_start3A_410 = tpu.memref_slice %arg25[%add3A_407] : memref<262144xf32, #tpu.memory_space<vmem_shared>> -> memref<512xf32, #tpu.memory_space<vmem_shared>>
      %dma_start3A_411 = arith.constant 3584 : i32
      %dma_start3A_412 = tpu.memref_slice %arg18[%dma_start3A_411] : memref<8192xf32, #tpu.memory_space<vmem>> -> memref<512xf32, #tpu.memory_space<vmem>>
      %dma_start3A_413 = tpu.memref_slice %arg25[%add3A_407] : memref<262144xf32, #tpu.memory_space<vmem_shared>> -> memref<512xf32, #tpu.memory_space<vmem_shared>>
      tpu.enqueue_dma source(%dma_start3A_413 : memref<512xf32, #tpu.memory_space<vmem_shared>>) target(%dma_start3A_412 : memref<512xf32, #tpu.memory_space<vmem>>) target_semaphore(%arg26 : memref<!tpu.dma_semaphore, #tpu.memory_space<semaphore_mem>>)
      %add3A_414 = arith.constant 65536 : i32
      %add3A_415 = arith.addi %mul3A_321, %add3A_414 : i32
      %mul3A_416 = arith.constant 512 : i32
      %mul3A_417 = arith.muli %arg1, %mul3A_416 : i32
      %add3A_418 = arith.addi %add3A_415, %mul3A_417 : i32
      %dma_start3A_419 = arith.constant 4096 : i32
      %dma_start3A_420 = tpu.memref_slice %arg18[%dma_start3A_419] : memref<8192xf32, #tpu.memory_space<vmem>> -> memref<512xf32, #tpu.memory_space<vmem>>
      %dma_start3A_421 = tpu.memref_slice %arg25[%add3A_418] : memref<262144xf32, #tpu.memory_space<vmem_shared>> -> memref<512xf32, #tpu.memory_space<vmem_shared>>
      %dma_start3A_422 = arith.constant 4096 : i32
      %dma_start3A_423 = tpu.memref_slice %arg18[%dma_start3A_422] : memref<8192xf32, #tpu.memory_space<vmem>> -> memref<512xf32, #tpu.memory_space<vmem>>
      %dma_start3A_424 = tpu.memref_slice %arg25[%add3A_418] : memref<262144xf32, #tpu.memory_space<vmem_shared>> -> memref<512xf32, #tpu.memory_space<vmem_shared>>
      tpu.enqueue_dma source(%dma_start3A_424 : memref<512xf32, #tpu.memory_space<vmem_shared>>) target(%dma_start3A_423 : memref<512xf32, #tpu.memory_space<vmem>>) target_semaphore(%arg26 : memref<!tpu.dma_semaphore, #tpu.memory_space<semaphore_mem>>)
      %add3A_425 = arith.constant 73728 : i32
      %add3A_426 = arith.addi %mul3A_321, %add3A_425 : i32
      %mul3A_427 = arith.constant 512 : i32
      %mul3A_428 = arith.muli %arg1, %mul3A_427 : i32
      %add3A_429 = arith.addi %add3A_426, %mul3A_428 : i32
      %dma_start3A_430 = arith.constant 4608 : i32
      %dma_start3A_431 = tpu.memref_slice %arg18[%dma_start3A_430] : memref<8192xf32, #tpu.memory_space<vmem>> -> memref<512xf32, #tpu.memory_space<vmem>>
      %dma_start3A_432 = tpu.memref_slice %arg25[%add3A_429] : memref<262144xf32, #tpu.memory_space<vmem_shared>> -> memref<512xf32, #tpu.memory_space<vmem_shared>>
      %dma_start3A_433 = arith.constant 4608 : i32
      %dma_start3A_434 = tpu.memref_slice %arg18[%dma_start3A_433] : memref<8192xf32, #tpu.memory_space<vmem>> -> memref<512xf32, #tpu.memory_space<vmem>>
      %dma_start3A_435 = tpu.memref_slice %arg25[%add3A_429] : memref<262144xf32, #tpu.memory_space<vmem_shared>> -> memref<512xf32, #tpu.memory_space<vmem_shared>>
      tpu.enqueue_dma source(%dma_start3A_435 : memref<512xf32, #tpu.memory_space<vmem_shared>>) target(%dma_start3A_434 : memref<512xf32, #tpu.memory_space<vmem>>) target_semaphore(%arg26 : memref<!tpu.dma_semaphore, #tpu.memory_space<semaphore_mem>>)
      %add3A_436 = arith.constant 81920 : i32
      %add3A_437 = arith.addi %mul3A_321, %add3A_436 : i32
      %mul3A_438 = arith.constant 512 : i32
      %mul3A_439 = arith.muli %arg1, %mul3A_438 : i32
      %add3A_440 = arith.addi %add3A_437, %mul3A_439 : i32
      %dma_start3A_441 = arith.constant 5120 : i32
      %dma_start3A_442 = tpu.memref_slice %arg18[%dma_start3A_441] : memref<8192xf32, #tpu.memory_space<vmem>> -> memref<512xf32, #tpu.memory_space<vmem>>
      %dma_start3A_443 = tpu.memref_slice %arg25[%add3A_440] : memref<262144xf32, #tpu.memory_space<vmem_shared>> -> memref<512xf32, #tpu.memory_space<vmem_shared>>
      %dma_start3A_444 = arith.constant 5120 : i32
      %dma_start3A_445 = tpu.memref_slice %arg18[%dma_start3A_444] : memref<8192xf32, #tpu.memory_space<vmem>> -> memref<512xf32, #tpu.memory_space<vmem>>
      %dma_start3A_446 = tpu.memref_slice %arg25[%add3A_440] : memref<262144xf32, #tpu.memory_space<vmem_shared>> -> memref<512xf32, #tpu.memory_space<vmem_shared>>
      tpu.enqueue_dma source(%dma_start3A_446 : memref<512xf32, #tpu.memory_space<vmem_shared>>) target(%dma_start3A_445 : memref<512xf32, #tpu.memory_space<vmem>>) target_semaphore(%arg26 : memref<!tpu.dma_semaphore, #tpu.memory_space<semaphore_mem>>)
      %add3A_447 = arith.constant 90112 : i32
      %add3A_448 = arith.addi %mul3A_321, %add3A_447 : i32
      %mul3A_449 = arith.constant 512 : i32
      %mul3A_450 = arith.muli %arg1, %mul3A_449 : i32
      %add3A_451 = arith.addi %add3A_448, %mul3A_450 : i32
      %dma_start3A_452 = arith.constant 5632 : i32
      %dma_start3A_453 = tpu.memref_slice %arg18[%dma_start3A_452] : memref<8192xf32, #tpu.memory_space<vmem>> -> memref<512xf32, #tpu.memory_space<vmem>>
      %dma_start3A_454 = tpu.memref_slice %arg25[%add3A_451] : memref<262144xf32, #tpu.memory_space<vmem_shared>> -> memref<512xf32, #tpu.memory_space<vmem_shared>>
      %dma_start3A_455 = arith.constant 5632 : i32
      %dma_start3A_456 = tpu.memref_slice %arg18[%dma_start3A_455] : memref<8192xf32, #tpu.memory_space<vmem>> -> memref<512xf32, #tpu.memory_space<vmem>>
      %dma_start3A_457 = tpu.memref_slice %arg25[%add3A_451] : memref<262144xf32, #tpu.memory_space<vmem_shared>> -> memref<512xf32, #tpu.memory_space<vmem_shared>>
      tpu.enqueue_dma source(%dma_start3A_457 : memref<512xf32, #tpu.memory_space<vmem_shared>>) target(%dma_start3A_456 : memref<512xf32, #tpu.memory_space<vmem>>) target_semaphore(%arg26 : memref<!tpu.dma_semaphore, #tpu.memory_space<semaphore_mem>>)
      %add3A_458 = arith.constant 98304 : i32
      %add3A_459 = arith.addi %mul3A_321, %add3A_458 : i32
      %mul3A_460 = arith.constant 512 : i32
      %mul3A_461 = arith.muli %arg1, %mul3A_460 : i32
      %add3A_462 = arith.addi %add3A_459, %mul3A_461 : i32
      %dma_start3A_463 = arith.constant 6144 : i32
      %dma_start3A_464 = tpu.memref_slice %arg18[%dma_start3A_463] : memref<8192xf32, #tpu.memory_space<vmem>> -> memref<512xf32, #tpu.memory_space<vmem>>
      %dma_start3A_465 = tpu.memref_slice %arg25[%add3A_462] : memref<262144xf32, #tpu.memory_space<vmem_shared>> -> memref<512xf32, #tpu.memory_space<vmem_shared>>
      %dma_start3A_466 = arith.constant 6144 : i32
      %dma_start3A_467 = tpu.memref_slice %arg18[%dma_start3A_466] : memref<8192xf32, #tpu.memory_space<vmem>> -> memref<512xf32, #tpu.memory_space<vmem>>
      %dma_start3A_468 = tpu.memref_slice %arg25[%add3A_462] : memref<262144xf32, #tpu.memory_space<vmem_shared>> -> memref<512xf32, #tpu.memory_space<vmem_shared>>
      tpu.enqueue_dma source(%dma_start3A_468 : memref<512xf32, #tpu.memory_space<vmem_shared>>) target(%dma_start3A_467 : memref<512xf32, #tpu.memory_space<vmem>>) target_semaphore(%arg26 : memref<!tpu.dma_semaphore, #tpu.memory_space<semaphore_mem>>)
      %add3A_469 = arith.constant 106496 : i32
      %add3A_470 = arith.addi %mul3A_321, %add3A_469 : i32
      %mul3A_471 = arith.constant 512 : i32
      %mul3A_472 = arith.muli %arg1, %mul3A_471 : i32
      %add3A_473 = arith.addi %add3A_470, %mul3A_472 : i32
      %dma_start3A_474 = arith.constant 6656 : i32
      %dma_start3A_475 = tpu.memref_slice %arg18[%dma_start3A_474] : memref<8192xf32, #tpu.memory_space<vmem>> -> memref<512xf32, #tpu.memory_space<vmem>>
      %dma_start3A_476 = tpu.memref_slice %arg25[%add3A_473] : memref<262144xf32, #tpu.memory_space<vmem_shared>> -> memref<512xf32, #tpu.memory_space<vmem_shared>>
      %dma_start3A_477 = arith.constant 6656 : i32
      %dma_start3A_478 = tpu.memref_slice %arg18[%dma_start3A_477] : memref<8192xf32, #tpu.memory_space<vmem>> -> memref<512xf32, #tpu.memory_space<vmem>>
      %dma_start3A_479 = tpu.memref_slice %arg25[%add3A_473] : memref<262144xf32, #tpu.memory_space<vmem_shared>> -> memref<512xf32, #tpu.memory_space<vmem_shared>>
      tpu.enqueue_dma source(%dma_start3A_479 : memref<512xf32, #tpu.memory_space<vmem_shared>>) target(%dma_start3A_478 : memref<512xf32, #tpu.memory_space<vmem>>) target_semaphore(%arg26 : memref<!tpu.dma_semaphore, #tpu.memory_space<semaphore_mem>>)
      %add3A_480 = arith.constant 114688 : i32
      %add3A_481 = arith.addi %mul3A_321, %add3A_480 : i32
      %mul3A_482 = arith.constant 512 : i32
      %mul3A_483 = arith.muli %arg1, %mul3A_482 : i32
      %add3A_484 = arith.addi %add3A_481, %mul3A_483 : i32
      %dma_start3A_485 = arith.constant 7168 : i32
      %dma_start3A_486 = tpu.memref_slice %arg18[%dma_start3A_485] : memref<8192xf32, #tpu.memory_space<vmem>> -> memref<512xf32, #tpu.memory_space<vmem>>
      %dma_start3A_487 = tpu.memref_slice %arg25[%add3A_484] : memref<262144xf32, #tpu.memory_space<vmem_shared>> -> memref<512xf32, #tpu.memory_space<vmem_shared>>
      %dma_start3A_488 = arith.constant 7168 : i32
      %dma_start3A_489 = tpu.memref_slice %arg18[%dma_start3A_488] : memref<8192xf32, #tpu.memory_space<vmem>> -> memref<512xf32, #tpu.memory_space<vmem>>
      %dma_start3A_490 = tpu.memref_slice %arg25[%add3A_484] : memref<262144xf32, #tpu.memory_space<vmem_shared>> -> memref<512xf32, #tpu.memory_space<vmem_shared>>
      tpu.enqueue_dma source(%dma_start3A_490 : memref<512xf32, #tpu.memory_space<vmem_shared>>) target(%dma_start3A_489 : memref<512xf32, #tpu.memory_space<vmem>>) target_semaphore(%arg26 : memref<!tpu.dma_semaphore, #tpu.memory_space<semaphore_mem>>)
      %add3A_491 = arith.constant 122880 : i32
      %add3A_492 = arith.addi %mul3A_321, %add3A_491 : i32
      %mul3A_493 = arith.constant 512 : i32
      %mul3A_494 = arith.muli %arg1, %mul3A_493 : i32
      %add3A_495 = arith.addi %add3A_492, %mul3A_494 : i32
      %dma_start3A_496 = arith.constant 7680 : i32
      %dma_start3A_497 = tpu.memref_slice %arg18[%dma_start3A_496] : memref<8192xf32, #tpu.memory_space<vmem>> -> memref<512xf32, #tpu.memory_space<vmem>>
      %dma_start3A_498 = tpu.memref_slice %arg25[%add3A_495] : memref<262144xf32, #tpu.memory_space<vmem_shared>> -> memref<512xf32, #tpu.memory_space<vmem_shared>>
      %dma_start3A_499 = arith.constant 7680 : i32
      %dma_start3A_500 = tpu.memref_slice %arg18[%dma_start3A_499] : memref<8192xf32, #tpu.memory_space<vmem>> -> memref<512xf32, #tpu.memory_space<vmem>>
      %dma_start3A_501 = tpu.memref_slice %arg25[%add3A_495] : memref<262144xf32, #tpu.memory_space<vmem_shared>> -> memref<512xf32, #tpu.memory_space<vmem_shared>>
      tpu.enqueue_dma source(%dma_start3A_501 : memref<512xf32, #tpu.memory_space<vmem_shared>>) target(%dma_start3A_500 : memref<512xf32, #tpu.memory_space<vmem>>) target_semaphore(%arg26 : memref<!tpu.dma_semaphore, #tpu.memory_space<semaphore_mem>>)
      %dma_wait3A_502 = arith.constant 0 : i32
      %dma_wait3A_503 = tpu.memref_slice %arg18[%dma_wait3A_502] : memref<8192xf32, #tpu.memory_space<vmem>> -> memref<512xf32, #tpu.memory_space<vmem>>
      %dma_wait3A_504 = tpu.memref_slice %arg25[%add3A_330] : memref<262144xf32, #tpu.memory_space<vmem_shared>> -> memref<512xf32, #tpu.memory_space<vmem_shared>>
      %dma_wait3A_505 = arith.constant 0 : i32
      %dma_wait3A_506 = tpu.memref_slice %arg18[%dma_wait3A_505] : memref<8192xf32, #tpu.memory_space<vmem>> -> memref<512xf32, #tpu.memory_space<vmem>>
      %dma_wait3A_507 = tpu.memref_slice %arg25[%add3A_330] : memref<262144xf32, #tpu.memory_space<vmem_shared>> -> memref<512xf32, #tpu.memory_space<vmem_shared>>
      tpu.wait_dma2 semaphore(%arg26 : memref<!tpu.dma_semaphore, #tpu.memory_space<semaphore_mem>>) src(%dma_wait3A_507 : memref<512xf32, #tpu.memory_space<vmem_shared>>) dst(%dma_wait3A_506 : memref<512xf32, #tpu.memory_space<vmem>>)
      %dma_wait3A_508 = arith.constant 512 : i32
      %dma_wait3A_509 = tpu.memref_slice %arg18[%dma_wait3A_508] : memref<8192xf32, #tpu.memory_space<vmem>> -> memref<512xf32, #tpu.memory_space<vmem>>
      %dma_wait3A_510 = tpu.memref_slice %arg25[%add3A_341] : memref<262144xf32, #tpu.memory_space<vmem_shared>> -> memref<512xf32, #tpu.memory_space<vmem_shared>>
      %dma_wait3A_511 = arith.constant 512 : i32
      %dma_wait3A_512 = tpu.memref_slice %arg18[%dma_wait3A_511] : memref<8192xf32, #tpu.memory_space<vmem>> -> memref<512xf32, #tpu.memory_space<vmem>>
      %dma_wait3A_513 = tpu.memref_slice %arg25[%add3A_341] : memref<262144xf32, #tpu.memory_space<vmem_shared>> -> memref<512xf32, #tpu.memory_space<vmem_shared>>
      tpu.wait_dma2 semaphore(%arg26 : memref<!tpu.dma_semaphore, #tpu.memory_space<semaphore_mem>>) src(%dma_wait3A_513 : memref<512xf32, #tpu.memory_space<vmem_shared>>) dst(%dma_wait3A_512 : memref<512xf32, #tpu.memory_space<vmem>>)
      %dma_wait3A_514 = arith.constant 1024 : i32
      %dma_wait3A_515 = tpu.memref_slice %arg18[%dma_wait3A_514] : memref<8192xf32, #tpu.memory_space<vmem>> -> memref<512xf32, #tpu.memory_space<vmem>>
      %dma_wait3A_516 = tpu.memref_slice %arg25[%add3A_352] : memref<262144xf32, #tpu.memory_space<vmem_shared>> -> memref<512xf32, #tpu.memory_space<vmem_shared>>
      %dma_wait3A_517 = arith.constant 1024 : i32
      %dma_wait3A_518 = tpu.memref_slice %arg18[%dma_wait3A_517] : memref<8192xf32, #tpu.memory_space<vmem>> -> memref<512xf32, #tpu.memory_space<vmem>>
      %dma_wait3A_519 = tpu.memref_slice %arg25[%add3A_352] : memref<262144xf32, #tpu.memory_space<vmem_shared>> -> memref<512xf32, #tpu.memory_space<vmem_shared>>
      tpu.wait_dma2 semaphore(%arg26 : memref<!tpu.dma_semaphore, #tpu.memory_space<semaphore_mem>>) src(%dma_wait3A_519 : memref<512xf32, #tpu.memory_space<vmem_shared>>) dst(%dma_wait3A_518 : memref<512xf32, #tpu.memory_space<vmem>>)
      %dma_wait3A_520 = arith.constant 1536 : i32
      %dma_wait3A_521 = tpu.memref_slice %arg18[%dma_wait3A_520] : memref<8192xf32, #tpu.memory_space<vmem>> -> memref<512xf32, #tpu.memory_space<vmem>>
      %dma_wait3A_522 = tpu.memref_slice %arg25[%add3A_363] : memref<262144xf32, #tpu.memory_space<vmem_shared>> -> memref<512xf32, #tpu.memory_space<vmem_shared>>
      %dma_wait3A_523 = arith.constant 1536 : i32
      %dma_wait3A_524 = tpu.memref_slice %arg18[%dma_wait3A_523] : memref<8192xf32, #tpu.memory_space<vmem>> -> memref<512xf32, #tpu.memory_space<vmem>>
      %dma_wait3A_525 = tpu.memref_slice %arg25[%add3A_363] : memref<262144xf32, #tpu.memory_space<vmem_shared>> -> memref<512xf32, #tpu.memory_space<vmem_shared>>
      tpu.wait_dma2 semaphore(%arg26 : memref<!tpu.dma_semaphore, #tpu.memory_space<semaphore_mem>>) src(%dma_wait3A_525 : memref<512xf32, #tpu.memory_space<vmem_shared>>) dst(%dma_wait3A_524 : memref<512xf32, #tpu.memory_space<vmem>>)
      %dma_wait3A_526 = arith.constant 2048 : i32
      %dma_wait3A_527 = tpu.memref_slice %arg18[%dma_wait3A_526] : memref<8192xf32, #tpu.memory_space<vmem>> -> memref<512xf32, #tpu.memory_space<vmem>>
      %dma_wait3A_528 = tpu.memref_slice %arg25[%add3A_374] : memref<262144xf32, #tpu.memory_space<vmem_shared>> -> memref<512xf32, #tpu.memory_space<vmem_shared>>
      %dma_wait3A_529 = arith.constant 2048 : i32
      %dma_wait3A_530 = tpu.memref_slice %arg18[%dma_wait3A_529] : memref<8192xf32, #tpu.memory_space<vmem>> -> memref<512xf32, #tpu.memory_space<vmem>>
      %dma_wait3A_531 = tpu.memref_slice %arg25[%add3A_374] : memref<262144xf32, #tpu.memory_space<vmem_shared>> -> memref<512xf32, #tpu.memory_space<vmem_shared>>
      tpu.wait_dma2 semaphore(%arg26 : memref<!tpu.dma_semaphore, #tpu.memory_space<semaphore_mem>>) src(%dma_wait3A_531 : memref<512xf32, #tpu.memory_space<vmem_shared>>) dst(%dma_wait3A_530 : memref<512xf32, #tpu.memory_space<vmem>>)
      %dma_wait3A_532 = arith.constant 2560 : i32
      %dma_wait3A_533 = tpu.memref_slice %arg18[%dma_wait3A_532] : memref<8192xf32, #tpu.memory_space<vmem>> -> memref<512xf32, #tpu.memory_space<vmem>>
      %dma_wait3A_534 = tpu.memref_slice %arg25[%add3A_385] : memref<262144xf32, #tpu.memory_space<vmem_shared>> -> memref<512xf32, #tpu.memory_space<vmem_shared>>
      %dma_wait3A_535 = arith.constant 2560 : i32
      %dma_wait3A_536 = tpu.memref_slice %arg18[%dma_wait3A_535] : memref<8192xf32, #tpu.memory_space<vmem>> -> memref<512xf32, #tpu.memory_space<vmem>>
      %dma_wait3A_537 = tpu.memref_slice %arg25[%add3A_385] : memref<262144xf32, #tpu.memory_space<vmem_shared>> -> memref<512xf32, #tpu.memory_space<vmem_shared>>
      tpu.wait_dma2 semaphore(%arg26 : memref<!tpu.dma_semaphore, #tpu.memory_space<semaphore_mem>>) src(%dma_wait3A_537 : memref<512xf32, #tpu.memory_space<vmem_shared>>) dst(%dma_wait3A_536 : memref<512xf32, #tpu.memory_space<vmem>>)
      %dma_wait3A_538 = arith.constant 3072 : i32
      %dma_wait3A_539 = tpu.memref_slice %arg18[%dma_wait3A_538] : memref<8192xf32, #tpu.memory_space<vmem>> -> memref<512xf32, #tpu.memory_space<vmem>>
      %dma_wait3A_540 = tpu.memref_slice %arg25[%add3A_396] : memref<262144xf32, #tpu.memory_space<vmem_shared>> -> memref<512xf32, #tpu.memory_space<vmem_shared>>
      %dma_wait3A_541 = arith.constant 3072 : i32
      %dma_wait3A_542 = tpu.memref_slice %arg18[%dma_wait3A_541] : memref<8192xf32, #tpu.memory_space<vmem>> -> memref<512xf32, #tpu.memory_space<vmem>>
      %dma_wait3A_543 = tpu.memref_slice %arg25[%add3A_396] : memref<262144xf32, #tpu.memory_space<vmem_shared>> -> memref<512xf32, #tpu.memory_space<vmem_shared>>
      tpu.wait_dma2 semaphore(%arg26 : memref<!tpu.dma_semaphore, #tpu.memory_space<semaphore_mem>>) src(%dma_wait3A_543 : memref<512xf32, #tpu.memory_space<vmem_shared>>) dst(%dma_wait3A_542 : memref<512xf32, #tpu.memory_space<vmem>>)
      %dma_wait3A_544 = arith.constant 3584 : i32
      %dma_wait3A_545 = tpu.memref_slice %arg18[%dma_wait3A_544] : memref<8192xf32, #tpu.memory_space<vmem>> -> memref<512xf32, #tpu.memory_space<vmem>>
      %dma_wait3A_546 = tpu.memref_slice %arg25[%add3A_407] : memref<262144xf32, #tpu.memory_space<vmem_shared>> -> memref<512xf32, #tpu.memory_space<vmem_shared>>
      %dma_wait3A_547 = arith.constant 3584 : i32
      %dma_wait3A_548 = tpu.memref_slice %arg18[%dma_wait3A_547] : memref<8192xf32, #tpu.memory_space<vmem>> -> memref<512xf32, #tpu.memory_space<vmem>>
      %dma_wait3A_549 = tpu.memref_slice %arg25[%add3A_407] : memref<262144xf32, #tpu.memory_space<vmem_shared>> -> memref<512xf32, #tpu.memory_space<vmem_shared>>
      tpu.wait_dma2 semaphore(%arg26 : memref<!tpu.dma_semaphore, #tpu.memory_space<semaphore_mem>>) src(%dma_wait3A_549 : memref<512xf32, #tpu.memory_space<vmem_shared>>) dst(%dma_wait3A_548 : memref<512xf32, #tpu.memory_space<vmem>>)
      %dma_wait3A_550 = arith.constant 4096 : i32
      %dma_wait3A_551 = tpu.memref_slice %arg18[%dma_wait3A_550] : memref<8192xf32, #tpu.memory_space<vmem>> -> memref<512xf32, #tpu.memory_space<vmem>>
      %dma_wait3A_552 = tpu.memref_slice %arg25[%add3A_418] : memref<262144xf32, #tpu.memory_space<vmem_shared>> -> memref<512xf32, #tpu.memory_space<vmem_shared>>
      %dma_wait3A_553 = arith.constant 4096 : i32
      %dma_wait3A_554 = tpu.memref_slice %arg18[%dma_wait3A_553] : memref<8192xf32, #tpu.memory_space<vmem>> -> memref<512xf32, #tpu.memory_space<vmem>>
      %dma_wait3A_555 = tpu.memref_slice %arg25[%add3A_418] : memref<262144xf32, #tpu.memory_space<vmem_shared>> -> memref<512xf32, #tpu.memory_space<vmem_shared>>
      tpu.wait_dma2 semaphore(%arg26 : memref<!tpu.dma_semaphore, #tpu.memory_space<semaphore_mem>>) src(%dma_wait3A_555 : memref<512xf32, #tpu.memory_space<vmem_shared>>) dst(%dma_wait3A_554 : memref<512xf32, #tpu.memory_space<vmem>>)
      %dma_wait3A_556 = arith.constant 4608 : i32
      %dma_wait3A_557 = tpu.memref_slice %arg18[%dma_wait3A_556] : memref<8192xf32, #tpu.memory_space<vmem>> -> memref<512xf32, #tpu.memory_space<vmem>>
      %dma_wait3A_558 = tpu.memref_slice %arg25[%add3A_429] : memref<262144xf32, #tpu.memory_space<vmem_shared>> -> memref<512xf32, #tpu.memory_space<vmem_shared>>
      %dma_wait3A_559 = arith.constant 4608 : i32
      %dma_wait3A_560 = tpu.memref_slice %arg18[%dma_wait3A_559] : memref<8192xf32, #tpu.memory_space<vmem>> -> memref<512xf32, #tpu.memory_space<vmem>>
      %dma_wait3A_561 = tpu.memref_slice %arg25[%add3A_429] : memref<262144xf32, #tpu.memory_space<vmem_shared>> -> memref<512xf32, #tpu.memory_space<vmem_shared>>
      tpu.wait_dma2 semaphore(%arg26 : memref<!tpu.dma_semaphore, #tpu.memory_space<semaphore_mem>>) src(%dma_wait3A_561 : memref<512xf32, #tpu.memory_space<vmem_shared>>) dst(%dma_wait3A_560 : memref<512xf32, #tpu.memory_space<vmem>>)
      %dma_wait3A_562 = arith.constant 5120 : i32
      %dma_wait3A_563 = tpu.memref_slice %arg18[%dma_wait3A_562] : memref<8192xf32, #tpu.memory_space<vmem>> -> memref<512xf32, #tpu.memory_space<vmem>>
      %dma_wait3A_564 = tpu.memref_slice %arg25[%add3A_440] : memref<262144xf32, #tpu.memory_space<vmem_shared>> -> memref<512xf32, #tpu.memory_space<vmem_shared>>
      %dma_wait3A_565 = arith.constant 5120 : i32
      %dma_wait3A_566 = tpu.memref_slice %arg18[%dma_wait3A_565] : memref<8192xf32, #tpu.memory_space<vmem>> -> memref<512xf32, #tpu.memory_space<vmem>>
      %dma_wait3A_567 = tpu.memref_slice %arg25[%add3A_440] : memref<262144xf32, #tpu.memory_space<vmem_shared>> -> memref<512xf32, #tpu.memory_space<vmem_shared>>
      tpu.wait_dma2 semaphore(%arg26 : memref<!tpu.dma_semaphore, #tpu.memory_space<semaphore_mem>>) src(%dma_wait3A_567 : memref<512xf32, #tpu.memory_space<vmem_shared>>) dst(%dma_wait3A_566 : memref<512xf32, #tpu.memory_space<vmem>>)
      %dma_wait3A_568 = arith.constant 5632 : i32
      %dma_wait3A_569 = tpu.memref_slice %arg18[%dma_wait3A_568] : memref<8192xf32, #tpu.memory_space<vmem>> -> memref<512xf32, #tpu.memory_space<vmem>>
      %dma_wait3A_570 = tpu.memref_slice %arg25[%add3A_451] : memref<262144xf32, #tpu.memory_space<vmem_shared>> -> memref<512xf32, #tpu.memory_space<vmem_shared>>
      %dma_wait3A_571 = arith.constant 5632 : i32
      %dma_wait3A_572 = tpu.memref_slice %arg18[%dma_wait3A_571] : memref<8192xf32, #tpu.memory_space<vmem>> -> memref<512xf32, #tpu.memory_space<vmem>>
      %dma_wait3A_573 = tpu.memref_slice %arg25[%add3A_451] : memref<262144xf32, #tpu.memory_space<vmem_shared>> -> memref<512xf32, #tpu.memory_space<vmem_shared>>
      tpu.wait_dma2 semaphore(%arg26 : memref<!tpu.dma_semaphore, #tpu.memory_space<semaphore_mem>>) src(%dma_wait3A_573 : memref<512xf32, #tpu.memory_space<vmem_shared>>) dst(%dma_wait3A_572 : memref<512xf32, #tpu.memory_space<vmem>>)
      %dma_wait3A_574 = arith.constant 6144 : i32
      %dma_wait3A_575 = tpu.memref_slice %arg18[%dma_wait3A_574] : memref<8192xf32, #tpu.memory_space<vmem>> -> memref<512xf32, #tpu.memory_space<vmem>>
      %dma_wait3A_576 = tpu.memref_slice %arg25[%add3A_462] : memref<262144xf32, #tpu.memory_space<vmem_shared>> -> memref<512xf32, #tpu.memory_space<vmem_shared>>
      %dma_wait3A_577 = arith.constant 6144 : i32
      %dma_wait3A_578 = tpu.memref_slice %arg18[%dma_wait3A_577] : memref<8192xf32, #tpu.memory_space<vmem>> -> memref<512xf32, #tpu.memory_space<vmem>>
      %dma_wait3A_579 = tpu.memref_slice %arg25[%add3A_462] : memref<262144xf32, #tpu.memory_space<vmem_shared>> -> memref<512xf32, #tpu.memory_space<vmem_shared>>
      tpu.wait_dma2 semaphore(%arg26 : memref<!tpu.dma_semaphore, #tpu.memory_space<semaphore_mem>>) src(%dma_wait3A_579 : memref<512xf32, #tpu.memory_space<vmem_shared>>) dst(%dma_wait3A_578 : memref<512xf32, #tpu.memory_space<vmem>>)
      %dma_wait3A_580 = arith.constant 6656 : i32
      %dma_wait3A_581 = tpu.memref_slice %arg18[%dma_wait3A_580] : memref<8192xf32, #tpu.memory_space<vmem>> -> memref<512xf32, #tpu.memory_space<vmem>>
      %dma_wait3A_582 = tpu.memref_slice %arg25[%add3A_473] : memref<262144xf32, #tpu.memory_space<vmem_shared>> -> memref<512xf32, #tpu.memory_space<vmem_shared>>
      %dma_wait3A_583 = arith.constant 6656 : i32
      %dma_wait3A_584 = tpu.memref_slice %arg18[%dma_wait3A_583] : memref<8192xf32, #tpu.memory_space<vmem>> -> memref<512xf32, #tpu.memory_space<vmem>>
      %dma_wait3A_585 = tpu.memref_slice %arg25[%add3A_473] : memref<262144xf32, #tpu.memory_space<vmem_shared>> -> memref<512xf32, #tpu.memory_space<vmem_shared>>
      tpu.wait_dma2 semaphore(%arg26 : memref<!tpu.dma_semaphore, #tpu.memory_space<semaphore_mem>>) src(%dma_wait3A_585 : memref<512xf32, #tpu.memory_space<vmem_shared>>) dst(%dma_wait3A_584 : memref<512xf32, #tpu.memory_space<vmem>>)
      %dma_wait3A_586 = arith.constant 7168 : i32
      %dma_wait3A_587 = tpu.memref_slice %arg18[%dma_wait3A_586] : memref<8192xf32, #tpu.memory_space<vmem>> -> memref<512xf32, #tpu.memory_space<vmem>>
      %dma_wait3A_588 = tpu.memref_slice %arg25[%add3A_484] : memref<262144xf32, #tpu.memory_space<vmem_shared>> -> memref<512xf32, #tpu.memory_space<vmem_shared>>
      %dma_wait3A_589 = arith.constant 7168 : i32
      %dma_wait3A_590 = tpu.memref_slice %arg18[%dma_wait3A_589] : memref<8192xf32, #tpu.memory_space<vmem>> -> memref<512xf32, #tpu.memory_space<vmem>>
      %dma_wait3A_591 = tpu.memref_slice %arg25[%add3A_484] : memref<262144xf32, #tpu.memory_space<vmem_shared>> -> memref<512xf32, #tpu.memory_space<vmem_shared>>
      tpu.wait_dma2 semaphore(%arg26 : memref<!tpu.dma_semaphore, #tpu.memory_space<semaphore_mem>>) src(%dma_wait3A_591 : memref<512xf32, #tpu.memory_space<vmem_shared>>) dst(%dma_wait3A_590 : memref<512xf32, #tpu.memory_space<vmem>>)
      %dma_wait3A_592 = arith.constant 7680 : i32
      %dma_wait3A_593 = tpu.memref_slice %arg18[%dma_wait3A_592] : memref<8192xf32, #tpu.memory_space<vmem>> -> memref<512xf32, #tpu.memory_space<vmem>>
      %dma_wait3A_594 = tpu.memref_slice %arg25[%add3A_495] : memref<262144xf32, #tpu.memory_space<vmem_shared>> -> memref<512xf32, #tpu.memory_space<vmem_shared>>
      %dma_wait3A_595 = arith.constant 7680 : i32
      %dma_wait3A_596 = tpu.memref_slice %arg18[%dma_wait3A_595] : memref<8192xf32, #tpu.memory_space<vmem>> -> memref<512xf32, #tpu.memory_space<vmem>>
      %dma_wait3A_597 = tpu.memref_slice %arg25[%add3A_495] : memref<262144xf32, #tpu.memory_space<vmem_shared>> -> memref<512xf32, #tpu.memory_space<vmem_shared>>
      tpu.wait_dma2 semaphore(%arg26 : memref<!tpu.dma_semaphore, #tpu.memory_space<semaphore_mem>>) src(%dma_wait3A_597 : memref<512xf32, #tpu.memory_space<vmem_shared>>) dst(%dma_wait3A_596 : memref<512xf32, #tpu.memory_space<vmem>>)
      %parallel_loop3A_598 = arith.constant 0 : i32
      %parallel_loop3A_599 = arith.constant 32 : i32
      %parallel_loop3A_600 = arith.constant 1 : i32
      scf.for %parallel_loop3A_604 = %parallel_loop3A_598 to %parallel_loop3A_599 step %parallel_loop3A_600  : i32 {
        %parallel_loop3A_605 = arith.constant 16 : i32
        %parallel_loop3A_606 = arith.muli %parallel_loop3A_604, %parallel_loop3A_605 : i32
        %parallel_loop3A_607 = arith.index_cast %parallel_loop3A_606 : i32 to index
        %parallel_loop3A_608 = tpu.vector_load %arg18[%parallel_loop3A_607] {strides = array<i32>} : memref<8192xf32, #tpu.memory_space<vmem>>, vector<16xf32>,
        %parallel_loop3A_609 = arith.constant 16 : i32
        %parallel_loop3A_610 = arith.muli %parallel_loop3A_604, %parallel_loop3A_609 : i32
        %parallel_loop3A_611 = arith.constant 512 : i32
        %parallel_loop3A_612 = arith.addi %parallel_loop3A_611, %parallel_loop3A_610 : i32
        %parallel_loop3A_613 = arith.index_cast %parallel_loop3A_612 : i32 to index
        %parallel_loop3A_614 = tpu.vector_load %arg18[%parallel_loop3A_613] {strides = array<i32>} : memref<8192xf32, #tpu.memory_space<vmem>>, vector<16xf32>,
        %parallel_loop3A_615 = arith.addf %parallel_loop3A_608, %parallel_loop3A_614 : vector<16xf32>
        %parallel_loop3A_616 = arith.constant 16 : i32
        %parallel_loop3A_617 = arith.muli %parallel_loop3A_604, %parallel_loop3A_616 : i32
        %parallel_loop3A_618 = arith.constant 1024 : i32
        %parallel_loop3A_619 = arith.addi %parallel_loop3A_618, %parallel_loop3A_617 : i32
        %parallel_loop3A_620 = arith.index_cast %parallel_loop3A_619 : i32 to index
        %parallel_loop3A_621 = tpu.vector_load %arg18[%parallel_loop3A_620] {strides = array<i32>} : memref<8192xf32, #tpu.memory_space<vmem>>, vector<16xf32>,
        %parallel_loop3A_622 = arith.addf %parallel_loop3A_615, %parallel_loop3A_621 : vector<16xf32>
        %parallel_loop3A_623 = arith.constant 16 : i32
        %parallel_loop3A_624 = arith.muli %parallel_loop3A_604, %parallel_loop3A_623 : i32
        %parallel_loop3A_625 = arith.constant 1536 : i32
        %parallel_loop3A_626 = arith.addi %parallel_loop3A_625, %parallel_loop3A_624 : i32
        %parallel_loop3A_627 = arith.index_cast %parallel_loop3A_626 : i32 to index
        %parallel_loop3A_628 = tpu.vector_load %arg18[%parallel_loop3A_627] {strides = array<i32>} : memref<8192xf32, #tpu.memory_space<vmem>>, vector<16xf32>,
        %parallel_loop3A_629 = arith.addf %parallel_loop3A_622, %parallel_loop3A_628 : vector<16xf32>
        %parallel_loop3A_630 = arith.constant 16 : i32
        %parallel_loop3A_631 = arith.muli %parallel_loop3A_604, %parallel_loop3A_630 : i32
        %parallel_loop3A_632 = arith.constant 2048 : i32
        %parallel_loop3A_633 = arith.addi %parallel_loop3A_632, %parallel_loop3A_631 : i32
        %parallel_loop3A_634 = arith.index_cast %parallel_loop3A_633 : i32 to index
        %parallel_loop3A_635 = tpu.vector_load %arg18[%parallel_loop3A_634] {strides = array<i32>} : memref<8192xf32, #tpu.memory_space<vmem>>, vector<16xf32>,
        %parallel_loop3A_636 = arith.addf %parallel_loop3A_629, %parallel_loop3A_635 : vector<16xf32>
        %parallel_loop3A_637 = arith.constant 16 : i32
        %parallel_loop3A_638 = arith.muli %parallel_loop3A_604, %parallel_loop3A_637 : i32
        %parallel_loop3A_639 = arith.constant 2560 : i32
        %parallel_loop3A_640 = arith.addi %parallel_loop3A_639, %parallel_loop3A_638 : i32
        %parallel_loop3A_641 = arith.index_cast %parallel_loop3A_640 : i32 to index
        %parallel_loop3A_642 = tpu.vector_load %arg18[%parallel_loop3A_641] {strides = array<i32>} : memref<8192xf32, #tpu.memory_space<vmem>>, vector<16xf32>,
        %parallel_loop3A_643 = arith.addf %parallel_loop3A_636, %parallel_loop3A_642 : vector<16xf32>
        %parallel_loop3A_644 = arith.constant 16 : i32
        %parallel_loop3A_645 = arith.muli %parallel_loop3A_604, %parallel_loop3A_644 : i32
        %parallel_loop3A_646 = arith.constant 3072 : i32
        %parallel_loop3A_647 = arith.addi %parallel_loop3A_646, %parallel_loop3A_645 : i32
        %parallel_loop3A_648 = arith.index_cast %parallel_loop3A_647 : i32 to index
        %parallel_loop3A_649 = tpu.vector_load %arg18[%parallel_loop3A_648] {strides = array<i32>} : memref<8192xf32, #tpu.memory_space<vmem>>, vector<16xf32>,
        %parallel_loop3A_650 = arith.addf %parallel_loop3A_643, %parallel_loop3A_649 : vector<16xf32>
        %parallel_loop3A_651 = arith.constant 16 : i32
        %parallel_loop3A_652 = arith.muli %parallel_loop3A_604, %parallel_loop3A_651 : i32
        %parallel_loop3A_653 = arith.constant 3584 : i32
        %parallel_loop3A_654 = arith.addi %parallel_loop3A_653, %parallel_loop3A_652 : i32
        %parallel_loop3A_655 = arith.index_cast %parallel_loop3A_654 : i32 to index
        %parallel_loop3A_656 = tpu.vector_load %arg18[%parallel_loop3A_655] {strides = array<i32>} : memref<8192xf32, #tpu.memory_space<vmem>>, vector<16xf32>,
        %parallel_loop3A_657 = arith.addf %parallel_loop3A_650, %parallel_loop3A_656 : vector<16xf32>
        %parallel_loop3A_658 = arith.constant 16 : i32
        %parallel_loop3A_659 = arith.muli %parallel_loop3A_604, %parallel_loop3A_658 : i32
        %parallel_loop3A_660 = arith.constant 4096 : i32
        %parallel_loop3A_661 = arith.addi %parallel_loop3A_660, %parallel_loop3A_659 : i32
        %parallel_loop3A_662 = arith.index_cast %parallel_loop3A_661 : i32 to index
        %parallel_loop3A_663 = tpu.vector_load %arg18[%parallel_loop3A_662] {strides = array<i32>} : memref<8192xf32, #tpu.memory_space<vmem>>, vector<16xf32>,
        %parallel_loop3A_664 = arith.addf %parallel_loop3A_657, %parallel_loop3A_663 : vector<16xf32>
        %parallel_loop3A_665 = arith.constant 16 : i32
        %parallel_loop3A_666 = arith.muli %parallel_loop3A_604, %parallel_loop3A_665 : i32
        %parallel_loop3A_667 = arith.constant 4608 : i32
        %parallel_loop3A_668 = arith.addi %parallel_loop3A_667, %parallel_loop3A_666 : i32
        %parallel_loop3A_669 = arith.index_cast %parallel_loop3A_668 : i32 to index
        %parallel_loop3A_670 = tpu.vector_load %arg18[%parallel_loop3A_669] {strides = array<i32>} : memref<8192xf32, #tpu.memory_space<vmem>>, vector<16xf32>,
        %parallel_loop3A_671 = arith.addf %parallel_loop3A_664, %parallel_loop3A_670 : vector<16xf32>
        %parallel_loop3A_672 = arith.constant 16 : i32
        %parallel_loop3A_673 = arith.muli %parallel_loop3A_604, %parallel_loop3A_672 : i32
        %parallel_loop3A_674 = arith.constant 5120 : i32
        %parallel_loop3A_675 = arith.addi %parallel_loop3A_674, %parallel_loop3A_673 : i32
        %parallel_loop3A_676 = arith.index_cast %parallel_loop3A_675 : i32 to index
        %parallel_loop3A_677 = tpu.vector_load %arg18[%parallel_loop3A_676] {strides = array<i32>} : memref<8192xf32, #tpu.memory_space<vmem>>, vector<16xf32>,
        %parallel_loop3A_678 = arith.addf %parallel_loop3A_671, %parallel_loop3A_677 : vector<16xf32>
        %parallel_loop3A_679 = arith.constant 16 : i32
        %parallel_loop3A_680 = arith.muli %parallel_loop3A_604, %parallel_loop3A_679 : i32
        %parallel_loop3A_681 = arith.constant 5632 : i32
        %parallel_loop3A_682 = arith.addi %parallel_loop3A_681, %parallel_loop3A_680 : i32
        %parallel_loop3A_683 = arith.index_cast %parallel_loop3A_682 : i32 to index
        %parallel_loop3A_684 = tpu.vector_load %arg18[%parallel_loop3A_683] {strides = array<i32>} : memref<8192xf32, #tpu.memory_space<vmem>>, vector<16xf32>,
        %parallel_loop3A_685 = arith.addf %parallel_loop3A_678, %parallel_loop3A_684 : vector<16xf32>
        %parallel_loop3A_686 = arith.constant 16 : i32
        %parallel_loop3A_687 = arith.muli %parallel_loop3A_604, %parallel_loop3A_686 : i32
        %parallel_loop3A_688 = arith.constant 6144 : i32
        %parallel_loop3A_689 = arith.addi %parallel_loop3A_688, %parallel_loop3A_687 : i32
        %parallel_loop3A_690 = arith.index_cast %parallel_loop3A_689 : i32 to index
        %parallel_loop3A_691 = tpu.vector_load %arg18[%parallel_loop3A_690] {strides = array<i32>} : memref<8192xf32, #tpu.memory_space<vmem>>, vector<16xf32>,
        %parallel_loop3A_692 = arith.addf %parallel_loop3A_685, %parallel_loop3A_691 : vector<16xf32>
        %parallel_loop3A_693 = arith.constant 16 : i32
        %parallel_loop3A_694 = arith.muli %parallel_loop3A_604, %parallel_loop3A_693 : i32
        %parallel_loop3A_695 = arith.constant 6656 : i32
        %parallel_loop3A_696 = arith.addi %parallel_loop3A_695, %parallel_loop3A_694 : i32
        %parallel_loop3A_697 = arith.index_cast %parallel_loop3A_696 : i32 to index
        %parallel_loop3A_698 = tpu.vector_load %arg18[%parallel_loop3A_697] {strides = array<i32>} : memref<8192xf32, #tpu.memory_space<vmem>>, vector<16xf32>,
        %parallel_loop3A_699 = arith.addf %parallel_loop3A_692, %parallel_loop3A_698 : vector<16xf32>
        %parallel_loop3A_700 = arith.constant 16 : i32
        %parallel_loop3A_701 = arith.muli %parallel_loop3A_604, %parallel_loop3A_700 : i32
        %parallel_loop3A_702 = arith.constant 7168 : i32
        %parallel_loop3A_703 = arith.addi %parallel_loop3A_702, %parallel_loop3A_701 : i32
        %parallel_loop3A_704 = arith.index_cast %parallel_loop3A_703 : i32 to index
        %parallel_loop3A_705 = tpu.vector_load %arg18[%parallel_loop3A_704] {strides = array<i32>} : memref<8192xf32, #tpu.memory_space<vmem>>, vector<16xf32>,
        %parallel_loop3A_706 = arith.addf %parallel_loop3A_699, %parallel_loop3A_705 : vector<16xf32>
        %parallel_loop3A_707 = arith.constant 16 : i32
        %parallel_loop3A_708 = arith.muli %parallel_loop3A_604, %parallel_loop3A_707 : i32
        %parallel_loop3A_709 = arith.constant 7680 : i32
        %parallel_loop3A_710 = arith.addi %parallel_loop3A_709, %parallel_loop3A_708 : i32
        %parallel_loop3A_711 = arith.index_cast %parallel_loop3A_710 : i32 to index
        %parallel_loop3A_712 = tpu.vector_load %arg18[%parallel_loop3A_711] {strides = array<i32>} : memref<8192xf32, #tpu.memory_space<vmem>>, vector<16xf32>,
        %parallel_loop3A_713 = arith.addf %parallel_loop3A_706, %parallel_loop3A_712 : vector<16xf32>
        %parallel_loop3A_714 = math.exp %parallel_loop3A_713 : vector<16xf32>
        %parallel_loop3A_715 = arith.constant 16 : i32
        %parallel_loop3A_716 = arith.muli %parallel_loop3A_604, %parallel_loop3A_715 : i32
        %parallel_loop3A_717 = arith.index_cast %parallel_loop3A_716 : i32 to index
        %parallel_loop3A_718 = tpu.vector_load %arg19[%parallel_loop3A_717] {strides = array<i32>} : memref<512xf32, #tpu.memory_space<vmem>>, vector<16xf32>,
        tpu.vector_store %arg19[%parallel_loop3A_717], %parallel_loop3A_714 {strides = array<i32>} : memref<512xf32, #tpu.memory_space<vmem>>, vector<16xf32>,
        %parallel_loop3A_719 = arith.constant 512 : i32
        %parallel_loop3A_720 = arith.muli %arg1, %parallel_loop3A_719 : i32
        %parallel_loop3A_721 = arith.constant 16 : i32
        %parallel_loop3A_722 = arith.muli %parallel_loop3A_604, %parallel_loop3A_721 : i32
        %parallel_loop3A_723 = arith.addi %parallel_loop3A_720, %parallel_loop3A_722 : i32
        %parallel_loop3A_724 = arith.index_cast %parallel_loop3A_723 : i32 to index
        %parallel_loop3A_725 = tpu.vector_load %arg15[%parallel_loop3A_724] {strides = array<i32>} : memref<8192xi32, #tpu.memory_space<vmem>>, vector<16xi32>,
        %parallel_loop3A_726 = arith.constant 16 : i32
        %parallel_loop3A_727 = vector.broadcast %parallel_loop3A_726 : i32 to vector<16xi32>
        %parallel_loop3A_728 = arith.shrui %parallel_loop3A_725, %parallel_loop3A_727 : vector<16xi32>
        tpu.vector_store_idx %arg14[%parallel_loop3A_728], %parallel_loop3A_714 {add = true} : memref<10240xf32, #tpu.memory_space<vmem>>[vector<16xi32>], vector<16xf32>,
      } {sc.loop_unroll_factor = 4 : i64, sc.parallel_access}
      %mul3A_601 = arith.constant 512 : i32
      %mul3A_602 = arith.muli %arg1, %mul3A_601 : i32
      %add3A_603 = arith.addi %add3A_299, %mul3A_602 : i32
      "tpu.region"() ({
        %run_scoped3A = tpu.sem_alloc : memref<!tpu.dma_semaphore, #tpu.memory_space<semaphore_mem>>
        %dma_start3A_604 = tpu.memref_slice %arg8[%add3A_603] : memref<327680xf32, #tpu.memory_space<hbm>> -> memref<512xf32, #tpu.memory_space<hbm>>
        %dma_start3A_605 = tpu.memref_slice %arg8[%add3A_603] : memref<327680xf32, #tpu.memory_space<hbm>> -> memref<512xf32, #tpu.memory_space<hbm>>
        tpu.enqueue_dma source(%arg19 : memref<512xf32, #tpu.memory_space<vmem>>) target(%dma_start3A_605 : memref<512xf32, #tpu.memory_space<hbm>>) target_semaphore(%run_scoped3A : memref<!tpu.dma_semaphore, #tpu.memory_space<semaphore_mem>>)
        %dma_wait3A_606 = tpu.memref_slice %arg8[%add3A_603] : memref<327680xf32, #tpu.memory_space<hbm>> -> memref<512xf32, #tpu.memory_space<hbm>>
        %dma_wait3A_607 = tpu.memref_slice %arg8[%add3A_603] : memref<327680xf32, #tpu.memory_space<hbm>> -> memref<512xf32, #tpu.memory_space<hbm>>
        tpu.wait_dma2 semaphore(%run_scoped3A : memref<!tpu.dma_semaphore, #tpu.memory_space<semaphore_mem>>) src(%arg19 : memref<512xf32, #tpu.memory_space<vmem>>) dst(%dma_wait3A_607 : memref<512xf32, #tpu.memory_space<hbm>>)
        tpu.yield
      }) : () -> ()
    }
    %scan3A_29 = arith.constant 20 : i32
    %barrier3A = arith.constant 0 : index
    tpu.barrier barrier_id(%barrier3A)
    %mul3A_30 = arith.constant 10240 : i32
    %mul3A_31 = arith.muli %arg1, %mul3A_30 : i32
    "tpu.region"() ({
      %run_scoped3A = tpu.sem_alloc : memref<!tpu.dma_semaphore, #tpu.memory_space<semaphore_mem>>
      %dma_start3A_294 = tpu.memref_slice %arg25[%mul3A_31] : memref<262144xf32, #tpu.memory_space<vmem_shared>> -> memref<10240xf32, #tpu.memory_space<vmem_shared>>
      %dma_start3A_295 = tpu.memref_slice %arg25[%mul3A_31] : memref<262144xf32, #tpu.memory_space<vmem_shared>> -> memref<10240xf32, #tpu.memory_space<vmem_shared>>
      tpu.enqueue_dma source(%arg14 : memref<10240xf32, #tpu.memory_space<vmem>>) target(%dma_start3A_295 : memref<10240xf32, #tpu.memory_space<vmem_shared>>) target_semaphore(%run_scoped3A : memref<!tpu.dma_semaphore, #tpu.memory_space<semaphore_mem>>)
      %dma_wait3A_296 = tpu.memref_slice %arg25[%mul3A_31] : memref<262144xf32, #tpu.memory_space<vmem_shared>> -> memref<10240xf32, #tpu.memory_space<vmem_shared>>
      %dma_wait3A_297 = tpu.memref_slice %arg25[%mul3A_31] : memref<262144xf32, #tpu.memory_space<vmem_shared>> -> memref<10240xf32, #tpu.memory_space<vmem_shared>>
      tpu.wait_dma2 semaphore(%run_scoped3A : memref<!tpu.dma_semaphore, #tpu.memory_space<semaphore_mem>>) src(%arg14 : memref<10240xf32, #tpu.memory_space<vmem>>) dst(%dma_wait3A_297 : memref<10240xf32, #tpu.memory_space<vmem_shared>>)
      tpu.yield
    }) : () -> ()
    %barrier3A_32 = arith.constant 0 : index
    tpu.barrier barrier_id(%barrier3A_32)
    %mul3A_33 = arith.constant 640 : i32
    %mul3A_34 = arith.muli %arg1, %mul3A_33 : i32
    %add3A_35 = arith.constant 0 : i32
    %add3A_36 = arith.addi %add3A_35, %mul3A_34 : i32
    %dma_start3A = arith.constant 0 : i32
    %dma_start3A_37 = tpu.memref_slice %arg20[%dma_start3A] : memref<10240xf32, #tpu.memory_space<vmem>> -> memref<640xf32, #tpu.memory_space<vmem>>
    %dma_start3A_38 = tpu.memref_slice %arg25[%add3A_36] : memref<262144xf32, #tpu.memory_space<vmem_shared>> -> memref<640xf32, #tpu.memory_space<vmem_shared>>
    %dma_start3A_39 = arith.constant 0 : i32
    %dma_start3A_40 = tpu.memref_slice %arg20[%dma_start3A_39] : memref<10240xf32, #tpu.memory_space<vmem>> -> memref<640xf32, #tpu.memory_space<vmem>>
    %dma_start3A_41 = tpu.memref_slice %arg25[%add3A_36] : memref<262144xf32, #tpu.memory_space<vmem_shared>> -> memref<640xf32, #tpu.memory_space<vmem_shared>>
    tpu.enqueue_dma source(%dma_start3A_41 : memref<640xf32, #tpu.memory_space<vmem_shared>>) target(%dma_start3A_40 : memref<640xf32, #tpu.memory_space<vmem>>) target_semaphore(%arg26 : memref<!tpu.dma_semaphore, #tpu.memory_space<semaphore_mem>>)
    %mul3A_42 = arith.constant 640 : i32
    %mul3A_43 = arith.muli %arg1, %mul3A_42 : i32
    %add3A_44 = arith.constant 10240 : i32
    %add3A_45 = arith.addi %add3A_44, %mul3A_43 : i32
    %dma_start3A_46 = arith.constant 640 : i32
    %dma_start3A_47 = tpu.memref_slice %arg20[%dma_start3A_46] : memref<10240xf32, #tpu.memory_space<vmem>> -> memref<640xf32, #tpu.memory_space<vmem>>
    %dma_start3A_48 = tpu.memref_slice %arg25[%add3A_45] : memref<262144xf32, #tpu.memory_space<vmem_shared>> -> memref<640xf32, #tpu.memory_space<vmem_shared>>
    %dma_start3A_49 = arith.constant 640 : i32
    %dma_start3A_50 = tpu.memref_slice %arg20[%dma_start3A_49] : memref<10240xf32, #tpu.memory_space<vmem>> -> memref<640xf32, #tpu.memory_space<vmem>>
    %dma_start3A_51 = tpu.memref_slice %arg25[%add3A_45] : memref<262144xf32, #tpu.memory_space<vmem_shared>> -> memref<640xf32, #tpu.memory_space<vmem_shared>>
    tpu.enqueue_dma source(%dma_start3A_51 : memref<640xf32, #tpu.memory_space<vmem_shared>>) target(%dma_start3A_50 : memref<640xf32, #tpu.memory_space<vmem>>) target_semaphore(%arg26 : memref<!tpu.dma_semaphore, #tpu.memory_space<semaphore_mem>>)
    %mul3A_52 = arith.constant 640 : i32
    %mul3A_53 = arith.muli %arg1, %mul3A_52 : i32
    %add3A_54 = arith.constant 20480 : i32
    %add3A_55 = arith.addi %add3A_54, %mul3A_53 : i32
    %dma_start3A_56 = arith.constant 1280 : i32
    %dma_start3A_57 = tpu.memref_slice %arg20[%dma_start3A_56] : memref<10240xf32, #tpu.memory_space<vmem>> -> memref<640xf32, #tpu.memory_space<vmem>>
    %dma_start3A_58 = tpu.memref_slice %arg25[%add3A_55] : memref<262144xf32, #tpu.memory_space<vmem_shared>> -> memref<640xf32, #tpu.memory_space<vmem_shared>>
    %dma_start3A_59 = arith.constant 1280 : i32
    %dma_start3A_60 = tpu.memref_slice %arg20[%dma_start3A_59] : memref<10240xf32, #tpu.memory_space<vmem>> -> memref<640xf32, #tpu.memory_space<vmem>>
    %dma_start3A_61 = tpu.memref_slice %arg25[%add3A_55] : memref<262144xf32, #tpu.memory_space<vmem_shared>> -> memref<640xf32, #tpu.memory_space<vmem_shared>>
    tpu.enqueue_dma source(%dma_start3A_61 : memref<640xf32, #tpu.memory_space<vmem_shared>>) target(%dma_start3A_60 : memref<640xf32, #tpu.memory_space<vmem>>) target_semaphore(%arg26 : memref<!tpu.dma_semaphore, #tpu.memory_space<semaphore_mem>>)
    %mul3A_62 = arith.constant 640 : i32
    %mul3A_63 = arith.muli %arg1, %mul3A_62 : i32
    %add3A_64 = arith.constant 30720 : i32
    %add3A_65 = arith.addi %add3A_64, %mul3A_63 : i32
    %dma_start3A_66 = arith.constant 1920 : i32
    %dma_start3A_67 = tpu.memref_slice %arg20[%dma_start3A_66] : memref<10240xf32, #tpu.memory_space<vmem>> -> memref<640xf32, #tpu.memory_space<vmem>>
    %dma_start3A_68 = tpu.memref_slice %arg25[%add3A_65] : memref<262144xf32, #tpu.memory_space<vmem_shared>> -> memref<640xf32, #tpu.memory_space<vmem_shared>>
    %dma_start3A_69 = arith.constant 1920 : i32
    %dma_start3A_70 = tpu.memref_slice %arg20[%dma_start3A_69] : memref<10240xf32, #tpu.memory_space<vmem>> -> memref<640xf32, #tpu.memory_space<vmem>>
    %dma_start3A_71 = tpu.memref_slice %arg25[%add3A_65] : memref<262144xf32, #tpu.memory_space<vmem_shared>> -> memref<640xf32, #tpu.memory_space<vmem_shared>>
    tpu.enqueue_dma source(%dma_start3A_71 : memref<640xf32, #tpu.memory_space<vmem_shared>>) target(%dma_start3A_70 : memref<640xf32, #tpu.memory_space<vmem>>) target_semaphore(%arg26 : memref<!tpu.dma_semaphore, #tpu.memory_space<semaphore_mem>>)
    %mul3A_72 = arith.constant 640 : i32
    %mul3A_73 = arith.muli %arg1, %mul3A_72 : i32
    %add3A_74 = arith.constant 40960 : i32
    %add3A_75 = arith.addi %add3A_74, %mul3A_73 : i32
    %dma_start3A_76 = arith.constant 2560 : i32
    %dma_start3A_77 = tpu.memref_slice %arg20[%dma_start3A_76] : memref<10240xf32, #tpu.memory_space<vmem>> -> memref<640xf32, #tpu.memory_space<vmem>>
    %dma_start3A_78 = tpu.memref_slice %arg25[%add3A_75] : memref<262144xf32, #tpu.memory_space<vmem_shared>> -> memref<640xf32, #tpu.memory_space<vmem_shared>>
    %dma_start3A_79 = arith.constant 2560 : i32
    %dma_start3A_80 = tpu.memref_slice %arg20[%dma_start3A_79] : memref<10240xf32, #tpu.memory_space<vmem>> -> memref<640xf32, #tpu.memory_space<vmem>>
    %dma_start3A_81 = tpu.memref_slice %arg25[%add3A_75] : memref<262144xf32, #tpu.memory_space<vmem_shared>> -> memref<640xf32, #tpu.memory_space<vmem_shared>>
    tpu.enqueue_dma source(%dma_start3A_81 : memref<640xf32, #tpu.memory_space<vmem_shared>>) target(%dma_start3A_80 : memref<640xf32, #tpu.memory_space<vmem>>) target_semaphore(%arg26 : memref<!tpu.dma_semaphore, #tpu.memory_space<semaphore_mem>>)
    %mul3A_82 = arith.constant 640 : i32
    %mul3A_83 = arith.muli %arg1, %mul3A_82 : i32
    %add3A_84 = arith.constant 51200 : i32
    %add3A_85 = arith.addi %add3A_84, %mul3A_83 : i32
    %dma_start3A_86 = arith.constant 3200 : i32
    %dma_start3A_87 = tpu.memref_slice %arg20[%dma_start3A_86] : memref<10240xf32, #tpu.memory_space<vmem>> -> memref<640xf32, #tpu.memory_space<vmem>>
    %dma_start3A_88 = tpu.memref_slice %arg25[%add3A_85] : memref<262144xf32, #tpu.memory_space<vmem_shared>> -> memref<640xf32, #tpu.memory_space<vmem_shared>>
    %dma_start3A_89 = arith.constant 3200 : i32
    %dma_start3A_90 = tpu.memref_slice %arg20[%dma_start3A_89] : memref<10240xf32, #tpu.memory_space<vmem>> -> memref<640xf32, #tpu.memory_space<vmem>>
    %dma_start3A_91 = tpu.memref_slice %arg25[%add3A_85] : memref<262144xf32, #tpu.memory_space<vmem_shared>> -> memref<640xf32, #tpu.memory_space<vmem_shared>>
    tpu.enqueue_dma source(%dma_start3A_91 : memref<640xf32, #tpu.memory_space<vmem_shared>>) target(%dma_start3A_90 : memref<640xf32, #tpu.memory_space<vmem>>) target_semaphore(%arg26 : memref<!tpu.dma_semaphore, #tpu.memory_space<semaphore_mem>>)
    %mul3A_92 = arith.constant 640 : i32
    %mul3A_93 = arith.muli %arg1, %mul3A_92 : i32
    %add3A_94 = arith.constant 61440 : i32
    %add3A_95 = arith.addi %add3A_94, %mul3A_93 : i32
    %dma_start3A_96 = arith.constant 3840 : i32
    %dma_start3A_97 = tpu.memref_slice %arg20[%dma_start3A_96] : memref<10240xf32, #tpu.memory_space<vmem>> -> memref<640xf32, #tpu.memory_space<vmem>>
    %dma_start3A_98 = tpu.memref_slice %arg25[%add3A_95] : memref<262144xf32, #tpu.memory_space<vmem_shared>> -> memref<640xf32, #tpu.memory_space<vmem_shared>>
    %dma_start3A_99 = arith.constant 3840 : i32
    %dma_start3A_100 = tpu.memref_slice %arg20[%dma_start3A_99] : memref<10240xf32, #tpu.memory_space<vmem>> -> memref<640xf32, #tpu.memory_space<vmem>>
    %dma_start3A_101 = tpu.memref_slice %arg25[%add3A_95] : memref<262144xf32, #tpu.memory_space<vmem_shared>> -> memref<640xf32, #tpu.memory_space<vmem_shared>>
    tpu.enqueue_dma source(%dma_start3A_101 : memref<640xf32, #tpu.memory_space<vmem_shared>>) target(%dma_start3A_100 : memref<640xf32, #tpu.memory_space<vmem>>) target_semaphore(%arg26 : memref<!tpu.dma_semaphore, #tpu.memory_space<semaphore_mem>>)
    %mul3A_102 = arith.constant 640 : i32
    %mul3A_103 = arith.muli %arg1, %mul3A_102 : i32
    %add3A_104 = arith.constant 71680 : i32
    %add3A_105 = arith.addi %add3A_104, %mul3A_103 : i32
    %dma_start3A_106 = arith.constant 4480 : i32
    %dma_start3A_107 = tpu.memref_slice %arg20[%dma_start3A_106] : memref<10240xf32, #tpu.memory_space<vmem>> -> memref<640xf32, #tpu.memory_space<vmem>>
    %dma_start3A_108 = tpu.memref_slice %arg25[%add3A_105] : memref<262144xf32, #tpu.memory_space<vmem_shared>> -> memref<640xf32, #tpu.memory_space<vmem_shared>>
    %dma_start3A_109 = arith.constant 4480 : i32
    %dma_start3A_110 = tpu.memref_slice %arg20[%dma_start3A_109] : memref<10240xf32, #tpu.memory_space<vmem>> -> memref<640xf32, #tpu.memory_space<vmem>>
    %dma_start3A_111 = tpu.memref_slice %arg25[%add3A_105] : memref<262144xf32, #tpu.memory_space<vmem_shared>> -> memref<640xf32, #tpu.memory_space<vmem_shared>>
    tpu.enqueue_dma source(%dma_start3A_111 : memref<640xf32, #tpu.memory_space<vmem_shared>>) target(%dma_start3A_110 : memref<640xf32, #tpu.memory_space<vmem>>) target_semaphore(%arg26 : memref<!tpu.dma_semaphore, #tpu.memory_space<semaphore_mem>>)
    %mul3A_112 = arith.constant 640 : i32
    %mul3A_113 = arith.muli %arg1, %mul3A_112 : i32
    %add3A_114 = arith.constant 81920 : i32
    %add3A_115 = arith.addi %add3A_114, %mul3A_113 : i32
    %dma_start3A_116 = arith.constant 5120 : i32
    %dma_start3A_117 = tpu.memref_slice %arg20[%dma_start3A_116] : memref<10240xf32, #tpu.memory_space<vmem>> -> memref<640xf32, #tpu.memory_space<vmem>>
    %dma_start3A_118 = tpu.memref_slice %arg25[%add3A_115] : memref<262144xf32, #tpu.memory_space<vmem_shared>> -> memref<640xf32, #tpu.memory_space<vmem_shared>>
    %dma_start3A_119 = arith.constant 5120 : i32
    %dma_start3A_120 = tpu.memref_slice %arg20[%dma_start3A_119] : memref<10240xf32, #tpu.memory_space<vmem>> -> memref<640xf32, #tpu.memory_space<vmem>>
    %dma_start3A_121 = tpu.memref_slice %arg25[%add3A_115] : memref<262144xf32, #tpu.memory_space<vmem_shared>> -> memref<640xf32, #tpu.memory_space<vmem_shared>>
    tpu.enqueue_dma source(%dma_start3A_121 : memref<640xf32, #tpu.memory_space<vmem_shared>>) target(%dma_start3A_120 : memref<640xf32, #tpu.memory_space<vmem>>) target_semaphore(%arg26 : memref<!tpu.dma_semaphore, #tpu.memory_space<semaphore_mem>>)
    %mul3A_122 = arith.constant 640 : i32
    %mul3A_123 = arith.muli %arg1, %mul3A_122 : i32
    %add3A_124 = arith.constant 92160 : i32
    %add3A_125 = arith.addi %add3A_124, %mul3A_123 : i32
    %dma_start3A_126 = arith.constant 5760 : i32
    %dma_start3A_127 = tpu.memref_slice %arg20[%dma_start3A_126] : memref<10240xf32, #tpu.memory_space<vmem>> -> memref<640xf32, #tpu.memory_space<vmem>>
    %dma_start3A_128 = tpu.memref_slice %arg25[%add3A_125] : memref<262144xf32, #tpu.memory_space<vmem_shared>> -> memref<640xf32, #tpu.memory_space<vmem_shared>>
    %dma_start3A_129 = arith.constant 5760 : i32
    %dma_start3A_130 = tpu.memref_slice %arg20[%dma_start3A_129] : memref<10240xf32, #tpu.memory_space<vmem>> -> memref<640xf32, #tpu.memory_space<vmem>>
    %dma_start3A_131 = tpu.memref_slice %arg25[%add3A_125] : memref<262144xf32, #tpu.memory_space<vmem_shared>> -> memref<640xf32, #tpu.memory_space<vmem_shared>>
    tpu.enqueue_dma source(%dma_start3A_131 : memref<640xf32, #tpu.memory_space<vmem_shared>>) target(%dma_start3A_130 : memref<640xf32, #tpu.memory_space<vmem>>) target_semaphore(%arg26 : memref<!tpu.dma_semaphore, #tpu.memory_space<semaphore_mem>>)
    %mul3A_132 = arith.constant 640 : i32
    %mul3A_133 = arith.muli %arg1, %mul3A_132 : i32
    %add3A_134 = arith.constant 102400 : i32
    %add3A_135 = arith.addi %add3A_134, %mul3A_133 : i32
    %dma_start3A_136 = arith.constant 6400 : i32
    %dma_start3A_137 = tpu.memref_slice %arg20[%dma_start3A_136] : memref<10240xf32, #tpu.memory_space<vmem>> -> memref<640xf32, #tpu.memory_space<vmem>>
    %dma_start3A_138 = tpu.memref_slice %arg25[%add3A_135] : memref<262144xf32, #tpu.memory_space<vmem_shared>> -> memref<640xf32, #tpu.memory_space<vmem_shared>>
    %dma_start3A_139 = arith.constant 6400 : i32
    %dma_start3A_140 = tpu.memref_slice %arg20[%dma_start3A_139] : memref<10240xf32, #tpu.memory_space<vmem>> -> memref<640xf32, #tpu.memory_space<vmem>>
    %dma_start3A_141 = tpu.memref_slice %arg25[%add3A_135] : memref<262144xf32, #tpu.memory_space<vmem_shared>> -> memref<640xf32, #tpu.memory_space<vmem_shared>>
    tpu.enqueue_dma source(%dma_start3A_141 : memref<640xf32, #tpu.memory_space<vmem_shared>>) target(%dma_start3A_140 : memref<640xf32, #tpu.memory_space<vmem>>) target_semaphore(%arg26 : memref<!tpu.dma_semaphore, #tpu.memory_space<semaphore_mem>>)
    %mul3A_142 = arith.constant 640 : i32
    %mul3A_143 = arith.muli %arg1, %mul3A_142 : i32
    %add3A_144 = arith.constant 112640 : i32
    %add3A_145 = arith.addi %add3A_144, %mul3A_143 : i32
    %dma_start3A_146 = arith.constant 7040 : i32
    %dma_start3A_147 = tpu.memref_slice %arg20[%dma_start3A_146] : memref<10240xf32, #tpu.memory_space<vmem>> -> memref<640xf32, #tpu.memory_space<vmem>>
    %dma_start3A_148 = tpu.memref_slice %arg25[%add3A_145] : memref<262144xf32, #tpu.memory_space<vmem_shared>> -> memref<640xf32, #tpu.memory_space<vmem_shared>>
    %dma_start3A_149 = arith.constant 7040 : i32
    %dma_start3A_150 = tpu.memref_slice %arg20[%dma_start3A_149] : memref<10240xf32, #tpu.memory_space<vmem>> -> memref<640xf32, #tpu.memory_space<vmem>>
    %dma_start3A_151 = tpu.memref_slice %arg25[%add3A_145] : memref<262144xf32, #tpu.memory_space<vmem_shared>> -> memref<640xf32, #tpu.memory_space<vmem_shared>>
    tpu.enqueue_dma source(%dma_start3A_151 : memref<640xf32, #tpu.memory_space<vmem_shared>>) target(%dma_start3A_150 : memref<640xf32, #tpu.memory_space<vmem>>) target_semaphore(%arg26 : memref<!tpu.dma_semaphore, #tpu.memory_space<semaphore_mem>>)
    %mul3A_152 = arith.constant 640 : i32
    %mul3A_153 = arith.muli %arg1, %mul3A_152 : i32
    %add3A_154 = arith.constant 122880 : i32
    %add3A_155 = arith.addi %add3A_154, %mul3A_153 : i32
    %dma_start3A_156 = arith.constant 7680 : i32
    %dma_start3A_157 = tpu.memref_slice %arg20[%dma_start3A_156] : memref<10240xf32, #tpu.memory_space<vmem>> -> memref<640xf32, #tpu.memory_space<vmem>>
    %dma_start3A_158 = tpu.memref_slice %arg25[%add3A_155] : memref<262144xf32, #tpu.memory_space<vmem_shared>> -> memref<640xf32, #tpu.memory_space<vmem_shared>>
    %dma_start3A_159 = arith.constant 7680 : i32
    %dma_start3A_160 = tpu.memref_slice %arg20[%dma_start3A_159] : memref<10240xf32, #tpu.memory_space<vmem>> -> memref<640xf32, #tpu.memory_space<vmem>>
    %dma_start3A_161 = tpu.memref_slice %arg25[%add3A_155] : memref<262144xf32, #tpu.memory_space<vmem_shared>> -> memref<640xf32, #tpu.memory_space<vmem_shared>>
    tpu.enqueue_dma source(%dma_start3A_161 : memref<640xf32, #tpu.memory_space<vmem_shared>>) target(%dma_start3A_160 : memref<640xf32, #tpu.memory_space<vmem>>) target_semaphore(%arg26 : memref<!tpu.dma_semaphore, #tpu.memory_space<semaphore_mem>>)
    %mul3A_162 = arith.constant 640 : i32
    %mul3A_163 = arith.muli %arg1, %mul3A_162 : i32
    %add3A_164 = arith.constant 133120 : i32
    %add3A_165 = arith.addi %add3A_164, %mul3A_163 : i32
    %dma_start3A_166 = arith.constant 8320 : i32
    %dma_start3A_167 = tpu.memref_slice %arg20[%dma_start3A_166] : memref<10240xf32, #tpu.memory_space<vmem>> -> memref<640xf32, #tpu.memory_space<vmem>>
    %dma_start3A_168 = tpu.memref_slice %arg25[%add3A_165] : memref<262144xf32, #tpu.memory_space<vmem_shared>> -> memref<640xf32, #tpu.memory_space<vmem_shared>>
    %dma_start3A_169 = arith.constant 8320 : i32
    %dma_start3A_170 = tpu.memref_slice %arg20[%dma_start3A_169] : memref<10240xf32, #tpu.memory_space<vmem>> -> memref<640xf32, #tpu.memory_space<vmem>>
    %dma_start3A_171 = tpu.memref_slice %arg25[%add3A_165] : memref<262144xf32, #tpu.memory_space<vmem_shared>> -> memref<640xf32, #tpu.memory_space<vmem_shared>>
    tpu.enqueue_dma source(%dma_start3A_171 : memref<640xf32, #tpu.memory_space<vmem_shared>>) target(%dma_start3A_170 : memref<640xf32, #tpu.memory_space<vmem>>) target_semaphore(%arg26 : memref<!tpu.dma_semaphore, #tpu.memory_space<semaphore_mem>>)
    %mul3A_172 = arith.constant 640 : i32
    %mul3A_173 = arith.muli %arg1, %mul3A_172 : i32
    %add3A_174 = arith.constant 143360 : i32
    %add3A_175 = arith.addi %add3A_174, %mul3A_173 : i32
    %dma_start3A_176 = arith.constant 8960 : i32
    %dma_start3A_177 = tpu.memref_slice %arg20[%dma_start3A_176] : memref<10240xf32, #tpu.memory_space<vmem>> -> memref<640xf32, #tpu.memory_space<vmem>>
    %dma_start3A_178 = tpu.memref_slice %arg25[%add3A_175] : memref<262144xf32, #tpu.memory_space<vmem_shared>> -> memref<640xf32, #tpu.memory_space<vmem_shared>>
    %dma_start3A_179 = arith.constant 8960 : i32
    %dma_start3A_180 = tpu.memref_slice %arg20[%dma_start3A_179] : memref<10240xf32, #tpu.memory_space<vmem>> -> memref<640xf32, #tpu.memory_space<vmem>>
    %dma_start3A_181 = tpu.memref_slice %arg25[%add3A_175] : memref<262144xf32, #tpu.memory_space<vmem_shared>> -> memref<640xf32, #tpu.memory_space<vmem_shared>>
    tpu.enqueue_dma source(%dma_start3A_181 : memref<640xf32, #tpu.memory_space<vmem_shared>>) target(%dma_start3A_180 : memref<640xf32, #tpu.memory_space<vmem>>) target_semaphore(%arg26 : memref<!tpu.dma_semaphore, #tpu.memory_space<semaphore_mem>>)
    %mul3A_182 = arith.constant 640 : i32
    %mul3A_183 = arith.muli %arg1, %mul3A_182 : i32
    %add3A_184 = arith.constant 153600 : i32
    %add3A_185 = arith.addi %add3A_184, %mul3A_183 : i32
    %dma_start3A_186 = arith.constant 9600 : i32
    %dma_start3A_187 = tpu.memref_slice %arg20[%dma_start3A_186] : memref<10240xf32, #tpu.memory_space<vmem>> -> memref<640xf32, #tpu.memory_space<vmem>>
    %dma_start3A_188 = tpu.memref_slice %arg25[%add3A_185] : memref<262144xf32, #tpu.memory_space<vmem_shared>> -> memref<640xf32, #tpu.memory_space<vmem_shared>>
    %dma_start3A_189 = arith.constant 9600 : i32
    %dma_start3A_190 = tpu.memref_slice %arg20[%dma_start3A_189] : memref<10240xf32, #tpu.memory_space<vmem>> -> memref<640xf32, #tpu.memory_space<vmem>>
    %dma_start3A_191 = tpu.memref_slice %arg25[%add3A_185] : memref<262144xf32, #tpu.memory_space<vmem_shared>> -> memref<640xf32, #tpu.memory_space<vmem_shared>>
    tpu.enqueue_dma source(%dma_start3A_191 : memref<640xf32, #tpu.memory_space<vmem_shared>>) target(%dma_start3A_190 : memref<640xf32, #tpu.memory_space<vmem>>) target_semaphore(%arg26 : memref<!tpu.dma_semaphore, #tpu.memory_space<semaphore_mem>>)
    %dma_wait3A = arith.constant 0 : i32
    %dma_wait3A_192 = tpu.memref_slice %arg20[%dma_wait3A] : memref<10240xf32, #tpu.memory_space<vmem>> -> memref<640xf32, #tpu.memory_space<vmem>>
    %dma_wait3A_193 = tpu.memref_slice %arg25[%add3A_36] : memref<262144xf32, #tpu.memory_space<vmem_shared>> -> memref<640xf32, #tpu.memory_space<vmem_shared>>
    %dma_wait3A_194 = arith.constant 0 : i32
    %dma_wait3A_195 = tpu.memref_slice %arg20[%dma_wait3A_194] : memref<10240xf32, #tpu.memory_space<vmem>> -> memref<640xf32, #tpu.memory_space<vmem>>
    %dma_wait3A_196 = tpu.memref_slice %arg25[%add3A_36] : memref<262144xf32, #tpu.memory_space<vmem_shared>> -> memref<640xf32, #tpu.memory_space<vmem_shared>>
    tpu.wait_dma2 semaphore(%arg26 : memref<!tpu.dma_semaphore, #tpu.memory_space<semaphore_mem>>) src(%dma_wait3A_196 : memref<640xf32, #tpu.memory_space<vmem_shared>>) dst(%dma_wait3A_195 : memref<640xf32, #tpu.memory_space<vmem>>)
    %dma_wait3A_197 = arith.constant 640 : i32
    %dma_wait3A_198 = tpu.memref_slice %arg20[%dma_wait3A_197] : memref<10240xf32, #tpu.memory_space<vmem>> -> memref<640xf32, #tpu.memory_space<vmem>>
    %dma_wait3A_199 = tpu.memref_slice %arg25[%add3A_45] : memref<262144xf32, #tpu.memory_space<vmem_shared>> -> memref<640xf32, #tpu.memory_space<vmem_shared>>
    %dma_wait3A_200 = arith.constant 640 : i32
    %dma_wait3A_201 = tpu.memref_slice %arg20[%dma_wait3A_200] : memref<10240xf32, #tpu.memory_space<vmem>> -> memref<640xf32, #tpu.memory_space<vmem>>
    %dma_wait3A_202 = tpu.memref_slice %arg25[%add3A_45] : memref<262144xf32, #tpu.memory_space<vmem_shared>> -> memref<640xf32, #tpu.memory_space<vmem_shared>>
    tpu.wait_dma2 semaphore(%arg26 : memref<!tpu.dma_semaphore, #tpu.memory_space<semaphore_mem>>) src(%dma_wait3A_202 : memref<640xf32, #tpu.memory_space<vmem_shared>>) dst(%dma_wait3A_201 : memref<640xf32, #tpu.memory_space<vmem>>)
    %dma_wait3A_203 = arith.constant 1280 : i32
    %dma_wait3A_204 = tpu.memref_slice %arg20[%dma_wait3A_203] : memref<10240xf32, #tpu.memory_space<vmem>> -> memref<640xf32, #tpu.memory_space<vmem>>
    %dma_wait3A_205 = tpu.memref_slice %arg25[%add3A_55] : memref<262144xf32, #tpu.memory_space<vmem_shared>> -> memref<640xf32, #tpu.memory_space<vmem_shared>>
    %dma_wait3A_206 = arith.constant 1280 : i32
    %dma_wait3A_207 = tpu.memref_slice %arg20[%dma_wait3A_206] : memref<10240xf32, #tpu.memory_space<vmem>> -> memref<640xf32, #tpu.memory_space<vmem>>
    %dma_wait3A_208 = tpu.memref_slice %arg25[%add3A_55] : memref<262144xf32, #tpu.memory_space<vmem_shared>> -> memref<640xf32, #tpu.memory_space<vmem_shared>>
    tpu.wait_dma2 semaphore(%arg26 : memref<!tpu.dma_semaphore, #tpu.memory_space<semaphore_mem>>) src(%dma_wait3A_208 : memref<640xf32, #tpu.memory_space<vmem_shared>>) dst(%dma_wait3A_207 : memref<640xf32, #tpu.memory_space<vmem>>)
    %dma_wait3A_209 = arith.constant 1920 : i32
    %dma_wait3A_210 = tpu.memref_slice %arg20[%dma_wait3A_209] : memref<10240xf32, #tpu.memory_space<vmem>> -> memref<640xf32, #tpu.memory_space<vmem>>
    %dma_wait3A_211 = tpu.memref_slice %arg25[%add3A_65] : memref<262144xf32, #tpu.memory_space<vmem_shared>> -> memref<640xf32, #tpu.memory_space<vmem_shared>>
    %dma_wait3A_212 = arith.constant 1920 : i32
    %dma_wait3A_213 = tpu.memref_slice %arg20[%dma_wait3A_212] : memref<10240xf32, #tpu.memory_space<vmem>> -> memref<640xf32, #tpu.memory_space<vmem>>
    %dma_wait3A_214 = tpu.memref_slice %arg25[%add3A_65] : memref<262144xf32, #tpu.memory_space<vmem_shared>> -> memref<640xf32, #tpu.memory_space<vmem_shared>>
    tpu.wait_dma2 semaphore(%arg26 : memref<!tpu.dma_semaphore, #tpu.memory_space<semaphore_mem>>) src(%dma_wait3A_214 : memref<640xf32, #tpu.memory_space<vmem_shared>>) dst(%dma_wait3A_213 : memref<640xf32, #tpu.memory_space<vmem>>)
    %dma_wait3A_215 = arith.constant 2560 : i32
    %dma_wait3A_216 = tpu.memref_slice %arg20[%dma_wait3A_215] : memref<10240xf32, #tpu.memory_space<vmem>> -> memref<640xf32, #tpu.memory_space<vmem>>
    %dma_wait3A_217 = tpu.memref_slice %arg25[%add3A_75] : memref<262144xf32, #tpu.memory_space<vmem_shared>> -> memref<640xf32, #tpu.memory_space<vmem_shared>>
    %dma_wait3A_218 = arith.constant 2560 : i32
    %dma_wait3A_219 = tpu.memref_slice %arg20[%dma_wait3A_218] : memref<10240xf32, #tpu.memory_space<vmem>> -> memref<640xf32, #tpu.memory_space<vmem>>
    %dma_wait3A_220 = tpu.memref_slice %arg25[%add3A_75] : memref<262144xf32, #tpu.memory_space<vmem_shared>> -> memref<640xf32, #tpu.memory_space<vmem_shared>>
    tpu.wait_dma2 semaphore(%arg26 : memref<!tpu.dma_semaphore, #tpu.memory_space<semaphore_mem>>) src(%dma_wait3A_220 : memref<640xf32, #tpu.memory_space<vmem_shared>>) dst(%dma_wait3A_219 : memref<640xf32, #tpu.memory_space<vmem>>)
    %dma_wait3A_221 = arith.constant 3200 : i32
    %dma_wait3A_222 = tpu.memref_slice %arg20[%dma_wait3A_221] : memref<10240xf32, #tpu.memory_space<vmem>> -> memref<640xf32, #tpu.memory_space<vmem>>
    %dma_wait3A_223 = tpu.memref_slice %arg25[%add3A_85] : memref<262144xf32, #tpu.memory_space<vmem_shared>> -> memref<640xf32, #tpu.memory_space<vmem_shared>>
    %dma_wait3A_224 = arith.constant 3200 : i32
    %dma_wait3A_225 = tpu.memref_slice %arg20[%dma_wait3A_224] : memref<10240xf32, #tpu.memory_space<vmem>> -> memref<640xf32, #tpu.memory_space<vmem>>
    %dma_wait3A_226 = tpu.memref_slice %arg25[%add3A_85] : memref<262144xf32, #tpu.memory_space<vmem_shared>> -> memref<640xf32, #tpu.memory_space<vmem_shared>>
    tpu.wait_dma2 semaphore(%arg26 : memref<!tpu.dma_semaphore, #tpu.memory_space<semaphore_mem>>) src(%dma_wait3A_226 : memref<640xf32, #tpu.memory_space<vmem_shared>>) dst(%dma_wait3A_225 : memref<640xf32, #tpu.memory_space<vmem>>)
    %dma_wait3A_227 = arith.constant 3840 : i32
    %dma_wait3A_228 = tpu.memref_slice %arg20[%dma_wait3A_227] : memref<10240xf32, #tpu.memory_space<vmem>> -> memref<640xf32, #tpu.memory_space<vmem>>
    %dma_wait3A_229 = tpu.memref_slice %arg25[%add3A_95] : memref<262144xf32, #tpu.memory_space<vmem_shared>> -> memref<640xf32, #tpu.memory_space<vmem_shared>>
    %dma_wait3A_230 = arith.constant 3840 : i32
    %dma_wait3A_231 = tpu.memref_slice %arg20[%dma_wait3A_230] : memref<10240xf32, #tpu.memory_space<vmem>> -> memref<640xf32, #tpu.memory_space<vmem>>
    %dma_wait3A_232 = tpu.memref_slice %arg25[%add3A_95] : memref<262144xf32, #tpu.memory_space<vmem_shared>> -> memref<640xf32, #tpu.memory_space<vmem_shared>>
    tpu.wait_dma2 semaphore(%arg26 : memref<!tpu.dma_semaphore, #tpu.memory_space<semaphore_mem>>) src(%dma_wait3A_232 : memref<640xf32, #tpu.memory_space<vmem_shared>>) dst(%dma_wait3A_231 : memref<640xf32, #tpu.memory_space<vmem>>)
    %dma_wait3A_233 = arith.constant 4480 : i32
    %dma_wait3A_234 = tpu.memref_slice %arg20[%dma_wait3A_233] : memref<10240xf32, #tpu.memory_space<vmem>> -> memref<640xf32, #tpu.memory_space<vmem>>
    %dma_wait3A_235 = tpu.memref_slice %arg25[%add3A_105] : memref<262144xf32, #tpu.memory_space<vmem_shared>> -> memref<640xf32, #tpu.memory_space<vmem_shared>>
    %dma_wait3A_236 = arith.constant 4480 : i32
    %dma_wait3A_237 = tpu.memref_slice %arg20[%dma_wait3A_236] : memref<10240xf32, #tpu.memory_space<vmem>> -> memref<640xf32, #tpu.memory_space<vmem>>
    %dma_wait3A_238 = tpu.memref_slice %arg25[%add3A_105] : memref<262144xf32, #tpu.memory_space<vmem_shared>> -> memref<640xf32, #tpu.memory_space<vmem_shared>>
    tpu.wait_dma2 semaphore(%arg26 : memref<!tpu.dma_semaphore, #tpu.memory_space<semaphore_mem>>) src(%dma_wait3A_238 : memref<640xf32, #tpu.memory_space<vmem_shared>>) dst(%dma_wait3A_237 : memref<640xf32, #tpu.memory_space<vmem>>)
    %dma_wait3A_239 = arith.constant 5120 : i32
    %dma_wait3A_240 = tpu.memref_slice %arg20[%dma_wait3A_239] : memref<10240xf32, #tpu.memory_space<vmem>> -> memref<640xf32, #tpu.memory_space<vmem>>
    %dma_wait3A_241 = tpu.memref_slice %arg25[%add3A_115] : memref<262144xf32, #tpu.memory_space<vmem_shared>> -> memref<640xf32, #tpu.memory_space<vmem_shared>>
    %dma_wait3A_242 = arith.constant 5120 : i32
    %dma_wait3A_243 = tpu.memref_slice %arg20[%dma_wait3A_242] : memref<10240xf32, #tpu.memory_space<vmem>> -> memref<640xf32, #tpu.memory_space<vmem>>
    %dma_wait3A_244 = tpu.memref_slice %arg25[%add3A_115] : memref<262144xf32, #tpu.memory_space<vmem_shared>> -> memref<640xf32, #tpu.memory_space<vmem_shared>>
    tpu.wait_dma2 semaphore(%arg26 : memref<!tpu.dma_semaphore, #tpu.memory_space<semaphore_mem>>) src(%dma_wait3A_244 : memref<640xf32, #tpu.memory_space<vmem_shared>>) dst(%dma_wait3A_243 : memref<640xf32, #tpu.memory_space<vmem>>)
    %dma_wait3A_245 = arith.constant 5760 : i32
    %dma_wait3A_246 = tpu.memref_slice %arg20[%dma_wait3A_245] : memref<10240xf32, #tpu.memory_space<vmem>> -> memref<640xf32, #tpu.memory_space<vmem>>
    %dma_wait3A_247 = tpu.memref_slice %arg25[%add3A_125] : memref<262144xf32, #tpu.memory_space<vmem_shared>> -> memref<640xf32, #tpu.memory_space<vmem_shared>>
    %dma_wait3A_248 = arith.constant 5760 : i32
    %dma_wait3A_249 = tpu.memref_slice %arg20[%dma_wait3A_248] : memref<10240xf32, #tpu.memory_space<vmem>> -> memref<640xf32, #tpu.memory_space<vmem>>
    %dma_wait3A_250 = tpu.memref_slice %arg25[%add3A_125] : memref<262144xf32, #tpu.memory_space<vmem_shared>> -> memref<640xf32, #tpu.memory_space<vmem_shared>>
    tpu.wait_dma2 semaphore(%arg26 : memref<!tpu.dma_semaphore, #tpu.memory_space<semaphore_mem>>) src(%dma_wait3A_250 : memref<640xf32, #tpu.memory_space<vmem_shared>>) dst(%dma_wait3A_249 : memref<640xf32, #tpu.memory_space<vmem>>)
    %dma_wait3A_251 = arith.constant 6400 : i32
    %dma_wait3A_252 = tpu.memref_slice %arg20[%dma_wait3A_251] : memref<10240xf32, #tpu.memory_space<vmem>> -> memref<640xf32, #tpu.memory_space<vmem>>
    %dma_wait3A_253 = tpu.memref_slice %arg25[%add3A_135] : memref<262144xf32, #tpu.memory_space<vmem_shared>> -> memref<640xf32, #tpu.memory_space<vmem_shared>>
    %dma_wait3A_254 = arith.constant 6400 : i32
    %dma_wait3A_255 = tpu.memref_slice %arg20[%dma_wait3A_254] : memref<10240xf32, #tpu.memory_space<vmem>> -> memref<640xf32, #tpu.memory_space<vmem>>
    %dma_wait3A_256 = tpu.memref_slice %arg25[%add3A_135] : memref<262144xf32, #tpu.memory_space<vmem_shared>> -> memref<640xf32, #tpu.memory_space<vmem_shared>>
    tpu.wait_dma2 semaphore(%arg26 : memref<!tpu.dma_semaphore, #tpu.memory_space<semaphore_mem>>) src(%dma_wait3A_256 : memref<640xf32, #tpu.memory_space<vmem_shared>>) dst(%dma_wait3A_255 : memref<640xf32, #tpu.memory_space<vmem>>)
    %dma_wait3A_257 = arith.constant 7040 : i32
    %dma_wait3A_258 = tpu.memref_slice %arg20[%dma_wait3A_257] : memref<10240xf32, #tpu.memory_space<vmem>> -> memref<640xf32, #tpu.memory_space<vmem>>
    %dma_wait3A_259 = tpu.memref_slice %arg25[%add3A_145] : memref<262144xf32, #tpu.memory_space<vmem_shared>> -> memref<640xf32, #tpu.memory_space<vmem_shared>>
    %dma_wait3A_260 = arith.constant 7040 : i32
    %dma_wait3A_261 = tpu.memref_slice %arg20[%dma_wait3A_260] : memref<10240xf32, #tpu.memory_space<vmem>> -> memref<640xf32, #tpu.memory_space<vmem>>
    %dma_wait3A_262 = tpu.memref_slice %arg25[%add3A_145] : memref<262144xf32, #tpu.memory_space<vmem_shared>> -> memref<640xf32, #tpu.memory_space<vmem_shared>>
    tpu.wait_dma2 semaphore(%arg26 : memref<!tpu.dma_semaphore, #tpu.memory_space<semaphore_mem>>) src(%dma_wait3A_262 : memref<640xf32, #tpu.memory_space<vmem_shared>>) dst(%dma_wait3A_261 : memref<640xf32, #tpu.memory_space<vmem>>)
    %dma_wait3A_263 = arith.constant 7680 : i32
    %dma_wait3A_264 = tpu.memref_slice %arg20[%dma_wait3A_263] : memref<10240xf32, #tpu.memory_space<vmem>> -> memref<640xf32, #tpu.memory_space<vmem>>
    %dma_wait3A_265 = tpu.memref_slice %arg25[%add3A_155] : memref<262144xf32, #tpu.memory_space<vmem_shared>> -> memref<640xf32, #tpu.memory_space<vmem_shared>>
    %dma_wait3A_266 = arith.constant 7680 : i32
    %dma_wait3A_267 = tpu.memref_slice %arg20[%dma_wait3A_266] : memref<10240xf32, #tpu.memory_space<vmem>> -> memref<640xf32, #tpu.memory_space<vmem>>
    %dma_wait3A_268 = tpu.memref_slice %arg25[%add3A_155] : memref<262144xf32, #tpu.memory_space<vmem_shared>> -> memref<640xf32, #tpu.memory_space<vmem_shared>>
    tpu.wait_dma2 semaphore(%arg26 : memref<!tpu.dma_semaphore, #tpu.memory_space<semaphore_mem>>) src(%dma_wait3A_268 : memref<640xf32, #tpu.memory_space<vmem_shared>>) dst(%dma_wait3A_267 : memref<640xf32, #tpu.memory_space<vmem>>)
    %dma_wait3A_269 = arith.constant 8320 : i32
    %dma_wait3A_270 = tpu.memref_slice %arg20[%dma_wait3A_269] : memref<10240xf32, #tpu.memory_space<vmem>> -> memref<640xf32, #tpu.memory_space<vmem>>
    %dma_wait3A_271 = tpu.memref_slice %arg25[%add3A_165] : memref<262144xf32, #tpu.memory_space<vmem_shared>> -> memref<640xf32, #tpu.memory_space<vmem_shared>>
    %dma_wait3A_272 = arith.constant 8320 : i32
    %dma_wait3A_273 = tpu.memref_slice %arg20[%dma_wait3A_272] : memref<10240xf32, #tpu.memory_space<vmem>> -> memref<640xf32, #tpu.memory_space<vmem>>
    %dma_wait3A_274 = tpu.memref_slice %arg25[%add3A_165] : memref<262144xf32, #tpu.memory_space<vmem_shared>> -> memref<640xf32, #tpu.memory_space<vmem_shared>>
    tpu.wait_dma2 semaphore(%arg26 : memref<!tpu.dma_semaphore, #tpu.memory_space<semaphore_mem>>) src(%dma_wait3A_274 : memref<640xf32, #tpu.memory_space<vmem_shared>>) dst(%dma_wait3A_273 : memref<640xf32, #tpu.memory_space<vmem>>)
    %dma_wait3A_275 = arith.constant 8960 : i32
    %dma_wait3A_276 = tpu.memref_slice %arg20[%dma_wait3A_275] : memref<10240xf32, #tpu.memory_space<vmem>> -> memref<640xf32, #tpu.memory_space<vmem>>
    %dma_wait3A_277 = tpu.memref_slice %arg25[%add3A_175] : memref<262144xf32, #tpu.memory_space<vmem_shared>> -> memref<640xf32, #tpu.memory_space<vmem_shared>>
    %dma_wait3A_278 = arith.constant 8960 : i32
    %dma_wait3A_279 = tpu.memref_slice %arg20[%dma_wait3A_278] : memref<10240xf32, #tpu.memory_space<vmem>> -> memref<640xf32, #tpu.memory_space<vmem>>
    %dma_wait3A_280 = tpu.memref_slice %arg25[%add3A_175] : memref<262144xf32, #tpu.memory_space<vmem_shared>> -> memref<640xf32, #tpu.memory_space<vmem_shared>>
    tpu.wait_dma2 semaphore(%arg26 : memref<!tpu.dma_semaphore, #tpu.memory_space<semaphore_mem>>) src(%dma_wait3A_280 : memref<640xf32, #tpu.memory_space<vmem_shared>>) dst(%dma_wait3A_279 : memref<640xf32, #tpu.memory_space<vmem>>)
    %dma_wait3A_281 = arith.constant 9600 : i32
    %dma_wait3A_282 = tpu.memref_slice %arg20[%dma_wait3A_281] : memref<10240xf32, #tpu.memory_space<vmem>> -> memref<640xf32, #tpu.memory_space<vmem>>
    %dma_wait3A_283 = tpu.memref_slice %arg25[%add3A_185] : memref<262144xf32, #tpu.memory_space<vmem_shared>> -> memref<640xf32, #tpu.memory_space<vmem_shared>>
    %dma_wait3A_284 = arith.constant 9600 : i32
    %dma_wait3A_285 = tpu.memref_slice %arg20[%dma_wait3A_284] : memref<10240xf32, #tpu.memory_space<vmem>> -> memref<640xf32, #tpu.memory_space<vmem>>
    %dma_wait3A_286 = tpu.memref_slice %arg25[%add3A_185] : memref<262144xf32, #tpu.memory_space<vmem_shared>> -> memref<640xf32, #tpu.memory_space<vmem_shared>>
    tpu.wait_dma2 semaphore(%arg26 : memref<!tpu.dma_semaphore, #tpu.memory_space<semaphore_mem>>) src(%dma_wait3A_286 : memref<640xf32, #tpu.memory_space<vmem_shared>>) dst(%dma_wait3A_285 : memref<640xf32, #tpu.memory_space<vmem>>)
    %parallel_loop3A = arith.constant 0 : i32
    %parallel_loop3A_287 = arith.constant 40 : i32
    %parallel_loop3A_288 = arith.constant 1 : i32
    scf.for %parallel_loop3A_294 = %parallel_loop3A to %parallel_loop3A_287 step %parallel_loop3A_288  : i32 {
      %parallel_loop3A_295 = arith.constant 16 : i32
      %parallel_loop3A_296 = arith.muli %parallel_loop3A_294, %parallel_loop3A_295 : i32
      %parallel_loop3A_297 = arith.index_cast %parallel_loop3A_296 : i32 to index
      %parallel_loop3A_298 = tpu.vector_load %arg20[%parallel_loop3A_297] {strides = array<i32>} : memref<10240xf32, #tpu.memory_space<vmem>>, vector<16xf32>,
      %parallel_loop3A_299 = arith.constant 16 : i32
      %parallel_loop3A_300 = arith.muli %parallel_loop3A_294, %parallel_loop3A_299 : i32
      %parallel_loop3A_301 = arith.constant 640 : i32
      %parallel_loop3A_302 = arith.addi %parallel_loop3A_301, %parallel_loop3A_300 : i32
      %parallel_loop3A_303 = arith.index_cast %parallel_loop3A_302 : i32 to index
      %parallel_loop3A_304 = tpu.vector_load %arg20[%parallel_loop3A_303] {strides = array<i32>} : memref<10240xf32, #tpu.memory_space<vmem>>, vector<16xf32>,
      %parallel_loop3A_305 = arith.addf %parallel_loop3A_298, %parallel_loop3A_304 : vector<16xf32>
      %parallel_loop3A_306 = arith.constant 16 : i32
      %parallel_loop3A_307 = arith.muli %parallel_loop3A_294, %parallel_loop3A_306 : i32
      %parallel_loop3A_308 = arith.constant 1280 : i32
      %parallel_loop3A_309 = arith.addi %parallel_loop3A_308, %parallel_loop3A_307 : i32
      %parallel_loop3A_310 = arith.index_cast %parallel_loop3A_309 : i32 to index
      %parallel_loop3A_311 = tpu.vector_load %arg20[%parallel_loop3A_310] {strides = array<i32>} : memref<10240xf32, #tpu.memory_space<vmem>>, vector<16xf32>,
      %parallel_loop3A_312 = arith.addf %parallel_loop3A_305, %parallel_loop3A_311 : vector<16xf32>
      %parallel_loop3A_313 = arith.constant 16 : i32
      %parallel_loop3A_314 = arith.muli %parallel_loop3A_294, %parallel_loop3A_313 : i32
      %parallel_loop3A_315 = arith.constant 1920 : i32
      %parallel_loop3A_316 = arith.addi %parallel_loop3A_315, %parallel_loop3A_314 : i32
      %parallel_loop3A_317 = arith.index_cast %parallel_loop3A_316 : i32 to index
      %parallel_loop3A_318 = tpu.vector_load %arg20[%parallel_loop3A_317] {strides = array<i32>} : memref<10240xf32, #tpu.memory_space<vmem>>, vector<16xf32>,
      %parallel_loop3A_319 = arith.addf %parallel_loop3A_312, %parallel_loop3A_318 : vector<16xf32>
      %parallel_loop3A_320 = arith.constant 16 : i32
      %parallel_loop3A_321 = arith.muli %parallel_loop3A_294, %parallel_loop3A_320 : i32
      %parallel_loop3A_322 = arith.constant 2560 : i32
      %parallel_loop3A_323 = arith.addi %parallel_loop3A_322, %parallel_loop3A_321 : i32
      %parallel_loop3A_324 = arith.index_cast %parallel_loop3A_323 : i32 to index
      %parallel_loop3A_325 = tpu.vector_load %arg20[%parallel_loop3A_324] {strides = array<i32>} : memref<10240xf32, #tpu.memory_space<vmem>>, vector<16xf32>,
      %parallel_loop3A_326 = arith.addf %parallel_loop3A_319, %parallel_loop3A_325 : vector<16xf32>
      %parallel_loop3A_327 = arith.constant 16 : i32
      %parallel_loop3A_328 = arith.muli %parallel_loop3A_294, %parallel_loop3A_327 : i32
      %parallel_loop3A_329 = arith.constant 3200 : i32
      %parallel_loop3A_330 = arith.addi %parallel_loop3A_329, %parallel_loop3A_328 : i32
      %parallel_loop3A_331 = arith.index_cast %parallel_loop3A_330 : i32 to index
      %parallel_loop3A_332 = tpu.vector_load %arg20[%parallel_loop3A_331] {strides = array<i32>} : memref<10240xf32, #tpu.memory_space<vmem>>, vector<16xf32>,
      %parallel_loop3A_333 = arith.addf %parallel_loop3A_326, %parallel_loop3A_332 : vector<16xf32>
      %parallel_loop3A_334 = arith.constant 16 : i32
      %parallel_loop3A_335 = arith.muli %parallel_loop3A_294, %parallel_loop3A_334 : i32
      %parallel_loop3A_336 = arith.constant 3840 : i32
      %parallel_loop3A_337 = arith.addi %parallel_loop3A_336, %parallel_loop3A_335 : i32
      %parallel_loop3A_338 = arith.index_cast %parallel_loop3A_337 : i32 to index
      %parallel_loop3A_339 = tpu.vector_load %arg20[%parallel_loop3A_338] {strides = array<i32>} : memref<10240xf32, #tpu.memory_space<vmem>>, vector<16xf32>,
      %parallel_loop3A_340 = arith.addf %parallel_loop3A_333, %parallel_loop3A_339 : vector<16xf32>
      %parallel_loop3A_341 = arith.constant 16 : i32
      %parallel_loop3A_342 = arith.muli %parallel_loop3A_294, %parallel_loop3A_341 : i32
      %parallel_loop3A_343 = arith.constant 4480 : i32
      %parallel_loop3A_344 = arith.addi %parallel_loop3A_343, %parallel_loop3A_342 : i32
      %parallel_loop3A_345 = arith.index_cast %parallel_loop3A_344 : i32 to index
      %parallel_loop3A_346 = tpu.vector_load %arg20[%parallel_loop3A_345] {strides = array<i32>} : memref<10240xf32, #tpu.memory_space<vmem>>, vector<16xf32>,
      %parallel_loop3A_347 = arith.addf %parallel_loop3A_340, %parallel_loop3A_346 : vector<16xf32>
      %parallel_loop3A_348 = arith.constant 16 : i32
      %parallel_loop3A_349 = arith.muli %parallel_loop3A_294, %parallel_loop3A_348 : i32
      %parallel_loop3A_350 = arith.constant 5120 : i32
      %parallel_loop3A_351 = arith.addi %parallel_loop3A_350, %parallel_loop3A_349 : i32
      %parallel_loop3A_352 = arith.index_cast %parallel_loop3A_351 : i32 to index
      %parallel_loop3A_353 = tpu.vector_load %arg20[%parallel_loop3A_352] {strides = array<i32>} : memref<10240xf32, #tpu.memory_space<vmem>>, vector<16xf32>,
      %parallel_loop3A_354 = arith.addf %parallel_loop3A_347, %parallel_loop3A_353 : vector<16xf32>
      %parallel_loop3A_355 = arith.constant 16 : i32
      %parallel_loop3A_356 = arith.muli %parallel_loop3A_294, %parallel_loop3A_355 : i32
      %parallel_loop3A_357 = arith.constant 5760 : i32
      %parallel_loop3A_358 = arith.addi %parallel_loop3A_357, %parallel_loop3A_356 : i32
      %parallel_loop3A_359 = arith.index_cast %parallel_loop3A_358 : i32 to index
      %parallel_loop3A_360 = tpu.vector_load %arg20[%parallel_loop3A_359] {strides = array<i32>} : memref<10240xf32, #tpu.memory_space<vmem>>, vector<16xf32>,
      %parallel_loop3A_361 = arith.addf %parallel_loop3A_354, %parallel_loop3A_360 : vector<16xf32>
      %parallel_loop3A_362 = arith.constant 16 : i32
      %parallel_loop3A_363 = arith.muli %parallel_loop3A_294, %parallel_loop3A_362 : i32
      %parallel_loop3A_364 = arith.constant 6400 : i32
      %parallel_loop3A_365 = arith.addi %parallel_loop3A_364, %parallel_loop3A_363 : i32
      %parallel_loop3A_366 = arith.index_cast %parallel_loop3A_365 : i32 to index
      %parallel_loop3A_367 = tpu.vector_load %arg20[%parallel_loop3A_366] {strides = array<i32>} : memref<10240xf32, #tpu.memory_space<vmem>>, vector<16xf32>,
      %parallel_loop3A_368 = arith.addf %parallel_loop3A_361, %parallel_loop3A_367 : vector<16xf32>
      %parallel_loop3A_369 = arith.constant 16 : i32
      %parallel_loop3A_370 = arith.muli %parallel_loop3A_294, %parallel_loop3A_369 : i32
      %parallel_loop3A_371 = arith.constant 7040 : i32
      %parallel_loop3A_372 = arith.addi %parallel_loop3A_371, %parallel_loop3A_370 : i32
      %parallel_loop3A_373 = arith.index_cast %parallel_loop3A_372 : i32 to index
      %parallel_loop3A_374 = tpu.vector_load %arg20[%parallel_loop3A_373] {strides = array<i32>} : memref<10240xf32, #tpu.memory_space<vmem>>, vector<16xf32>,
      %parallel_loop3A_375 = arith.addf %parallel_loop3A_368, %parallel_loop3A_374 : vector<16xf32>
      %parallel_loop3A_376 = arith.constant 16 : i32
      %parallel_loop3A_377 = arith.muli %parallel_loop3A_294, %parallel_loop3A_376 : i32
      %parallel_loop3A_378 = arith.constant 7680 : i32
      %parallel_loop3A_379 = arith.addi %parallel_loop3A_378, %parallel_loop3A_377 : i32
      %parallel_loop3A_380 = arith.index_cast %parallel_loop3A_379 : i32 to index
      %parallel_loop3A_381 = tpu.vector_load %arg20[%parallel_loop3A_380] {strides = array<i32>} : memref<10240xf32, #tpu.memory_space<vmem>>, vector<16xf32>,
      %parallel_loop3A_382 = arith.addf %parallel_loop3A_375, %parallel_loop3A_381 : vector<16xf32>
      %parallel_loop3A_383 = arith.constant 16 : i32
      %parallel_loop3A_384 = arith.muli %parallel_loop3A_294, %parallel_loop3A_383 : i32
      %parallel_loop3A_385 = arith.constant 8320 : i32
      %parallel_loop3A_386 = arith.addi %parallel_loop3A_385, %parallel_loop3A_384 : i32
      %parallel_loop3A_387 = arith.index_cast %parallel_loop3A_386 : i32 to index
      %parallel_loop3A_388 = tpu.vector_load %arg20[%parallel_loop3A_387] {strides = array<i32>} : memref<10240xf32, #tpu.memory_space<vmem>>, vector<16xf32>,
      %parallel_loop3A_389 = arith.addf %parallel_loop3A_382, %parallel_loop3A_388 : vector<16xf32>
      %parallel_loop3A_390 = arith.constant 16 : i32
      %parallel_loop3A_391 = arith.muli %parallel_loop3A_294, %parallel_loop3A_390 : i32
      %parallel_loop3A_392 = arith.constant 8960 : i32
      %parallel_loop3A_393 = arith.addi %parallel_loop3A_392, %parallel_loop3A_391 : i32
      %parallel_loop3A_394 = arith.index_cast %parallel_loop3A_393 : i32 to index
      %parallel_loop3A_395 = tpu.vector_load %arg20[%parallel_loop3A_394] {strides = array<i32>} : memref<10240xf32, #tpu.memory_space<vmem>>, vector<16xf32>,
      %parallel_loop3A_396 = arith.addf %parallel_loop3A_389, %parallel_loop3A_395 : vector<16xf32>
      %parallel_loop3A_397 = arith.constant 16 : i32
      %parallel_loop3A_398 = arith.muli %parallel_loop3A_294, %parallel_loop3A_397 : i32
      %parallel_loop3A_399 = arith.constant 9600 : i32
      %parallel_loop3A_400 = arith.addi %parallel_loop3A_399, %parallel_loop3A_398 : i32
      %parallel_loop3A_401 = arith.index_cast %parallel_loop3A_400 : i32 to index
      %parallel_loop3A_402 = tpu.vector_load %arg20[%parallel_loop3A_401] {strides = array<i32>} : memref<10240xf32, #tpu.memory_space<vmem>>, vector<16xf32>,
      %parallel_loop3A_403 = arith.addf %parallel_loop3A_396, %parallel_loop3A_402 : vector<16xf32>
      %parallel_loop3A_404 = arith.constant 16 : i32
      %parallel_loop3A_405 = arith.muli %parallel_loop3A_294, %parallel_loop3A_404 : i32
      %parallel_loop3A_406 = arith.index_cast %parallel_loop3A_405 : i32 to index
      %parallel_loop3A_407 = tpu.vector_load %arg14[%parallel_loop3A_406] {strides = array<i32>} : memref<10240xf32, #tpu.memory_space<vmem>>, vector<16xf32>,
      tpu.vector_store %arg14[%parallel_loop3A_406], %parallel_loop3A_403 {strides = array<i32>} : memref<10240xf32, #tpu.memory_space<vmem>>, vector<16xf32>,
    } {sc.loop_unroll_factor = 4 : i64, sc.parallel_access}
    %mul3A_289 = arith.constant 10240 : i32
    %mul3A_290 = arith.muli %arg0, %mul3A_289 : i32
    %mul3A_291 = arith.constant 640 : i32
    %mul3A_292 = arith.muli %arg1, %mul3A_291 : i32
    %add3A_293 = arith.addi %mul3A_290, %mul3A_292 : i32
    "tpu.region"() ({
      %run_scoped3A = tpu.sem_alloc : memref<!tpu.dma_semaphore, #tpu.memory_space<semaphore_mem>>
      %dma_start3A_294 = arith.constant 0 : i32
      %dma_start3A_295 = tpu.memref_slice %arg14[%dma_start3A_294] : memref<10240xf32, #tpu.memory_space<vmem>> -> memref<640xf32, #tpu.memory_space<vmem>>
      %dma_start3A_296 = tpu.memref_slice %arg9[%add3A_293] : memref<20480xf32, #tpu.memory_space<hbm>> -> memref<640xf32, #tpu.memory_space<hbm>>
      %dma_start3A_297 = tpu.memref_slice %arg9[%add3A_293] : memref<20480xf32, #tpu.memory_space<hbm>> -> memref<640xf32, #tpu.memory_space<hbm>>
      %dma_start3A_298 = arith.constant 0 : i32
      %dma_start3A_299 = tpu.memref_slice %arg14[%dma_start3A_298] : memref<10240xf32, #tpu.memory_space<vmem>> -> memref<640xf32, #tpu.memory_space<vmem>>
      tpu.enqueue_dma source(%dma_start3A_299 : memref<640xf32, #tpu.memory_space<vmem>>) target(%dma_start3A_297 : memref<640xf32, #tpu.memory_space<hbm>>) target_semaphore(%run_scoped3A : memref<!tpu.dma_semaphore, #tpu.memory_space<semaphore_mem>>)
      %dma_wait3A_300 = arith.constant 0 : i32
      %dma_wait3A_301 = tpu.memref_slice %arg14[%dma_wait3A_300] : memref<10240xf32, #tpu.memory_space<vmem>> -> memref<640xf32, #tpu.memory_space<vmem>>
      %dma_wait3A_302 = tpu.memref_slice %arg9[%add3A_293] : memref<20480xf32, #tpu.memory_space<hbm>> -> memref<640xf32, #tpu.memory_space<hbm>>
      %dma_wait3A_303 = tpu.memref_slice %arg9[%add3A_293] : memref<20480xf32, #tpu.memory_space<hbm>> -> memref<640xf32, #tpu.memory_space<hbm>>
      %dma_wait3A_304 = arith.constant 0 : i32
      %dma_wait3A_305 = tpu.memref_slice %arg14[%dma_wait3A_304] : memref<10240xf32, #tpu.memory_space<vmem>> -> memref<640xf32, #tpu.memory_space<vmem>>
      tpu.wait_dma2 semaphore(%run_scoped3A : memref<!tpu.dma_semaphore, #tpu.memory_space<semaphore_mem>>) src(%dma_wait3A_305 : memref<640xf32, #tpu.memory_space<vmem>>) dst(%dma_wait3A_303 : memref<640xf32, #tpu.memory_space<hbm>>)
      tpu.yield
    }) : () -> ()
    return
  }
}

module attributes {stable_mosaic.version = 14 : i64} {
  func.func @_mm1_body(%arg0: memref<10240x128xf32, #tpu.memory_space<vmem>>, %arg1: memref<128x16xf32, #tpu.memory_space<vmem>>, %arg2: memref<128x16xf32, #tpu.memory_space<vmem>>, %arg3: memref<16x10240xf32, #tpu.memory_space<vmem>>, %arg4: memref<16x10240xf32, #tpu.memory_space<vmem>>) attributes {dimension_semantics = [], scalar_prefetch = 0 : i64, scratch_operands = 0 : i64, tpu.core_type = #tpu.core_type<tc>} {
    %get3A = arith.constant 0 : index
    %get3A_0 = arith.constant 0 : index
    %get3A_1 = vector.load %arg0[%get3A, %get3A_0] : memref<10240x128xf32, #tpu.memory_space<vmem>>, vector<10240x128xf32>
    %get3A_2 = arith.constant 0 : index
    %get3A_3 = arith.constant 0 : index
    %get3A_4 = vector.load %arg1[%get3A_2, %get3A_3] : memref<128x16xf32, #tpu.memory_space<vmem>>, vector<128x16xf32>
    %dot_general3A = arith.constant dense<0.000000e+00> : vector<16x10240xf32>
    %dot_general3A_5 = tpu.matmul %get3A_4, %get3A_1, %dot_general3A {dimension_numbers = #tpu.dot_dimension_numbers<[0], [1], [1], [0], [0, 1, 1, 0], [], []>, transpose_lhs_hint = false} : vector<128x16xf32>, vector<10240x128xf32>, vector<16x10240xf32> -> vector<16x10240xf32>
    %swap3A = arith.constant 0 : index
    %swap3A_6 = arith.constant 0 : index
    %swap3A_7 = vector.load %arg3[%swap3A, %swap3A_6] : memref<16x10240xf32, #tpu.memory_space<vmem>>, vector<16x10240xf32>
    tpu.vector_store %arg3[%swap3A, %swap3A_6], %dot_general3A_5 {strides = array<i32>} : memref<16x10240xf32, #tpu.memory_space<vmem>>, vector<16x10240xf32>,
    %get3A_8 = arith.constant 0 : index
    %get3A_9 = arith.constant 0 : index
    %get3A_10 = vector.load %arg2[%get3A_8, %get3A_9] : memref<128x16xf32, #tpu.memory_space<vmem>>, vector<128x16xf32>
    %dot_general3A_11 = arith.constant dense<0.000000e+00> : vector<16x10240xf32>
    %dot_general3A_12 = tpu.matmul %get3A_10, %get3A_1, %dot_general3A_11 {dimension_numbers = #tpu.dot_dimension_numbers<[0], [1], [1], [0], [0, 1, 1, 0], [], []>, transpose_lhs_hint = false} : vector<128x16xf32>, vector<10240x128xf32>, vector<16x10240xf32> -> vector<16x10240xf32>
    %swap3A_13 = arith.constant 0 : index
    %swap3A_14 = arith.constant 0 : index
    %swap3A_15 = vector.load %arg4[%swap3A_13, %swap3A_14] : memref<16x10240xf32, #tpu.memory_space<vmem>>, vector<16x10240xf32>
    tpu.vector_store %arg4[%swap3A_13, %swap3A_14], %dot_general3A_12 {strides = array<i32>} : memref<16x10240xf32, #tpu.memory_space<vmem>>, vector<16x10240xf32>,
    return
  }
}

module attributes {stable_mosaic.version = 14 : i64} {
  func.func @_mm2_body(%arg0: memref<16x2x10240xf32, #tpu.memory_space<vmem>>, %arg1: memref<16xf32, #tpu.memory_space<vmem>>, %arg2: memref<16x32xf32, #tpu.memory_space<vmem>>, %arg3: memref<16x32xf32, #tpu.memory_space<vmem>>, %arg4: memref<32x10240xf32, #tpu.memory_space<vmem>>, %arg5: memref<32x10240xf32, #tpu.memory_space<vmem>>) attributes {dimension_semantics = [], scalar_prefetch = 0 : i64, scratch_operands = 0 : i64, tpu.core_type = #tpu.core_type<tc>} {
    %get3A = arith.constant 0 : index
    %get3A_0 = arith.constant 0 : index
    %get3A_1 = arith.constant 0 : index
    %get3A_2 = vector.load %arg0[%get3A, %get3A_0, %get3A_1] : memref<16x2x10240xf32, #tpu.memory_space<vmem>>, vector<16x1x10240xf32>
    %get3A_3 = vector.shape_cast %get3A_2 : vector<16x1x10240xf32> to vector<16x10240xf32>
    %get3A_4 = arith.constant 0 : index
    %get3A_5 = arith.constant 1 : index
    %get3A_6 = arith.constant 0 : index
    %get3A_7 = vector.load %arg0[%get3A_4, %get3A_5, %get3A_6] : memref<16x2x10240xf32, #tpu.memory_space<vmem>>, vector<16x1x10240xf32>
    %get3A_8 = vector.shape_cast %get3A_7 : vector<16x1x10240xf32> to vector<16x10240xf32>
    %add3A = arith.addf %get3A_3, %get3A_8 : vector<16x10240xf32>
    %get3A_9 = arith.constant 0 : index
    %get3A_10 = vector.load %arg1[%get3A_9] : memref<16xf32, #tpu.memory_space<vmem>>, vector<16xf32>
    %broadcast_in_dim3A = vector.shape_cast %get3A_10 : vector<16xf32> to vector<16x1xf32>
    %add3A_11 = vector.broadcast %broadcast_in_dim3A : vector<16x1xf32> to vector<16x10240xf32>
    %add3A_12 = arith.addf %add3A, %add3A_11 : vector<16x10240xf32>
    %max3A = arith.constant 0.000000e+00 : f32
    %max3A_13 = vector.broadcast %max3A : f32 to vector<16x10240xf32>
    %max3A_14 = arith.maximumf %add3A_12, %max3A_13 : vector<16x10240xf32>
    %get3A_15 = arith.constant 0 : index
    %get3A_16 = arith.constant 0 : index
    %get3A_17 = vector.load %arg2[%get3A_15, %get3A_16] : memref<16x32xf32, #tpu.memory_space<vmem>>, vector<16x32xf32>
    %dot_general3A = arith.constant dense<0.000000e+00> : vector<32x10240xf32>
    %dot_general3A_18 = tpu.matmul %get3A_17, %max3A_14, %dot_general3A {dimension_numbers = #tpu.dot_dimension_numbers<[0], [0], [1], [1], [0, 1, 1, 1], [], []>, transpose_lhs_hint = false} : vector<16x32xf32>, vector<16x10240xf32>, vector<32x10240xf32> -> vector<32x10240xf32>
    %swap3A = arith.constant 0 : index
    %swap3A_19 = arith.constant 0 : index
    %swap3A_20 = vector.load %arg4[%swap3A, %swap3A_19] : memref<32x10240xf32, #tpu.memory_space<vmem>>, vector<32x10240xf32>
    tpu.vector_store %arg4[%swap3A, %swap3A_19], %dot_general3A_18 {strides = array<i32>} : memref<32x10240xf32, #tpu.memory_space<vmem>>, vector<32x10240xf32>,
    %get3A_21 = arith.constant 0 : index
    %get3A_22 = arith.constant 0 : index
    %get3A_23 = vector.load %arg3[%get3A_21, %get3A_22] : memref<16x32xf32, #tpu.memory_space<vmem>>, vector<16x32xf32>
    %dot_general3A_24 = arith.constant dense<0.000000e+00> : vector<32x10240xf32>
    %dot_general3A_25 = tpu.matmul %get3A_23, %max3A_14, %dot_general3A_24 {dimension_numbers = #tpu.dot_dimension_numbers<[0], [0], [1], [1], [0, 1, 1, 1], [], []>, transpose_lhs_hint = false} : vector<16x32xf32>, vector<16x10240xf32>, vector<32x10240xf32> -> vector<32x10240xf32>
    %swap3A_26 = arith.constant 0 : index
    %swap3A_27 = arith.constant 0 : index
    %swap3A_28 = vector.load %arg5[%swap3A_26, %swap3A_27] : memref<32x10240xf32, #tpu.memory_space<vmem>>, vector<32x10240xf32>
    tpu.vector_store %arg5[%swap3A_26, %swap3A_27], %dot_general3A_25 {strides = array<i32>} : memref<32x10240xf32, #tpu.memory_space<vmem>>, vector<32x10240xf32>,
    return
  }
}

</mosaic_0001>

<sc_bundles>
// kernel: kernel.11.cloned.1.call-start
scs
__scs_entry_jumppad:
0x0: {  	(pc) =	sbr.rel $0x88, $3  }
0x1: {  	(tag) =	ssettag $0x0;
	lr =	simm.s32 $0x1  }
0x2: {  	[smem:$0x3F95] =	sst lr;
	_ =	strace $0xD0000000  }
0x3: {  	_ = 	snop  }
0x4: {  	_ = 	snop  }
0x5: {  	_ = 	snop  }
0x6: {  	_ = 	snop  }
0x7: {  	_ = 	snop  }
__scs_overlays_trampoline_lowered:
0x8: {  	[smem:$0x3FA4] =	sst s0  }
0x9: {  	[smem:$0x3FA5] =	sst s1  }
0xa: {  	[smem:$0x3FA6] =	sst s2  }
0xb: {  	[smem:$0x3FA7] =	sst s3  }
0xc: {  	[smem:$0x3FA8] =	sst s4  }
0xd: {  	[smem:$0x3FA9] =	sst s5  }
0xe: {  	[smem:$0x3FAA] =	sst s6  }
0xf: {  	[smem:$0x3FAB] =	sst s7  }
0x10: {  	[smem:$0x3FAC] =	sst s8  }
0x11: {  	[smem:$0x3FAD] =	sst s9;
	s0 =	simm.s32 @!p0 $0x0  }
0x12: {  	s1 =	sld [smem:$0x3F93];
	s0 =	simm.s32 @p0 $0x1  }
0x13: {  	[smem:$0x3FAE] =	sst s0;
	s0 =	simm.s32 @!p1 $0x0  }
0x14: {  	s2 =	sld [smem:$0x3F92];
	s0 =	simm.s32 @p1 $0x1  }
0x15: {  	[smem:$0x3FAF] =	sst s0;
	s0 =	simm.s32 @!p2 $0x0  }
0x16: {  	s3 =	sld [smem:$0x3FDB];
	s0 =	simm.s32 @p2 $0x1  }
0x17: {  	s4 =	simm.s32 $0x1BF5;
	[smem:$0x3FB1] =	sst s0  }
0x18: {  	s0 =	sld [smem:$0x3F94];
	_ =	swait.ge [sflag:s4], $0x0  }
0x19: {  	s7 =	sld [smem:$0x3F95]  }
0x1a: {  	s8 =	sadd.s32 $0xFFFFE003, lr  }
0x1b: {  	s9 =	sadd.s32 $0xFFFFFEF7, lr;
	s5 =	simm.s32 $0xFFFFFFFF;
	p2 =	slt.u32 s8, $0xFFFFF086  }
0x1c: {  	p1 =	slt.u32 s9, $0xF7A;
	s5 =	simm.s32 @!p2 $0x0  }
0x1d: {  	s5 =	simm.s32 @p1 $0x1;
	p0 =	seq.s32 s7, s2  }
0x1e: {  	s7 =	smul.u32 @!p0 $0xF7A, s2;
	p2 =	seq.s32 @!p0 s5, $0x0  }
0x1f: {  	s9 =	smul.u32 $0xF7A, s1;
	s8 =	simm.s32 @!p0 $0x1BF5;
	p2 =	por !p2, p0  }
0x20: {  	[sflag:s8] =	ssyncset.s32 @!p0 $0xFFFFF086;
	s6 =	sadd.s32 @!p0 s3, s7;
	s7 =	simm.s32 @!p0 $0x108  }
0x21: {  	s3 =	sadd.s32 s3, s9;
	s6 =	sadd.s32 @!p0 $0x88, s6;
	s7 =	simm.s32 @p2 $0x1082  }
0x22: {  	[simem:s7], [sflag:s8] =	dma.local @!p0 [hbm:s6], $0xF7A  }
0x23: {  	s9 =	sor.u32 $0xD0000000, s2;
	s6 =	simm.s32 $0x108;
	_ =	swait.ge @!p0 [sflag:s8], $0x0  }
0x24: {  	s3 =	sadd.s32 $0x88, s3;
	s6 =	simm.s32 @!p1 $0x1082;
	[sflag:s4] =	ssyncset.s32 $0xFFFFF086  }
0x25: {  	[simem:s6], [sflag:s4] =	dma.local [hbm:s3], $0xF7A  }
0x26: {  	[smem:$0x3F95] =	sst s1;
	(tag) =	ssettag s2;
	_ =	strace s9  }
0x27: {  	s1 =	sld [smem:$0x3FA5]  }
0x28: {  	s2 =	sld [smem:$0x3FA6]  }
0x29: {  	s4 =	sld [smem:$0x3FA8]  }
0x2a: {  	p0 =	seq.s32 s5, $0x0;
	s5 =	sld [smem:$0x3FA9]  }
0x2b: {  	s6 =	sld [smem:$0x3FAA]  }
0x2c: {  	s7 =	sld [smem:$0x3FAB]  }
0x2d: {  	s3 =	simm.s32 $0x108;
	s8 =	sld [smem:$0x3FAC]  }
0x2e: {  	s3 =	simm.s32 @!p0 $0x1082;
	s9 =	sld [smem:$0x3FAD]  }
0x2f: {  	lr =	sadd.s32 s0, s3;
	s0 =	sld [smem:$0x3FA4]  }
0x30: {  	s3 =	sld [smem:$0x3FA7]  }
0x31: {  	[smem:$0x3FB0] =	sst s10  }
0x32: {  	s10 =	sld [smem:$0x3FAE];
	_ =	sdelay $0x3  }
0x33: {  	p0 =	seq.s32 s10, $0x1;
	s10 =	sld [smem:$0x3FB0];
	_ =	sdelay $0x3  }
0x34: {  	[smem:$0x3FB0] =	sst s10  }
0x35: {  	s10 =	sld [smem:$0x3FAF];
	_ =	sdelay $0x3  }
0x36: {  	p1 =	seq.s32 s10, $0x1;
	s10 =	sld [smem:$0x3FB0];
	_ =	sdelay $0x3  }
0x37: {  	[smem:$0x3FB0] =	sst s10  }
0x38: {  	s10 =	sld [smem:$0x3FB1]  }
0x39: {  	_ = 	snop;
	(pc) =	sbr.ind lr, $3  }
0x3a: {  	_ = 	snop  }
0x3b: {  	_ = 	snop  }
0x3c: {  	p2 =	seq.s32 s10, $0x1;
	s10 =	sld [smem:$0x3FB0]  }
0x3d: {  	_ =	shalt  }
0x3e: {  	_ =	shalt  }
0x3f: {  	_ =	shalt  }
0x40: {  	_ =	shalt  }
0x41: {  	_ =	shalt  }
0x42: {  	_ =	shalt  }
0x43: {  	_ =	shalt  }
0x44: {  	_ =	shalt  }
0x45: {  	_ =	shalt  }
0x46: {  	_ =	shalt  }
0x47: {  	_ =	shalt  }
0x48: {  	_ =	shalt  }
0x49: {  	_ =	shalt  }
0x4a: {  	_ =	shalt  }
0x4b: {  	_ =	shalt  }
0x4c: {  	_ =	shalt  }
0x4d: {  	_ =	shalt  }
0x4e: {  	_ =	shalt  }
0x4f: {  	_ =	shalt  }
0x50: {  	_ =	shalt  }
0x51: {  	_ =	shalt  }
0x52: {  	_ =	shalt  }
0x53: {  	_ =	shalt  }
0x54: {  	_ =	shalt  }
0x55: {  	_ =	shalt  }
0x56: {  	_ =	shalt  }
0x57: {  	_ =	shalt  }
0x58: {  	_ =	shalt  }
0x59: {  	_ =	shalt  }
0x5a: {  	_ =	shalt  }
0x5b: {  	_ =	shalt  }
0x5c: {  	_ =	shalt  }
0x5d: {  	_ =	shalt  }
0x5e: {  	_ =	shalt  }
0x5f: {  	_ =	shalt  }
0x60: {  	_ =	shalt  }
0x61: {  	_ =	shalt  }
0x62: {  	_ =	shalt  }
0x63: {  	_ =	shalt  }
0x64: {  	_ =	shalt  }
0x65: {  	_ =	shalt  }
0x66: {  	_ =	shalt  }
0x67: {  	_ =	shalt  }
0x68: {  	_ =	shalt  }
0x69: {  	_ =	shalt  }
0x6a: {  	_ =	shalt  }
0x6b: {  	_ =	shalt  }
0x6c: {  	_ =	shalt  }
0x6d: {  	_ =	shalt  }
0x6e: {  	_ =	shalt  }
0x6f: {  	_ =	shalt  }
0x70: {  	_ =	shalt  }
0x71: {  	_ =	shalt  }
0x72: {  	_ =	shalt  }
0x73: {  	_ =	shalt  }
0x74: {  	_ =	shalt  }
0x75: {  	_ =	shalt  }
0x76: {  	_ =	shalt  }
0x77: {  	_ =	shalt  }
0x78: {  	_ =	shalt  }
0x79: {  	_ =	shalt  }
0x7a: {  	_ =	shalt  }
0x7b: {  	_ =	shalt  }
0x7c: {  	_ =	shalt  }
0x7d: {  	_ =	shalt  }
0x7e: {  	_ =	shalt  }
0x7f: {  	_ =	shalt  }
0x80: {  	_ =	shalt  }
0x81: {  	_ =	shalt  }
0x82: {  	_ =	shalt  }
0x83: {  	_ =	shalt  }
0x84: {  	_ =	shalt  }
0x85: {  	_ =	shalt  }
0x86: {  	_ =	shalt  }
0x87: {  	_ =	shalt  }
.Lfunc_end0:
.L_simem_size_0:
called_computation.1_lowered:
.L_overlay_start_0:
0x88: {  	s2 =	sld [smem:$0x3FD9]  }
0x89: {  	s3 =	sld [smem:$0x3FFE];
	_ =	sdelay $0x1  }
0x8a: {  	s1 =	srdreg.scid  }
0x8b: {  	s0 =	sand.u32 $0x1, s1  }
0x8c: {  	s14 =	sshll.u32 s0, $0xA;
	s2 =	sadd.s32 s3, s2  }
0x8d: {  	s2 =	sadd.s32 s2, s14  }
0x8e: {  	[smem:$0x3FBC] =	sst s2  }
0x8f: {  	_ = 	snop  }
0x90: {  	s2 =	sld [smem:$0x3FD0];
	_ =	sdelay $0x2  }
0x91: {  	s15 =	simm.s32 $0xA;
	s4 =	simm.s32 $0x10  }
0x92: {  	[smem:s4], [sflag:s15] =	dma.local [hbm:s2], $0x1  }
0x93: {  	_ =	swait.eq [sflag:s15], $0x1  }
0x94: {  	[sflag:s15] =	ssyncset.done $0x0  }
0x95: {  	s16 =	sld [smem:$0x10];
	[sflag:s15] =	ssyncadd.s32 $0xFFFFFFFF  }
0x96: {  	s17 =	sld [smem:$0x11];
	(tm) =	ssettm $0x1  }
0x97: {  	s18 =	sld [smem:$0x3FFB];
	_ =	sdelay $0x3  }
0x98: {  	_ =	strace s18  }
0x99: {  	s4 =	sld [smem:$0x3FFC];
	_ =	sdelay $0x3  }
0x9a: {  	_ =	strace s4  }
0x9b: {  	s4 =	sld [smem:$0x3FFD];
	_ =	sdelay $0x3  }
0x9c: {  	_ =	strace s4  }
0x9d: {  	_ =	strace $0x8FFFFFFF  }
0x9e: {  	s19 =	sld [smem:$0x3FDB];
	_ =	sdelay $0x1  }
0x9f: {  	s5 =	simm.s32 $_scs_section_size  }
0xa0: {  	s6 =	simm.s32 $_size__tile_overlayer_lowered;
	s7 =	simm.s32 $_tile_overlayer_lowered  }
0xa1: {  	s22 =	simm.s32 $0x1BFF;
	s21 =	sshll.u32 s7, $0x1;
	s4 =	sadd.s32 s5, s19  }
0xa2: {  	s8 =	simm.s32 $0x0;
	s20 =	sshll.u32 s6, $0x1;
	s6 =	sadd.s32 s21, s4  }
0xa3: {  	[timem:s8], [sflag:s22] =	dma.local [hbm:s6], s20  }
0xa4: {  	_ =	swait.ge [sflag:s22], s20  }
0xa5: {  	s5 =	ssub.s32 $0x0, s20;
	[sflag:s22] =	ssyncset.done $0x0  }
0xa6: {  	[sflag:s22] =	ssyncadd.s32 s5;
	_ =	sdelay $0x1  }
0xa7: {  	s23 =	simm.s32 $0x1B8B  }
0xa8: {  	_ =	swait.ge [sflag:s23], $0x1  }
0xa9: {  	[sflag:s23] =	ssyncset.done $0x0  }
0xaa: {  	s25 =	simm.s32 $0x1B8E;
	s24 =	sld [smem:$0x3FFE];
	[sflag:s23] =	ssyncadd.s32 $0xFFFFFFFF  }
0xab: {  	s26 =	simm.s32 $execute0_lowered;
	[smem:$0x3FD2] =	sst s25  }
0xac: {  	s6 =	sshll.u32 s26, $0x1;
	_ =	strace $0x80000049;
	[dreg:$0x1] =	wrdreg $0xFFFFFFFF  }
0xad: {  	s28 =	simm.s32 $_size_execute0_lowered;
	s4 =	sadd.s32 s4, s6;
	[dreg:$0x0] =	wrdreg $0x0  }
0xae: {  	s6 =	sshll.u32 s28, $0x1;
	[dreg:$0x2] =	wrdreg s4  }
0xaf: {  	[dreg:$0x3] =	wrdreg s6  }
0xb0: {  	[dreg:$0x4] =	wrdreg $0xC0  }
0xb1: {  	_ =	task [dreg:s8], $0x5FFFF  }
0xb2: {  	[dreg:$0x1] =	wrdreg $0xFFFFFFFF  }
0xb3: {  	[dreg:$0x0] =	wrdreg $0x60  }
0xb4: {  	[dreg:$0x2] =	wrdreg s17  }
0xb5: {  	[dreg:$0x3] =	wrdreg s16  }
0xb6: {  	[dreg:$0x4] =	wrdreg s24  }
0xb7: {  	[dreg:$0x5] =	wrdreg $0x9  }
0xb8: {  	_ =	task.clear_ibuf [dreg:s8], $0x6FFFF;
	_ =	strace $0x90000049  }
0xb9: {  	s29 =	simm.s32 $0x9;
	_ =	strace $0x8000004B  }
0xba: {  	_ =	swait.ge [sflag:s29], $0x1  }
0xbb: {  	[sflag:s29] =	ssyncadd.s32 $0xFFFFFFFF  }
0xbc: {  	_ =	strace $0x9000004B  }
0xbd: {  	_ =	sfence  }
0xbe: {  	s30 =	sld [smem:$0x0];
	_ =	sdelay $0x2  }
0xbf: {  	s31 =	sshll.u32 s1, $0xD;
	s1 =	sshrl.u32 s1, $0x2  }
0xc0: {  	s3 =	sand.u32 $0x4000, s31;
	s1 =	sadd.s32 s1, s30  }
0xc1: {  	s0 =	sor.u32 s3, s0;
	s1 =	sshll.u32 s1, $0x11  }
0xc2: {  	s0 =	sor.u32 s1, s0  }
0xc3: {  	s0 =	sadd.s32 $0x8F2B, s0  }
0xc4: {  	[sflag:s0] =	ssyncadd.remote.s32 $0x1  }
0xc5: {  	_ =	sfence.sel $0xFFFF  }
0xc6: {  	[dreg:$0x0] =	wrdreg $0xFFFFFFFF;
	(pc) =	sbr.abs _section_cstart, $3  }
0xc7: {  	[dreg:$0x1] =	wrdreg $0xFFFFFFFF  }
0xc8: {  	_ =	task.clear_ibuf [dreg:s8], $0x2FFFF;
	_ =	strace $0x9FFFFFFF  }
0xc9: {  	(tm) =	ssettm $0x7FFFFFFF  }
tec
execute0_lowered:
.L_overlay_start_1:
0x0: {  	(tag) =	ssettag $0x1  }
0x1: {  	s6 =	rddreg [dreg:$0x0]  }
0x2: {  	s1 =	rddreg [dreg:$0x1]  }
0x3: {  	s7 =	rddreg [dreg:$0x2]  }
0x4: {  	s0 =	rddreg [dreg:$0x3];
	s2 =	simm.s32 $0x0;
	s4 =	srdreg.scid  }
0x5: {  	s20 =	stileid.u32;
	s13 =	simm.s32 $0x2;
	s14 =	simm.s32 $0x2800  }
0x6: {  	s15 =	simm.s32 $0x5000;
	s16 =	simm.s32 $0xA000;
	s17 =	simm.s32 $0xC000  }
0x7: {  	s18 =	simm.s32 $0x1;
	s19 =	simm.s32 $0x7800;
	[smem:$0x7FF] =	sst s2  }
0x8: {  	s3 =	sadd.s32 $0x1C600, s7;
	s8 =	sand.u32 $0x1, s4;
	s30 =	sshrl.u32 s20, $0x3  }
0x9: {  	s5 =	sshll.u32 s20, $0x1;
	s10 =	sshll.u32 s20, $0x7;
	s4 =	sadd.s32 $0x26600, s7  }
0xa: {  	p0 =	sne.s32 s20, $0x0;
	s20 =	simm.s32 $0x0;
	s9 =	smul.u32 $0x14000, s30  }
0xb: {  	s5 =	sor.u32 s8, s5;
	s12 =	ssub.s32 $0x2, s8;
	s8 =	smul.u32 $0x28000, s8  }
0xc: {  	_ =	strace $0x8000004A;
	s10 =	sand.u32 $0x380, s10;
	s11 =	smul.u32 $0x500, s5  }
0xd: {  	s5 =	sadd.s32 $0x27000, s7;
	s31 =	sshrl.u32 s12, $0x1;
	s9 =	sor.u32 s10, s9  }
0xe: {  	s10 =	ssub.s32 s12, s31;
	s12 =	simm.s32 $0x400;
	s9 =	sshrl.u32 s9, $0x3  }
0xf: {  	s11 =	sadd.s32 s11, s7;
	s7 =	sadd.s32 $0x26B00, s7;
	s10 =	smax.u32 s10, $0x1  }
0x10: {  	v0 =	vimm.f32 $0.0e+00;
	s6 =	sadd.s32 s6, s9;
	s9 =	sadd.s32 $0x3200, s11;
	s11 =	simm.s32 $0x80  }
.LBB2_1:
0x11: {  	[tilespmem:s2], [sflag:$0x2] =	stream.strided.gather [hbm4b:s6+s11], $0x2800, s12, s11, $0x38;
	[tilespmem:$0x10000] =	vst v63  }
0x12: {  	_ =	swait.ge [sflag:s13], $0x2800  }
0x13: {  	[sflag:s13] =	ssyncset.done $0x0  }
0x14: {  	[sflag:s13] =	ssyncadd.s32 $0xFFFFD800  }
0x15: {  	[tilespmem:s14], [sflag:$0x2] =	stream.linear.gather [hbm4b:s4+s2], $0x2800, $0x38;
	[tilespmem:$0x10000] =	vst v63  }
0x16: {  	_ =	swait.ge [sflag:s13], $0x2800  }
0x17: {  	[sflag:s13] =	ssyncset.done $0x0  }
0x18: {  	[sflag:s13] =	ssyncadd.s32 $0xFFFFD800  }
0x19: {  	[tilespmem:s15], [sflag:$0x2] =	stream.linear.gather [hbm4b:s7+s2], $0x2800, $0x38;
	[tilespmem:$0x10000] =	vst v63  }
0x1a: {  	_ =	swait.ge [sflag:s13], $0x2800  }
0x1b: {  	[sflag:s13] =	ssyncset.done $0x0  }
0x1c: {  	s22 =	simm.s32 $0x2840;
	[sflag:s13] =	ssyncadd.s32 $0xFFFFD800  }
0x1d: {  	s23 =	simm.s32 $0x5040;
	v2 =	vld [tilespmem:s22+$0x30]  }
0x1e: {  	v3 =	vld [tilespmem:s23+$0x30]  }
0x1f: {  	v1 =	vld [tilespmem:s23+$0xFFFFFFC0]  }
0x20: {  	v4 =	vld [tilespmem:s22+$0xFFFFFFD0]  }
0x21: {  	v5 =	vld [tilespmem:s23+$0xFFFFFFD0]  }
0x22: {  	v6 =	vld [tilespmem:s22+$0xFFFFFFE0]  }
0x23: {  	v7 =	vld [tilespmem:s23+$0xFFFFFFE0]  }
0x24: {  	v8 =	vld [tilespmem:s22+$0xFFFFFFF0]  }
0x25: {  	v9 =	vld [tilespmem:s23+$0xFFFFFFF0]  }
0x26: {  	v10 =	vld [tilespmem:s22+$0x0]  }
0x27: {  	v11 =	vld [tilespmem:s23+$0x0];
	v3 =	vadd.f32 v3, v2  }
0x28: {  	v5 =	vadd.f32 v5, v4;
	v2 =	vld [tilespmem:s22+$0x10]  }
0x29: {  	v6 =	vadd.f32 v7, v6;
	v4 =	vld [tilespmem:s23+$0x10];
	[tilespmem:s22+$0x30] =	vst v3  }
0x2a: {  	v7 =	vadd.f32 v9, v8;
	[tilespmem:s22+$0xFFFFFFD0] =	vst v5;
	v3 =	vld [tilespmem:s22+$0x20]  }
0x2b: {  	[tilespmem:s22+$0xFFFFFFE0] =	vst v6;
	v6 =	vld [tilespmem:s23+$0x20]  }
0x2c: {  	s24 =	simm.s32 $0x0;
	s25 =	simm.s32 $0x28C0;
	v5 =	vld [tilespmem:s22+$0xFFFFFFC0];
	[tilespmem:s22+$0xFFFFFFF0] =	vst v7;
	v7 =	vadd.f32 v11, v10  }
.LBB2_2:
0x2d: {  	v8 =	vld [tilespmem:s25+$0x30];
	s23 =	sadd.s32 $0x80, s23  }
0x2e: {  	s24 =	sadd.s32 $0x8, s24;
	v9 =	vld [tilespmem:s23+$0x30];
	[tilespmem:s22+$0x0] =	vst v7;
	v2 =	vadd.f32 v4, v2  }
0x2f: {  	p1 =	slt.u32 s24, $0x278;
	v4 =	vld [tilespmem:s23+$0xFFFFFFC0]  }
0x30: {  	v7 =	vld [tilespmem:s25+$0xFFFFFFD0];
	[tilespmem:s22+$0x10] =	vst v2;
	v2 =	vadd.f32 v6, v3  }
0x31: {  	v3 =	vld [tilespmem:s23+$0xFFFFFFD0];
	v10 =	vadd.f32 v1, v5  }
0x32: {  	v5 =	vld [tilespmem:s25+$0xFFFFFFE0];
	[tilespmem:s22+$0x20] =	vst v2  }
0x33: {  	v2 =	vld [tilespmem:s23+$0xFFFFFFE0];
	v6 =	vadd.f32 v9, v8;
	[tilespmem:s22+$0xFFFFFFC0] =	vst v10;
	s22 =	smov.u32 s25  }
0x34: {  	v8 =	vld [tilespmem:s25+$0xFFFFFFF0];
	v1 =	vmov v4  }
0x35: {  	s21 =	simm.s32 $0x0;
	v9 =	vld [tilespmem:s23+$0xFFFFFFF0];
	[tilespmem:s25+$0x30] =	vst v6  }
0x36: {  	v3 =	vadd.f32 v3, v7;
	v7 =	vld [tilespmem:s25+$0x0]  }
0x37: {  	v10 =	vld [tilespmem:s23+$0x0]  }
.Ltmp0:
0x38: {  	[tilespmem:s25+$0xFFFFFFD0] =	vst v3;
	v3 =	vadd.f32 v2, v5;
	v2 =	vld [tilespmem:s25+$0x10];
	(pc) =	sbr.rel @p1 .LBB2_2-.Ltmp0, $4  }
0x39: {  	v4 =	vld [tilespmem:s23+$0x10]  }
0x3a: {  	[tilespmem:s25+$0xFFFFFFE0] =	vst v3;
	v8 =	vadd.f32 v9, v8;
	v3 =	vld [tilespmem:s25+$0x20]  }
0x3b: {  	v6 =	vld [tilespmem:s23+$0x20]  }
0x3c: {  	s25 =	sadd.s32 $0x80, s25;
	v5 =	vld [tilespmem:s22+$0xFFFFFFC0];
	[tilespmem:s22+$0xFFFFFFF0] =	vst v8;
	v7 =	vadd.f32 v10, v7  }
0x3d: {  	_ =	sdelay $0x1  }
0x3e: {  	v2 =	vadd.f32 v4, v2  }
0x3f: {  	[tilespmem:s22+$0x0] =	vst v7;
	v3 =	vadd.f32 v6, v3  }
0x40: {  	[tilespmem:s22+$0x10] =	vst v2;
	v1 =	vadd.f32 v1, v5  }
0x41: {  	[tilespmem:s22+$0x20] =	vst v3  }
0x42: {  	s23 =	simm.s32 $0x0;
	[tilespmem:s22+$0xFFFFFFC0] =	vst v1;
	s22 =	simm.s32 $0x40  }
.LBB2_4:
0x43: {  	p1 =	sne.s32 s22, $0x9FC0;
	[tilespmem:s23+$0x7800] =	vst v0;
	s23 =	smov.u32 s22;
	s22 =	sadd.s32 $0x40, s22  }
.Ltmp1:
0x44: {  	(pc) =	sbr.rel @p1 .LBB2_4-.Ltmp1, $2  }
0x45: {  	_ =	sdelay $0x2  }
0x46: {  	s23 =	sshra.s32 s23, $0x2  }
0x47: {  	[tilespmem:s23+$0x7800] =	vst v0  }
.LBB2_6:
0x48: {  	s22 =	sshll.u32 s21, $0xD  }
0x49: {  	s22 =	sadd.s32 s8, s22  }
0x4a: {  	s22 =	sshrl.u32 s22, $0x3  }
0x4b: {  	s23 =	sadd.s32 s1, s22  }
0x4c: {  	[tilespmem:s16], [sflag:$0x1] =	stream.linear.gather [hbm4b:s23+s2], $0x2000, $0x38;
	[tilespmem:$0x10000] =	vst v63  }
0x4d: {  	s30 =	sadd.s32 s3, s22  }
0x4e: {  	[tilespmem:s17], [sflag:$0x1] =	stream.linear.gather [hbm4b:s30+s2], $0x2000, $0x38;
	[tilespmem:$0x10000] =	vst v63  }
0x4f: {  	_ =	swait.ge [sflag:s18], $0x2000  }
0x50: {  	[sflag:s18] =	ssyncset.done $0x0  }
0x51: {  	[sflag:s18] =	ssyncadd.s32 $0xFFFFE000  }
0x52: {  	_ =	swait.ge [sflag:s18], $0x2000  }
0x53: {  	[sflag:s18] =	ssyncset.done $0x0  }
0x54: {  	s31 =	simm.s32 $0xA040;
	[sflag:s18] =	ssyncadd.s32 $0xFFFFE000  }
0x55: {  	v17 =	vld [tilespmem:s31+$0x10];
	_ =	sdelay $0x1  }
0x56: {  	v19 =	vld [tilespmem:s31+$0x0];
	_ =	sdelay $0x2  }
0x57: {  	v10 =	vshrl.u32 v17, $0x10;
	_ =	sdelay $0x1  }
0x58: {  	v8 =	vld [tilespmem:s31+$0xFFFFFFF0];
	v2 =	vshrl.u32 v19, $0x10  }
0x59: {  	v14 =	vld [tilespmem:s31+$0xFFFFFFD0]  }
0x5a: {  	v12 =	vld [tilespmem:s31+$0xFFFFFFE0]  }
0x5b: {  	v6 =	vld.idx.msk [tilespmem:v10+s14+$0x0], $0xffff  }
0x5c: {  	v13 =	vld [tilespmem:s31+$0x20]  }
0x5d: {  	v16 =	vld.idx.msk [tilespmem:v2+s14+$0x0], $0xffff  }
0x5e: {  	v5 =	vshrl.u32 v14, $0x10  }
0x5f: {  	v1 =	vshrl.u32 v8, $0x10  }
0x60: {  	v9 =	vld [tilespmem:s31+$0x30];
	v4 =	vshrl.u32 v12, $0x10;
	v6 =	vadd.f32 $1.000000020e-16, v6  }
0x61: {  	s24 =	simm.s32 $0xC040;
	v11 =	vld [tilespmem:s31+$0xFFFFFFC0];
	v3 =	vshrl.u32 v13, $0x10  }
0x62: {  	v15 =	vld [tilespmem:s24+$0x30];
	v23 =	vadd.f32 $1.000000020e-16, v16;
	(erf) = vrcp.f32 v6  }
0x63: {  	v20 =	vld.idx.msk [tilespmem:v5+s14+$0x0], $0xffff  }
0x64: {  	v18 =	vld.idx.msk [tilespmem:v1+s14+$0x0], $0xffff;
	(erf) = vrcp.f32 v23  }
0x65: {  	v22 =	vld.idx.msk [tilespmem:v4+s14+$0x0], $0xffff  }
0x66: {  	v21 =	vld.idx.msk [tilespmem:v3+s14+$0x0], $0xffff;
	v6 =	vshrl.u32 v11, $0x10  }
0x67: {  	v25 =	vld [tilespmem:s24+$0x10];
	v7 =	vshrl.u32 v9, $0x10  }
0x68: {  	v16 =	vld [tilespmem:s24+$0xFFFFFFC0];
	v24 =	vadd.f32 $1.000000020e-16, v20  }
0x69: {  	v26 =	vadd.f32 $1.000000020e-16, v18;
	v20 =	vld [tilespmem:s24+$0x0]  }
0x6a: {  	v27 =	vadd.f32 $1.000000020e-16, v22;
	v18 =	vld [tilespmem:s24+$0x20];
	(erf) = vrcp.f32 v24  }
0x6b: {  	s25 =	simm.s32 $0xE040;
	s28 =	simm.s32 $0x0;
	v22 =	vand.u32 $0xFFFF, v17;
	v24 =	vadd.f32 $1.000000020e-16, v21;
	(erf) = vrcp.f32 v26;
	v23 =	vld.idx.msk [tilespmem:v6+s14+$0x0], $0xffff;
	v17 =	vpop (erf)  }
0x6c: {  	s29 =	simm.s32 $0xA0C0;
	s26 =	simm.s32 $0xC040;
	s23 =	simm.s32 $0xE040;
	v21 =	vand.u32 $0xFFFF, v19;
	(erf) = vrcp.f32 v27;
	v19 =	vmul.f32 v17, v25;
	v25 =	vld.idx.msk [tilespmem:v7+s14+$0x0], $0xffff  }
.LBB2_7:
0x6d: {  	v26 =	vld [tilespmem:s29+$0x30];
	s28 =	sadd.s32 $0x8, s28;
	s24 =	sadd.s32 $0x80, s24;
	s25 =	sadd.s32 $0x80, s25;
	v17 =	vpop (erf);
	(erf) = vrcp.f32 v24  }
0x6e: {  	p1 =	slt.u32 s28, $0x1F8;
	v24 =	vld [tilespmem:s26+$0xFFFFFFD0];
	v20 =	vmul.f32 v17, v20;
	[tilespmem:s23+$0x10] =	vst v19  }
0x6f: {  	v17 =	vld [tilespmem:s29+$0x10]  }
0x70: {  	[tilespmem:s23+$0x0] =	vst v20;
	v22 =	vld.idx.msk [tilespmem:v22+s2+$0x0], $0xffff  }
0x71: {  	v30 =	vadd.f32 $1.000000020e-16, v23;
	v21 =	vld.idx.msk [tilespmem:v21+s2+$0x0], $0xffff  }
0x72: {  	v14 =	vand.u32 $0xFFFF, v14;
	v25 =	vadd.f32 $1.000000020e-16, v25;
	v27 =	vld [tilespmem:s26+$0xFFFFFFE0]  }
0x73: {  	v28 =	vld [tilespmem:s29+$0xFFFFFFF0];
	(erf) = vrcp.f32 v30;
	v23 =	vpop (erf)  }
0x74: {  	v23 =	vmul.f32 v23, v24;
	v24 =	vld [tilespmem:s26+$0xFFFFFFF0];
	v29 =	vpop (erf);
	(erf) = vrcp.f32 v25;
	s26 =	smov.u32 s24  }
0x75: {  	v25 =	vld [tilespmem:s29+$0xFFFFFFC0];
	v30 =	vpop (erf)  }
0x76: {  	v19 =	vmul.f32 v19, v22;
	v31 =	vld [tilespmem:s29+$0x20];
	[tilespmem:s23+$0xFFFFFFD0] =	vst v23;
	v22 =	vpop (erf)  }
0x77: {  	v33 =	vand.u32 $0xFFFF, v8;
	v20 =	vmul.f32 v20, v21;
	v32 =	vld.idx.msk [tilespmem:v14+s2+$0x0], $0xffff  }
0x78: {  	v21 =	vand.u32 $0xFFFF, v12;
	[tilespmem:v10+s19+$0x0] =	vst.idx.add.f32.msk $0xffff, v19;
	v8 =	vmov v28  }
0x79: {  	v28 =	vand.u32 $0xFFFF, v13;
	v19 =	vld [tilespmem:s29+$0x0];
	v24 =	vmul.f32 v29, v24  }
0x7a: {  	v27 =	vmul.f32 v30, v27;
	v10 =	vshrl.u32 v17, $0x10;
	v12 =	vld [tilespmem:s29+$0xFFFFFFE0]  }
0x7b: {  	v18 =	vmul.f32 v22, v18;
	v29 =	vand.u32 $0xFFFF, v11;
	v11 =	vmovc v25;
	v14 =	vld [tilespmem:s29+$0xFFFFFFD0];
	[tilespmem:s23+$0xFFFFFFF0] =	vst v24;
	v13 =	vmov v31  }
0x7c: {  	[tilespmem:s23+$0xFFFFFFE0] =	vst v27;
	v22 =	vld.idx.msk [tilespmem:v33+s2+$0x0], $0xffff;
	v25 =	vpop (erf)  }
0x7d: {  	v30 =	vshrl.u32 v8, $0x10;
	v16 =	vmul.f32 v25, v16;
	v21 =	vld.idx.msk [tilespmem:v21+s2+$0x0], $0xffff;
	[tilespmem:s23+$0x20] =	vst v18;
	v25 =	vand.u32 $0xFFFF, v9;
	v9 =	vpop (erf)  }
0x7e: {  	v31 =	vshrl.u32 v19, $0x10;
	v28 =	vld.idx.msk [tilespmem:v28+s2+$0x0], $0xffff;
	v15 =	vmul.f32 v9, v15;
	v9 =	vmov v26  }
0x7f: {  	v23 =	vmul.f32 v23, v32;
	v26 =	vld.idx.msk [tilespmem:v10+s14+$0x0], $0xffff;
	v33 =	vshrl.u32 v9, $0x10;
	[tilespmem:s23+$0xFFFFFFC0] =	vst v16  }
0x80: {  	v32 =	vshrl.u32 v11, $0x10;
	v29 =	vld.idx.msk [tilespmem:v29+s2+$0x0], $0xffff;
	[tilespmem:s23+$0x30] =	vst v15;
	s23 =	smov.u32 s25  }
0x81: {  	[tilespmem:v5+s19+$0x0] =	vst.idx.add.f32.msk $0xffff, v23;
	v5 =	vshrl.u32 v14, $0x10  }
0x82: {  	v23 =	vshrl.u32 v13, $0x10;
	v22 =	vmul.f32 v24, v22;
	v24 =	vld.idx.msk [tilespmem:v25+s2+$0x0], $0xffff  }
0x83: {  	v21 =	vmul.f32 v27, v21;
	[tilespmem:v2+s19+$0x0] =	vst.idx.add.f32.msk $0xffff, v20;
	v2 =	vmov v31  }
0x84: {  	v20 =	vshrl.u32 v12, $0x10;
	v18 =	vmul.f32 v18, v28;
	v25 =	vld.idx.msk [tilespmem:v31+s14+$0x0], $0xffff  }
0x85: {  	v27 =	vld.idx.msk [tilespmem:v30+s14+$0x0], $0xffff  }
0x86: {  	v16 =	vmul.f32 v16, v29;
	[tilespmem:v3+s19+$0x0] =	vst.idx.add.f32.msk $0xffff, v18;
	v3 =	vmov v23  }
0x87: {  	[tilespmem:v4+s19+$0x0] =	vst.idx.add.f32.msk $0xffff, v21;
	v4 =	vmov v20  }
0x88: {  	v18 =	vadd.f32 $1.000000020e-16, v26;
	v15 =	vmul.f32 v15, v24;
	[tilespmem:v1+s19+$0x0] =	vst.idx.add.f32.msk $0xffff, v22;
	v1 =	vmov v30  }
0x89: {  	[tilespmem:v6+s19+$0x0] =	vst.idx.add.f32.msk $0xffff, v16;
	v6 =	vmov v32  }
0x8a: {  	v16 =	vadd.f32 $1.000000020e-16, v25;
	v20 =	vld.idx.msk [tilespmem:v5+s14+$0x0], $0xffff;
	(erf) = vrcp.f32 v18  }
0x8b: {  	v18 =	vld.idx.msk [tilespmem:v23+s14+$0x0], $0xffff  }
0x8c: {  	v21 =	vld.idx.msk [tilespmem:v4+s14+$0x0], $0xffff;
	(erf) = vrcp.f32 v16  }
0x8d: {  	[tilespmem:v7+s19+$0x0] =	vst.idx.add.f32.msk $0xffff, v15;
	v7 =	vmov v33  }
0x8e: {  	v15 =	vld [tilespmem:s24+$0x30]  }
0x8f: {  	v25 =	vld [tilespmem:s24+$0x10]  }
.Ltmp2:
0x90: {  	v22 =	vadd.f32 $1.000000020e-16, v20;
	v16 =	vld [tilespmem:s24+$0xFFFFFFC0];
	(pc) =	sbr.rel @p1 .LBB2_7-.Ltmp2, $4  }
0x91: {  	v26 =	vadd.f32 $1.000000020e-16, v27;
	v24 =	vadd.f32 $1.000000020e-16, v18;
	v20 =	vld [tilespmem:s24+$0x0]  }
0x92: {  	v27 =	vadd.f32 $1.000000020e-16, v21;
	v18 =	vld [tilespmem:s24+$0x20];
	(erf) = vrcp.f32 v22  }
0x93: {  	v22 =	vand.u32 $0xFFFF, v17;
	v23 =	vld.idx.msk [tilespmem:v32+s14+$0x0], $0xffff;
	(erf) = vrcp.f32 v26;
	v17 =	vpop (erf)  }
0x94: {  	s29 =	sadd.s32 $0x80, s29;
	v21 =	vand.u32 $0xFFFF, v19;
	v19 =	vmul.f32 v17, v25;
	v25 =	vld.idx.msk [tilespmem:v33+s14+$0x0], $0xffff;
	(erf) = vrcp.f32 v27  }
0x95: {  	_ =	sdelay $0x2  }
0x96: {  	(erf) = vrcp.f32 v24;
	v17 =	vadd.f32 $1.000000020e-16, v23  }
0x97: {  	v50 =	vadd.f32 $1.000000020e-16, v25  }
0x98: {  	v49 =	vld [tilespmem:s26+$0xFFFFFFD0];
	[tilespmem:s23+$0x10] =	vst v19;
	(erf) = vrcp.f32 v17  }
0x99: {  	v51 =	vld.idx.msk [tilespmem:v22+s2+$0x0], $0xffff;
	(erf) = vrcp.f32 v50  }
0x9a: {  	v55 =	vld [tilespmem:s26+$0xFFFFFFF0]  }
0x9b: {  	v52 =	vpop (erf)  }
0x9c: {  	v14 =	vand.u32 $0xFFFF, v14;
	v54 =	vld [tilespmem:s26+$0xFFFFFFE0];
	v20 =	vmul.f32 v52, v20;
	v53 =	vpop (erf)  }
0x9d: {  	v8 =	vand.u32 $0xFFFF, v8;
	v23 =	vmul.f32 v53, v49;
	v26 =	vpop (erf)  }
0x9e: {  	v13 =	vand.u32 $0xFFFF, v13;
	[tilespmem:s23+$0x0] =	vst v20;
	v17 =	vmul.f32 v19, v51;
	v56 =	vpop (erf)  }
0x9f: {  	v12 =	vand.u32 $0xFFFF, v12;
	v59 =	vld.idx.msk [tilespmem:v21+s2+$0x0], $0xffff;
	v60 =	vmul.f32 v26, v55;
	[tilespmem:s23+$0xFFFFFFD0] =	vst v23;
	v57 =	vpop (erf)  }
0xa0: {  	v11 =	vand.u32 $0xFFFF, v11;
	[tilespmem:v10+s19+$0x0] =	vst.idx.add.f32.msk $0xffff, v17;
	v18 =	vmul.f32 v57, v18  }
0xa1: {  	v9 =	vand.u32 $0xFFFF, v9;
	v58 =	vmul.f32 v56, v54;
	v14 =	vld.idx.msk [tilespmem:v14+s2+$0x0], $0xffff;
	[tilespmem:s23+$0xFFFFFFF0] =	vst v60;
	v61 =	vpop (erf)  }
0xa2: {  	v8 =	vld.idx.msk [tilespmem:v8+s2+$0x0], $0xffff;
	[tilespmem:s23+$0x20] =	vst v18;
	v16 =	vmul.f32 v61, v16;
	v62 =	vpop (erf)  }
0xa3: {  	[tilespmem:s23+$0xFFFFFFE0] =	vst v58;
	v13 =	vld.idx.msk [tilespmem:v13+s2+$0x0], $0xffff;
	v15 =	vmul.f32 v62, v15  }
0xa4: {  	v12 =	vld.idx.msk [tilespmem:v12+s2+$0x0], $0xffff;
	[tilespmem:s23+$0xFFFFFFC0] =	vst v16  }
0xa5: {  	v17 =	vmul.f32 v20, v59;
	v11 =	vld.idx.msk [tilespmem:v11+s2+$0x0], $0xffff;
	[tilespmem:s23+$0x30] =	vst v15  }
0xa6: {  	v14 =	vmul.f32 v23, v14;
	v9 =	vld.idx.msk [tilespmem:v9+s2+$0x0], $0xffff  }
0xa7: {  	[tilespmem:v2+s19+$0x0] =	vst.idx.add.f32.msk $0xffff, v17;
	v2 =	vmul.f32 v60, v8  }
0xa8: {  	[tilespmem:v5+s19+$0x0] =	vst.idx.add.f32.msk $0xffff, v14;
	v63 =	vmul.f32 v18, v13  }
0xa9: {  	v10 =	vmul.f32 v58, v12;
	[tilespmem:v1+s19+$0x0] =	vst.idx.add.f32.msk $0xffff, v2  }
0xaa: {  	[tilespmem:v3+s19+$0x0] =	vst.idx.add.f32.msk $0xffff, v63;
	v3 =	vmul.f32 v16, v11  }
0xab: {  	[tilespmem:v4+s19+$0x0] =	vst.idx.add.f32.msk $0xffff, v10;
	v1 =	vmul.f32 v15, v9  }
0xac: {  	s22 =	sadd.s32 @!p0 s5, s22;
	s21 =	sadd.s32 $0x1, s21;
	[tilespmem:v6+s19+$0x0] =	vst.idx.add.f32.msk $0xffff, v3  }
0xad: {  	s24 =	simm.s32 @!p0 $0xE000;
	p1 =	sne.s32 s21, $0x14;
	s23 =	simm.s32 @!p0 $0x0;
	[tilespmem:v7+s19+$0x0] =	vst.idx.add.f32.msk $0xffff, v1  }
0xae: {  	[hbm4b:s22+s23] =	stream.linear.scatter @!p0 [tilespmem:s24], [sflag:$0x2], $0x2000, $0x38;
	[tilespmem:$0x10000] =	vst v63  }
.Ltmp3:
0xaf: {  	_ = 	snop;
	(pc) =	sbr.rel @p1 .LBB2_6-.Ltmp3, $4  }
0xb0: {  	s22 =	simm.s32 @!p0 $0x2  }
0xb1: {  	_ =	swait.ge @!p0 [sflag:s22], $0x2000  }
0xb2: {  	[sflag:s22] =	ssyncset.done @!p0 $0x0  }
0xb3: {  	[sflag:s22] =	ssyncadd.s32 @!p0 $0xFFFFE000  }
0xb4: {  	s20 =	sadd.s32 $0x1, s20  }
0xb5: {  	p1 =	sne.s32 s20, s10  }
.Ltmp4:
0xb6: {  	_ = 	snop;
	(pc) =	sbr.rel @p1 .LBB2_1-.Ltmp4, $4  }
0xb7: {  	[hbm4b:s9+s2] =	stream.linear.scatter [tilespmem:s19], [sflag:$0x2], $0x2800, $0x38;
	[tilespmem:$0x10000] =	vst v63  }
0xb8: {  	_ =	swait.ge [sflag:s13], $0x2800  }
0xb9: {  	[sflag:s13] =	ssyncset.done $0x0  }
0xba: {  	[sflag:s13] =	ssyncadd.s32 $0xFFFFD800  }
0xbb: {  	_ =	sfence.sel $0x180000  }
0xbc: {  	[bflag:$0x0] =	sbarrier.arrive $0xFFFF  }
0xbd: {  	_ =	strace $0x9000004A  }
0xbe: {  	s0 =	sadd.s32 @!p0 $0x100000, s0;
	[bflag:$0x2] =	sbarrier.arrive $0xFFFF  }
0xbf: {  	[sflag:s0] =	ssyncadd.tile.s32 @!p0 $0x1;
	_ =	shalt  }
.Lfunc_end2:
_tile_overlayer_lowered:
.L_overlay_start_2:
0xc0: {  	(tag) =	ssettag $0x2  }
0xc1: {  	s0 =	rddreg [dreg:$0x0];
	s2 =	stileid.u32  }
0xc2: {  	s1 =	rddreg [dreg:$0x1];
	p0 =	sne.s32 s2, $0x0  }
0xc3: {  	s3 =	rddreg [dreg:$0x2];
	[bflag:$0x3] =	sbarrier.arrive $0xFFFF;
	s2 =	simm.s32 @!p0 $0x1C02  }
0xc4: {  	[timem:s3], [sflag:s2] =	dma.local @!p0 [hbm:s0], s1  }
0xc5: {  	s0 =	simm.s32 @!p0 $0x2  }
0xc6: {  	_ =	swait.ge @!p0 [sflag:s0], s1  }
0xc7: {  	s1 =	ssub.s32 @!p0 $0x0, s1;
	[sflag:s0] =	ssyncset.done @!p0 $0x0  }
0xc8: {  	[sflag:s0] =	ssyncadd.s32 @!p0 s1  }
0xc9: {  	[bflag:$0x3] =	sbarrier.arrive $0xFFFF  }
0xca: {  	_ =	shalt  }

// kernel: kernel.14.cloned.1.call-start
scs
__scs_entry_jumppad:
0x0: {  	(pc) =	sbr.rel $0x88, $3  }
0x1: {  	(tag) =	ssettag $0x0;
	lr =	simm.s32 $0x1  }
0x2: {  	[smem:$0x3F95] =	sst lr;
	_ =	strace $0xD0000000  }
0x3: {  	_ = 	snop  }
0x4: {  	_ = 	snop  }
0x5: {  	_ = 	snop  }
0x6: {  	_ = 	snop  }
0x7: {  	_ = 	snop  }
__scs_overlays_trampoline_lowered:
0x8: {  	[smem:$0x3FA4] =	sst s0  }
0x9: {  	[smem:$0x3FA5] =	sst s1  }
0xa: {  	[smem:$0x3FA6] =	sst s2  }
0xb: {  	[smem:$0x3FA7] =	sst s3  }
0xc: {  	[smem:$0x3FA8] =	sst s4  }
0xd: {  	[smem:$0x3FA9] =	sst s5  }
0xe: {  	[smem:$0x3FAA] =	sst s6  }
0xf: {  	[smem:$0x3FAB] =	sst s7  }
0x10: {  	[smem:$0x3FAC] =	sst s8  }
0x11: {  	[smem:$0x3FAD] =	sst s9;
	s0 =	simm.s32 @!p0 $0x0  }
0x12: {  	s1 =	sld [smem:$0x3F93];
	s0 =	simm.s32 @p0 $0x1  }
0x13: {  	[smem:$0x3FAE] =	sst s0;
	s0 =	simm.s32 @!p1 $0x0  }
0x14: {  	s2 =	sld [smem:$0x3F92];
	s0 =	simm.s32 @p1 $0x1  }
0x15: {  	[smem:$0x3FAF] =	sst s0;
	s0 =	simm.s32 @!p2 $0x0  }
0x16: {  	s3 =	sld [smem:$0x3FDB];
	s0 =	simm.s32 @p2 $0x1  }
0x17: {  	s4 =	simm.s32 $0x1BF5;
	[smem:$0x3FB1] =	sst s0  }
0x18: {  	s0 =	sld [smem:$0x3F94];
	_ =	swait.ge [sflag:s4], $0x0  }
0x19: {  	s7 =	sld [smem:$0x3F95]  }
0x1a: {  	s8 =	sadd.s32 $0xFFFFE003, lr  }
0x1b: {  	s9 =	sadd.s32 $0xFFFFFEF7, lr;
	s5 =	simm.s32 $0xFFFFFFFF;
	p2 =	slt.u32 s8, $0xFFFFF086  }
0x1c: {  	p1 =	slt.u32 s9, $0xF7A;
	s5 =	simm.s32 @!p2 $0x0  }
0x1d: {  	s5 =	simm.s32 @p1 $0x1;
	p0 =	seq.s32 s7, s2  }
0x1e: {  	s7 =	smul.u32 @!p0 $0xF7A, s2;
	p2 =	seq.s32 @!p0 s5, $0x0  }
0x1f: {  	s9 =	smul.u32 $0xF7A, s1;
	s8 =	simm.s32 @!p0 $0x1BF5;
	p2 =	por !p2, p0  }
0x20: {  	[sflag:s8] =	ssyncset.s32 @!p0 $0xFFFFF086;
	s6 =	sadd.s32 @!p0 s3, s7;
	s7 =	simm.s32 @!p0 $0x108  }
0x21: {  	s3 =	sadd.s32 s3, s9;
	s6 =	sadd.s32 @!p0 $0x88, s6;
	s7 =	simm.s32 @p2 $0x1082  }
0x22: {  	[simem:s7], [sflag:s8] =	dma.local @!p0 [hbm:s6], $0xF7A  }
0x23: {  	s9 =	sor.u32 $0xD0000000, s2;
	s6 =	simm.s32 $0x108;
	_ =	swait.ge @!p0 [sflag:s8], $0x0  }
0x24: {  	s3 =	sadd.s32 $0x88, s3;
	s6 =	simm.s32 @!p1 $0x1082;
	[sflag:s4] =	ssyncset.s32 $0xFFFFF086  }
0x25: {  	[simem:s6], [sflag:s4] =	dma.local [hbm:s3], $0xF7A  }
0x26: {  	[smem:$0x3F95] =	sst s1;
	(tag) =	ssettag s2;
	_ =	strace s9  }
0x27: {  	s1 =	sld [smem:$0x3FA5]  }
0x28: {  	s2 =	sld [smem:$0x3FA6]  }
0x29: {  	s4 =	sld [smem:$0x3FA8]  }
0x2a: {  	p0 =	seq.s32 s5, $0x0;
	s5 =	sld [smem:$0x3FA9]  }
0x2b: {  	s6 =	sld [smem:$0x3FAA]  }
0x2c: {  	s7 =	sld [smem:$0x3FAB]  }
0x2d: {  	s3 =	simm.s32 $0x108;
	s8 =	sld [smem:$0x3FAC]  }
0x2e: {  	s3 =	simm.s32 @!p0 $0x1082;
	s9 =	sld [smem:$0x3FAD]  }
0x2f: {  	lr =	sadd.s32 s0, s3;
	s0 =	sld [smem:$0x3FA4]  }
0x30: {  	s3 =	sld [smem:$0x3FA7]  }
0x31: {  	[smem:$0x3FB0] =	sst s10  }
0x32: {  	s10 =	sld [smem:$0x3FAE];
	_ =	sdelay $0x3  }
0x33: {  	p0 =	seq.s32 s10, $0x1;
	s10 =	sld [smem:$0x3FB0];
	_ =	sdelay $0x3  }
0x34: {  	[smem:$0x3FB0] =	sst s10  }
0x35: {  	s10 =	sld [smem:$0x3FAF];
	_ =	sdelay $0x3  }
0x36: {  	p1 =	seq.s32 s10, $0x1;
	s10 =	sld [smem:$0x3FB0];
	_ =	sdelay $0x3  }
0x37: {  	[smem:$0x3FB0] =	sst s10  }
0x38: {  	s10 =	sld [smem:$0x3FB1]  }
0x39: {  	_ = 	snop;
	(pc) =	sbr.ind lr, $3  }
0x3a: {  	_ = 	snop  }
0x3b: {  	_ = 	snop  }
0x3c: {  	p2 =	seq.s32 s10, $0x1;
	s10 =	sld [smem:$0x3FB0]  }
0x3d: {  	_ =	shalt  }
0x3e: {  	_ =	shalt  }
0x3f: {  	_ =	shalt  }
0x40: {  	_ =	shalt  }
0x41: {  	_ =	shalt  }
0x42: {  	_ =	shalt  }
0x43: {  	_ =	shalt  }
0x44: {  	_ =	shalt  }
0x45: {  	_ =	shalt  }
0x46: {  	_ =	shalt  }
0x47: {  	_ =	shalt  }
0x48: {  	_ =	shalt  }
0x49: {  	_ =	shalt  }
0x4a: {  	_ =	shalt  }
0x4b: {  	_ =	shalt  }
0x4c: {  	_ =	shalt  }
0x4d: {  	_ =	shalt  }
0x4e: {  	_ =	shalt  }
0x4f: {  	_ =	shalt  }
0x50: {  	_ =	shalt  }
0x51: {  	_ =	shalt  }
0x52: {  	_ =	shalt  }
0x53: {  	_ =	shalt  }
0x54: {  	_ =	shalt  }
0x55: {  	_ =	shalt  }
0x56: {  	_ =	shalt  }
0x57: {  	_ =	shalt  }
0x58: {  	_ =	shalt  }
0x59: {  	_ =	shalt  }
0x5a: {  	_ =	shalt  }
0x5b: {  	_ =	shalt  }
0x5c: {  	_ =	shalt  }
0x5d: {  	_ =	shalt  }
0x5e: {  	_ =	shalt  }
0x5f: {  	_ =	shalt  }
0x60: {  	_ =	shalt  }
0x61: {  	_ =	shalt  }
0x62: {  	_ =	shalt  }
0x63: {  	_ =	shalt  }
0x64: {  	_ =	shalt  }
0x65: {  	_ =	shalt  }
0x66: {  	_ =	shalt  }
0x67: {  	_ =	shalt  }
0x68: {  	_ =	shalt  }
0x69: {  	_ =	shalt  }
0x6a: {  	_ =	shalt  }
0x6b: {  	_ =	shalt  }
0x6c: {  	_ =	shalt  }
0x6d: {  	_ =	shalt  }
0x6e: {  	_ =	shalt  }
0x6f: {  	_ =	shalt  }
0x70: {  	_ =	shalt  }
0x71: {  	_ =	shalt  }
0x72: {  	_ =	shalt  }
0x73: {  	_ =	shalt  }
0x74: {  	_ =	shalt  }
0x75: {  	_ =	shalt  }
0x76: {  	_ =	shalt  }
0x77: {  	_ =	shalt  }
0x78: {  	_ =	shalt  }
0x79: {  	_ =	shalt  }
0x7a: {  	_ =	shalt  }
0x7b: {  	_ =	shalt  }
0x7c: {  	_ =	shalt  }
0x7d: {  	_ =	shalt  }
0x7e: {  	_ =	shalt  }
0x7f: {  	_ =	shalt  }
0x80: {  	_ =	shalt  }
0x81: {  	_ =	shalt  }
0x82: {  	_ =	shalt  }
0x83: {  	_ =	shalt  }
0x84: {  	_ =	shalt  }
0x85: {  	_ =	shalt  }
0x86: {  	_ =	shalt  }
0x87: {  	_ =	shalt  }
.Lfunc_end0:
.L_simem_size_0:
called_computation.2_lowered:
.L_overlay_start_0:
0x88: {  	s2 =	sld [smem:$0x3FD9]  }
0x89: {  	s3 =	sld [smem:$0x3FFE];
	_ =	sdelay $0x1  }
0x8a: {  	s1 =	srdreg.scid  }
0x8b: {  	s0 =	sand.u32 $0x1, s1  }
0x8c: {  	s14 =	sshll.u32 s0, $0xA;
	s2 =	sadd.s32 s3, s2  }
0x8d: {  	s2 =	sadd.s32 s2, s14  }
0x8e: {  	[smem:$0x3FBC] =	sst s2  }
0x8f: {  	_ = 	snop  }
0x90: {  	s2 =	sld [smem:$0x3FD0];
	_ =	sdelay $0x2  }
0x91: {  	s15 =	simm.s32 $0xA;
	s4 =	simm.s32 $0x10  }
0x92: {  	[smem:s4], [sflag:s15] =	dma.local [hbm:s2], $0x1  }
0x93: {  	_ =	swait.eq [sflag:s15], $0x1  }
0x94: {  	[sflag:s15] =	ssyncset.done $0x0  }
0x95: {  	s16 =	sld [smem:$0x10];
	[sflag:s15] =	ssyncadd.s32 $0xFFFFFFFF  }
0x96: {  	s17 =	sld [smem:$0x11];
	(tm) =	ssettm $0x1  }
0x97: {  	s18 =	sld [smem:$0x3FFB];
	_ =	sdelay $0x3  }
0x98: {  	_ =	strace s18  }
0x99: {  	s4 =	sld [smem:$0x3FFC];
	_ =	sdelay $0x3  }
0x9a: {  	_ =	strace s4  }
0x9b: {  	s4 =	sld [smem:$0x3FFD];
	_ =	sdelay $0x3  }
0x9c: {  	_ =	strace s4  }
0x9d: {  	_ =	strace $0x8FFFFFFF  }
0x9e: {  	s19 =	sld [smem:$0x3FDB];
	_ =	sdelay $0x1  }
0x9f: {  	s5 =	simm.s32 $_scs_section_size  }
0xa0: {  	s6 =	simm.s32 $_size__tile_overlayer_lowered;
	s7 =	simm.s32 $_tile_overlayer_lowered  }
0xa1: {  	s22 =	simm.s32 $0x1BFF;
	s21 =	sshll.u32 s7, $0x1;
	s4 =	sadd.s32 s5, s19  }
0xa2: {  	s8 =	simm.s32 $0x0;
	s20 =	sshll.u32 s6, $0x1;
	s6 =	sadd.s32 s21, s4  }
0xa3: {  	[timem:s8], [sflag:s22] =	dma.local [hbm:s6], s20  }
0xa4: {  	_ =	swait.ge [sflag:s22], s20  }
0xa5: {  	s5 =	ssub.s32 $0x0, s20;
	[sflag:s22] =	ssyncset.done $0x0  }
0xa6: {  	[sflag:s22] =	ssyncadd.s32 s5;
	_ =	sdelay $0x1  }
0xa7: {  	s23 =	simm.s32 $0x1B8B  }
0xa8: {  	_ =	swait.ge [sflag:s23], $0x1  }
0xa9: {  	[sflag:s23] =	ssyncset.done $0x0  }
0xaa: {  	s25 =	simm.s32 $0x1B8E;
	s24 =	sld [smem:$0x3FFE];
	[sflag:s23] =	ssyncadd.s32 $0xFFFFFFFF  }
0xab: {  	s26 =	simm.s32 $execute0_lowered;
	[smem:$0x3FD2] =	sst s25  }
0xac: {  	s6 =	sshll.u32 s26, $0x1;
	_ =	strace $0x8000004C;
	[dreg:$0x1] =	wrdreg $0xFFFFFFFF  }
0xad: {  	s28 =	simm.s32 $_size_execute0_lowered;
	s4 =	sadd.s32 s4, s6;
	[dreg:$0x0] =	wrdreg $0x0  }
0xae: {  	s6 =	sshll.u32 s28, $0x1;
	[dreg:$0x2] =	wrdreg s4  }
0xaf: {  	[dreg:$0x3] =	wrdreg s6  }
0xb0: {  	[dreg:$0x4] =	wrdreg $0xC0  }
0xb1: {  	_ =	task [dreg:s8], $0x5FFFF  }
0xb2: {  	[dreg:$0x1] =	wrdreg $0xFFFFFFFF  }
0xb3: {  	[dreg:$0x0] =	wrdreg $0x60  }
0xb4: {  	[dreg:$0x2] =	wrdreg s24  }
0xb5: {  	[dreg:$0x3] =	wrdreg s16  }
0xb6: {  	[dreg:$0x4] =	wrdreg s17  }
0xb7: {  	[dreg:$0x5] =	wrdreg $0x174000  }
0xb8: {  	[dreg:$0x6] =	wrdreg $0x9  }
0xb9: {  	_ =	task.clear_ibuf [dreg:s8], $0x7FFFF;
	_ =	strace $0x9000004C  }
0xba: {  	s29 =	simm.s32 $0x9;
	_ =	strace $0x8000004E  }
0xbb: {  	_ =	swait.ge [sflag:s29], $0x1  }
0xbc: {  	[sflag:s29] =	ssyncadd.s32 $0xFFFFFFFF  }
0xbd: {  	_ =	strace $0x9000004E  }
0xbe: {  	_ =	sfence  }
0xbf: {  	s30 =	sld [smem:$0x0];
	_ =	sdelay $0x2  }
0xc0: {  	s31 =	sshll.u32 s1, $0xD;
	s1 =	sshrl.u32 s1, $0x2  }
0xc1: {  	s3 =	sand.u32 $0x4000, s31;
	s1 =	sadd.s32 s1, s30  }
0xc2: {  	s0 =	sor.u32 s3, s0;
	s1 =	sshll.u32 s1, $0x11  }
0xc3: {  	s0 =	sor.u32 s1, s0  }
0xc4: {  	s0 =	sadd.s32 $0x8F2B, s0  }
0xc5: {  	[sflag:s0] =	ssyncadd.remote.s32 $0x1  }
0xc6: {  	_ =	sfence.sel $0xFFFF  }
0xc7: {  	[dreg:$0x0] =	wrdreg $0xFFFFFFFF;
	(pc) =	sbr.abs _section_cstart, $3  }
0xc8: {  	[dreg:$0x1] =	wrdreg $0xFFFFFFFF  }
0xc9: {  	_ =	task.clear_ibuf [dreg:s8], $0x2FFFF;
	_ =	strace $0x9FFFFFFF  }
0xca: {  	(tm) =	ssettm $0x7FFFFFFF  }
0xcb: {  	_ =	shalt  }
tec
execute0_lowered:
.L_overlay_start_1:
0x0: {  	(tag) =	ssettag $0x1  }
0x1: {  	s0 =	rddreg [dreg:$0x0]  }
0x2: {  	s1 =	rddreg [dreg:$0x2]  }
0x3: {  	s18 =	rddreg [dreg:$0x3]  }
0x4: {  	s3 =	simm.s32 $0x0;
	s6 =	srdreg.scid;
	s17 =	stileid.u32  }
0x5: {  	[smem:$0x7FF] =	sst s3;
	s2 =	sadd.s32 $0x3200, s0;
	s4 =	sadd.s32 $0x17800, s0  }
0x6: {  	s5 =	sadd.s32 $0x27000, s0;
	s7 =	sadd.s32 $0xD200, s0;
	s8 =	sadd.s32 $0x17600, s0  }
0x7: {  	s9 =	sand.u32 $0x1, s6;
	s10 =	sor.u32 $0x10, s17;
	s15 =	sshrl.u32 s17, $0x3  }
0x8: {  	s16 =	sshll.u32 s17, $0x7;
	s6 =	sadd.s32 $0x31000, s0;
	s26 =	smul.u32 $0xA000, s17  }
0x9: {  	s23 =	sshll.u32 s17, $0x1;
	s29 =	smul.u32 $0x280, s17;
	_ =	strace $0x8000004D  }
0xa: {  	s11 =	smul.u32 $0x14000, s15;
	s12 =	sshrl.u32 s10, $0x3;
	s13 =	ssub.s32 $0x2, s9  }
0xb: {  	s14 =	sand.u32 $0x380, s16;
	s24 =	sadd.s32 s7, s23;
	s25 =	sshll.u32 s10, $0x1  }
0xc: {  	s30 =	smul.u32 $0x2800, s9;
	[dreg:$0x9] =	wrdreg s24;
	s28 =	sadd.s32 s7, s25  }
0xd: {  	s19 =	sshrl.u32 s13, $0x1;
	s10 =	sadd.s32 s29, s18;
	[dreg:$0xb] =	wrdreg s28  }
0xe: {  	s0 =	ssub.s32 s13, s19;
	s13 =	sadd.s32 $0x5000, s10;
	[dreg:$0xd] =	wrdreg s10  }
0xf: {  	s16 =	smul.u32 $0x28000, s9;
	s19 =	sadd.s32 $0xC800, s10;
	[dreg:$0x10] =	wrdreg s13  }
0x10: {  	s12 =	smul.u32 $0x14000, s12;
	s24 =	sadd.s32 $0x19000, s10;
	[dreg:$0x15] =	wrdreg s19  }
0x11: {  	s9 =	sshrl.u32 s26, $0x2;
	s26 =	sadd.s32 $0x1B800, s10;
	[dreg:$0x1a] =	wrdreg s24  }
0x12: {  	s11 =	sor.u32 s14, s11;
	s28 =	sadd.s32 $0x1E000, s10;
	[dreg:$0x1b] =	wrdreg s26  }
0x13: {  	s12 =	sor.u32 s14, s12;
	s14 =	sadd.s32 $0x7800, s10;
	[dreg:$0x1c] =	wrdreg s28  }
0x14: {  	s11 =	sshrl.u32 s11, $0x3;
	s0 =	smax.u32 s0, $0x1;
	[dreg:$0x12] =	wrdreg s14  }
0x15: {  	s20 =	sadd.s32 s2, s11;
	[dreg:$0x13] =	wrdreg s0  }
0x16: {  	s11 =	sadd.s32 s4, s11;
	[dreg:$0x5] =	wrdreg s20  }
0x17: {  	s21 =	sshrl.u32 s12, $0x3;
	s12 =	sadd.s32 $0x2800, s10;
	[dreg:$0x6] =	wrdreg s11  }
0x18: {  	s31 =	sshll.u32 s17, $0xF;
	s2 =	sadd.s32 s2, s21;
	[dreg:$0xf] =	wrdreg s12  }
0x19: {  	s15 =	sshll.u32 s17, $0x9;
	s22 =	sadd.s32 s4, s21;
	[dreg:$0x7] =	wrdreg s2  }
0x1a: {  	s17 =	sadd.s32 $0xC800, s15;
	s4 =	sadd.s32 s8, s25;
	[dreg:$0x8] =	wrdreg s22  }
0x1b: {  	s19 =	simm.s32 $0x2800;
	s11 =	sadd.s32 s9, s18;
	[dreg:$0xc] =	wrdreg s4  }
0x1c: {  	s24 =	simm.s32 $0x1;
	s18 =	sadd.s32 $0xA000, s10;
	[dreg:$0xe] =	wrdreg s11  }
0x1d: {  	s14 =	simm.s32 $0x2;
	s20 =	sadd.s32 $0xF000, s10;
	[dreg:$0x14] =	wrdreg s18  }
0x1e: {  	s25 =	sshrl.u32 s31, $0x2;
	s21 =	sadd.s32 $0x11800, s10;
	[dreg:$0x16] =	wrdreg s20  }
0x1f: {  	s31 =	sadd.s32 $0x25800, s10;
	s2 =	sadd.s32 s8, s23;
	[dreg:$0x17] =	wrdreg s21  }
0x20: {  	s22 =	sadd.s32 $0x14000, s10;
	s23 =	sadd.s32 $0x16800, s10;
	[dreg:$0x1f] =	wrdreg s31  }
0x21: {  	s20 =	simm.s32 $0x5000;
	s21 =	simm.s32 $0x7800;
	[dreg:$0xa] =	wrdreg s2  }
0x22: {  	s4 =	simm.s32 $0x0;
	s2 =	sadd.s32 s29, s30;
	[dreg:$0x18] =	wrdreg s22  }
0x23: {  	[dreg:$0x19] =	wrdreg s23;
	s29 =	sadd.s32 $0x20800, s10;
	s30 =	sadd.s32 $0x23000, s10  }
0x24: {  	s22 =	simm.s32 $0xA000;
	s2 =	sshrl.u32 s2, $0x3;
	[dreg:$0x1d] =	wrdreg s29  }
0x25: {  	s23 =	simm.s32 $0x14800;
	[dreg:$0x1e] =	wrdreg s30;
	s1 =	sadd.s32 s1, s2  }
0x26: {  	v0 =	vimm.f32 $0.0e+00;
	s2 =	simm.s32 $0x14600;
	[dreg:$0x11] =	wrdreg s1;
	s1 =	simm.s32 $0x14400  }
.LBB2_1:
0x27: {  	[smem:$0x7FD] =	sst s4  }
0x28: {  	s0 =	rddreg [dreg:$0x5];
	s8 =	simm.s32 $0x80;
	s7 =	simm.s32 $0x400  }
0x29: {  	[tilespmem:s3], [sflag:$0x2] =	stream.strided.gather [hbm4b:s0+s8], $0x2800, s7, s8, $0x38;
	[tilespmem:$0x1B400] =	vst v63  }
0x2a: {  	_ =	swait.ge [sflag:s14], $0x2800  }
0x2b: {  	[sflag:s14] =	ssyncset.done $0x0  }
0x2c: {  	s9 =	rddreg [dreg:$0x6];
	[sflag:s14] =	ssyncadd.s32 $0xFFFFD800  }
0x2d: {  	[tilespmem:s19], [sflag:$0x2] =	stream.strided.gather [hbm4b:s9+s8], $0x2800, s7, s8, $0x38;
	[tilespmem:$0x1B400] =	vst v63  }
0x2e: {  	_ =	swait.ge [sflag:s14], $0x2800  }
0x2f: {  	[sflag:s14] =	ssyncset.done $0x0  }
0x30: {  	s10 =	rddreg [dreg:$0x7];
	[sflag:s14] =	ssyncadd.s32 $0xFFFFD800  }
0x31: {  	[tilespmem:s20], [sflag:$0x2] =	stream.strided.gather [hbm4b:s10+s8], $0x2800, s7, s8, $0x38;
	[tilespmem:$0x1B400] =	vst v63  }
0x32: {  	_ =	swait.ge [sflag:s14], $0x2800  }
0x33: {  	[sflag:s14] =	ssyncset.done $0x0  }
0x34: {  	s11 =	rddreg [dreg:$0x8];
	[sflag:s14] =	ssyncadd.s32 $0xFFFFD800  }
0x35: {  	[tilespmem:s21], [sflag:$0x2] =	stream.strided.gather [hbm4b:s11+s8], $0x2800, s7, s8, $0x38;
	[tilespmem:$0x1B400] =	vst v63  }
0x36: {  	_ =	swait.ge [sflag:s14], $0x2800  }
0x37: {  	[sflag:s14] =	ssyncset.done $0x0  }
0x38: {  	s13 =	simm.s32 $0x17200;
	s12 =	rddreg [dreg:$0x9];
	[sflag:s14] =	ssyncadd.s32 $0xFFFFD800  }
0x39: {  	[tilespmem:s13], [sflag:$0x2] =	stream.linear.gather [hbm4b:s12+s3], $0x10, $0x38;
	[tilespmem:$0x1B400] =	vst v63  }
0x3a: {  	_ =	swait.ge [sflag:s14], $0x10  }
0x3b: {  	[sflag:s14] =	ssyncset.done $0x0  }
0x3c: {  	s26 =	simm.s32 $0x17280;
	s18 =	rddreg [dreg:$0xa];
	[sflag:s14] =	ssyncadd.s32 $0xFFFFFFF0  }
0x3d: {  	[tilespmem:s26], [sflag:$0x2] =	stream.linear.gather [hbm4b:s18+s3], $0x10, $0x38;
	[tilespmem:$0x1B400] =	vst v63  }
0x3e: {  	_ =	swait.ge [sflag:s14], $0x10  }
0x3f: {  	[sflag:s14] =	ssyncset.done $0x0  }
0x40: {  	s29 =	simm.s32 $0x17300;
	s28 =	rddreg [dreg:$0xb];
	[sflag:s14] =	ssyncadd.s32 $0xFFFFFFF0  }
0x41: {  	[tilespmem:s29], [sflag:$0x2] =	stream.linear.gather [hbm4b:s28+s3], $0x10, $0x38;
	[tilespmem:$0x1B400] =	vst v63  }
0x42: {  	_ =	swait.ge [sflag:s14], $0x10  }
0x43: {  	[sflag:s14] =	ssyncset.done $0x0  }
0x44: {  	s31 =	simm.s32 $0x17380;
	s30 =	rddreg [dreg:$0xc];
	[sflag:s14] =	ssyncadd.s32 $0xFFFFFFF0  }
0x45: {  	[tilespmem:s31], [sflag:$0x2] =	stream.linear.gather [hbm4b:s30+s3], $0x10, $0x38;
	[tilespmem:$0x1B400] =	vst v63  }
0x46: {  	_ =	swait.ge [sflag:s14], $0x10  }
0x47: {  	[sflag:s14] =	ssyncset.done $0x0  }
0x48: {  	[sflag:s14] =	ssyncadd.s32 $0xFFFFFFF0  }
0x49: {  	v1 =	vld [tilespmem:$0x17200]  }
0x4a: {  	v3 =	vld [tilespmem:$0x17300];
	_ =	sdelay $0x2  }
0x4b: {  	v2 =	vld [tilespmem:$0x17280]  }
0x4c: {  	s0 =	simm.s32 $0x0;
	v4 =	vld [tilespmem:$0x17380]  }
.LBB2_2:
0x4d: {  	p0 =	sne.s32 s0, $0x9FC0  }
.Ltmp0:
0x4e: {  	_ = 	snop;
	(pc) =	sbr.rel @p0 .LBB2_2-.Ltmp0, $3  }
0x4f: {  	_ =	sdelay $0x1  }
0x50: {  	s4 =	sshra.s32 s0, $0x2  }
0x51: {  	s0 =	sadd.s32 $0x40, s0;
	[tilespmem:s4+$0xA000] =	vst v0  }
0x52: {  	s26 =	simm.s32 $0x0  }
.LBB2_4:
0x53: {  	s0 =	sshll.u32 s26, $0xD  }
0x54: {  	s28 =	sadd.s32 s16, s0  }
0x55: {  	s4 =	rddreg [dreg:$0x1];
	s0 =	sshrl.u32 s28, $0x3  }
0x56: {  	s7 =	simm.s32 $0xC800;
	s4 =	sadd.s32 s4, s0  }
0x57: {  	[tilespmem:s7], [sflag:$0x1] =	stream.linear.gather [hbm4b:s4+s3], $0x2000, $0x38;
	[tilespmem:$0x1B400] =	vst v63  }
0x58: {  	s18 =	simm.s32 $0xE800;
	s0 =	sadd.s32 s5, s0  }
0x59: {  	[tilespmem:s18], [sflag:$0x1] =	stream.linear.gather [hbm4b:s0+s3], $0x2000, $0x38;
	[tilespmem:$0x1B400] =	vst v63  }
0x5a: {  	_ =	swait.ge [sflag:s24], $0x2000  }
0x5b: {  	[sflag:s24] =	ssyncset.done $0x0  }
0x5c: {  	[sflag:s24] =	ssyncadd.s32 $0xFFFFE000  }
0x5d: {  	_ =	swait.ge [sflag:s24], $0x2000  }
0x5e: {  	[sflag:s24] =	ssyncset.done $0x0  }
0x5f: {  	s31 =	simm.s32 $0xC840;
	[sflag:s24] =	ssyncadd.s32 $0xFFFFE000  }
0x60: {  	v5 =	vld [tilespmem:s31+$0x30];
	_ =	sdelay $0x1  }
0x61: {  	v6 =	vld [tilespmem:s31+$0xFFFFFFD0]  }
0x62: {  	v7 =	vld [tilespmem:s31+$0xFFFFFFE0]  }
0x63: {  	v8 =	vld [tilespmem:s31+$0xFFFFFFF0]  }
0x64: {  	v9 =	vld [tilespmem:s31+$0x0];
	v10 =	vand.u32 $0xFFFF, v5  }
0x65: {  	v11 =	vld [tilespmem:s31+$0x10];
	v5 =	vshrl.u32 v5, $0x10  }
0x66: {  	v12 =	vld [tilespmem:s31+$0xFFFFFFC0]  }
0x67: {  	s29 =	simm.s32 $0xE840;
	v13 =	vld [tilespmem:s31+$0x20]  }
0x68: {  	v15 =	vld [tilespmem:s29+$0x30];
	v14 =	vand.u32 $0xFFFF, v6  }
0x69: {  	v6 =	vshrl.u32 v6, $0x10;
	v16 =	vld.idx.msk [tilespmem:v10+s3+$0x0], $0xffff  }
0x6a: {  	v17 =	vld.idx.msk [tilespmem:v5+s19+$0x0], $0xffff  }
0x6b: {  	v18 =	vand.u32 $0xFFFF, v12;
	v10 =	vld.idx.msk [tilespmem:v10+s20+$0x0], $0xffff  }
0x6c: {  	v12 =	vshrl.u32 v12, $0x10;
	v5 =	vld.idx.msk [tilespmem:v5+s21+$0x0], $0xffff  }
0x6d: {  	v19 =	vld.idx.msk [tilespmem:v14+s3+$0x0], $0xffff  }
0x6e: {  	v20 =	vld.idx.msk [tilespmem:v6+s19+$0x0], $0xffff  }
0x6f: {  	v14 =	vld.idx.msk [tilespmem:v14+s20+$0x0], $0xffff  }
0x70: {  	v21 =	vand.u32 $0xFFFF, v7;
	v22 =	vld.idx.msk [tilespmem:v18+s3+$0x0], $0xffff  }
0x71: {  	v7 =	vshrl.u32 v7, $0x10;
	v23 =	vld.idx.msk [tilespmem:v12+s19+$0x0], $0xffff  }
0x72: {  	v18 =	vld.idx.msk [tilespmem:v18+s20+$0x0], $0xffff  }
0x73: {  	v12 =	vld.idx.msk [tilespmem:v12+s21+$0x0], $0xffff  }
0x74: {  	v24 =	vand.u32 $0xFFFF, v8;
	v6 =	vld.idx.msk [tilespmem:v6+s21+$0x0], $0xffff  }
0x75: {  	v8 =	vshrl.u32 v8, $0x10;
	v25 =	vld.idx.msk [tilespmem:v21+s3+$0x0], $0xffff  }
0x76: {  	v26 =	vld.idx.msk [tilespmem:v7+s19+$0x0], $0xffff  }
0x77: {  	v21 =	vld.idx.msk [tilespmem:v21+s20+$0x0], $0xffff  }
0x78: {  	v27 =	vand.u32 $0xFFFF, v9;
	v28 =	vld.idx.msk [tilespmem:v7+s21+$0x0], $0xffff  }
0x79: {  	v7 =	vshrl.u32 v9, $0x10;
	v9 =	vld.idx.msk [tilespmem:v24+s3+$0x0], $0xffff  }
0x7a: {  	v29 =	vld.idx.msk [tilespmem:v8+s19+$0x0], $0xffff  }
0x7b: {  	v24 =	vld.idx.msk [tilespmem:v24+s20+$0x0], $0xffff  }
0x7c: {  	v30 =	vand.u32 $0xFFFF, v11;
	v31 =	vld.idx.msk [tilespmem:v8+s21+$0x0], $0xffff  }
0x7d: {  	v32 =	vld.idx.msk [tilespmem:v27+s3+$0x0], $0xffff  }
0x7e: {  	v8 =	vshrl.u32 v11, $0x10;
	v27 =	vld.idx.msk [tilespmem:v27+s20+$0x0], $0xffff  }
0x7f: {  	v11 =	vand.u32 $0xFFFF, v13;
	v33 =	vld.idx.msk [tilespmem:v7+s19+$0x0], $0xffff  }
0x80: {  	v16 =	vadd.f32 v17, v16;
	v17 =	vld.idx.msk [tilespmem:v7+s21+$0x0], $0xffff  }
0x81: {  	v7 =	vshrl.u32 v13, $0x10;
	v13 =	vld.idx.msk [tilespmem:v30+s3+$0x0], $0xffff  }
0x82: {  	v30 =	vld.idx.msk [tilespmem:v30+s20+$0x0], $0xffff  }
0x83: {  	v34 =	vmul.f32 v15, v1;
	v5 =	vadd.f32 v5, v10;
	v10 =	vmul.f32 v15, v3;
	v36 =	vld.idx.msk [tilespmem:v8+s21+$0x0], $0xffff  }
0x84: {  	v37 =	vld.idx.msk [tilespmem:v11+s3+$0x0], $0xffff;
	v6 =	vadd.f32 v6, v14  }
0x85: {  	v63 =	vld.idx.msk [tilespmem:v11+s20+$0x0], $0xffff;
	v15 =	vadd.f32 v16, v34;
	v10 =	vadd.f32 v5, v10  }
0x86: {  	v11 =	vadd.f32 v29, v9;
	v14 =	vadd.f32 v31, v24;
	v16 =	vld.idx.msk [tilespmem:v8+s19+$0x0], $0xffff  }
0x87: {  	v5 =	vadd.f32 v20, v19;
	v34 =	vmul.f32 $2.000000030e-01, v15;
	v35 =	vmul.f32 $2.000000030e-01, v10;
	v62 =	vld.idx.msk [tilespmem:v7+s19+$0x0], $0xffff  }
0x88: {  	v8 =	vadd.f32 v23, v22;
	v38 =	vld.idx.msk [tilespmem:v7+s21+$0x0], $0xffff;
	v7 =	vadd.f32 v26, v25  }
0x89: {  	v26 =	vld [tilespmem:s29+$0xFFFFFFC0];
	v17 =	vadd.f32 v17, v27;
	v15 =	vmax.f32 v15, v34;
	v10 =	vmax.f32 v10, v35  }
0x8a: {  	v23 =	vld [tilespmem:s29+$0xFFFFFFD0];
	v20 =	vadd.f32 v36, v30;
	v15 =	vmul.f32 v15, v2;
	v19 =	vmul.f32 v10, v4  }
0x8b: {  	v22 =	vld [tilespmem:s29+$0xFFFFFFE0];
	v10 =	vadd.f32 v12, v18;
	v12 =	vadd.f32 v28, v21  }
0x8c: {  	v39 =	vadd.f32 v19, v15;
	v19 =	vadd.f32 v16, v13;
	v16 =	vld [tilespmem:s29+$0xFFFFFFF0]  }
0x8d: {  	s0 =	simm.s32 $0x10840;
	v15 =	vadd.f32 v33, v32;
	v13 =	vld [tilespmem:s29+$0x0];
	v18 =	vadd.f32 v62, v37  }
0x8e: {  	s30 =	simm.s32 $0x10840;
	s4 =	simm.s32 $0x0;
	s7 =	simm.s32 $0xC8C0;
	v9 =	vld [tilespmem:s29+$0x10];
	v25 =	vmul.f32 v26, v1;
	v24 =	vmul.f32 v26, v3;
	v21 =	vadd.f32 v38, v63;
	[tilespmem:s0+$0x30] =	vst v39  }
.LBB2_5:
0x8f: {  	v26 =	vld [tilespmem:s7+$0x30];
	v27 =	vmul.f32 v23, v1;
	v23 =	vmul.f32 v23, v3  }
0x90: {  	v28 =	vld [tilespmem:s7+$0xFFFFFFD0];
	v8 =	vadd.f32 v8, v25;
	v25 =	vmul.f32 v22, v1;
	v22 =	vmul.f32 v22, v3  }
0x91: {  	v10 =	vadd.f32 v10, v24;
	v29 =	vld [tilespmem:s7+$0xFFFFFFE0];
	v24 =	vmul.f32 v16, v1;
	v16 =	vmul.f32 v16, v3  }
0x92: {  	s4 =	sadd.s32 $0x8, s4;
	v5 =	vadd.f32 v5, v27;
	v30 =	vld [tilespmem:s7+$0xFFFFFFF0];
	v27 =	vmul.f32 v13, v1;
	v13 =	vmul.f32 v13, v3  }
0x93: {  	p0 =	slt.u32 s4, $0x1F8;
	v6 =	vadd.f32 v6, v23;
	v31 =	vld [tilespmem:s7+$0x0];
	v23 =	vmul.f32 v9, v1;
	v32 =	vmul.f32 v9, v3  }
0x94: {  	v7 =	vadd.f32 v7, v25;
	v12 =	vadd.f32 v12, v22;
	v9 =	vld [tilespmem:s7+$0x10];
	v33 =	vand.u32 $0xFFFF, v26  }
0x95: {  	v26 =	vshrl.u32 v26, $0x10;
	v22 =	vshrl.u32 v28, $0x10;
	v25 =	vand.u32 $0xFFFF, v28;
	v28 =	vld [tilespmem:s7+$0x20]  }
0x96: {  	v11 =	vadd.f32 v11, v24;
	v34 =	vld [tilespmem:s7+$0xFFFFFFC0];
	v35 =	vshrl.u32 v29, $0x10;
	v29 =	vand.u32 $0xFFFF, v29  }
0x97: {  	v14 =	vadd.f32 v14, v16;
	v24 =	vshrl.u32 v30, $0x10;
	v30 =	vand.u32 $0xFFFF, v30;
	v36 =	vld [tilespmem:s29+$0x20];
	s29 =	sadd.s32 $0x80, s29  }
0x98: {  	v15 =	vadd.f32 v15, v27;
	v37 =	vshrl.u32 v31, $0x10;
	v31 =	vand.u32 $0xFFFF, v31;
	v38 =	vld [tilespmem:s29+$0x30]  }
0x99: {  	v17 =	vadd.f32 v17, v13;
	v16 =	vshrl.u32 v9, $0x10;
	v27 =	vand.u32 $0xFFFF, v9;
	v39 =	vld.idx.msk [tilespmem:v33+s3+$0x0], $0xffff  }
0x9a: {  	v19 =	vadd.f32 v19, v23;
	v9 =	vshrl.u32 v28, $0x10;
	v13 =	vand.u32 $0xFFFF, v28;
	v28 =	vld.idx.msk [tilespmem:v26+s19+$0x0], $0xffff  }
0x9b: {  	v20 =	vadd.f32 v20, v32;
	v23 =	vshrl.u32 v34, $0x10;
	v34 =	vand.u32 $0xFFFF, v34;
	v33 =	vld.idx.msk [tilespmem:v33+s20+$0x0], $0xffff  }
0x9c: {  	v26 =	vld.idx.msk [tilespmem:v26+s21+$0x0], $0xffff;
	v32 =	vmul.f32 v36, v1;
	v36 =	vmul.f32 v36, v3  }
0x9d: {  	v41 =	vmul.f32 $2.000000030e-01, v8;
	v42 =	vmul.f32 $2.000000030e-01, v10;
	v40 =	vld.idx.msk [tilespmem:v25+s3+$0x0], $0xffff  }
0x9e: {  	v44 =	vmul.f32 $2.000000030e-01, v5;
	v43 =	vld.idx.msk [tilespmem:v22+s19+$0x0], $0xffff;
	v18 =	vadd.f32 v18, v32;
	v21 =	vadd.f32 v21, v36  }
0x9f: {  	v32 =	vmax.f32 v8, v41;
	v8 =	vmul.f32 $2.000000030e-01, v6;
	v36 =	vmul.f32 $2.000000030e-01, v7;
	v25 =	vld.idx.msk [tilespmem:v25+s20+$0x0], $0xffff  }
0xa0: {  	v42 =	vmax.f32 v10, v42;
	v10 =	vmul.f32 $2.000000030e-01, v12;
	v45 =	vmul.f32 $2.000000030e-01, v11;
	v41 =	vld.idx.msk [tilespmem:v34+s3+$0x0], $0xffff  }
0xa1: {  	v44 =	vmax.f32 v5, v44;
	v48 =	vmul.f32 $2.000000030e-01, v14;
	v47 =	vmul.f32 v38, v1;
	v46 =	vld.idx.msk [tilespmem:v23+s19+$0x0], $0xffff  }
0xa2: {  	v5 =	vadd.f32 v28, v39;
	v28 =	vmul.f32 v38, v3;
	v26 =	vadd.f32 v26, v33;
	v34 =	vld.idx.msk [tilespmem:v34+s20+$0x0], $0xffff  }
0xa3: {  	v38 =	vmul.f32 $2.000000030e-01, v15;
	v39 =	vmul.f32 $2.000000030e-01, v17;
	v33 =	vmax.f32 v6, v8;
	v23 =	vld.idx.msk [tilespmem:v23+s21+$0x0], $0xffff  }
0xa4: {  	v26 =	vadd.f32 v26, v28;
	v28 =	vmul.f32 $2.000000030e-01, v19;
	v6 =	vld.idx.msk [tilespmem:v22+s21+$0x0], $0xffff;
	v22 =	vadd.f32 v5, v47  }
0xa5: {  	v5 =	vadd.f32 v43, v40;
	v43 =	vmul.f32 $2.000000030e-01, v20;
	v47 =	vmul.f32 $2.000000030e-01, v18;
	v40 =	vld.idx.msk [tilespmem:v29+s3+$0x0], $0xffff  }
0xa6: {  	v36 =	vmax.f32 v7, v36;
	v51 =	vmul.f32 $2.000000030e-01, v26;
	v49 =	vld.idx.msk [tilespmem:v35+s19+$0x0], $0xffff;
	v50 =	vmul.f32 $2.000000030e-01, v22  }
0xa7: {  	v8 =	vadd.f32 v46, v41;
	v41 =	vmax.f32 v12, v10;
	v12 =	vmul.f32 $2.000000030e-01, v21;
	v29 =	vld.idx.msk [tilespmem:v29+s20+$0x0], $0xffff  }
0xa8: {  	v35 =	vld.idx.msk [tilespmem:v35+s21+$0x0], $0xffff;
	v7 =	vmax.f32 v22, v50;
	v22 =	vmax.f32 v26, v51;
	v26 =	vmax.f32 v11, v45  }
0xa9: {  	v10 =	vadd.f32 v23, v34;
	v11 =	vld.idx.msk [tilespmem:v30+s3+$0x0], $0xffff;
	v7 =	vmul.f32 v7, v2;
	v22 =	vmul.f32 v22, v4  }
0xaa: {  	v14 =	vmax.f32 v14, v48;
	v15 =	vmax.f32 v15, v38;
	v6 =	vadd.f32 v6, v25;
	v23 =	vld.idx.msk [tilespmem:v24+s19+$0x0], $0xffff  }
0xab: {  	v17 =	vmax.f32 v17, v39;
	v19 =	vmax.f32 v19, v28;
	v25 =	vld.idx.msk [tilespmem:v30+s20+$0x0], $0xffff;
	v22 =	vadd.f32 v22, v7  }
0xac: {  	s0 =	sadd.s32 $0x80, s0;
	v20 =	vmax.f32 v20, v43;
	v18 =	vmax.f32 v18, v47;
	v7 =	vadd.f32 v49, v40;
	v24 =	vld.idx.msk [tilespmem:v24+s21+$0x0], $0xffff  }
0xad: {  	v21 =	vmax.f32 v21, v12;
	v28 =	vld.idx.msk [tilespmem:v31+s3+$0x0], $0xffff;
	[tilespmem:s0+$0x30] =	vst v22;
	v22 =	vmul.f32 v32, v2  }
0xae: {  	v30 =	vmul.f32 v42, v4;
	v12 =	vadd.f32 v35, v29;
	v32 =	vmul.f32 v44, v2;
	v29 =	vld.idx.msk [tilespmem:v37+s19+$0x0], $0xffff  }
0xaf: {  	v33 =	vmul.f32 v33, v4;
	v34 =	vmul.f32 v36, v2;
	v31 =	vld.idx.msk [tilespmem:v31+s20+$0x0], $0xffff  }
0xb0: {  	v26 =	vmul.f32 v26, v2;
	v35 =	vmul.f32 v41, v4;
	v11 =	vadd.f32 v23, v11;
	v23 =	vld.idx.msk [tilespmem:v37+s21+$0x0], $0xffff  }
0xb1: {  	v22 =	vadd.f32 v30, v22;
	v30 =	vmul.f32 v14, v4;
	v37 =	vmul.f32 v15, v2;
	v36 =	vld.idx.msk [tilespmem:v27+s3+$0x0], $0xffff  }
0xb2: {  	v17 =	vmul.f32 v17, v4;
	v19 =	vmul.f32 v19, v2;
	v14 =	vadd.f32 v24, v25;
	v24 =	vld.idx.msk [tilespmem:v16+s19+$0x0], $0xffff  }
0xb3: {  	v20 =	vmul.f32 v20, v4;
	v18 =	vmul.f32 v18, v2;
	v25 =	vld.idx.msk [tilespmem:v27+s20+$0x0], $0xffff;
	v27 =	vadd.f32 v33, v32  }
0xb4: {  	v21 =	vmul.f32 v21, v4;
	v15 =	vadd.f32 v29, v28;
	v28 =	vadd.f32 v35, v34;
	v16 =	vld.idx.msk [tilespmem:v16+s21+$0x0], $0xffff  }
0xb5: {  	v29 =	vld.idx.msk [tilespmem:v13+s3+$0x0], $0xffff;
	[tilespmem:s30+$0xFFFFFFC0] =	vst v22;
	v22 =	vadd.f32 v30, v26;
	v26 =	vadd.f32 v17, v37  }
0xb6: {  	v17 =	vadd.f32 v23, v31;
	v30 =	vld.idx.msk [tilespmem:v9+s19+$0x0], $0xffff;
	[tilespmem:s30+$0xFFFFFFD0] =	vst v27;
	v27 =	vadd.f32 v20, v19  }
0xb7: {  	v31 =	vld.idx.msk [tilespmem:v13+s20+$0x0], $0xffff;
	[tilespmem:s30+$0xFFFFFFE0] =	vst v28;
	v13 =	vadd.f32 v21, v18  }
0xb8: {  	v19 =	vadd.f32 v24, v36;
	v21 =	vld.idx.msk [tilespmem:v9+s21+$0x0], $0xffff;
	[tilespmem:s30+$0xFFFFFFF0] =	vst v22  }
0xb9: {  	v9 =	vld [tilespmem:s29+$0xFFFFFFC0];
	[tilespmem:s30+$0x0] =	vst v26  }
.Ltmp1:
0xba: {  	v20 =	vadd.f32 v16, v25;
	v23 =	vld [tilespmem:s29+$0xFFFFFFD0];
	[tilespmem:s30+$0x10] =	vst v27;
	(pc) =	sbr.rel @p0 .LBB2_5-.Ltmp1, $4  }
0xbb: {  	v22 =	vld [tilespmem:s29+$0xFFFFFFE0];
	[tilespmem:s30+$0x20] =	vst v13;
	s30 =	smov.u32 s0  }
0xbc: {  	v18 =	vadd.f32 v30, v29;
	v16 =	vld [tilespmem:s29+$0xFFFFFFF0]  }
0xbd: {  	v13 =	vld [tilespmem:s29+$0x0]  }
0xbe: {  	s7 =	sadd.s32 $0x80, s7;
	v21 =	vadd.f32 v21, v31;
	v25 =	vmul.f32 v9, v1;
	v24 =	vmul.f32 v9, v3;
	v9 =	vld [tilespmem:s29+$0x10]  }
0xbf: {  	v26 =	vmul.f32 v23, v1  }
0xc0: {  	v46 =	vmul.f32 v23, v3;
	v8 =	vadd.f32 v8, v25;
	v47 =	vmul.f32 v22, v1  }
0xc1: {  	v48 =	vmul.f32 v22, v3;
	v10 =	vadd.f32 v10, v24;
	v49 =	vmul.f32 v16, v1  }
0xc2: {  	v27 =	vld [tilespmem:s29+$0x20];
	v16 =	vmul.f32 v16, v3;
	v5 =	vadd.f32 v5, v26;
	v6 =	vadd.f32 v6, v46  }
0xc3: {  	v50 =	vmul.f32 v13, v1;
	v13 =	vmul.f32 v13, v3;
	v7 =	vadd.f32 v7, v47  }
0xc4: {  	v12 =	vadd.f32 v12, v48;
	v52 =	vmul.f32 $2.000000030e-01, v10;
	v51 =	vmul.f32 v9, v1  }
0xc5: {  	v11 =	vadd.f32 v11, v49;
	v9 =	vmul.f32 v9, v3;
	v14 =	vadd.f32 v14, v16  }
0xc6: {  	v53 =	vmul.f32 $2.000000030e-01, v5;
	v15 =	vadd.f32 v15, v50;
	v13 =	vadd.f32 v17, v13  }
0xc7: {  	v17 =	vmul.f32 v27, v1;
	v54 =	vmul.f32 $2.000000030e-01, v7;
	v16 =	vadd.f32 v19, v51  }
0xc8: {  	v9 =	vadd.f32 v20, v9;
	v19 =	vmul.f32 v27, v3;
	v20 =	vmul.f32 $2.000000030e-01, v8  }
0xc9: {  	v10 =	vmax.f32 v10, v52;
	v24 =	vmul.f32 $2.000000030e-01, v11;
	v55 =	vmul.f32 $2.000000030e-01, v14  }
0xca: {  	v5 =	vmax.f32 v5, v53;
	v10 =	vmul.f32 v10, v4;
	v17 =	vadd.f32 v18, v17  }
0xcb: {  	v56 =	vmul.f32 $2.000000030e-01, v15;
	v57 =	vmul.f32 $2.000000030e-01, v13;
	v7 =	vmax.f32 v7, v54  }
0xcc: {  	v5 =	vmul.f32 v5, v2;
	v18 =	vadd.f32 v21, v19;
	v19 =	vmul.f32 $2.000000030e-01, v6  }
0xcd: {  	v8 =	vmax.f32 v8, v20;
	v20 =	vmul.f32 $2.000000030e-01, v12;
	v58 =	vmul.f32 $2.000000030e-01, v16  }
0xce: {  	v11 =	vmax.f32 v11, v24;
	v14 =	vmax.f32 v14, v55;
	v7 =	vmul.f32 v7, v2  }
0xcf: {  	v59 =	vmul.f32 $2.000000030e-01, v17;
	v15 =	vmax.f32 v15, v56;
	v13 =	vmax.f32 v13, v57  }
0xd0: {  	v8 =	vmul.f32 v8, v2;
	v6 =	vmax.f32 v6, v19;
	v19 =	vmul.f32 $2.000000030e-01, v9  }
0xd1: {  	v12 =	vmax.f32 v12, v20;
	v20 =	vmul.f32 $2.000000030e-01, v18;
	v16 =	vmax.f32 v16, v58  }
0xd2: {  	v13 =	vmul.f32 v13, v4;
	v17 =	vmax.f32 v17, v59;
	v6 =	vmul.f32 v6, v4  }
0xd3: {  	v12 =	vmul.f32 v12, v4;
	v8 =	vadd.f32 v10, v8;
	v10 =	vmul.f32 v11, v2  }
0xd4: {  	v11 =	vmul.f32 v14, v4;
	v9 =	vmax.f32 v9, v19;
	v5 =	vadd.f32 v6, v5  }
0xd5: {  	v18 =	vmax.f32 v18, v20;
	v6 =	vmul.f32 v15, v2;
	v7 =	vadd.f32 v12, v7;
	[tilespmem:s30+$0xFFFFFFC0] =	vst v8  }
0xd6: {  	v8 =	vmul.f32 v16, v2;
	v9 =	vmul.f32 v9, v4;
	v10 =	vadd.f32 v11, v10;
	[tilespmem:s30+$0xFFFFFFD0] =	vst v5  }
0xd7: {  	v11 =	vmul.f32 v18, v4;
	v5 =	vmul.f32 v17, v2;
	v6 =	vadd.f32 v13, v6;
	[tilespmem:s30+$0xFFFFFFE0] =	vst v7  }
0xd8: {  	s0 =	sshll.u32 s26, $0x11;
	v7 =	vadd.f32 v9, v8;
	[tilespmem:s30+$0xFFFFFFF0] =	vst v10  }
0xd9: {  	s4 =	rddreg [dreg:$0x3];
	s0 =	sand.u32 $0x20000, s0;
	v5 =	vadd.f32 v11, v5;
	[tilespmem:s30+$0x0] =	vst v6  }
0xda: {  	s0 =	sadd.s32 s0, s4;
	[tilespmem:s30+$0x10] =	vst v7  }
0xdb: {  	s7 =	simm.s32 $0x10800;
	s4 =	sadd.s32 s25, s0;
	[tilespmem:s30+$0x20] =	vst v5  }
0xdc: {  	[spmem:s4] =	stream.linear.scatter [tilespmem:s7], [sflag:$0x2], $0x2000, $0x38;
	[tilespmem:$0x1B400] =	vst v63  }
0xdd: {  	_ =	swait.ge [sflag:s14], $0x2000  }
0xde: {  	[sflag:s14] =	ssyncset.done $0x0  }
0xdf: {  	[sflag:s14] =	ssyncadd.s32 $0xFFFFE000  }
0xe0: {  	s10 =	simm.s32 $0x12800;
	s0 =	sadd.s32 s15, s0;
	[bflag:$0x0] =	sbarrier.arrive $0xFFFF  }
0xe1: {  	[tilespmem:s10], [sflag:$0x1] =	stream.linear.gather [spmem:s0], $0x200, $0x38;
	[tilespmem:$0x1B400] =	vst v63  }
0xe2: {  	s12 =	simm.s32 $0x12A00;
	s11 =	sadd.s32 $0x2000, s0  }
0xe3: {  	[tilespmem:s12], [sflag:$0x1] =	stream.linear.gather [spmem:s11], $0x200, $0x38;
	[tilespmem:$0x1B400] =	vst v63  }
0xe4: {  	s18 =	simm.s32 $0x12C00;
	s13 =	sadd.s32 $0x4000, s0  }
0xe5: {  	[tilespmem:s18], [sflag:$0x1] =	stream.linear.gather [spmem:s13], $0x200, $0x38;
	[tilespmem:$0x1B400] =	vst v63  }
0xe6: {  	s8 =	simm.s32 $0x12E00;
	s7 =	sadd.s32 $0x6000, s0  }
0xe7: {  	[tilespmem:s8], [sflag:$0x1] =	stream.linear.gather [spmem:s7], $0x200, $0x38;
	[tilespmem:$0x1B400] =	vst v63  }
0xe8: {  	s9 =	sadd.s32 $0x8000, s0;
	s10 =	simm.s32 $0x13000  }
0xe9: {  	[tilespmem:s10], [sflag:$0x1] =	stream.linear.gather [spmem:s9], $0x200, $0x38;
	[tilespmem:$0x1B400] =	vst v63  }
0xea: {  	s11 =	sadd.s32 $0xA000, s0;
	s12 =	simm.s32 $0x13200  }
0xeb: {  	[tilespmem:s12], [sflag:$0x1] =	stream.linear.gather [spmem:s11], $0x200, $0x38;
	[tilespmem:$0x1B400] =	vst v63  }
0xec: {  	s13 =	sadd.s32 $0xC000, s0;
	s18 =	simm.s32 $0x13400  }
0xed: {  	[tilespmem:s18], [sflag:$0x1] =	stream.linear.gather [spmem:s13], $0x200, $0x38;
	[tilespmem:$0x1B400] =	vst v63  }
0xee: {  	s7 =	sadd.s32 $0xE000, s0;
	s8 =	simm.s32 $0x13600  }
0xef: {  	[tilespmem:s8], [sflag:$0x1] =	stream.linear.gather [spmem:s7], $0x200, $0x38;
	[tilespmem:$0x1B400] =	vst v63  }
0xf0: {  	s9 =	sadd.s32 $0x10000, s0;
	s10 =	simm.s32 $0x13800  }
0xf1: {  	[tilespmem:s10], [sflag:$0x1] =	stream.linear.gather [spmem:s9], $0x200, $0x38;
	[tilespmem:$0x1B400] =	vst v63  }
0xf2: {  	s11 =	sadd.s32 $0x12000, s0;
	s12 =	simm.s32 $0x13A00  }
0xf3: {  	[tilespmem:s12], [sflag:$0x1] =	stream.linear.gather [spmem:s11], $0x200, $0x38;
	[tilespmem:$0x1B400] =	vst v63  }
0xf4: {  	s13 =	sadd.s32 $0x14000, s0;
	s18 =	simm.s32 $0x13C00  }
0xf5: {  	[tilespmem:s18], [sflag:$0x1] =	stream.linear.gather [spmem:s13], $0x200, $0x38;
	[tilespmem:$0x1B400] =	vst v63  }
0xf6: {  	s7 =	sadd.s32 $0x16000, s0;
	s8 =	simm.s32 $0x13E00  }
0xf7: {  	[tilespmem:s8], [sflag:$0x1] =	stream.linear.gather [spmem:s7], $0x200, $0x38;
	[tilespmem:$0x1B400] =	vst v63  }
0xf8: {  	s9 =	sadd.s32 $0x18000, s0;
	s10 =	simm.s32 $0x14000  }
0xf9: {  	[tilespmem:s10], [sflag:$0x1] =	stream.linear.gather [spmem:s9], $0x200, $0x38;
	[tilespmem:$0x1B400] =	vst v63  }
0xfa: {  	s11 =	sadd.s32 $0x1A000, s0;
	s12 =	simm.s32 $0x14200  }
0xfb: {  	[tilespmem:s12], [sflag:$0x1] =	stream.linear.gather [spmem:s11], $0x200, $0x38;
	[tilespmem:$0x1B400] =	vst v63  }
0xfc: {  	s13 =	sadd.s32 $0x1C000, s0  }
0xfd: {  	[tilespmem:s1], [sflag:$0x1] =	stream.linear.gather [spmem:s13], $0x200, $0x38;
	[tilespmem:$0x1B400] =	vst v63  }
0xfe: {  	s0 =	sadd.s32 $0x1E000, s0  }
0xff: {  	[tilespmem:s2], [sflag:$0x1] =	stream.linear.gather [spmem:s0], $0x200, $0x38;
	[tilespmem:$0x1B400] =	vst v63  }
0x100: {  	_ =	swait.ge [sflag:s24], $0x200  }
0x101: {  	[sflag:s24] =	ssyncset.done $0x0  }
0x102: {  	[sflag:s24] =	ssyncadd.s32 $0xFFFFFE00  }
0x103: {  	_ =	swait.ge [sflag:s24], $0x200  }
0x104: {  	[sflag:s24] =	ssyncset.done $0x0  }
0x105: {  	[sflag:s24] =	ssyncadd.s32 $0xFFFFFE00  }
0x106: {  	_ =	swait.ge [sflag:s24], $0x200  }
0x107: {  	[sflag:s24] =	ssyncset.done $0x0  }
0x108: {  	[sflag:s24] =	ssyncadd.s32 $0xFFFFFE00  }
0x109: {  	_ =	swait.ge [sflag:s24], $0x200  }
0x10a: {  	[sflag:s24] =	ssyncset.done $0x0  }
0x10b: {  	[sflag:s24] =	ssyncadd.s32 $0xFFFFFE00  }
0x10c: {  	_ =	swait.ge [sflag:s24], $0x200  }
0x10d: {  	[sflag:s24] =	ssyncset.done $0x0  }
0x10e: {  	[sflag:s24] =	ssyncadd.s32 $0xFFFFFE00  }
0x10f: {  	_ =	swait.ge [sflag:s24], $0x200  }
0x110: {  	[sflag:s24] =	ssyncset.done $0x0  }
0x111: {  	[sflag:s24] =	ssyncadd.s32 $0xFFFFFE00  }
0x112: {  	_ =	swait.ge [sflag:s24], $0x200  }
0x113: {  	[sflag:s24] =	ssyncset.done $0x0  }
0x114: {  	[sflag:s24] =	ssyncadd.s32 $0xFFFFFE00  }
0x115: {  	_ =	swait.ge [sflag:s24], $0x200  }
0x116: {  	[sflag:s24] =	ssyncset.done $0x0  }
0x117: {  	[sflag:s24] =	ssyncadd.s32 $0xFFFFFE00  }
0x118: {  	_ =	swait.ge [sflag:s24], $0x200  }
0x119: {  	[sflag:s24] =	ssyncset.done $0x0  }
0x11a: {  	[sflag:s24] =	ssyncadd.s32 $0xFFFFFE00  }
0x11b: {  	_ =	swait.ge [sflag:s24], $0x200  }
0x11c: {  	[sflag:s24] =	ssyncset.done $0x0  }
0x11d: {  	[sflag:s24] =	ssyncadd.s32 $0xFFFFFE00  }
0x11e: {  	_ =	swait.ge [sflag:s24], $0x200  }
0x11f: {  	[sflag:s24] =	ssyncset.done $0x0  }
0x120: {  	[sflag:s24] =	ssyncadd.s32 $0xFFFFFE00  }
0x121: {  	_ =	swait.ge [sflag:s24], $0x200  }
0x122: {  	[sflag:s24] =	ssyncset.done $0x0  }
0x123: {  	[sflag:s24] =	ssyncadd.s32 $0xFFFFFE00  }
0x124: {  	_ =	swait.ge [sflag:s24], $0x200  }
0x125: {  	[sflag:s24] =	ssyncset.done $0x0  }
0x126: {  	[sflag:s24] =	ssyncadd.s32 $0xFFFFFE00  }
0x127: {  	_ =	swait.ge [sflag:s24], $0x200  }
0x128: {  	[sflag:s24] =	ssyncset.done $0x0  }
0x129: {  	[sflag:s24] =	ssyncadd.s32 $0xFFFFFE00  }
0x12a: {  	_ =	swait.ge [sflag:s24], $0x200  }
0x12b: {  	[sflag:s24] =	ssyncset.done $0x0  }
0x12c: {  	[sflag:s24] =	ssyncadd.s32 $0xFFFFFE00  }
0x12d: {  	_ =	swait.ge [sflag:s24], $0x200  }
0x12e: {  	[sflag:s24] =	ssyncset.done $0x0  }
0x12f: {  	s18 =	simm.s32 $0x13810;
	s9 =	simm.s32 $0x0;
	[sflag:s24] =	ssyncadd.s32 $0xFFFFFE00  }
0x130: {  	s8 =	sand.u32 $0x180, s9;
	s4 =	sand.u32 $0x40, s9;
	v5 =	vld [tilespmem:s18+$0xFFFFF000]  }
0x131: {  	s10 =	sor.u32 s4, s8;
	v6 =	vld [tilespmem:s18+$0xFFFFEFF0]  }
0x132: {  	v7 =	vld [tilespmem:s10+$0x12A00]  }
0x133: {  	v8 =	vld [tilespmem:s18+$0xFFFFF200]  }
0x134: {  	v9 =	vld [tilespmem:s10+$0x12C00]  }
0x135: {  	v10 =	vld [tilespmem:s18+$0xFFFFF010]  }
0x136: {  	v11 =	vld [tilespmem:s10+$0x12E00]  }
0x137: {  	v12 =	vld [tilespmem:s18+$0xFFFFF210]  }
0x138: {  	v13 =	vld [tilespmem:s10+$0x13200]  }
0x139: {  	v14 =	vld [tilespmem:s10+$0x13400]  }
0x13a: {  	v15 =	vld [tilespmem:s18+$0xFFFFF400]  }
0x13b: {  	v16 =	vld [tilespmem:s10+$0x13800]  }
0x13c: {  	v17 =	vld [tilespmem:s18+$0xFFFFF420]  }
0x13d: {  	v18 =	vld [tilespmem:s18+$0xFFFFF600]  }
0x13e: {  	v19 =	vld [tilespmem:s10+$0x13E00]  }
0x13f: {  	v20 =	vld [tilespmem:s18+$0xFFFFF620]  }
0x140: {  	v21 =	vld [tilespmem:s18+$0xFFFFF800]  }
0x141: {  	v60 =	vld [tilespmem:s10+$0x14400]  }
0x142: {  	v23 =	vld [tilespmem:s18+$0xFFFFF820]  }
0x143: {  	v24 =	vld [tilespmem:s18+$0xFFFFFA00]  }
0x144: {  	v61 =	vld [tilespmem:s18+$0xFFFFFA10]  }
0x145: {  	v62 =	vld [tilespmem:s18+$0xFFFFFA20]  }
0x146: {  	v63 =	vld [tilespmem:s18+$0xFFFFFC00]  }
0x147: {  	v28 =	vld [tilespmem:s18+$0xFFFFFC20]  }
0x148: {  	v29 =	vld [tilespmem:s18+$0xFFFFFE00]  }
0x149: {  	v30 =	vld [tilespmem:s18+$0xFFFFFE10]  }
0x14a: {  	v31 =	vld [tilespmem:s18+$0xFFFFFE20]  }
0x14b: {  	v32 =	vld [tilespmem:s18+$0x0]  }
0x14c: {  	v33 =	vld [tilespmem:s18+$0x10]  }
0x14d: {  	v34 =	vld [tilespmem:s18+$0x20]  }
0x14e: {  	v35 =	vld [tilespmem:s18+$0x200]  }
0x14f: {  	v36 =	vld [tilespmem:s18+$0x210]  }
0x150: {  	v37 =	vld [tilespmem:s18+$0x220]  }
0x151: {  	v38 =	vld [tilespmem:s18+$0x400]  }
0x152: {  	v39 =	vld [tilespmem:s18+$0x410];
	v6 =	vadd.f32 v7, v6  }
0x153: {  	v7 =	vld [tilespmem:s10+$0x13000]  }
0x154: {  	v40 =	vld [tilespmem:s18+$0x420];
	v6 =	vadd.f32 v9, v6  }
0x155: {  	v41 =	vld [tilespmem:s18+$0x600]  }
0x156: {  	v42 =	vld [tilespmem:s18+$0x610];
	v6 =	vadd.f32 v11, v6  }
0x157: {  	v43 =	vld [tilespmem:s18+$0x620]  }
0x158: {  	v44 =	vld [tilespmem:s18+$0x800];
	v6 =	vadd.f32 v7, v6  }
0x159: {  	v7 =	vld [tilespmem:s10+$0x13600]  }
0x15a: {  	v45 =	vld [tilespmem:s18+$0x810];
	v6 =	vadd.f32 v13, v6  }
0x15b: {  	v46 =	vld [tilespmem:s18+$0x820]  }
0x15c: {  	v47 =	vld [tilespmem:s18+$0xA00];
	v6 =	vadd.f32 v14, v6  }
0x15d: {  	v14 =	vld [tilespmem:s10+$0x13A00]  }
0x15e: {  	v48 =	vld [tilespmem:s18+$0xA10];
	v6 =	vadd.f32 v7, v6  }
0x15f: {  	v7 =	vld [tilespmem:s10+$0x13C00]  }
0x160: {  	v49 =	vld [tilespmem:s18+$0xA20];
	v6 =	vadd.f32 v16, v6  }
0x161: {  	v50 =	vld [tilespmem:s18+$0xC00]  }
0x162: {  	v51 =	vld [tilespmem:s18+$0xC10];
	v6 =	vadd.f32 v14, v6  }
0x163: {  	v14 =	vld [tilespmem:s10+$0x14000]  }
0x164: {  	v52 =	vld [tilespmem:s18+$0xC20];
	v6 =	vadd.f32 v7, v6  }
0x165: {  	v7 =	vld [tilespmem:s10+$0x14200]  }
0x166: {  	v53 =	vld [tilespmem:s18+$0xE00];
	v6 =	vadd.f32 v19, v6  }
0x167: {  	v54 =	vld [tilespmem:s18+$0xE10]  }
0x168: {  	v55 =	vld [tilespmem:s18+$0xE20];
	v6 =	vadd.f32 v14, v6  }
0x169: {  	s9 =	simm.s32 $0x13850;
	v14 =	vld [tilespmem:s10+$0x14600]  }
0x16a: {  	v22 =	vld [tilespmem:s9+$0xFFFFF810];
	v6 =	vadd.f32 v7, v6  }
0x16b: {  	v26 =	vld [tilespmem:s9+$0xFFFFF820]  }
0x16c: {  	v27 =	vld [tilespmem:s9+$0xFFFFFA00];
	v5 =	vadd.f32 v8, v5;
	v6 =	vadd.f32 v60, v6  }
0x16d: {  	v25 =	vld [tilespmem:s9+$0xFFFFFA20]  }
0x16e: {  	v58 =	vld [tilespmem:s9+$0xE20];
	v5 =	vadd.f32 v15, v5;
	v6 =	vadd.f32 v14, v6  }
0x16f: {  	v9 =	vld [tilespmem:s18+$0xFFFFF020]  }
0x170: {  	s29 =	simm.s32 $0x13890;
	v11 =	vld [tilespmem:s18+$0xFFFFF220];
	v5 =	vadd.f32 v18, v5;
	v6 =	vmul.f32 $1.442695020e+00, v6  }
0x171: {  	v59 =	vld [tilespmem:s29+$0xFFFFF000]  }
0x172: {  	v8 =	vld [tilespmem:s9+$0xFFFFF010];
	v5 =	vadd.f32 v21, v5;
	(erf) = vpow2.f32 v6  }
0x173: {  	v15 =	vld [tilespmem:s9+$0xFFFFF020]  }
0x174: {  	v21 =	vld [tilespmem:s9+$0xFFFFF610];
	v5 =	vadd.f32 v24, v5  }
0x175: {  	v13 =	vld [tilespmem:s18+$0xFFFFF410];
	v9 =	vadd.f32 v11, v9  }
0x176: {  	v24 =	vld [tilespmem:s9+$0xFFFFF800];
	v5 =	vadd.f32 v63, v5  }
0x177: {  	v9 =	vadd.f32 v17, v9;
	v17 =	vld [tilespmem:s9+$0xFFFFF400]  }
0x178: {  	v5 =	vadd.f32 v29, v5;
	v29 =	vld [tilespmem:s9+$0xFFFFFC00]  }
0x179: {  	v9 =	vadd.f32 v20, v9;
	v20 =	vld [tilespmem:s9+$0xFFFFF600]  }
0x17a: {  	v16 =	vld [tilespmem:s18+$0xFFFFF610]  }
0x17b: {  	s7 =	simm.s32 $0x14820;
	s8 =	sadd.s32 s8, s17;
	s11 =	simm.s32 $0x40;
	v5 =	vadd.f32 v32, v5;
	v32 =	vld [tilespmem:s9+$0xFFFFFE00];
	v6 =	vpop (erf)  }
0x17c: {  	s4 =	sadd.s32 s4, s8;
	s12 =	sand.u32 $0x180, s11;
	s10 =	sand.u32 $0x40, s11;
	v14 =	vld [tilespmem:s9+$0xFFFFEFF0];
	[tilespmem:s7+$0xFFFFFFE0] =	vst v6  }
0x17d: {  	v7 =	vld [tilespmem:s4+$0x0];
	s4 =	sor.u32 s10, s12  }
0x17e: {  	v56 =	vld [tilespmem:s4+$0x12A00]  }
0x17f: {  	v9 =	vadd.f32 v23, v9;
	v23 =	vld [tilespmem:s9+$0xFFFFF620]  }
0x180: {  	v10 =	vadd.f32 v12, v10;
	v57 =	vld [tilespmem:s4+$0x12C00]  }
0x181: {  	v19 =	vld [tilespmem:s18+$0xFFFFF810]  }
0x182: {  	v10 =	vadd.f32 v13, v10;
	v11 =	vld [tilespmem:s4+$0x12E00]  }
0x183: {  	v5 =	vadd.f32 v35, v5;
	v35 =	vld [tilespmem:s9+$0x0];
	v12 =	vadd.f32 v56, v14  }
0x184: {  	v13 =	vld [tilespmem:s4+$0x13000]  }
0x185: {  	v10 =	vadd.f32 v16, v10;
	v60 =	vld [tilespmem:s18+$0xFFFFFC10];
	v12 =	vadd.f32 v57, v12  }
0x186: {  	v5 =	vadd.f32 v38, v5;
	v18 =	vld [tilespmem:s4+$0x13200]  }
0x187: {  	v38 =	vld [tilespmem:s9+$0x200];
	v10 =	vadd.f32 v19, v10;
	v11 =	vadd.f32 v11, v12  }
0x188: {  	v9 =	vadd.f32 v62, v9;
	v12 =	vld [tilespmem:s4+$0x13400]  }
0x189: {  	v16 =	vld [tilespmem:s9+$0xFFFFF220];
	v10 =	vadd.f32 v61, v10;
	v11 =	vadd.f32 v13, v11  }
0x18a: {  	v9 =	vadd.f32 v28, v9;
	v13 =	vld [tilespmem:s4+$0x13600]  }
0x18b: {  	v28 =	vld [tilespmem:s9+$0xFFFFFA10];
	v10 =	vadd.f32 v60, v10;
	v11 =	vadd.f32 v18, v11  }
0x18c: {  	v5 =	vadd.f32 v41, v5;
	v61 =	vld [tilespmem:s4+$0x13800]  }
0x18d: {  	v41 =	vld [tilespmem:s9+$0x400];
	v10 =	vadd.f32 v30, v10;
	v11 =	vadd.f32 v12, v11  }
0x18e: {  	v9 =	vadd.f32 v31, v9;
	v12 =	vld [tilespmem:s4+$0x13A00]  }
0x18f: {  	v31 =	vld [tilespmem:s9+$0xFFFFFC20];
	v10 =	vadd.f32 v33, v10;
	v11 =	vadd.f32 v13, v11  }
0x190: {  	v5 =	vadd.f32 v44, v5;
	v9 =	vadd.f32 v34, v9;
	v13 =	vld [tilespmem:s4+$0x13C00]  }
0x191: {  	v44 =	vld [tilespmem:s9+$0x600];
	v10 =	vadd.f32 v36, v10;
	v11 =	vadd.f32 v61, v11  }
0x192: {  	v9 =	vadd.f32 v37, v9;
	v62 =	vld [tilespmem:s4+$0x13E00]  }
0x193: {  	v34 =	vld [tilespmem:s9+$0xFFFFFE20];
	v10 =	vadd.f32 v39, v10;
	v11 =	vadd.f32 v12, v11  }
0x194: {  	v5 =	vadd.f32 v47, v5;
	v9 =	vadd.f32 v40, v9;
	v12 =	vld [tilespmem:s4+$0x14000]  }
0x195: {  	v47 =	vld [tilespmem:s9+$0x800];
	v10 =	vadd.f32 v42, v10;
	v11 =	vadd.f32 v13, v11  }
0x196: {  	v9 =	vadd.f32 v43, v9;
	v13 =	vld [tilespmem:s4+$0x14200]  }
0x197: {  	v19 =	vld [tilespmem:s9+$0xFFFFF420];
	v10 =	vadd.f32 v45, v10;
	v11 =	vadd.f32 v62, v11  }
0x198: {  	v15 =	vadd.f32 v16, v15;
	v9 =	vadd.f32 v46, v9;
	v63 =	vld [tilespmem:s4+$0x14400]  }
0x199: {  	v37 =	vld [tilespmem:s9+$0x20];
	v10 =	vadd.f32 v48, v10;
	v11 =	vadd.f32 v12, v11  }
0x19a: {  	v5 =	vadd.f32 v50, v5;
	v9 =	vadd.f32 v49, v9;
	v12 =	vld [tilespmem:s4+$0x14600]  }
0x19b: {  	v50 =	vld [tilespmem:s9+$0xA00];
	v10 =	vadd.f32 v51, v10;
	v11 =	vadd.f32 v13, v11  }
0x19c: {  	v40 =	vld [tilespmem:s9+$0x220];
	v5 =	vadd.f32 v53, v5;
	v9 =	vadd.f32 v52, v9  }
0x19d: {  	v53 =	vld [tilespmem:s9+$0xC00];
	v10 =	vadd.f32 v54, v10;
	v11 =	vadd.f32 v63, v11  }
0x19e: {  	v43 =	vld [tilespmem:s9+$0x420];
	v5 =	vmul.f32 $1.442695020e+00, v5;
	v9 =	vadd.f32 v55, v9  }
0x19f: {  	v15 =	vadd.f32 v19, v15;
	v46 =	vld [tilespmem:s9+$0x620];
	v10 =	vmul.f32 $1.442695020e+00, v10;
	v11 =	vadd.f32 v12, v11  }
0x1a0: {  	v60 =	vld [tilespmem:s29+$0xFFFFEFF0];
	v9 =	vmul.f32 $1.442695020e+00, v9;
	(erf) = vpow2.f32 v5  }
0x1a1: {  	v15 =	vadd.f32 v23, v15;
	v23 =	vld [tilespmem:s29+$0xFFFFF610];
	(erf) = vpow2.f32 v10;
	v5 =	vmul.f32 $1.442695020e+00, v11  }
0x1a2: {  	v30 =	vld [tilespmem:s9+$0xFFFFFC10];
	(erf) = vpow2.f32 v9  }
0x1a3: {  	v49 =	vld [tilespmem:s9+$0x820];
	(erf) = vpow2.f32 v5  }
0x1a4: {  	v15 =	vadd.f32 v26, v15;
	v26 =	vld [tilespmem:s29+$0xFFFFF810]  }
0x1a5: {  	v33 =	vld [tilespmem:s9+$0xFFFFFE10]  }
0x1a6: {  	v52 =	vld [tilespmem:s9+$0xA20]  }
0x1a7: {  	v36 =	vld [tilespmem:s9+$0x10]  }
0x1a8: {  	v55 =	vld [tilespmem:s9+$0xC20]  }
0x1a9: {  	v39 =	vld [tilespmem:s9+$0x210];
	v11 =	vpop (erf)  }
0x1aa: {  	v42 =	vld [tilespmem:s9+$0x410];
	v9 =	vpop (erf)  }
0x1ab: {  	v45 =	vld [tilespmem:s9+$0x610];
	v5 =	vpop (erf)  }
0x1ac: {  	s0 =	sadd.s32 s12, s17;
	v48 =	vld [tilespmem:s9+$0x810];
	s4 =	simm.s32 $0x14860;
	v10 =	vpop (erf)  }
0x1ad: {  	s10 =	sadd.s32 s10, s0;
	v51 =	vld [tilespmem:s9+$0xA10];
	[tilespmem:s4+$0xFFFFFFE0] =	vst v10  }
0x1ae: {  	v7 =	vshrl.u32 v7, $0x10;
	v12 =	vld [tilespmem:s10+$0x0]  }
0x1af: {  	v14 =	vld [tilespmem:s9+$0xFFFFF210]  }
0x1b0: {  	v54 =	vld [tilespmem:s9+$0xC10]  }
0x1b1: {  	v56 =	vld [tilespmem:s9+$0xE00]  }
0x1b2: {  	v57 =	vld [tilespmem:s9+$0xE10]  }
0x1b3: {  	[tilespmem:v7+s22+$0x0] =	vst.idx.add.f32.msk $0xffff, v6;
	v12 =	vshrl.u32 v12, $0x10  }
0x1b4: {  	s13 =	simm.s32 $0x10;
	v15 =	vadd.f32 v25, v15;
	v6 =	vld [tilespmem:s9+$0xFFFFF000]  }
0x1b5: {  	s11 =	simm.s32 $0x20;
	s18 =	simm.s32 $0x30;
	v7 =	vld [tilespmem:s9+$0xFFFFF200];
	[tilespmem:s7+$0xFFFFFFF0] =	vst v11;
	s10 =	sand.u32 $0x50, s13  }
0x1b6: {  	s11 =	sand.u32 $0x60, s11;
	v15 =	vadd.f32 v31, v15;
	v18 =	vld [tilespmem:s9+$0xFFFFF410];
	s9 =	sand.u32 $0x70, s18;
	[tilespmem:s7+$0x0] =	vst v9;
	s10 =	sadd.s32 s10, s8  }
0x1b7: {  	s11 =	sadd.s32 s11, s8;
	[tilespmem:s7+$0x10] =	vst v5;
	s8 =	sadd.s32 s9, s8;
	s9 =	simm.s32 $0x80;
	v13 =	vld [tilespmem:s10+$0x0]  }
0x1b8: {  	v15 =	vadd.f32 v34, v15;
	s10 =	sand.u32 $0x180, s9;
	s7 =	sand.u32 $0x40, s9;
	[tilespmem:v12+s22+$0x0] =	vst.idx.add.f32.msk $0xffff, v10  }
0x1b9: {  	v12 =	vld [tilespmem:s11+$0x0];
	s11 =	sor.u32 s7, s10  }
0x1ba: {  	v15 =	vadd.f32 v37, v15;
	v61 =	vld [tilespmem:s11+$0x12A00]  }
0x1bb: {  	v25 =	vld [tilespmem:s29+$0xFFFFF800]  }
0x1bc: {  	v15 =	vadd.f32 v40, v15;
	v6 =	vadd.f32 v7, v6;
	v7 =	vld [tilespmem:s11+$0x12C00]  }
0x1bd: {  	v40 =	vld [tilespmem:s29+$0xFFFFFA20];
	v8 =	vadd.f32 v14, v8  }
0x1be: {  	v15 =	vadd.f32 v43, v15;
	v6 =	vadd.f32 v17, v6;
	v16 =	vld [tilespmem:s11+$0x12E00]  }
0x1bf: {  	v43 =	vld [tilespmem:s29+$0xFFFFFC20];
	v8 =	vadd.f32 v18, v8;
	v17 =	vadd.f32 v61, v60  }
0x1c0: {  	v15 =	vadd.f32 v46, v15;
	v6 =	vadd.f32 v20, v6;
	v19 =	vld [tilespmem:s11+$0x13000]  }
0x1c1: {  	v46 =	vld [tilespmem:s29+$0x0];
	v8 =	vadd.f32 v21, v8;
	v7 =	vadd.f32 v7, v17  }
0x1c2: {  	v15 =	vadd.f32 v49, v15;
	v6 =	vadd.f32 v24, v6;
	v20 =	vld [tilespmem:s11+$0x13200]  }
0x1c3: {  	v49 =	vld [tilespmem:s29+$0x400];
	v8 =	vadd.f32 v22, v8;
	v7 =	vadd.f32 v16, v7  }
0x1c4: {  	v15 =	vadd.f32 v52, v15;
	v6 =	vadd.f32 v27, v6;
	v27 =	vld [tilespmem:s11+$0x13400]  }
0x1c5: {  	v14 =	vld [tilespmem:s29+$0xFFFFF010];
	v8 =	vadd.f32 v28, v8;
	v7 =	vadd.f32 v19, v7  }
0x1c6: {  	v15 =	vadd.f32 v55, v15;
	v6 =	vadd.f32 v29, v6;
	v29 =	vld [tilespmem:s11+$0x13600]  }
0x1c7: {  	v55 =	vld [tilespmem:s29+$0x610];
	v8 =	vadd.f32 v30, v8;
	v7 =	vadd.f32 v20, v7  }
0x1c8: {  	v15 =	vadd.f32 v58, v15;
	v6 =	vadd.f32 v32, v6;
	v32 =	vld [tilespmem:s11+$0x13800]  }
0x1c9: {  	v58 =	vld [tilespmem:s29+$0xA20];
	v8 =	vadd.f32 v33, v8;
	v7 =	vadd.f32 v27, v7  }
0x1ca: {  	v6 =	vadd.f32 v35, v6;
	v35 =	vld [tilespmem:s11+$0x13A00]  }
0x1cb: {  	v18 =	vld [tilespmem:s29+$0xFFFFF210];
	v8 =	vadd.f32 v36, v8;
	v7 =	vadd.f32 v29, v7  }
0x1cc: {  	v6 =	vadd.f32 v38, v6;
	v38 =	vld [tilespmem:s11+$0x13C00]  }
0x1cd: {  	v21 =	vld [tilespmem:s29+$0xFFFFF420];
	v8 =	vadd.f32 v39, v8;
	v7 =	vadd.f32 v32, v7  }
0x1ce: {  	v6 =	vadd.f32 v41, v6;
	v41 =	vld [tilespmem:s11+$0x13E00]  }
0x1cf: {  	v24 =	vld [tilespmem:s29+$0xFFFFF620];
	v8 =	vadd.f32 v42, v8;
	v7 =	vadd.f32 v35, v7  }
0x1d0: {  	v6 =	vadd.f32 v44, v6;
	v44 =	vld [tilespmem:s11+$0x14000]  }
0x1d1: {  	v22 =	vld [tilespmem:s29+$0xFFFFF600];
	v8 =	vadd.f32 v45, v8;
	v7 =	vadd.f32 v38, v7  }
0x1d2: {  	v6 =	vadd.f32 v47, v6;
	v47 =	vld [tilespmem:s11+$0x14200]  }
0x1d3: {  	v62 =	vld [tilespmem:s29+$0xFFFFF200];
	v8 =	vadd.f32 v48, v8;
	v7 =	vadd.f32 v41, v7  }
0x1d4: {  	v6 =	vadd.f32 v50, v6;
	v50 =	vld [tilespmem:s11+$0x14400]  }
0x1d5: {  	v63 =	vld [tilespmem:s29+$0xFFFFFA10];
	v8 =	vadd.f32 v51, v8;
	v7 =	vadd.f32 v44, v7  }
0x1d6: {  	v6 =	vadd.f32 v53, v6;
	v60 =	vld [tilespmem:s11+$0x14600]  }
0x1d7: {  	v42 =	vld [tilespmem:s29+$0xFFFFFC10];
	v8 =	vadd.f32 v54, v8;
	v7 =	vadd.f32 v47, v7  }
0x1d8: {  	v45 =	vld [tilespmem:s29+$0xFFFFFE20];
	v6 =	vadd.f32 v56, v6  }
0x1d9: {  	v51 =	vld [tilespmem:s29+$0xFFFFF820];
	v8 =	vadd.f32 v57, v8;
	v7 =	vadd.f32 v50, v7  }
0x1da: {  	v6 =	vmul.f32 $1.442695020e+00, v6;
	v17 =	vld [tilespmem:s29+$0xFFFFF020]  }
0x1db: {  	v8 =	vmul.f32 $1.442695020e+00, v8;
	v16 =	vld [tilespmem:s29+$0xFFFFF220];
	v7 =	vadd.f32 v60, v7  }
0x1dc: {  	v15 =	vmul.f32 $1.442695020e+00, v15;
	(erf) = vpow2.f32 v6;
	v19 =	vld [tilespmem:s29+$0xFFFFF400]  }
0x1dd: {  	(erf) = vpow2.f32 v8;
	v20 =	vld [tilespmem:s29+$0xFFFFF410];
	v6 =	vmul.f32 $1.442695020e+00, v7  }
0x1de: {  	v53 =	vld [tilespmem:s29+$0x600];
	(erf) = vpow2.f32 v15  }
0x1df: {  	v56 =	vld [tilespmem:s29+$0x620];
	(erf) = vpow2.f32 v6;
	v6 =	vadd.f32 v62, v59  }
0x1e0: {  	v57 =	vld [tilespmem:s29+$0x810];
	v13 =	vshrl.u32 v13, $0x10;
	v7 =	vadd.f32 v18, v14  }
0x1e1: {  	v15 =	vld [tilespmem:s29+$0xFFFFFE10];
	v8 =	vadd.f32 v16, v17;
	v6 =	vadd.f32 v19, v6  }
0x1e2: {  	v61 =	vld [tilespmem:s29+$0xFFFFFA00];
	v7 =	vadd.f32 v20, v7  }
0x1e3: {  	v10 =	vld [tilespmem:s8+$0x0];
	v8 =	vadd.f32 v21, v8;
	v18 =	vadd.f32 v22, v6  }
0x1e4: {  	v41 =	vld [tilespmem:s29+$0xFFFFFC00];
	v20 =	vadd.f32 v23, v7  }
0x1e5: {  	[tilespmem:v13+s22+$0x0] =	vst.idx.add.f32.msk $0xffff, v11;
	v48 =	vadd.f32 v24, v8;
	v18 =	vadd.f32 v25, v18  }
0x1e6: {  	v44 =	vld [tilespmem:s29+$0xFFFFFE00];
	v20 =	vadd.f32 v26, v20  }
0x1e7: {  	v16 =	vld [tilespmem:s29+$0x20];
	v22 =	vadd.f32 v51, v48;
	v18 =	vadd.f32 v61, v18  }
0x1e8: {  	v17 =	vld [tilespmem:s29+$0x200];
	v20 =	vadd.f32 v63, v20  }
0x1e9: {  	v14 =	vld [tilespmem:s29+$0x10];
	v22 =	vadd.f32 v40, v22;
	v18 =	vadd.f32 v41, v18  }
0x1ea: {  	v47 =	vld [tilespmem:s29+$0x220];
	v20 =	vadd.f32 v42, v20  }
0x1eb: {  	v19 =	vld [tilespmem:s29+$0x210];
	v6 =	vpop (erf);
	v22 =	vadd.f32 v43, v22;
	v18 =	vadd.f32 v44, v18  }
0x1ec: {  	v50 =	vld [tilespmem:s29+$0x410];
	v7 =	vpop (erf);
	v15 =	vadd.f32 v15, v20  }
0x1ed: {  	v60 =	vld [tilespmem:s29+$0xC10];
	v8 =	vpop (erf);
	v22 =	vadd.f32 v45, v22;
	v18 =	vadd.f32 v46, v18  }
0x1ee: {  	s30 =	simm.s32 $0x148A0;
	s8 =	sadd.s32 s10, s17;
	v51 =	vld [tilespmem:s29+$0x420];
	v52 =	vpop (erf);
	v14 =	vadd.f32 v14, v15  }
0x1ef: {  	s7 =	sadd.s32 s7, s8;
	[tilespmem:s30+$0xFFFFFFE0] =	vst v52;
	v20 =	vld [tilespmem:s29+$0x800];
	v16 =	vadd.f32 v16, v22;
	v17 =	vadd.f32 v17, v18  }
0x1f0: {  	v54 =	vld [tilespmem:s7+$0x0];
	v14 =	vadd.f32 v19, v14  }
0x1f1: {  	v15 =	vld [tilespmem:s29+$0x820];
	v16 =	vadd.f32 v47, v16;
	v17 =	vadd.f32 v49, v17  }
0x1f2: {  	v18 =	vld [tilespmem:s29+$0xA00];
	v14 =	vadd.f32 v50, v14  }
0x1f3: {  	v19 =	vld [tilespmem:s29+$0xA10];
	v16 =	vadd.f32 v51, v16;
	v17 =	vadd.f32 v53, v17  }
0x1f4: {  	v59 =	vld [tilespmem:s29+$0xC00];
	v14 =	vadd.f32 v55, v14  }
0x1f5: {  	v61 =	vld [tilespmem:s29+$0xC20];
	v16 =	vadd.f32 v56, v16;
	v17 =	vadd.f32 v20, v17  }
0x1f6: {  	s12 =	simm.s32 $0x50;
	v63 =	vadd.f32 v57, v14;
	v20 =	vld [tilespmem:s29+$0xE00]  }
0x1f7: {  	s13 =	simm.s32 $0x60;
	v12 =	vshrl.u32 v12, $0x10;
	s7 =	sand.u32 $0x50, s12;
	v15 =	vadd.f32 v15, v16;
	v16 =	vadd.f32 v18, v17;
	v17 =	vld [tilespmem:s29+$0xE10]  }
0x1f8: {  	s18 =	simm.s32 $0x70;
	s9 =	sand.u32 $0x60, s13;
	[tilespmem:s4+$0xFFFFFFF0] =	vst v6;
	s7 =	sadd.s32 s7, s0;
	v62 =	vshrl.u32 v54, $0x10;
	v18 =	vadd.f32 v19, v63;
	v19 =	vld [tilespmem:s29+$0xE20]  }
0x1f9: {  	s9 =	sadd.s32 s9, s0;
	v10 =	vshrl.u32 v10, $0x10;
	[tilespmem:s4+$0x0] =	vst v7;
	s12 =	simm.s32 $0xA0;
	v14 =	vld [tilespmem:s7+$0x0];
	s7 =	sand.u32 $0x70, s18;
	v21 =	vadd.f32 v58, v15;
	v22 =	vadd.f32 v59, v16  }
0x1fa: {  	[tilespmem:s4+$0x10] =	vst v8;
	s13 =	sand.u32 $0x60, s12;
	s0 =	sadd.s32 s7, s0;
	v15 =	vld [tilespmem:s9+$0x0];
	v18 =	vadd.f32 v60, v18  }
0x1fb: {  	s10 =	simm.s32 $0xB0;
	s11 =	simm.s32 $0x90;
	s4 =	sadd.s32 s13, s8;
	v21 =	vadd.f32 v61, v21;
	v16 =	vld [tilespmem:s0+$0x0];
	v20 =	vadd.f32 v20, v22  }
0x1fc: {  	[tilespmem:v12+s22+$0x0] =	vst.idx.add.f32.msk $0xffff, v9;
	s18 =	sand.u32 $0x70, s10;
	s7 =	simm.s32 $0x8;
	s9 =	sand.u32 $0x50, s11;
	v18 =	vadd.f32 v17, v18  }
0x1fd: {  	[tilespmem:v62+s22+$0x0] =	vst.idx.add.f32.msk $0xffff, v52;
	s31 =	sadd.s32 s18, s8;
	s0 =	sadd.s32 s9, s8;
	s8 =	simm.s32 $0xF0;
	v17 =	vadd.f32 v19, v21;
	v13 =	vmul.f32 $1.442695020e+00, v20  }
.LBB2_7:
0x1fe: {  	s9 =	sadd.s32 $0xFFFFFFD0, s8;
	s7 =	sadd.s32 $0x4, s7;
	v12 =	vmul.f32 $1.442695020e+00, v18;
	s29 =	sadd.s32 $0x40, s29;
	v9 =	vshrl.u32 v14, $0x10;
	[tilespmem:v10+s22+$0x0] =	vst.idx.add.f32.msk $0xffff, v5;
	v5 =	vmov v8  }
0x1ff: {  	s10 =	sand.u32 $0x180, s9;
	s9 =	sand.u32 $0x40, s9;
	v8 =	vld [tilespmem:s29+$0xFFFFF000];
	p0 =	slt.u32 s7, $0x1C;
	v14 =	vmul.f32 $1.442695020e+00, v17;
	(erf) = vpow2.f32 v13;
	v11 =	vshrl.u32 v15, $0x10  }
0x200: {  	s11 =	sadd.s32 $0xFFFFFFE0, s8;
	s18 =	sadd.s32 $0xFFFFFFF0, s8;
	v13 =	vld [tilespmem:s29+$0xFFFFEFF0];
	s13 =	sor.u32 s9, s10;
	(erf) = vpow2.f32 v12;
	v10 =	vshrl.u32 v16, $0x10  }
0x201: {  	s12 =	sand.u32 $0x50, s11;
	s18 =	sand.u32 $0x60, s18;
	s11 =	sand.u32 $0x70, s8;
	v12 =	vld [tilespmem:s13+$0x12A00];
	(erf) = vpow2.f32 v14  }
0x202: {  	v14 =	vld [tilespmem:s29+$0xFFFFF200]  }
0x203: {  	v15 =	vld [tilespmem:s13+$0x12C00]  }
0x204: {  	v16 =	vld [tilespmem:s29+$0xFFFFF010]  }
0x205: {  	v17 =	vld [tilespmem:s13+$0x12E00]  }
0x206: {  	v21 =	vadd.f32 v12, v13;
	v18 =	vld [tilespmem:s29+$0xFFFFF210]  }
0x207: {  	v19 =	vld [tilespmem:s13+$0x13000];
	v14 =	vadd.f32 v14, v8  }
0x208: {  	v22 =	vadd.f32 v15, v21;
	v15 =	vld [tilespmem:s29+$0xFFFFF020];
	v13 =	vpop (erf)  }
0x209: {  	v20 =	vld [tilespmem:s13+$0x13200];
	[tilespmem:s30+$0xFFFFFFF0] =	vst v13;
	v12 =	vpop (erf)  }
0x20a: {  	v17 =	vadd.f32 v17, v22;
	v21 =	vld [tilespmem:s29+$0xFFFFF220];
	[tilespmem:s30+$0x0] =	vst v12;
	v8 =	vpop (erf)  }
0x20b: {  	v22 =	vld [tilespmem:s13+$0x13400];
	v16 =	vadd.f32 v18, v16;
	[tilespmem:s30+$0x10] =	vst v8  }
0x20c: {  	v17 =	vadd.f32 v19, v17;
	v18 =	vld [tilespmem:s29+$0xFFFFF400]  }
0x20d: {  	v19 =	vld [tilespmem:s13+$0x13600]  }
0x20e: {  	v17 =	vadd.f32 v20, v17;
	v20 =	vld [tilespmem:s29+$0xFFFFF410]  }
0x20f: {  	v23 =	vld [tilespmem:s13+$0x13800];
	v15 =	vadd.f32 v21, v15  }
0x210: {  	v17 =	vadd.f32 v22, v17;
	v21 =	vld [tilespmem:s29+$0xFFFFF420]  }
0x211: {  	v22 =	vld [tilespmem:s13+$0x13A00];
	v14 =	vadd.f32 v18, v14  }
0x212: {  	v17 =	vadd.f32 v19, v17;
	v18 =	vld [tilespmem:s29+$0xFFFFF600]  }
0x213: {  	v19 =	vld [tilespmem:s13+$0x13C00];
	v16 =	vadd.f32 v20, v16  }
0x214: {  	v17 =	vadd.f32 v23, v17;
	v20 =	vld [tilespmem:s29+$0xFFFFF610]  }
0x215: {  	v23 =	vld [tilespmem:s13+$0x13E00];
	v15 =	vadd.f32 v21, v15  }
0x216: {  	v17 =	vadd.f32 v22, v17;
	v21 =	vld [tilespmem:s29+$0xFFFFF620]  }
0x217: {  	v22 =	vld [tilespmem:s13+$0x14000];
	v14 =	vadd.f32 v18, v14  }
0x218: {  	v17 =	vadd.f32 v19, v17;
	v18 =	vld [tilespmem:s29+$0xFFFFF800]  }
0x219: {  	v19 =	vld [tilespmem:s13+$0x14200];
	v16 =	vadd.f32 v20, v16  }
0x21a: {  	v17 =	vadd.f32 v23, v17;
	v20 =	vld [tilespmem:s29+$0xFFFFF810]  }
0x21b: {  	v23 =	vld [tilespmem:s13+$0x14400];
	v15 =	vadd.f32 v21, v15  }
0x21c: {  	v17 =	vadd.f32 v22, v17;
	v21 =	vld [tilespmem:s29+$0xFFFFF820]  }
0x21d: {  	v22 =	vld [tilespmem:s13+$0x14600];
	v14 =	vadd.f32 v18, v14  }
0x21e: {  	v17 =	vadd.f32 v19, v17;
	v18 =	vld [tilespmem:s29+$0xFFFFFA00]  }
0x21f: {  	v16 =	vadd.f32 v20, v16;
	v19 =	vld [tilespmem:s29+$0xFFFFFA10]  }
0x220: {  	v17 =	vadd.f32 v23, v17;
	v20 =	vld [tilespmem:s29+$0xFFFFFA20]  }
0x221: {  	v23 =	vld [tilespmem:s29+$0xFFFFFC00];
	v15 =	vadd.f32 v21, v15  }
0x222: {  	v17 =	vadd.f32 v22, v17;
	v21 =	vld [tilespmem:s29+$0xFFFFFC10]  }
0x223: {  	v14 =	vadd.f32 v18, v14;
	v18 =	vld [tilespmem:s29+$0xFFFFFC20]  }
0x224: {  	v17 =	vmul.f32 $1.442695020e+00, v17;
	v22 =	vld [tilespmem:s29+$0xFFFFFE00];
	v16 =	vadd.f32 v19, v16  }
0x225: {  	v19 =	vld [tilespmem:s29+$0xFFFFFE10];
	v15 =	vadd.f32 v20, v15  }
0x226: {  	v14 =	vadd.f32 v23, v14;
	v20 =	vld [tilespmem:s29+$0xFFFFFE20];
	(erf) = vpow2.f32 v17  }
0x227: {  	v17 =	vld [tilespmem:s29+$0x0];
	v16 =	vadd.f32 v21, v16  }
0x228: {  	v21 =	vld [tilespmem:s29+$0x10];
	v15 =	vadd.f32 v18, v15  }
0x229: {  	v14 =	vadd.f32 v22, v14;
	v18 =	vld [tilespmem:s29+$0x20]  }
0x22a: {  	v22 =	vld [tilespmem:s29+$0x200];
	v16 =	vadd.f32 v19, v16  }
0x22b: {  	v19 =	vld [tilespmem:s29+$0x210];
	v15 =	vadd.f32 v20, v15  }
0x22c: {  	v14 =	vadd.f32 v17, v14;
	v17 =	vld [tilespmem:s29+$0x220]  }
0x22d: {  	v20 =	vld [tilespmem:s29+$0x400];
	v16 =	vadd.f32 v21, v16  }
0x22e: {  	v21 =	vld [tilespmem:s29+$0x410];
	v15 =	vadd.f32 v18, v15  }
0x22f: {  	s10 =	sadd.s32 s10, s17;
	s30 =	sadd.s32 $0x40, s30;
	v14 =	vadd.f32 v22, v14;
	v18 =	vld [tilespmem:s29+$0x420];
	v22 =	vpop (erf)  }
0x230: {  	s9 =	sadd.s32 s9, s10;
	s12 =	sadd.s32 s12, s10;
	s13 =	sadd.s32 s18, s10;
	[tilespmem:s30+$0xFFFFFFE0] =	vst v22;
	v23 =	vld [tilespmem:s29+$0x600];
	v16 =	vadd.f32 v19, v16  }
0x231: {  	v19 =	vld [tilespmem:s9+$0x0];
	v15 =	vadd.f32 v17, v15;
	s9 =	sadd.s32 s11, s10  }
0x232: {  	v14 =	vadd.f32 v20, v14;
	v17 =	vld [tilespmem:s29+$0x610]  }
0x233: {  	v16 =	vadd.f32 v21, v16;
	v20 =	vld [tilespmem:s29+$0x620]  }
0x234: {  	v21 =	vld [tilespmem:s29+$0x800];
	v15 =	vadd.f32 v18, v15  }
0x235: {  	v14 =	vadd.f32 v23, v14;
	v18 =	vld [tilespmem:s29+$0x810]  }
0x236: {  	v19 =	vshrl.u32 v19, $0x10;
	v23 =	vld [tilespmem:s29+$0x820]  }
0x237: {  	v24 =	vld [tilespmem:s29+$0xA00];
	v16 =	vadd.f32 v17, v16  }
0x238: {  	v17 =	vld [tilespmem:s29+$0xA10];
	v15 =	vadd.f32 v20, v15  }
0x239: {  	v14 =	vadd.f32 v21, v14;
	v20 =	vld [tilespmem:s29+$0xA20]  }
0x23a: {  	v21 =	vld [tilespmem:s29+$0xC00];
	v16 =	vadd.f32 v18, v16  }
0x23b: {  	[tilespmem:v19+s22+$0x0] =	vst.idx.add.f32.msk $0xffff, v22;
	v15 =	vadd.f32 v23, v15  }
0x23c: {  	v14 =	vadd.f32 v24, v14;
	v18 =	vld [tilespmem:s29+$0xC10]  }
0x23d: {  	v16 =	vadd.f32 v17, v16;
	v17 =	vld [tilespmem:s29+$0xC20]  }
0x23e: {  	v19 =	vld [tilespmem:s29+$0xE00];
	v15 =	vadd.f32 v20, v15  }
0x23f: {  	v20 =	vadd.f32 v21, v14;
	v21 =	vld [tilespmem:s29+$0xE10]  }
0x240: {  	v22 =	vld [tilespmem:s29+$0xE20]  }
.Ltmp2:
0x241: {  	v18 =	vadd.f32 v18, v16;
	v14 =	vld [tilespmem:s0+$0x0];
	s0 =	smov.u32 s12;
	(pc) =	sbr.rel @p0 .LBB2_7-.Ltmp2, $4  }
0x242: {  	v17 =	vadd.f32 v17, v15;
	v15 =	vld [tilespmem:s4+$0x0];
	s4 =	smov.u32 s13  }
0x243: {  	v19 =	vadd.f32 v19, v20;
	v16 =	vld [tilespmem:s31+$0x0];
	s31 =	smov.u32 s9  }
0x244: {  	v18 =	vadd.f32 v21, v18;
	[tilespmem:v9+s22+$0x0] =	vst.idx.add.f32.msk $0xffff, v6;
	v6 =	vmov v13  }
0x245: {  	s8 =	sadd.s32 $0x40, s8;
	v13 =	vmul.f32 $1.442695020e+00, v19;
	v17 =	vadd.f32 v22, v17;
	[tilespmem:v11+s22+$0x0] =	vst.idx.add.f32.msk $0xffff, v7;
	v7 =	vmov v12  }
0x246: {  	v9 =	vmul.f32 $1.442695020e+00, v18  }
0x247: {  	v11 =	vmul.f32 $1.442695020e+00, v17;
	(erf) = vpow2.f32 v13  }
0x248: {  	(erf) = vpow2.f32 v9  }
0x249: {  	(erf) = vpow2.f32 v11;
	_ =	sdelay $0x6  }
0x24a: {  	v59 =	vpop (erf)  }
0x24b: {  	[tilespmem:s30+$0xFFFFFFF0] =	vst v59;
	v60 =	vpop (erf)  }
0x24c: {  	[tilespmem:s30+$0x0] =	vst v60;
	v12 =	vpop (erf);
	v61 =	vld [tilespmem:s0+$0x0]  }
0x24d: {  	[tilespmem:s30+$0x10] =	vst v12;
	v62 =	vld [tilespmem:s4+$0x0]  }
0x24e: {  	v14 =	vshrl.u32 v14, $0x10;
	v63 =	vld [tilespmem:s31+$0x0]  }
0x24f: {  	v15 =	vshrl.u32 v15, $0x10  }
0x250: {  	v16 =	vshrl.u32 v16, $0x10  }
0x251: {  	v13 =	vshrl.u32 v61, $0x10  }
0x252: {  	[tilespmem:v10+s22+$0x0] =	vst.idx.add.f32.msk $0xffff, v5;
	v5 =	vshrl.u32 v62, $0x10  }
0x253: {  	[tilespmem:v14+s22+$0x0] =	vst.idx.add.f32.msk $0xffff, v6;
	v6 =	vshrl.u32 v63, $0x10  }
0x254: {  	[tilespmem:v15+s22+$0x0] =	vst.idx.add.f32.msk $0xffff, v7  }
0x255: {  	[tilespmem:v16+s22+$0x0] =	vst.idx.add.f32.msk $0xffff, v8  }
0x256: {  	s26 =	sadd.s32 $0x1, s26;
	s31 =	sor.u32 s15, s28;
	[tilespmem:v13+s22+$0x0] =	vst.idx.add.f32.msk $0xffff, v59  }
0x257: {  	p0 =	sne.s32 s26, $0x14;
	s0 =	sshrl.u32 s31, $0x3;
	[tilespmem:v5+s22+$0x0] =	vst.idx.add.f32.msk $0xffff, v60  }
.Ltmp3:
0x258: {  	s0 =	sadd.s32 s6, s0;
	[tilespmem:v6+s22+$0x0] =	vst.idx.add.f32.msk $0xffff, v12;
	(pc) =	sbr.rel @p0 .LBB2_4-.Ltmp3, $4  }
0x259: {  	[hbm4b:s0+s3] =	stream.linear.scatter [tilespmem:s23], [sflag:$0x2], $0x200, $0x38;
	[tilespmem:$0x1B400] =	vst v63  }
0x25a: {  	_ =	swait.ge [sflag:s14], $0x200  }
0x25b: {  	[sflag:s14] =	ssyncset.done $0x0  }
0x25c: {  	[sflag:s14] =	ssyncadd.s32 $0xFFFFFE00  }
0x25d: {  	[bflag:$0x0] =	sbarrier.arrive $0xFFFF  }
0x25e: {  	s0 =	rddreg [dreg:$0xe]  }
0x25f: {  	[spmem:s0] =	stream.linear.scatter [tilespmem:s22], [sflag:$0x2], $0x2800, $0x38;
	[tilespmem:$0x1B400] =	vst v63  }
0x260: {  	_ =	swait.ge [sflag:s14], $0x2800  }
0x261: {  	[sflag:s14] =	ssyncset.done $0x0  }
0x262: {  	[sflag:s14] =	ssyncadd.s32 $0xFFFFD800  }
0x263: {  	[bflag:$0x0] =	sbarrier.arrive $0xFFFF  }
0x264: {  	s4 =	simm.s32 $0x14A00;
	s26 =	rddreg [dreg:$0xd]  }
0x265: {  	[tilespmem:s4], [sflag:$0x1] =	stream.linear.gather [spmem:s26], $0x280, $0x38;
	[tilespmem:$0x1B400] =	vst v63  }
0x266: {  	s29 =	simm.s32 $0x14C80;
	s28 =	rddreg [dreg:$0xf]  }
0x267: {  	[tilespmem:s29], [sflag:$0x1] =	stream.linear.gather [spmem:s28], $0x280, $0x38;
	[tilespmem:$0x1B400] =	vst v63  }
0x268: {  	s31 =	simm.s32 $0x14F00;
	s30 =	rddreg [dreg:$0x10]  }
0x269: {  	[tilespmem:s31], [sflag:$0x1] =	stream.linear.gather [spmem:s30], $0x280, $0x38;
	[tilespmem:$0x1B400] =	vst v63  }
0x26a: {  	s7 =	simm.s32 $0x15180;
	s4 =	rddreg [dreg:$0x12]  }
0x26b: {  	[tilespmem:s7], [sflag:$0x1] =	stream.linear.gather [spmem:s4], $0x280, $0x38;
	[tilespmem:$0x1B400] =	vst v63  }
0x26c: {  	s9 =	simm.s32 $0x15400;
	s8 =	rddreg [dreg:$0x14]  }
0x26d: {  	[tilespmem:s9], [sflag:$0x1] =	stream.linear.gather [spmem:s8], $0x280, $0x38;
	[tilespmem:$0x1B400] =	vst v63  }
0x26e: {  	s11 =	simm.s32 $0x15680;
	s10 =	rddreg [dreg:$0x15]  }
0x26f: {  	[tilespmem:s11], [sflag:$0x1] =	stream.linear.gather [spmem:s10], $0x280, $0x38;
	[tilespmem:$0x1B400] =	vst v63  }
0x270: {  	s13 =	simm.s32 $0x15900;
	s12 =	rddreg [dreg:$0x16]  }
0x271: {  	[tilespmem:s13], [sflag:$0x1] =	stream.linear.gather [spmem:s12], $0x280, $0x38;
	[tilespmem:$0x1B400] =	vst v63  }
0x272: {  	s18 =	rddreg [dreg:$0x17];
	s26 =	simm.s32 $0x15B80  }
0x273: {  	[tilespmem:s26], [sflag:$0x1] =	stream.linear.gather [spmem:s18], $0x280, $0x38;
	[tilespmem:$0x1B400] =	vst v63  }
0x274: {  	s28 =	rddreg [dreg:$0x18];
	s29 =	simm.s32 $0x15E00  }
0x275: {  	[tilespmem:s29], [sflag:$0x1] =	stream.linear.gather [spmem:s28], $0x280, $0x38;
	[tilespmem:$0x1B400] =	vst v63  }
0x276: {  	s30 =	rddreg [dreg:$0x19];
	s31 =	simm.s32 $0x16080  }
0x277: {  	[tilespmem:s31], [sflag:$0x1] =	stream.linear.gather [spmem:s30], $0x280, $0x38;
	[tilespmem:$0x1B400] =	vst v63  }
0x278: {  	s7 =	rddreg [dreg:$0x1a];
	s8 =	simm.s32 $0x16300  }
0x279: {  	[tilespmem:s8], [sflag:$0x1] =	stream.linear.gather [spmem:s7], $0x280, $0x38;
	[tilespmem:$0x1B400] =	vst v63  }
0x27a: {  	s9 =	rddreg [dreg:$0x1b];
	s10 =	simm.s32 $0x16580  }
0x27b: {  	[tilespmem:s10], [sflag:$0x1] =	stream.linear.gather [spmem:s9], $0x280, $0x38;
	[tilespmem:$0x1B400] =	vst v63  }
0x27c: {  	s11 =	rddreg [dreg:$0x1c];
	s12 =	simm.s32 $0x16800  }
0x27d: {  	[tilespmem:s12], [sflag:$0x1] =	stream.linear.gather [spmem:s11], $0x280, $0x38;
	[tilespmem:$0x1B400] =	vst v63  }
0x27e: {  	s13 =	rddreg [dreg:$0x1d];
	s18 =	simm.s32 $0x16A80  }
0x27f: {  	[tilespmem:s18], [sflag:$0x1] =	stream.linear.gather [spmem:s13], $0x280, $0x38;
	[tilespmem:$0x1B400] =	vst v63  }
0x280: {  	s26 =	rddreg [dreg:$0x1e];
	s28 =	simm.s32 $0x16D00  }
0x281: {  	[tilespmem:s28], [sflag:$0x1] =	stream.linear.gather [spmem:s26], $0x280, $0x38;
	[tilespmem:$0x1B400] =	vst v63  }
0x282: {  	s29 =	rddreg [dreg:$0x1f];
	s30 =	simm.s32 $0x16F80  }
0x283: {  	[tilespmem:s30], [sflag:$0x1] =	stream.linear.gather [spmem:s29], $0x280, $0x38;
	[tilespmem:$0x1B400] =	vst v63  }
0x284: {  	_ =	swait.ge [sflag:s24], $0x280  }
0x285: {  	[sflag:s24] =	ssyncset.done $0x0  }
0x286: {  	[sflag:s24] =	ssyncadd.s32 $0xFFFFFD80  }
0x287: {  	_ =	swait.ge [sflag:s24], $0x280  }
0x288: {  	[sflag:s24] =	ssyncset.done $0x0  }
0x289: {  	[sflag:s24] =	ssyncadd.s32 $0xFFFFFD80  }
0x28a: {  	_ =	swait.ge [sflag:s24], $0x280  }
0x28b: {  	[sflag:s24] =	ssyncset.done $0x0  }
0x28c: {  	[sflag:s24] =	ssyncadd.s32 $0xFFFFFD80  }
0x28d: {  	_ =	swait.ge [sflag:s24], $0x280  }
0x28e: {  	[sflag:s24] =	ssyncset.done $0x0  }
0x28f: {  	[sflag:s24] =	ssyncadd.s32 $0xFFFFFD80  }
0x290: {  	_ =	swait.ge [sflag:s24], $0x280  }
0x291: {  	[sflag:s24] =	ssyncset.done $0x0  }
0x292: {  	[sflag:s24] =	ssyncadd.s32 $0xFFFFFD80  }
0x293: {  	_ =	swait.ge [sflag:s24], $0x280  }
0x294: {  	[sflag:s24] =	ssyncset.done $0x0  }
0x295: {  	[sflag:s24] =	ssyncadd.s32 $0xFFFFFD80  }
0x296: {  	_ =	swait.ge [sflag:s24], $0x280  }
0x297: {  	[sflag:s24] =	ssyncset.done $0x0  }
0x298: {  	[sflag:s24] =	ssyncadd.s32 $0xFFFFFD80  }
0x299: {  	_ =	swait.ge [sflag:s24], $0x280  }
0x29a: {  	[sflag:s24] =	ssyncset.done $0x0  }
0x29b: {  	[sflag:s24] =	ssyncadd.s32 $0xFFFFFD80  }
0x29c: {  	_ =	swait.ge [sflag:s24], $0x280  }
0x29d: {  	[sflag:s24] =	ssyncset.done $0x0  }
0x29e: {  	[sflag:s24] =	ssyncadd.s32 $0xFFFFFD80  }
0x29f: {  	_ =	swait.ge [sflag:s24], $0x280  }
0x2a0: {  	[sflag:s24] =	ssyncset.done $0x0  }
0x2a1: {  	[sflag:s24] =	ssyncadd.s32 $0xFFFFFD80  }
0x2a2: {  	_ =	swait.ge [sflag:s24], $0x280  }
0x2a3: {  	[sflag:s24] =	ssyncset.done $0x0  }
0x2a4: {  	[sflag:s24] =	ssyncadd.s32 $0xFFFFFD80  }
0x2a5: {  	_ =	swait.ge [sflag:s24], $0x280  }
0x2a6: {  	[sflag:s24] =	ssyncset.done $0x0  }
0x2a7: {  	[sflag:s24] =	ssyncadd.s32 $0xFFFFFD80  }
0x2a8: {  	_ =	swait.ge [sflag:s24], $0x280  }
0x2a9: {  	[sflag:s24] =	ssyncset.done $0x0  }
0x2aa: {  	[sflag:s24] =	ssyncadd.s32 $0xFFFFFD80  }
0x2ab: {  	_ =	swait.ge [sflag:s24], $0x280  }
0x2ac: {  	[sflag:s24] =	ssyncset.done $0x0  }
0x2ad: {  	[sflag:s24] =	ssyncadd.s32 $0xFFFFFD80  }
0x2ae: {  	_ =	swait.ge [sflag:s24], $0x280  }
0x2af: {  	[sflag:s24] =	ssyncset.done $0x0  }
0x2b0: {  	[sflag:s24] =	ssyncadd.s32 $0xFFFFFD80  }
0x2b1: {  	_ =	swait.ge [sflag:s24], $0x280  }
0x2b2: {  	[sflag:s24] =	ssyncset.done $0x0  }
0x2b3: {  	s31 =	simm.s32 $0x0;
	s7 =	simm.s32 $0x15E10;
	[sflag:s24] =	ssyncadd.s32 $0xFFFFFD80  }
0x2b4: {  	s0 =	sand.u32 $0x3C0, s31;
	v1 =	vld [tilespmem:s7+$0xFFFFEBF0]  }
0x2b5: {  	v2 =	vld [tilespmem:s0+$0x14C80]  }
0x2b6: {  	v3 =	vld [tilespmem:s7+$0xFFFFEC00]  }
0x2b7: {  	v4 =	vld [tilespmem:s0+$0x14F00]  }
0x2b8: {  	v5 =	vld [tilespmem:s7+$0xFFFFEE80]  }
0x2b9: {  	v6 =	vld [tilespmem:s0+$0x15180]  }
0x2ba: {  	v7 =	vld [tilespmem:s7+$0xFFFFEC10]  }
0x2bb: {  	v8 =	vld [tilespmem:s0+$0x15400]  }
0x2bc: {  	v9 =	vld [tilespmem:s7+$0xFFFFEE90]  }
0x2bd: {  	v10 =	vld [tilespmem:s0+$0x15680]  }
0x2be: {  	v11 =	vld [tilespmem:s7+$0xFFFFEC20]  }
0x2bf: {  	v12 =	vld [tilespmem:s0+$0x15900]  }
0x2c0: {  	v13 =	vld [tilespmem:s7+$0xFFFFEEA0]  }
0x2c1: {  	v14 =	vld [tilespmem:s0+$0x15B80]  }
0x2c2: {  	v15 =	vld [tilespmem:s7+$0xFFFFF100]  }
0x2c3: {  	v16 =	vld [tilespmem:s0+$0x15E00]  }
0x2c4: {  	v17 =	vld [tilespmem:s7+$0xFFFFF110]  }
0x2c5: {  	v18 =	vld [tilespmem:s0+$0x16080]  }
0x2c6: {  	v19 =	vld [tilespmem:s7+$0xFFFFF120]  }
0x2c7: {  	v20 =	vld [tilespmem:s0+$0x16300]  }
0x2c8: {  	v21 =	vld [tilespmem:s7+$0xFFFFF380]  }
0x2c9: {  	v22 =	vld [tilespmem:s0+$0x16580]  }
0x2ca: {  	v23 =	vld [tilespmem:s7+$0xFFFFF390]  }
0x2cb: {  	v24 =	vld [tilespmem:s0+$0x16800]  }
0x2cc: {  	v25 =	vld [tilespmem:s7+$0xFFFFF3A0]  }
0x2cd: {  	v26 =	vld [tilespmem:s0+$0x16A80]  }
0x2ce: {  	v27 =	vld [tilespmem:s7+$0xFFFFF600]  }
0x2cf: {  	v28 =	vld [tilespmem:s0+$0x16D00]  }
0x2d0: {  	v29 =	vld [tilespmem:s7+$0xFFFFF610]  }
0x2d1: {  	v30 =	vld [tilespmem:s0+$0x16F80]  }
0x2d2: {  	v31 =	vld [tilespmem:s7+$0xFFFFF620]  }
0x2d3: {  	v32 =	vld [tilespmem:s7+$0xFFFFF880]  }
0x2d4: {  	v33 =	vld [tilespmem:s7+$0xFFFFF8A0]  }
0x2d5: {  	v34 =	vld [tilespmem:s7+$0xFFFFFB10];
	v1 =	vadd.f32 v2, v1  }
0x2d6: {  	v55 =	vld [tilespmem:s7+$0x10]  }
0x2d7: {  	v56 =	vld [tilespmem:s7+$0x20];
	v1 =	vadd.f32 v4, v1  }
0x2d8: {  	v57 =	vld [tilespmem:s7+$0x280]  }
0x2d9: {  	v58 =	vld [tilespmem:s7+$0x290];
	v3 =	vadd.f32 v5, v3;
	v1 =	vadd.f32 v6, v1  }
0x2da: {  	v59 =	vld [tilespmem:s7+$0x2A0];
	v7 =	vadd.f32 v9, v7;
	v9 =	vadd.f32 v13, v11  }
0x2db: {  	v60 =	vld [tilespmem:s7+$0x520];
	v3 =	vadd.f32 v15, v3;
	v1 =	vadd.f32 v8, v1  }
0x2dc: {  	v2 =	vld [tilespmem:s7+$0xFFFFF890];
	v7 =	vadd.f32 v17, v7;
	v9 =	vadd.f32 v19, v9  }
0x2dd: {  	v5 =	vld [tilespmem:s7+$0xFFFFFD80];
	v3 =	vadd.f32 v21, v3;
	v1 =	vadd.f32 v10, v1  }
0x2de: {  	v4 =	vld [tilespmem:s7+$0xFFFFFB00];
	v7 =	vadd.f32 v23, v7;
	v9 =	vadd.f32 v25, v9  }
0x2df: {  	v6 =	vld [tilespmem:s7+$0xFFFFFB20];
	v3 =	vadd.f32 v27, v3;
	v1 =	vadd.f32 v12, v1  }
0x2e0: {  	v11 =	vld [tilespmem:s7+$0xFFFFFDA0];
	v7 =	vadd.f32 v29, v7;
	v9 =	vadd.f32 v31, v9  }
0x2e1: {  	v8 =	vld [tilespmem:s7+$0xFFFFFD90];
	v3 =	vadd.f32 v32, v3;
	v1 =	vadd.f32 v14, v1  }
0x2e2: {  	v10 =	vld [tilespmem:s7+$0x0];
	v2 =	vadd.f32 v2, v7;
	v9 =	vadd.f32 v33, v9  }
0x2e3: {  	v61 =	vld [tilespmem:s7+$0xA20];
	v3 =	vadd.f32 v4, v3;
	v1 =	vadd.f32 v16, v1  }
0x2e4: {  	v63 =	vld [tilespmem:s7+$0xF00];
	v2 =	vadd.f32 v34, v2;
	v6 =	vadd.f32 v6, v9  }
0x2e5: {  	v7 =	vld [tilespmem:s7+$0x500];
	v3 =	vadd.f32 v5, v3;
	v1 =	vadd.f32 v18, v1  }
0x2e6: {  	v4 =	vld [tilespmem:s7+$0x510];
	v2 =	vadd.f32 v8, v2;
	v6 =	vadd.f32 v11, v6  }
0x2e7: {  	v9 =	vld [tilespmem:s7+$0x7A0];
	v3 =	vadd.f32 v10, v3;
	v1 =	vadd.f32 v20, v1  }
0x2e8: {  	v5 =	vld [tilespmem:s7+$0x780];
	v2 =	vadd.f32 v55, v2;
	v6 =	vadd.f32 v56, v6  }
0x2e9: {  	v8 =	vld [tilespmem:s7+$0x790];
	v3 =	vadd.f32 v57, v3;
	v1 =	vadd.f32 v22, v1  }
0x2ea: {  	v10 =	vld [tilespmem:s7+$0xA00];
	v2 =	vadd.f32 v58, v2;
	v6 =	vadd.f32 v59, v6  }
0x2eb: {  	v11 =	vld [tilespmem:s7+$0xA10];
	v3 =	vadd.f32 v7, v3;
	v1 =	vadd.f32 v24, v1  }
0x2ec: {  	v7 =	vld [tilespmem:s7+$0xC80];
	v2 =	vadd.f32 v4, v2;
	v6 =	vadd.f32 v60, v6  }
0x2ed: {  	v4 =	vld [tilespmem:s7+$0xC90];
	v3 =	vadd.f32 v5, v3;
	v1 =	vadd.f32 v26, v1  }
0x2ee: {  	v5 =	vld [tilespmem:s7+$0xCA0];
	v2 =	vadd.f32 v8, v2;
	v6 =	vadd.f32 v9, v6  }
0x2ef: {  	v3 =	vadd.f32 v10, v3;
	v62 =	vadd.f32 v28, v1;
	v1 =	vld [tilespmem:s7+$0xF10]  }
0x2f0: {  	v9 =	vadd.f32 v11, v2;
	v2 =	vld [tilespmem:s7+$0xF20];
	v10 =	vadd.f32 v61, v6  }
0x2f1: {  	v7 =	vadd.f32 v7, v3;
	v3 =	vld [tilespmem:s7+$0x1180];
	v8 =	vadd.f32 v30, v62  }
0x2f2: {  	s0 =	simm.s32 $0xA020;
	v6 =	vadd.f32 v4, v9;
	v4 =	vld [tilespmem:s7+$0x1190]  }
0x2f3: {  	s4 =	simm.s32 $0x0;
	s8 =	simm.s32 $0x40;
	v7 =	vadd.f32 v63, v7;
	[tilespmem:s0+$0xFFFFFFE0] =	vst v8;
	v8 =	vadd.f32 v5, v10;
	v5 =	vld [tilespmem:s7+$0x11A0];
	s7 =	simm.s32 $0x15E50  }
.LBB2_10:
0x2f4: {  	v9 =	vld [tilespmem:s7+$0xFFFFEBF0];
	s9 =	sand.u32 $0x3C0, s8;
	s4 =	sadd.s32 $0x4, s4;
	v1 =	vadd.f32 v1, v6  }
0x2f5: {  	v6 =	vld [tilespmem:s9+$0x14C80];
	p0 =	slt.u32 s4, $0x24;
	v2 =	vadd.f32 v2, v8  }
0x2f6: {  	v8 =	vld [tilespmem:s7+$0xFFFFEC00];
	v3 =	vadd.f32 v3, v7  }
0x2f7: {  	v7 =	vld [tilespmem:s9+$0x14F00];
	v1 =	vadd.f32 v4, v1  }
0x2f8: {  	v4 =	vld [tilespmem:s7+$0xFFFFEE80];
	[tilespmem:s0+$0xFFFFFFF0] =	vst v3;
	v2 =	vadd.f32 v5, v2  }
0x2f9: {  	v3 =	vld [tilespmem:s9+$0x15180];
	[tilespmem:s0+$0x0] =	vst v1  }
0x2fa: {  	v1 =	vadd.f32 v6, v9;
	v5 =	vld [tilespmem:s7+$0xFFFFEC10];
	[tilespmem:s0+$0x10] =	vst v2  }
0x2fb: {  	v2 =	vld [tilespmem:s9+$0x15400]  }
0x2fc: {  	v1 =	vadd.f32 v7, v1;
	v6 =	vld [tilespmem:s7+$0xFFFFEE90]  }
0x2fd: {  	v7 =	vld [tilespmem:s9+$0x15680];
	v4 =	vadd.f32 v4, v8  }
0x2fe: {  	v1 =	vadd.f32 v3, v1;
	v3 =	vld [tilespmem:s7+$0xFFFFEC20]  }
0x2ff: {  	v8 =	vld [tilespmem:s9+$0x15900]  }
0x300: {  	v1 =	vadd.f32 v2, v1;
	v2 =	vld [tilespmem:s7+$0xFFFFEEA0]  }
0x301: {  	v9 =	vld [tilespmem:s9+$0x15B80];
	v5 =	vadd.f32 v6, v5  }
0x302: {  	v1 =	vadd.f32 v7, v1;
	v6 =	vld [tilespmem:s7+$0xFFFFF100]  }
0x303: {  	v7 =	vld [tilespmem:s9+$0x15E00]  }
0x304: {  	v1 =	vadd.f32 v8, v1;
	v8 =	vld [tilespmem:s7+$0xFFFFF110]  }
0x305: {  	v10 =	vld [tilespmem:s9+$0x16080];
	v2 =	vadd.f32 v2, v3  }
0x306: {  	v1 =	vadd.f32 v9, v1;
	v3 =	vld [tilespmem:s7+$0xFFFFF120]  }
0x307: {  	v9 =	vld [tilespmem:s9+$0x16300];
	v4 =	vadd.f32 v6, v4  }
0x308: {  	v1 =	vadd.f32 v7, v1;
	v6 =	vld [tilespmem:s7+$0xFFFFF380]  }
0x309: {  	v7 =	vld [tilespmem:s9+$0x16580];
	v5 =	vadd.f32 v8, v5  }
0x30a: {  	v1 =	vadd.f32 v10, v1;
	v8 =	vld [tilespmem:s7+$0xFFFFF390]  }
0x30b: {  	v10 =	vld [tilespmem:s9+$0x16800];
	v2 =	vadd.f32 v3, v2  }
0x30c: {  	v1 =	vadd.f32 v9, v1;
	v3 =	vld [tilespmem:s7+$0xFFFFF3A0]  }
0x30d: {  	v9 =	vld [tilespmem:s9+$0x16A80];
	v4 =	vadd.f32 v6, v4  }
0x30e: {  	v1 =	vadd.f32 v7, v1;
	v6 =	vld [tilespmem:s7+$0xFFFFF600]  }
0x30f: {  	v7 =	vld [tilespmem:s9+$0x16D00];
	v5 =	vadd.f32 v8, v5  }
0x310: {  	v1 =	vadd.f32 v10, v1;
	v8 =	vld [tilespmem:s7+$0xFFFFF610]  }
0x311: {  	v10 =	vld [tilespmem:s9+$0x16F80];
	v2 =	vadd.f32 v3, v2  }
0x312: {  	v1 =	vadd.f32 v9, v1;
	v3 =	vld [tilespmem:s7+$0xFFFFF620]  }
0x313: {  	v4 =	vadd.f32 v6, v4;
	v6 =	vld [tilespmem:s7+$0xFFFFF880]  }
0x314: {  	v1 =	vadd.f32 v7, v1;
	v7 =	vld [tilespmem:s7+$0xFFFFF890]  }
0x315: {  	v5 =	vadd.f32 v8, v5;
	v8 =	vld [tilespmem:s7+$0xFFFFF8A0]  }
0x316: {  	v1 =	vadd.f32 v10, v1;
	v9 =	vld [tilespmem:s7+$0xFFFFFB00]  }
0x317: {  	s0 =	sadd.s32 $0x40, s0;
	v10 =	vld [tilespmem:s7+$0xFFFFFB10];
	v2 =	vadd.f32 v3, v2  }
0x318: {  	[tilespmem:s0+$0xFFFFFFE0] =	vst v1;
	v1 =	vadd.f32 v6, v4;
	v3 =	vld [tilespmem:s7+$0xFFFFFB20]  }
0x319: {  	v4 =	vld [tilespmem:s7+$0xFFFFFD80];
	v5 =	vadd.f32 v7, v5  }
0x31a: {  	v6 =	vld [tilespmem:s7+$0xFFFFFD90];
	v2 =	vadd.f32 v8, v2  }
0x31b: {  	v1 =	vadd.f32 v9, v1;
	v7 =	vld [tilespmem:s7+$0xFFFFFDA0]  }
0x31c: {  	v8 =	vld [tilespmem:s7+$0x0];
	v5 =	vadd.f32 v10, v5  }
0x31d: {  	v9 =	vld [tilespmem:s7+$0x10];
	v2 =	vadd.f32 v3, v2  }
0x31e: {  	v1 =	vadd.f32 v4, v1;
	v3 =	vld [tilespmem:s7+$0x20]  }
0x31f: {  	v4 =	vld [tilespmem:s7+$0x280];
	v5 =	vadd.f32 v6, v5  }
0x320: {  	v6 =	vld [tilespmem:s7+$0x290];
	v2 =	vadd.f32 v7, v2  }
0x321: {  	v1 =	vadd.f32 v8, v1;
	v7 =	vld [tilespmem:s7+$0x2A0]  }
0x322: {  	v8 =	vld [tilespmem:s7+$0x500];
	v5 =	vadd.f32 v9, v5  }
0x323: {  	v9 =	vld [tilespmem:s7+$0x510];
	v2 =	vadd.f32 v3, v2  }
0x324: {  	v1 =	vadd.f32 v4, v1;
	v3 =	vld [tilespmem:s7+$0x520]  }
0x325: {  	v4 =	vld [tilespmem:s7+$0x780];
	v5 =	vadd.f32 v6, v5  }
0x326: {  	v6 =	vld [tilespmem:s7+$0x790];
	v2 =	vadd.f32 v7, v2  }
0x327: {  	v1 =	vadd.f32 v8, v1;
	v7 =	vld [tilespmem:s7+$0x7A0]  }
0x328: {  	v8 =	vld [tilespmem:s7+$0xA00];
	v5 =	vadd.f32 v9, v5  }
0x329: {  	v9 =	vld [tilespmem:s7+$0xA10];
	v2 =	vadd.f32 v3, v2  }
0x32a: {  	v1 =	vadd.f32 v4, v1;
	v3 =	vld [tilespmem:s7+$0xA20]  }
0x32b: {  	v4 =	vld [tilespmem:s7+$0xC80];
	v5 =	vadd.f32 v6, v5  }
0x32c: {  	v6 =	vld [tilespmem:s7+$0xC90];
	v2 =	vadd.f32 v7, v2  }
0x32d: {  	v7 =	vadd.f32 v8, v1;
	v8 =	vld [tilespmem:s7+$0xCA0]  }
0x32e: {  	v10 =	vld [tilespmem:s7+$0xF00];
	v5 =	vadd.f32 v9, v5  }
.Ltmp4:
0x32f: {  	v1 =	vld [tilespmem:s7+$0xF10];
	v9 =	vadd.f32 v3, v2;
	(pc) =	sbr.rel @p0 .LBB2_10-.Ltmp4, $4  }
0x330: {  	v7 =	vadd.f32 v4, v7;
	v2 =	vld [tilespmem:s7+$0xF20]  }
0x331: {  	v3 =	vld [tilespmem:s7+$0x1180];
	v6 =	vadd.f32 v6, v5  }
0x332: {  	v4 =	vld [tilespmem:s7+$0x1190];
	v8 =	vadd.f32 v8, v9  }
0x333: {  	s8 =	sadd.s32 $0x40, s8;
	v7 =	vadd.f32 v10, v7;
	v5 =	vld [tilespmem:s7+$0x11A0];
	s7 =	sadd.s32 $0x40, s7  }
0x334: {  	_ = 	snop  }
0x335: {  	v1 =	vadd.f32 v1, v6  }
0x336: {  	v2 =	vadd.f32 v2, v8;
	v3 =	vadd.f32 v3, v7  }
0x337: {  	v1 =	vadd.f32 v4, v1  }
0x338: {  	[tilespmem:s0+$0xFFFFFFF0] =	vst v3;
	v2 =	vadd.f32 v5, v2  }
0x339: {  	[tilespmem:s0+$0x0] =	vst v1  }
0x33a: {  	[tilespmem:s0+$0x10] =	vst v2  }
0x33b: {  	s0 =	rddreg [dreg:$0x11]  }
0x33c: {  	[hbm4b:s0+s3] =	stream.linear.scatter [tilespmem:s22], [sflag:$0x2], $0x280, $0x38;
	[tilespmem:$0x1B400] =	vst v63  }
0x33d: {  	_ =	swait.ge [sflag:s14], $0x280  }
0x33e: {  	s4 =	sld [smem:$0x7FD];
	_ =	sdelay $0x2  }
0x33f: {  	s31 =	rddreg [dreg:$0x13];
	s4 =	sadd.s32 $0x1, s4  }
0x340: {  	p0 =	sne.s32 s4, s31  }
.Ltmp5:
0x341: {  	_ = 	snop;
	(pc) =	sbr.rel @p0 .LBB2_1-.Ltmp5, $3  }
0x342: {  	_ =	sdelay $0x1  }
0x343: {  	[sflag:s14] =	ssyncset.done $0x0  }
0x344: {  	[sflag:s14] =	ssyncadd.s32 $0xFFFFFD80  }
0x345: {  	_ =	sfence.sel $0x180000  }
0x346: {  	[bflag:$0x0] =	sbarrier.arrive $0xFFFF  }
0x347: {  	_ =	strace $0x9000004D  }
0x348: {  	s0 =	stileid.u32;
	[bflag:$0x2] =	sbarrier.arrive $0xFFFF  }
0x349: {  	p0 =	sne.s32 s0, $0x0;
	s0 =	rddreg [dreg:$0x4]  }
0x34a: {  	s0 =	sadd.s32 @!p0 $0x100000, s0  }
0x34b: {  	[sflag:s0] =	ssyncadd.tile.s32 @!p0 $0x1;
	_ =	shalt  }
.Lfunc_end2:
_tile_overlayer_lowered:
.L_overlay_start_2:
0x34c: {  	(tag) =	ssettag $0x2  }
0x34d: {  	s0 =	rddreg [dreg:$0x0];
	s2 =	stileid.u32  }
0x34e: {  	s1 =	rddreg [dreg:$0x1];
	p0 =	sne.s32 s2, $0x0  }
0x34f: {  	s3 =	rddreg [dreg:$0x2];
	[bflag:$0x3] =	sbarrier.arrive $0xFFFF;
	s2 =	simm.s32 @!p0 $0x1C02  }
0x350: {  	[timem:s3], [sflag:s2] =	dma.local @!p0 [hbm:s0], s1  }
0x351: {  	s0 =	simm.s32 @!p0 $0x2  }
0x352: {  	_ =	swait.ge @!p0 [sflag:s0], s1  }
0x353: {  	s1 =	ssub.s32 @!p0 $0x0, s1;
	[sflag:s0] =	ssyncset.done @!p0 $0x0  }
0x354: {  	[sflag:s0] =	ssyncadd.s32 @!p0 s1  }
0x355: {  	[bflag:$0x3] =	sbarrier.arrive $0xFFFF  }
0x356: {  	_ =	shalt  }

// kernel: kernel.17.cloned.1.call-start
scs
__scs_entry_jumppad:
0x0: {  	(pc) =	sbr.rel $0x88, $3  }
0x1: {  	(tag) =	ssettag $0x0;
	lr =	simm.s32 $0x1  }
0x2: {  	[smem:$0x3F95] =	sst lr;
	_ =	strace $0xD0000000  }
0x3: {  	_ = 	snop  }
0x4: {  	_ = 	snop  }
0x5: {  	_ = 	snop  }
0x6: {  	_ = 	snop  }
0x7: {  	_ = 	snop  }
__scs_overlays_trampoline_lowered:
0x8: {  	[smem:$0x3FA4] =	sst s0  }
0x9: {  	[smem:$0x3FA5] =	sst s1  }
0xa: {  	[smem:$0x3FA6] =	sst s2  }
0xb: {  	[smem:$0x3FA7] =	sst s3  }
0xc: {  	[smem:$0x3FA8] =	sst s4  }
0xd: {  	[smem:$0x3FA9] =	sst s5  }
0xe: {  	[smem:$0x3FAA] =	sst s6  }
0xf: {  	[smem:$0x3FAB] =	sst s7  }
0x10: {  	[smem:$0x3FAC] =	sst s8  }
0x11: {  	[smem:$0x3FAD] =	sst s9;
	s0 =	simm.s32 @!p0 $0x0  }
0x12: {  	s1 =	sld [smem:$0x3F93];
	s0 =	simm.s32 @p0 $0x1  }
0x13: {  	[smem:$0x3FAE] =	sst s0;
	s0 =	simm.s32 @!p1 $0x0  }
0x14: {  	s2 =	sld [smem:$0x3F92];
	s0 =	simm.s32 @p1 $0x1  }
0x15: {  	[smem:$0x3FAF] =	sst s0;
	s0 =	simm.s32 @!p2 $0x0  }
0x16: {  	s3 =	sld [smem:$0x3FDB];
	s0 =	simm.s32 @p2 $0x1  }
0x17: {  	s4 =	simm.s32 $0x1BF5;
	[smem:$0x3FB1] =	sst s0  }
0x18: {  	s0 =	sld [smem:$0x3F94];
	_ =	swait.ge [sflag:s4], $0x0  }
0x19: {  	s7 =	sld [smem:$0x3F95]  }
0x1a: {  	s8 =	sadd.s32 $0xFFFFE003, lr  }
0x1b: {  	s9 =	sadd.s32 $0xFFFFFEF7, lr;
	s5 =	simm.s32 $0xFFFFFFFF;
	p2 =	slt.u32 s8, $0xFFFFF086  }
0x1c: {  	p1 =	slt.u32 s9, $0xF7A;
	s5 =	simm.s32 @!p2 $0x0  }
0x1d: {  	s5 =	simm.s32 @p1 $0x1;
	p0 =	seq.s32 s7, s2  }
0x1e: {  	s7 =	smul.u32 @!p0 $0xF7A, s2;
	p2 =	seq.s32 @!p0 s5, $0x0  }
0x1f: {  	s9 =	smul.u32 $0xF7A, s1;
	s8 =	simm.s32 @!p0 $0x1BF5;
	p2 =	por !p2, p0  }
0x20: {  	[sflag:s8] =	ssyncset.s32 @!p0 $0xFFFFF086;
	s6 =	sadd.s32 @!p0 s3, s7;
	s7 =	simm.s32 @!p0 $0x108  }
0x21: {  	s3 =	sadd.s32 s3, s9;
	s6 =	sadd.s32 @!p0 $0x88, s6;
	s7 =	simm.s32 @p2 $0x1082  }
0x22: {  	[simem:s7], [sflag:s8] =	dma.local @!p0 [hbm:s6], $0xF7A  }
0x23: {  	s9 =	sor.u32 $0xD0000000, s2;
	s6 =	simm.s32 $0x108;
	_ =	swait.ge @!p0 [sflag:s8], $0x0  }
0x24: {  	s3 =	sadd.s32 $0x88, s3;
	s6 =	simm.s32 @!p1 $0x1082;
	[sflag:s4] =	ssyncset.s32 $0xFFFFF086  }
0x25: {  	[simem:s6], [sflag:s4] =	dma.local [hbm:s3], $0xF7A  }
0x26: {  	[smem:$0x3F95] =	sst s1;
	(tag) =	ssettag s2;
	_ =	strace s9  }
0x27: {  	s1 =	sld [smem:$0x3FA5]  }
0x28: {  	s2 =	sld [smem:$0x3FA6]  }
0x29: {  	s4 =	sld [smem:$0x3FA8]  }
0x2a: {  	p0 =	seq.s32 s5, $0x0;
	s5 =	sld [smem:$0x3FA9]  }
0x2b: {  	s6 =	sld [smem:$0x3FAA]  }
0x2c: {  	s7 =	sld [smem:$0x3FAB]  }
0x2d: {  	s3 =	simm.s32 $0x108;
	s8 =	sld [smem:$0x3FAC]  }
0x2e: {  	s3 =	simm.s32 @!p0 $0x1082;
	s9 =	sld [smem:$0x3FAD]  }
0x2f: {  	lr =	sadd.s32 s0, s3;
	s0 =	sld [smem:$0x3FA4]  }
0x30: {  	s3 =	sld [smem:$0x3FA7]  }
0x31: {  	[smem:$0x3FB0] =	sst s10  }
0x32: {  	s10 =	sld [smem:$0x3FAE];
	_ =	sdelay $0x3  }
0x33: {  	p0 =	seq.s32 s10, $0x1;
	s10 =	sld [smem:$0x3FB0];
	_ =	sdelay $0x3  }
0x34: {  	[smem:$0x3FB0] =	sst s10  }
0x35: {  	s10 =	sld [smem:$0x3FAF];
	_ =	sdelay $0x3  }
0x36: {  	p1 =	seq.s32 s10, $0x1;
	s10 =	sld [smem:$0x3FB0];
	_ =	sdelay $0x3  }
0x37: {  	[smem:$0x3FB0] =	sst s10  }
0x38: {  	s10 =	sld [smem:$0x3FB1]  }
0x39: {  	_ = 	snop;
	(pc) =	sbr.ind lr, $3  }
0x3a: {  	_ = 	snop  }
0x3b: {  	_ = 	snop  }
0x3c: {  	p2 =	seq.s32 s10, $0x1;
	s10 =	sld [smem:$0x3FB0]  }
0x3d: {  	_ =	shalt  }
0x3e: {  	_ =	shalt  }
0x3f: {  	_ =	shalt  }
0x40: {  	_ =	shalt  }
0x41: {  	_ =	shalt  }
0x42: {  	_ =	shalt  }
0x43: {  	_ =	shalt  }
0x44: {  	_ =	shalt  }
0x45: {  	_ =	shalt  }
0x46: {  	_ =	shalt  }
0x47: {  	_ =	shalt  }
0x48: {  	_ =	shalt  }
0x49: {  	_ =	shalt  }
0x4a: {  	_ =	shalt  }
0x4b: {  	_ =	shalt  }
0x4c: {  	_ =	shalt  }
0x4d: {  	_ =	shalt  }
0x4e: {  	_ =	shalt  }
0x4f: {  	_ =	shalt  }
0x50: {  	_ =	shalt  }
0x51: {  	_ =	shalt  }
0x52: {  	_ =	shalt  }
0x53: {  	_ =	shalt  }
0x54: {  	_ =	shalt  }
0x55: {  	_ =	shalt  }
0x56: {  	_ =	shalt  }
0x57: {  	_ =	shalt  }
0x58: {  	_ =	shalt  }
0x59: {  	_ =	shalt  }
0x5a: {  	_ =	shalt  }
0x5b: {  	_ =	shalt  }
0x5c: {  	_ =	shalt  }
0x5d: {  	_ =	shalt  }
0x5e: {  	_ =	shalt  }
0x5f: {  	_ =	shalt  }
0x60: {  	_ =	shalt  }
0x61: {  	_ =	shalt  }
0x62: {  	_ =	shalt  }
0x63: {  	_ =	shalt  }
0x64: {  	_ =	shalt  }
0x65: {  	_ =	shalt  }
0x66: {  	_ =	shalt  }
0x67: {  	_ =	shalt  }
0x68: {  	_ =	shalt  }
0x69: {  	_ =	shalt  }
0x6a: {  	_ =	shalt  }
0x6b: {  	_ =	shalt  }
0x6c: {  	_ =	shalt  }
0x6d: {  	_ =	shalt  }
0x6e: {  	_ =	shalt  }
0x6f: {  	_ =	shalt  }
0x70: {  	_ =	shalt  }
0x71: {  	_ =	shalt  }
0x72: {  	_ =	shalt  }
0x73: {  	_ =	shalt  }
0x74: {  	_ =	shalt  }
0x75: {  	_ =	shalt  }
0x76: {  	_ =	shalt  }
0x77: {  	_ =	shalt  }
0x78: {  	_ =	shalt  }
0x79: {  	_ =	shalt  }
0x7a: {  	_ =	shalt  }
0x7b: {  	_ =	shalt  }
0x7c: {  	_ =	shalt  }
0x7d: {  	_ =	shalt  }
0x7e: {  	_ =	shalt  }
0x7f: {  	_ =	shalt  }
0x80: {  	_ =	shalt  }
0x81: {  	_ =	shalt  }
0x82: {  	_ =	shalt  }
0x83: {  	_ =	shalt  }
0x84: {  	_ =	shalt  }
0x85: {  	_ =	shalt  }
0x86: {  	_ =	shalt  }
0x87: {  	_ =	shalt  }
.Lfunc_end0:
.L_simem_size_0:
called_computation.3_lowered:
.L_overlay_start_0:
0x88: {  	s2 =	sld [smem:$0x3FD9]  }
0x89: {  	s3 =	sld [smem:$0x3FFE];
	_ =	sdelay $0x1  }
0x8a: {  	s1 =	srdreg.scid  }
0x8b: {  	s0 =	sand.u32 $0x1, s1  }
0x8c: {  	s14 =	sshll.u32 s0, $0xA;
	s2 =	sadd.s32 s3, s2  }
0x8d: {  	s2 =	sadd.s32 s2, s14  }
0x8e: {  	[smem:$0x3FBC] =	sst s2  }
0x8f: {  	_ = 	snop  }
0x90: {  	s2 =	sld [smem:$0x3FD0];
	_ =	sdelay $0x2  }
0x91: {  	s15 =	simm.s32 $0xA;
	s4 =	simm.s32 $0x10  }
0x92: {  	[smem:s4], [sflag:s15] =	dma.local [hbm:s2], $0x1  }
0x93: {  	_ =	swait.eq [sflag:s15], $0x1  }
0x94: {  	[sflag:s15] =	ssyncset.done $0x0  }
0x95: {  	s16 =	sld [smem:$0x10];
	[sflag:s15] =	ssyncadd.s32 $0xFFFFFFFF  }
0x96: {  	s17 =	sld [smem:$0x11];
	(tm) =	ssettm $0x1  }
0x97: {  	s18 =	sld [smem:$0x3FFB];
	_ =	sdelay $0x3  }
0x98: {  	_ =	strace s18  }
0x99: {  	s4 =	sld [smem:$0x3FFC];
	_ =	sdelay $0x3  }
0x9a: {  	_ =	strace s4  }
0x9b: {  	s4 =	sld [smem:$0x3FFD];
	_ =	sdelay $0x3  }
0x9c: {  	_ =	strace s4  }
0x9d: {  	_ =	strace $0x8FFFFFFF  }
0x9e: {  	s19 =	sld [smem:$0x3FDB];
	_ =	sdelay $0x1  }
0x9f: {  	s5 =	simm.s32 $_scs_section_size  }
0xa0: {  	s6 =	simm.s32 $_size__tile_overlayer_lowered;
	s7 =	simm.s32 $_tile_overlayer_lowered  }
0xa1: {  	s22 =	simm.s32 $0x1BFF;
	s21 =	sshll.u32 s7, $0x1;
	s4 =	sadd.s32 s5, s19  }
0xa2: {  	s8 =	simm.s32 $0x0;
	s20 =	sshll.u32 s6, $0x1;
	s6 =	sadd.s32 s21, s4  }
0xa3: {  	[timem:s8], [sflag:s22] =	dma.local [hbm:s6], s20  }
0xa4: {  	_ =	swait.ge [sflag:s22], s20  }
0xa5: {  	s5 =	ssub.s32 $0x0, s20;
	[sflag:s22] =	ssyncset.done $0x0  }
0xa6: {  	[sflag:s22] =	ssyncadd.s32 s5;
	_ =	sdelay $0x1  }
0xa7: {  	s23 =	simm.s32 $0x1B8B  }
0xa8: {  	_ =	swait.ge [sflag:s23], $0x1  }
0xa9: {  	[sflag:s23] =	ssyncset.done $0x0  }
0xaa: {  	s25 =	simm.s32 $0x1B8E;
	s24 =	sld [smem:$0x3FFE];
	[sflag:s23] =	ssyncadd.s32 $0xFFFFFFFF  }
0xab: {  	s26 =	simm.s32 $execute0_lowered;
	[smem:$0x3FD2] =	sst s25  }
0xac: {  	s6 =	sshll.u32 s26, $0x1;
	_ =	strace $0x8000004F;
	[dreg:$0x1] =	wrdreg $0xFFFFFFFF  }
0xad: {  	s28 =	simm.s32 $_size_execute0_lowered;
	s4 =	sadd.s32 s4, s6;
	[dreg:$0x0] =	wrdreg $0x0  }
0xae: {  	s6 =	sshll.u32 s28, $0x1;
	[dreg:$0x2] =	wrdreg s4  }
0xaf: {  	[dreg:$0x3] =	wrdreg s6  }
0xb0: {  	[dreg:$0x4] =	wrdreg $0xC0  }
0xb1: {  	_ =	task [dreg:s8], $0x5FFFF  }
0xb2: {  	[dreg:$0x1] =	wrdreg $0xFFFFFFFF  }
0xb3: {  	[dreg:$0x0] =	wrdreg $0x60  }
0xb4: {  	[dreg:$0x2] =	wrdreg s24  }
0xb5: {  	[dreg:$0x3] =	wrdreg s17  }
0xb6: {  	[dreg:$0x4] =	wrdreg s16  }
0xb7: {  	[dreg:$0x5] =	wrdreg $0x9  }
0xb8: {  	_ =	task.clear_ibuf [dreg:s8], $0x6FFFF;
	_ =	strace $0x9000004F  }
0xb9: {  	s29 =	simm.s32 $0x9;
	_ =	strace $0x80000051  }
0xba: {  	_ =	swait.ge [sflag:s29], $0x1  }
0xbb: {  	[sflag:s29] =	ssyncadd.s32 $0xFFFFFFFF  }
0xbc: {  	_ =	strace $0x90000051  }
0xbd: {  	_ =	sfence  }
0xbe: {  	s30 =	sld [smem:$0x0];
	_ =	sdelay $0x2  }
0xbf: {  	s31 =	sshll.u32 s1, $0xD;
	s1 =	sshrl.u32 s1, $0x2  }
0xc0: {  	s3 =	sand.u32 $0x4000, s31;
	s1 =	sadd.s32 s1, s30  }
0xc1: {  	s0 =	sor.u32 s3, s0;
	s1 =	sshll.u32 s1, $0x11  }
0xc2: {  	s0 =	sor.u32 s1, s0  }
0xc3: {  	s0 =	sadd.s32 $0x8F2B, s0  }
0xc4: {  	[sflag:s0] =	ssyncadd.remote.s32 $0x1  }
0xc5: {  	_ =	sfence.sel $0xFFFF  }
0xc6: {  	[dreg:$0x0] =	wrdreg $0xFFFFFFFF;
	(pc) =	sbr.abs _section_cstart, $3  }
0xc7: {  	[dreg:$0x1] =	wrdreg $0xFFFFFFFF  }
0xc8: {  	_ =	task.clear_ibuf [dreg:s8], $0x2FFFF;
	_ =	strace $0x9FFFFFFF  }
0xc9: {  	(tm) =	ssettm $0x7FFFFFFF  }
tec
execute0_lowered:
.L_overlay_start_1:
0x0: {  	(tag) =	ssettag $0x1  }
0x1: {  	s6 =	rddreg [dreg:$0x0]  }
0x2: {  	s1 =	rddreg [dreg:$0x1]  }
0x3: {  	s2 =	rddreg [dreg:$0x2]  }
0x4: {  	s0 =	rddreg [dreg:$0x3];
	s3 =	simm.s32 $0x0  }
0x5: {  	s4 =	srdreg.scid;
	s11 =	simm.s32 $0x2800;
	s12 =	simm.s32 $0x5000  }
0x6: {  	s13 =	simm.s32 $0x5800;
	s14 =	simm.s32 $0x6000;
	s15 =	simm.s32 $0x0  }
0x7: {  	[smem:$0x7FF] =	sst s3;
	s7 =	sand.u32 $0x1, s4;
	s4 =	stileid.u32  }
0x8: {  	s5 =	sadd.s32 $0xD600, s6;
	s6 =	sadd.s32 $0x31000, s6;
	s8 =	ssub.s32 $0x2, s7  }
0x9: {  	_ =	strace $0x80000050;
	s10 =	sshll.u32 s4, $0x1;
	s9 =	sshrl.u32 s8, $0x1  }
0xa: {  	s31 =	sor.u32 s7, s10;
	s7 =	sadd.s32 $0x500, s1;
	s9 =	ssub.s32 s8, s9  }
0xb: {  	s10 =	simm.s32 $0x1;
	s8 =	smul.u32 $0x2710, s31;
	s9 =	smax.u32 s9, $0x1  }
.LBB2_1:
0xc: {  	[tilespmem:s3], [sflag:$0x1] =	stream.linear.gather [hbm4b:s1+s3], $0x2800, $0x38;
	[tilespmem:$0x6800] =	vst v63  }
0xd: {  	_ =	swait.ge [sflag:s10], $0x2800  }
0xe: {  	[sflag:s10] =	ssyncset.done $0x0  }
0xf: {  	[sflag:s10] =	ssyncadd.s32 $0xFFFFD800  }
0x10: {  	[tilespmem:s11], [sflag:$0x1] =	stream.linear.gather [hbm4b:s7+s3], $0x2800, $0x38;
	[tilespmem:$0x6800] =	vst v63  }
0x11: {  	_ =	swait.ge [sflag:s10], $0x2800  }
0x12: {  	[sflag:s10] =	ssyncset.done $0x0  }
0x13: {  	s17 =	simm.s32 $0x40;
	[sflag:s10] =	ssyncadd.s32 $0xFFFFD800  }
0x14: {  	s18 =	simm.s32 $0x2840;
	v1 =	vld [tilespmem:s17+$0x30]  }
0x15: {  	v2 =	vld [tilespmem:s18+$0x30]  }
0x16: {  	v0 =	vld [tilespmem:s18+$0xFFFFFFC0]  }
0x17: {  	v3 =	vld [tilespmem:s17+$0xFFFFFFD0]  }
0x18: {  	v4 =	vld [tilespmem:s18+$0xFFFFFFD0]  }
0x19: {  	v5 =	vld [tilespmem:s17+$0xFFFFFFE0]  }
0x1a: {  	v6 =	vld [tilespmem:s18+$0xFFFFFFE0]  }
0x1b: {  	v7 =	vld [tilespmem:s17+$0xFFFFFFF0]  }
0x1c: {  	v8 =	vld [tilespmem:s18+$0xFFFFFFF0]  }
0x1d: {  	v9 =	vld [tilespmem:s17+$0x0]  }
0x1e: {  	v10 =	vld [tilespmem:s18+$0x0];
	v2 =	vadd.f32 v2, v1  }
0x1f: {  	v4 =	vadd.f32 v4, v3;
	v1 =	vld [tilespmem:s17+$0x10]  }
0x20: {  	v5 =	vadd.f32 v6, v5;
	v3 =	vld [tilespmem:s18+$0x10];
	[tilespmem:s17+$0x30] =	vst v2  }
0x21: {  	v6 =	vadd.f32 v8, v7;
	[tilespmem:s17+$0xFFFFFFD0] =	vst v4;
	v2 =	vld [tilespmem:s17+$0x20]  }
0x22: {  	[tilespmem:s17+$0xFFFFFFE0] =	vst v5;
	v5 =	vld [tilespmem:s18+$0x20]  }
0x23: {  	s19 =	simm.s32 $0x0;
	s20 =	simm.s32 $0xC0;
	v4 =	vld [tilespmem:s17+$0xFFFFFFC0];
	[tilespmem:s17+$0xFFFFFFF0] =	vst v6;
	v6 =	vadd.f32 v10, v9  }
.LBB2_2:
0x24: {  	v7 =	vld [tilespmem:s20+$0x30];
	s18 =	sadd.s32 $0x80, s18  }
0x25: {  	s19 =	sadd.s32 $0x8, s19;
	v8 =	vld [tilespmem:s18+$0x30];
	[tilespmem:s17+$0x0] =	vst v6;
	v1 =	vadd.f32 v3, v1  }
0x26: {  	p0 =	slt.u32 s19, $0x278;
	v3 =	vld [tilespmem:s18+$0xFFFFFFC0]  }
0x27: {  	v6 =	vld [tilespmem:s20+$0xFFFFFFD0];
	[tilespmem:s17+$0x10] =	vst v1;
	v1 =	vadd.f32 v5, v2  }
0x28: {  	v2 =	vld [tilespmem:s18+$0xFFFFFFD0];
	v9 =	vadd.f32 v0, v4  }
0x29: {  	v4 =	vld [tilespmem:s20+$0xFFFFFFE0];
	[tilespmem:s17+$0x20] =	vst v1  }
0x2a: {  	v1 =	vld [tilespmem:s18+$0xFFFFFFE0];
	v5 =	vadd.f32 v8, v7;
	[tilespmem:s17+$0xFFFFFFC0] =	vst v9;
	s17 =	smov.u32 s20  }
0x2b: {  	v7 =	vld [tilespmem:s20+$0xFFFFFFF0];
	v0 =	vmov v3  }
0x2c: {  	s16 =	simm.s32 $0x0;
	v8 =	vld [tilespmem:s18+$0xFFFFFFF0];
	[tilespmem:s20+$0x30] =	vst v5  }
0x2d: {  	v2 =	vadd.f32 v2, v6;
	v6 =	vld [tilespmem:s20+$0x0]  }
0x2e: {  	v9 =	vld [tilespmem:s18+$0x0]  }
.Ltmp0:
0x2f: {  	[tilespmem:s20+$0xFFFFFFD0] =	vst v2;
	v2 =	vadd.f32 v1, v4;
	v1 =	vld [tilespmem:s20+$0x10];
	(pc) =	sbr.rel @p0 .LBB2_2-.Ltmp0, $4  }
0x30: {  	v3 =	vld [tilespmem:s18+$0x10]  }
0x31: {  	[tilespmem:s20+$0xFFFFFFE0] =	vst v2;
	v7 =	vadd.f32 v8, v7;
	v2 =	vld [tilespmem:s20+$0x20]  }
0x32: {  	v5 =	vld [tilespmem:s18+$0x20]  }
0x33: {  	s20 =	sadd.s32 $0x80, s20;
	v4 =	vld [tilespmem:s17+$0xFFFFFFC0];
	[tilespmem:s17+$0xFFFFFFF0] =	vst v7;
	v6 =	vadd.f32 v9, v6  }
0x34: {  	_ =	sdelay $0x1  }
0x35: {  	v1 =	vadd.f32 v3, v1  }
0x36: {  	[tilespmem:s17+$0x0] =	vst v6;
	v2 =	vadd.f32 v5, v2  }
0x37: {  	[tilespmem:s17+$0x10] =	vst v1;
	v0 =	vadd.f32 v0, v4  }
0x38: {  	[tilespmem:s17+$0x20] =	vst v2  }
0x39: {  	[tilespmem:s17+$0xFFFFFFC0] =	vst v0  }
.LBB2_4:
0x3a: {  	s17 =	smul.u32 $0x7D0, s16;
	_ =	sdelay $0x1  }
0x3b: {  	s17 =	sadd.s32 s8, s17  }
0x3c: {  	s17 =	sshrl.u32 s17, $0x3  }
0x3d: {  	s18 =	sadd.s32 s5, s17  }
0x3e: {  	[tilespmem:s12], [sflag:$0x1] =	stream.linear.gather [hbm4b:s18+s3], $0x7D0, $0x38;
	[tilespmem:$0x6800] =	vst v63  }
0x3f: {  	_ =	swait.ge [sflag:s10], $0x7D0  }
0x40: {  	[sflag:s10] =	ssyncset.done $0x0  }
0x41: {  	s30 =	sadd.s32 s6, s17;
	[sflag:s10] =	ssyncadd.s32 $0xFFFFF830  }
0x42: {  	[tilespmem:s13], [sflag:$0x1] =	stream.linear.gather [hbm4b:s30+s3], $0x7D0, $0x38;
	[tilespmem:$0x6800] =	vst v63  }
0x43: {  	_ =	swait.ge [sflag:s10], $0x7D0  }
0x44: {  	[sflag:s10] =	ssyncset.done $0x0  }
0x45: {  	s31 =	simm.s32 $0x5040;
	[sflag:s10] =	ssyncadd.s32 $0xFFFFF830  }
0x46: {  	v0 =	vld [tilespmem:s31+$0x30]  }
0x47: {  	v1 =	vld [tilespmem:s31+$0xFFFFFFD0]  }
0x48: {  	v2 =	vld [tilespmem:s31+$0xFFFFFFE0]  }
0x49: {  	v3 =	vld [tilespmem:s31+$0xFFFFFFF0]  }
0x4a: {  	v4 =	vld [tilespmem:s31+$0x0]  }
0x4b: {  	v5 =	vld [tilespmem:s31+$0x10]  }
0x4c: {  	v6 =	vld [tilespmem:s31+$0x20]  }
0x4d: {  	s20 =	simm.s32 $0x5840;
	v7 =	vld [tilespmem:s31+$0xFFFFFFC0]  }
0x4e: {  	v8 =	vld [tilespmem:s20+$0x30]  }
0x4f: {  	v9 =	vld [tilespmem:s20+$0xFFFFFFC0]  }
0x50: {  	s19 =	simm.s32 $0x50C0;
	v10 =	vld [tilespmem:s20+$0xFFFFFFD0]  }
0x51: {  	v11 =	vld [tilespmem:s19+$0x30]  }
0x52: {  	v12 =	vld [tilespmem:s19+$0xFFFFFFD0]  }
0x53: {  	s18 =	simm.s32 $0x0;
	v13 =	vld [tilespmem:s19+$0xFFFFFFE0]  }
0x54: {  	v0 =	vld.idx.msk [tilespmem:v0+s18+$0x0], $0xffff  }
0x55: {  	v1 =	vld.idx.msk [tilespmem:v1+s18+$0x0], $0xffff  }
0x56: {  	v2 =	vld.idx.msk [tilespmem:v2+s18+$0x0], $0xffff  }
0x57: {  	v3 =	vld.idx.msk [tilespmem:v3+s18+$0x0], $0xffff  }
0x58: {  	v4 =	vld.idx.msk [tilespmem:v4+s18+$0x0], $0xffff  }
0x59: {  	v5 =	vld.idx.msk [tilespmem:v5+s18+$0x0], $0xffff  }
0x5a: {  	v6 =	vld.idx.msk [tilespmem:v6+s18+$0x0], $0xffff;
	v0 =	vadd.f32 $1.000000020e-16, v0  }
0x5b: {  	v7 =	vld.idx.msk [tilespmem:v7+s18+$0x0], $0xffff;
	v1 =	vadd.f32 $1.000000020e-16, v1  }
0x5c: {  	v2 =	vadd.f32 $1.000000020e-16, v2;
	(erf) = vrcp.f32 v0;
	v0 =	vld [tilespmem:s19+$0xFFFFFFF0]  }
0x5d: {  	v3 =	vadd.f32 $1.000000020e-16, v3;
	(erf) = vrcp.f32 v1;
	v1 =	vld [tilespmem:s19+$0x0]  }
0x5e: {  	v4 =	vadd.f32 $1.000000020e-16, v4;
	(erf) = vrcp.f32 v2;
	v2 =	vld [tilespmem:s19+$0x10]  }
0x5f: {  	v5 =	vadd.f32 $1.000000020e-16, v5;
	(erf) = vrcp.f32 v3;
	v3 =	vld [tilespmem:s19+$0x20]  }
0x60: {  	v6 =	vadd.f32 $1.000000020e-16, v6;
	(erf) = vrcp.f32 v4;
	v4 =	vld [tilespmem:s19+$0xFFFFFFC0]  }
0x61: {  	v7 =	vadd.f32 $1.000000020e-16, v7;
	(erf) = vrcp.f32 v5;
	v5 =	vld.idx.msk [tilespmem:v11+s18+$0x0], $0xffff  }
0x62: {  	(erf) = vrcp.f32 v6;
	v6 =	vld.idx.msk [tilespmem:v12+s18+$0x0], $0xffff  }
0x63: {  	(erf) = vrcp.f32 v7;
	v7 =	vld.idx.msk [tilespmem:v13+s18+$0x0], $0xffff  }
0x64: {  	v0 =	vld.idx.msk [tilespmem:v0+s18+$0x0], $0xffff  }
0x65: {  	v11 =	vpop (erf);
	v61 =	vld.idx.msk [tilespmem:v1+s18+$0x0], $0xffff  }
0x66: {  	v62 =	vpop (erf);
	v2 =	vld.idx.msk [tilespmem:v2+s18+$0x0], $0xffff;
	v1 =	vadd.f32 $1.000000020e-16, v5  }
0x67: {  	v14 =	vpop (erf);
	v3 =	vld.idx.msk [tilespmem:v3+s18+$0x0], $0xffff  }
0x68: {  	v15 =	vpop (erf);
	v5 =	vld.idx.msk [tilespmem:v4+s18+$0x0], $0xffff;
	v4 =	vadd.f32 $1.000000020e-16, v6  }
0x69: {  	v6 =	vadd.f32 $1.000000020e-16, v7;
	(erf) = vrcp.f32 v1;
	v7 =	vld [tilespmem:s20+$0xFFFFFFE0];
	v16 =	vpop (erf)  }
0x6a: {  	v18 =	vld [tilespmem:s20+$0xFFFFFFF0];
	v17 =	vadd.f32 $1.000000020e-16, v0;
	v1 =	vpop (erf);
	(erf) = vrcp.f32 v4  }
0x6b: {  	v63 =	vld [tilespmem:s20+$0x0];
	v8 =	vmul.f32 v11, v8;
	v11 =	vadd.f32 $1.000000020e-16, v61;
	v0 =	vpop (erf);
	(erf) = vrcp.f32 v6  }
0x6c: {  	s19 =	simm.s32 $0x6040;
	v4 =	vld [tilespmem:s20+$0x10];
	v6 =	vmul.f32 v62, v10;
	v2 =	vadd.f32 $1.000000020e-16, v2;
	v10 =	vpop (erf);
	(erf) = vrcp.f32 v17  }
0x6d: {  	[tilespmem:s19+$0x30] =	vst v8;
	v8 =	vmul.f32 v10, v9;
	v9 =	vadd.f32 $1.000000020e-16, v3;
	(erf) = vrcp.f32 v11;
	v3 =	vld [tilespmem:s20+$0x20];
	s20 =	simm.s32 $0x58C0  }
0x6e: {  	[tilespmem:s19+$0xFFFFFFD0] =	vst v6;
	v10 =	vadd.f32 $1.000000020e-16, v5;
	v11 =	vmul.f32 v14, v7;
	v5 =	vld [tilespmem:s20+$0x30];
	(erf) = vrcp.f32 v2  }
0x6f: {  	v7 =	vmul.f32 v15, v18;
	v2 =	vld [tilespmem:s20+$0xFFFFFFC0];
	[tilespmem:s19+$0xFFFFFFC0] =	vst v8;
	(erf) = vrcp.f32 v9  }
0x70: {  	s21 =	simm.s32 $0x8;
	s22 =	simm.s32 $0x5140;
	v6 =	vld [tilespmem:s20+$0xFFFFFFD0];
	[tilespmem:s19+$0xFFFFFFE0] =	vst v11;
	v8 =	vmul.f32 v16, v63;
	(erf) = vrcp.f32 v10  }
.LBB2_5:
0x71: {  	v9 =	vld [tilespmem:s22+$0x30];
	s21 =	sadd.s32 $0x8, s21;
	[tilespmem:s19+$0xFFFFFFF0] =	vst v7;
	v1 =	vmul.f32 v1, v4  }
0x72: {  	v4 =	vld [tilespmem:s22+$0xFFFFFFD0];
	p0 =	slt.u32 s21, $0x70;
	v7 =	vpop (erf);
	[tilespmem:s19+$0x0] =	vst v8;
	v0 =	vmul.f32 v0, v3  }
0x73: {  	v3 =	vld [tilespmem:s22+$0xFFFFFFE0];
	v5 =	vmul.f32 v7, v5;
	v7 =	vpop (erf);
	[tilespmem:s19+$0x10] =	vst v1  }
0x74: {  	v8 =	vld [tilespmem:s22+$0xFFFFFFF0];
	v10 =	vpop (erf);
	[tilespmem:s19+$0x20] =	vst v0;
	s19 =	sadd.s32 $0x80, s19  }
0x75: {  	v11 =	vld [tilespmem:s22+$0x0];
	v14 =	vmul.f32 v7, v6;
	[tilespmem:s19+$0x30] =	vst v5;
	v6 =	vpop (erf)  }
0x76: {  	v5 =	vld [tilespmem:s22+$0x10];
	v12 =	vpop (erf)  }
0x77: {  	v7 =	vld [tilespmem:s22+$0x20];
	[tilespmem:s19+$0xFFFFFFD0] =	vst v14;
	v1 =	vpop (erf)  }
0x78: {  	v13 =	vld [tilespmem:s22+$0xFFFFFFC0];
	v0 =	vpop (erf)  }
0x79: {  	v9 =	vld.idx.msk [tilespmem:v9+s18+$0x0], $0xffff;
	v14 =	vpop (erf)  }
0x7a: {  	v4 =	vld.idx.msk [tilespmem:v4+s18+$0x0], $0xffff;
	v2 =	vmul.f32 v14, v2  }
0x7b: {  	v3 =	vld.idx.msk [tilespmem:v3+s18+$0x0], $0xffff  }
0x7c: {  	v8 =	vld.idx.msk [tilespmem:v8+s18+$0x0], $0xffff;
	[tilespmem:s19+$0xFFFFFFC0] =	vst v2  }
0x7d: {  	v2 =	vld.idx.msk [tilespmem:v11+s18+$0x0], $0xffff  }
0x7e: {  	v5 =	vld.idx.msk [tilespmem:v5+s18+$0x0], $0xffff  }
0x7f: {  	v9 =	vadd.f32 $1.000000020e-16, v9;
	v7 =	vld.idx.msk [tilespmem:v7+s18+$0x0], $0xffff  }
0x80: {  	v4 =	vadd.f32 $1.000000020e-16, v4;
	v11 =	vld.idx.msk [tilespmem:v13+s18+$0x0], $0xffff  }
0x81: {  	v3 =	vadd.f32 $1.000000020e-16, v3;
	(erf) = vrcp.f32 v9;
	v9 =	vld [tilespmem:s20+$0xFFFFFFE0]  }
0x82: {  	v8 =	vadd.f32 $1.000000020e-16, v8;
	(erf) = vrcp.f32 v4;
	v13 =	vld [tilespmem:s20+$0xFFFFFFF0]  }
0x83: {  	v2 =	vadd.f32 $1.000000020e-16, v2;
	(erf) = vrcp.f32 v3;
	v14 =	vld [tilespmem:s20+$0x0]  }
.Ltmp1:
0x84: {  	v15 =	vadd.f32 $1.000000020e-16, v5;
	(erf) = vrcp.f32 v8;
	v4 =	vld [tilespmem:s20+$0x10];
	(pc) =	sbr.rel @p0 .LBB2_5-.Ltmp1, $4  }
0x85: {  	v7 =	vadd.f32 $1.000000020e-16, v7;
	(erf) = vrcp.f32 v2;
	v3 =	vld [tilespmem:s20+$0x20];
	s20 =	sadd.s32 $0x80, s20  }
0x86: {  	v8 =	vadd.f32 $1.000000020e-16, v11;
	v5 =	vld [tilespmem:s20+$0x30];
	(erf) = vrcp.f32 v15;
	v9 =	vmul.f32 v10, v9  }
0x87: {  	v2 =	vld [tilespmem:s20+$0xFFFFFFC0];
	(erf) = vrcp.f32 v7;
	v7 =	vmul.f32 v6, v13  }
0x88: {  	s22 =	sadd.s32 $0x80, s22;
	v6 =	vld [tilespmem:s20+$0xFFFFFFD0];
	(erf) = vrcp.f32 v8;
	[tilespmem:s19+$0xFFFFFFE0] =	vst v9;
	v8 =	vmul.f32 v12, v14  }
0x89: {  	v50 =	vld [tilespmem:s20+$0xFFFFFFE0]  }
0x8a: {  	[tilespmem:s19+$0xFFFFFFF0] =	vst v7;
	v1 =	vmul.f32 v1, v4;
	v52 =	vld [tilespmem:s20+$0xFFFFFFF0]  }
0x8b: {  	v54 =	vld [tilespmem:s20+$0x0];
	v9 =	vpop (erf);
	[tilespmem:s19+$0x0] =	vst v8;
	v0 =	vmul.f32 v0, v3  }
0x8c: {  	v57 =	vld [tilespmem:s20+$0x10];
	v10 =	vpop (erf);
	v5 =	vmul.f32 v9, v5;
	[tilespmem:s19+$0x10] =	vst v1  }
0x8d: {  	s31 =	sadd.s32 $0x80, s19;
	v58 =	vld [tilespmem:s20+$0x20];
	v11 =	vpop (erf);
	[tilespmem:s19+$0x20] =	vst v0;
	v55 =	vmul.f32 v10, v6  }
0x8e: {  	v12 =	vpop (erf);
	[tilespmem:s31+$0x30] =	vst v5;
	v59 =	vmul.f32 v11, v50  }
0x8f: {  	v49 =	vpop (erf);
	v60 =	vmul.f32 v12, v52;
	[tilespmem:s31+$0xFFFFFFD0] =	vst v55  }
0x90: {  	v51 =	vpop (erf);
	v61 =	vmul.f32 v49, v54;
	[tilespmem:s31+$0xFFFFFFE0] =	vst v59  }
0x91: {  	v53 =	vpop (erf);
	[tilespmem:s31+$0xFFFFFFF0] =	vst v60;
	v62 =	vmul.f32 v51, v57  }
0x92: {  	v56 =	vpop (erf);
	[tilespmem:s31+$0x0] =	vst v61;
	v63 =	vmul.f32 v53, v58  }
0x93: {  	v2 =	vmul.f32 v56, v2;
	[tilespmem:s31+$0x10] =	vst v62  }
0x94: {  	[tilespmem:s31+$0x20] =	vst v63  }
0x95: {  	[tilespmem:s31+$0xFFFFFFC0] =	vst v2  }
.LBB2_7:
0x96: {  	s19 =	sshra.s32 s18, $0x2  }
0x97: {  	v0 =	vld [tilespmem:s19+$0x5780];
	_ =	sdelay $0x7  }
0x98: {  	v0 =	vld.idx.msk [tilespmem:v0+s3+$0x0], $0xffff;
	_ =	sdelay $0x4  }
0x99: {  	v0 =	vadd.f32 $1.000000020e-16, v0;
	_ =	sdelay $0x1  }
0x9a: {  	(erf) = vrcp.f32 v0;
	_ =	sdelay $0x4  }
0x9b: {  	v63 =	vld [tilespmem:s19+$0x5F80];
	_ =	sdelay $0x1  }
0x9c: {  	p0 =	sne.s32 s18, $0x100  }
.Ltmp2:
0x9d: {  	_ = 	snop;
	(pc) =	sbr.rel @p0 .LBB2_7-.Ltmp2, $3  }
0x9e: {  	v1 =	vpop (erf)  }
0x9f: {  	v0 =	vmul.f32 v1, v63;
	_ =	sdelay $0x1  }
0xa0: {  	s18 =	sadd.s32 $0x40, s18;
	[tilespmem:s19+$0x6780] =	vst v0  }
0xa1: {  	s16 =	sadd.s32 $0x1, s16  }
0xa2: {  	p0 =	sne.s32 s16, $0x5  }
.Ltmp3:
0xa3: {  	s17 =	sadd.s32 s2, s17;
	(pc) =	sbr.rel @p0 .LBB2_4-.Ltmp3, $4  }
0xa4: {  	[hbm4b:s17+s3] =	stream.linear.scatter [tilespmem:s14], [sflag:$0x1], $0x7D0, $0x38;
	[tilespmem:$0x6800] =	vst v63  }
0xa5: {  	_ =	swait.ge [sflag:s10], $0x7D0  }
0xa6: {  	[sflag:s10] =	ssyncset.done $0x0  }
0xa7: {  	[sflag:s10] =	ssyncadd.s32 $0xFFFFF830  }
0xa8: {  	s15 =	sadd.s32 $0x1, s15  }
0xa9: {  	p0 =	sne.s32 s15, s9  }
.Ltmp4:
0xaa: {  	_ = 	snop;
	(pc) =	sbr.rel @p0 .LBB2_1-.Ltmp4, $1  }
0xab: {  	_ =	sdelay $0x3  }
0xac: {  	_ =	sfence.sel $0x180000  }
0xad: {  	[bflag:$0x0] =	sbarrier.arrive $0xFFFF  }
0xae: {  	p0 =	sne.s32 s4, $0x0;
	_ =	strace $0x90000050  }
0xaf: {  	s0 =	sadd.s32 @!p0 $0x100000, s0;
	[bflag:$0x2] =	sbarrier.arrive $0xFFFF  }
0xb0: {  	[sflag:s0] =	ssyncadd.tile.s32 @!p0 $0x1;
	_ =	shalt  }
.Lfunc_end2:
_tile_overlayer_lowered:
.L_overlay_start_2:
0xb1: {  	(tag) =	ssettag $0x2  }
0xb2: {  	s0 =	rddreg [dreg:$0x0];
	s2 =	stileid.u32  }
0xb3: {  	s1 =	rddreg [dreg:$0x1];
	p0 =	sne.s32 s2, $0x0  }
0xb4: {  	s3 =	rddreg [dreg:$0x2];
	[bflag:$0x3] =	sbarrier.arrive $0xFFFF;
	s2 =	simm.s32 @!p0 $0x1C01  }
0xb5: {  	[timem:s3], [sflag:s2] =	dma.local @!p0 [hbm:s0], s1  }
0xb6: {  	s0 =	simm.s32 @!p0 $0x1  }
0xb7: {  	_ =	swait.ge @!p0 [sflag:s0], s1  }
0xb8: {  	s1 =	ssub.s32 @!p0 $0x0, s1;
	[sflag:s0] =	ssyncset.done @!p0 $0x0  }
0xb9: {  	[sflag:s0] =	ssyncadd.s32 @!p0 s1  }
0xba: {  	[bflag:$0x3] =	sbarrier.arrive $0xFFFF  }
0xbb: {  	_ =	shalt  }

// kernel: kernel.8.cloned.1.call-start
scs
__scs_entry_jumppad:
0x0: {  	(pc) =	sbr.rel $0x88, $3  }
0x1: {  	(tag) =	ssettag $0x0;
	lr =	simm.s32 $0x1  }
0x2: {  	[smem:$0x3F95] =	sst lr;
	_ =	strace $0xD0000000  }
0x3: {  	_ = 	snop  }
0x4: {  	_ = 	snop  }
0x5: {  	_ = 	snop  }
0x6: {  	_ = 	snop  }
0x7: {  	_ = 	snop  }
__scs_overlays_trampoline_lowered:
0x8: {  	[smem:$0x3FA4] =	sst s0  }
0x9: {  	[smem:$0x3FA5] =	sst s1  }
0xa: {  	[smem:$0x3FA6] =	sst s2  }
0xb: {  	[smem:$0x3FA7] =	sst s3  }
0xc: {  	[smem:$0x3FA8] =	sst s4  }
0xd: {  	[smem:$0x3FA9] =	sst s5  }
0xe: {  	[smem:$0x3FAA] =	sst s6  }
0xf: {  	[smem:$0x3FAB] =	sst s7  }
0x10: {  	[smem:$0x3FAC] =	sst s8  }
0x11: {  	[smem:$0x3FAD] =	sst s9;
	s0 =	simm.s32 @!p0 $0x0  }
0x12: {  	s1 =	sld [smem:$0x3F93];
	s0 =	simm.s32 @p0 $0x1  }
0x13: {  	[smem:$0x3FAE] =	sst s0;
	s0 =	simm.s32 @!p1 $0x0  }
0x14: {  	s2 =	sld [smem:$0x3F92];
	s0 =	simm.s32 @p1 $0x1  }
0x15: {  	[smem:$0x3FAF] =	sst s0;
	s0 =	simm.s32 @!p2 $0x0  }
0x16: {  	s3 =	sld [smem:$0x3FDB];
	s0 =	simm.s32 @p2 $0x1  }
0x17: {  	s4 =	simm.s32 $0x1BF5;
	[smem:$0x3FB1] =	sst s0  }
0x18: {  	s0 =	sld [smem:$0x3F94];
	_ =	swait.ge [sflag:s4], $0x0  }
0x19: {  	s7 =	sld [smem:$0x3F95]  }
0x1a: {  	s8 =	sadd.s32 $0xFFFFE003, lr  }
0x1b: {  	s9 =	sadd.s32 $0xFFFFFEF7, lr;
	s5 =	simm.s32 $0xFFFFFFFF;
	p2 =	slt.u32 s8, $0xFFFFF086  }
0x1c: {  	p1 =	slt.u32 s9, $0xF7A;
	s5 =	simm.s32 @!p2 $0x0  }
0x1d: {  	s5 =	simm.s32 @p1 $0x1;
	p0 =	seq.s32 s7, s2  }
0x1e: {  	s7 =	smul.u32 @!p0 $0xF7A, s2;
	p2 =	seq.s32 @!p0 s5, $0x0  }
0x1f: {  	s9 =	smul.u32 $0xF7A, s1;
	s8 =	simm.s32 @!p0 $0x1BF5;
	p2 =	por !p2, p0  }
0x20: {  	[sflag:s8] =	ssyncset.s32 @!p0 $0xFFFFF086;
	s6 =	sadd.s32 @!p0 s3, s7;
	s7 =	simm.s32 @!p0 $0x108  }
0x21: {  	s3 =	sadd.s32 s3, s9;
	s6 =	sadd.s32 @!p0 $0x88, s6;
	s7 =	simm.s32 @p2 $0x1082  }
0x22: {  	[simem:s7], [sflag:s8] =	dma.local @!p0 [hbm:s6], $0xF7A  }
0x23: {  	s9 =	sor.u32 $0xD0000000, s2;
	s6 =	simm.s32 $0x108;
	_ =	swait.ge @!p0 [sflag:s8], $0x0  }
0x24: {  	s3 =	sadd.s32 $0x88, s3;
	s6 =	simm.s32 @!p1 $0x1082;
	[sflag:s4] =	ssyncset.s32 $0xFFFFF086  }
0x25: {  	[simem:s6], [sflag:s4] =	dma.local [hbm:s3], $0xF7A  }
0x26: {  	[smem:$0x3F95] =	sst s1;
	(tag) =	ssettag s2;
	_ =	strace s9  }
0x27: {  	s1 =	sld [smem:$0x3FA5]  }
0x28: {  	s2 =	sld [smem:$0x3FA6]  }
0x29: {  	s4 =	sld [smem:$0x3FA8]  }
0x2a: {  	p0 =	seq.s32 s5, $0x0;
	s5 =	sld [smem:$0x3FA9]  }
0x2b: {  	s6 =	sld [smem:$0x3FAA]  }
0x2c: {  	s7 =	sld [smem:$0x3FAB]  }
0x2d: {  	s3 =	simm.s32 $0x108;
	s8 =	sld [smem:$0x3FAC]  }
0x2e: {  	s3 =	simm.s32 @!p0 $0x1082;
	s9 =	sld [smem:$0x3FAD]  }
0x2f: {  	lr =	sadd.s32 s0, s3;
	s0 =	sld [smem:$0x3FA4]  }
0x30: {  	s3 =	sld [smem:$0x3FA7]  }
0x31: {  	[smem:$0x3FB0] =	sst s10  }
0x32: {  	s10 =	sld [smem:$0x3FAE];
	_ =	sdelay $0x3  }
0x33: {  	p0 =	seq.s32 s10, $0x1;
	s10 =	sld [smem:$0x3FB0];
	_ =	sdelay $0x3  }
0x34: {  	[smem:$0x3FB0] =	sst s10  }
0x35: {  	s10 =	sld [smem:$0x3FAF];
	_ =	sdelay $0x3  }
0x36: {  	p1 =	seq.s32 s10, $0x1;
	s10 =	sld [smem:$0x3FB0];
	_ =	sdelay $0x3  }
0x37: {  	[smem:$0x3FB0] =	sst s10  }
0x38: {  	s10 =	sld [smem:$0x3FB1]  }
0x39: {  	_ = 	snop;
	(pc) =	sbr.ind lr, $3  }
0x3a: {  	_ = 	snop  }
0x3b: {  	_ = 	snop  }
0x3c: {  	p2 =	seq.s32 s10, $0x1;
	s10 =	sld [smem:$0x3FB0]  }
0x3d: {  	_ =	shalt  }
0x3e: {  	_ =	shalt  }
0x3f: {  	_ =	shalt  }
0x40: {  	_ =	shalt  }
0x41: {  	_ =	shalt  }
0x42: {  	_ =	shalt  }
0x43: {  	_ =	shalt  }
0x44: {  	_ =	shalt  }
0x45: {  	_ =	shalt  }
0x46: {  	_ =	shalt  }
0x47: {  	_ =	shalt  }
0x48: {  	_ =	shalt  }
0x49: {  	_ =	shalt  }
0x4a: {  	_ =	shalt  }
0x4b: {  	_ =	shalt  }
0x4c: {  	_ =	shalt  }
0x4d: {  	_ =	shalt  }
0x4e: {  	_ =	shalt  }
0x4f: {  	_ =	shalt  }
0x50: {  	_ =	shalt  }
0x51: {  	_ =	shalt  }
0x52: {  	_ =	shalt  }
0x53: {  	_ =	shalt  }
0x54: {  	_ =	shalt  }
0x55: {  	_ =	shalt  }
0x56: {  	_ =	shalt  }
0x57: {  	_ =	shalt  }
0x58: {  	_ =	shalt  }
0x59: {  	_ =	shalt  }
0x5a: {  	_ =	shalt  }
0x5b: {  	_ =	shalt  }
0x5c: {  	_ =	shalt  }
0x5d: {  	_ =	shalt  }
0x5e: {  	_ =	shalt  }
0x5f: {  	_ =	shalt  }
0x60: {  	_ =	shalt  }
0x61: {  	_ =	shalt  }
0x62: {  	_ =	shalt  }
0x63: {  	_ =	shalt  }
0x64: {  	_ =	shalt  }
0x65: {  	_ =	shalt  }
0x66: {  	_ =	shalt  }
0x67: {  	_ =	shalt  }
0x68: {  	_ =	shalt  }
0x69: {  	_ =	shalt  }
0x6a: {  	_ =	shalt  }
0x6b: {  	_ =	shalt  }
0x6c: {  	_ =	shalt  }
0x6d: {  	_ =	shalt  }
0x6e: {  	_ =	shalt  }
0x6f: {  	_ =	shalt  }
0x70: {  	_ =	shalt  }
0x71: {  	_ =	shalt  }
0x72: {  	_ =	shalt  }
0x73: {  	_ =	shalt  }
0x74: {  	_ =	shalt  }
0x75: {  	_ =	shalt  }
0x76: {  	_ =	shalt  }
0x77: {  	_ =	shalt  }
0x78: {  	_ =	shalt  }
0x79: {  	_ =	shalt  }
0x7a: {  	_ =	shalt  }
0x7b: {  	_ =	shalt  }
0x7c: {  	_ =	shalt  }
0x7d: {  	_ =	shalt  }
0x7e: {  	_ =	shalt  }
0x7f: {  	_ =	shalt  }
0x80: {  	_ =	shalt  }
0x81: {  	_ =	shalt  }
0x82: {  	_ =	shalt  }
0x83: {  	_ =	shalt  }
0x84: {  	_ =	shalt  }
0x85: {  	_ =	shalt  }
0x86: {  	_ =	shalt  }
0x87: {  	_ =	shalt  }
.Lfunc_end0:
.L_simem_size_0:
called_computation_lowered:
.L_overlay_start_0:
0x88: {  	s2 =	sld [smem:$0x3FD9]  }
0x89: {  	s3 =	sld [smem:$0x3FFE];
	_ =	sdelay $0x1  }
0x8a: {  	s1 =	srdreg.scid  }
0x8b: {  	s0 =	sand.u32 $0x1, s1  }
0x8c: {  	s14 =	sshll.u32 s0, $0xA;
	s2 =	sadd.s32 s3, s2  }
0x8d: {  	s2 =	sadd.s32 s2, s14  }
0x8e: {  	[smem:$0x3FBC] =	sst s2  }
0x8f: {  	_ = 	snop  }
0x90: {  	s2 =	sld [smem:$0x3FD0];
	_ =	sdelay $0x2  }
0x91: {  	s15 =	simm.s32 $0xA;
	s4 =	simm.s32 $0x10  }
0x92: {  	[smem:s4], [sflag:s15] =	dma.local [hbm:s2], $0x1  }
0x93: {  	_ =	swait.eq [sflag:s15], $0x1  }
0x94: {  	[sflag:s15] =	ssyncset.done $0x0  }
0x95: {  	s16 =	sld [smem:$0x10];
	[sflag:s15] =	ssyncadd.s32 $0xFFFFFFFF  }
0x96: {  	s17 =	sld [smem:$0x11];
	(tm) =	ssettm $0x1  }
0x97: {  	s18 =	sld [smem:$0x3FFB];
	_ =	sdelay $0x3  }
0x98: {  	_ =	strace s18  }
0x99: {  	s4 =	sld [smem:$0x3FFC];
	_ =	sdelay $0x3  }
0x9a: {  	_ =	strace s4  }
0x9b: {  	s4 =	sld [smem:$0x3FFD];
	_ =	sdelay $0x3  }
0x9c: {  	_ =	strace s4  }
0x9d: {  	_ =	strace $0x8FFFFFFF  }
0x9e: {  	s19 =	sld [smem:$0x3FDB];
	_ =	sdelay $0x1  }
0x9f: {  	s5 =	simm.s32 $_scs_section_size  }
0xa0: {  	s6 =	simm.s32 $_size__tile_overlayer_lowered;
	s7 =	simm.s32 $_tile_overlayer_lowered  }
0xa1: {  	s22 =	simm.s32 $0x1BFF;
	s21 =	sshll.u32 s7, $0x1;
	s4 =	sadd.s32 s5, s19  }
0xa2: {  	s8 =	simm.s32 $0x0;
	s20 =	sshll.u32 s6, $0x1;
	s6 =	sadd.s32 s21, s4  }
0xa3: {  	[timem:s8], [sflag:s22] =	dma.local [hbm:s6], s20  }
0xa4: {  	_ =	swait.ge [sflag:s22], s20  }
0xa5: {  	s5 =	ssub.s32 $0x0, s20;
	[sflag:s22] =	ssyncset.done $0x0  }
0xa6: {  	[sflag:s22] =	ssyncadd.s32 s5;
	_ =	sdelay $0x1  }
0xa7: {  	s23 =	simm.s32 $0x1B8B  }
0xa8: {  	_ =	swait.ge [sflag:s23], $0x1  }
0xa9: {  	[sflag:s23] =	ssyncset.done $0x0  }
0xaa: {  	s25 =	simm.s32 $0x1B8E;
	s24 =	sld [smem:$0x3FFE];
	[sflag:s23] =	ssyncadd.s32 $0xFFFFFFFF  }
0xab: {  	s26 =	simm.s32 $execute0_lowered;
	[smem:$0x3FD2] =	sst s25  }
0xac: {  	s6 =	sshll.u32 s26, $0x1;
	_ =	strace $0x80000046;
	[dreg:$0x1] =	wrdreg $0xFFFFFFFF  }
0xad: {  	s28 =	simm.s32 $_size_execute0_lowered;
	s4 =	sadd.s32 s4, s6;
	[dreg:$0x0] =	wrdreg $0x0  }
0xae: {  	s6 =	sshll.u32 s28, $0x1;
	[dreg:$0x2] =	wrdreg s4  }
0xaf: {  	[dreg:$0x3] =	wrdreg s6  }
0xb0: {  	[dreg:$0x4] =	wrdreg $0xC0  }
0xb1: {  	_ =	task [dreg:s8], $0x5FFFF  }
0xb2: {  	[dreg:$0x1] =	wrdreg $0xFFFFFFFF  }
0xb3: {  	[dreg:$0x0] =	wrdreg $0x60  }
0xb4: {  	[dreg:$0x2] =	wrdreg s17  }
0xb5: {  	[dreg:$0x3] =	wrdreg s24  }
0xb6: {  	[dreg:$0x4] =	wrdreg s16  }
0xb7: {  	[dreg:$0x5] =	wrdreg $0x123000  }
0xb8: {  	[dreg:$0x6] =	wrdreg $0x9  }
0xb9: {  	_ =	task.clear_ibuf [dreg:s8], $0x7FFFF;
	_ =	strace $0x90000046  }
0xba: {  	s29 =	simm.s32 $0x9;
	_ =	strace $0x80000048  }
0xbb: {  	_ =	swait.ge [sflag:s29], $0x1  }
0xbc: {  	[sflag:s29] =	ssyncadd.s32 $0xFFFFFFFF  }
0xbd: {  	_ =	strace $0x90000048  }
0xbe: {  	_ =	sfence  }
0xbf: {  	s30 =	sld [smem:$0x0];
	_ =	sdelay $0x2  }
0xc0: {  	s31 =	sshll.u32 s1, $0xD;
	s1 =	sshrl.u32 s1, $0x2  }
0xc1: {  	s3 =	sand.u32 $0x4000, s31;
	s1 =	sadd.s32 s1, s30  }
0xc2: {  	s0 =	sor.u32 s3, s0;
	s1 =	sshll.u32 s1, $0x11  }
0xc3: {  	s0 =	sor.u32 s1, s0  }
0xc4: {  	s0 =	sadd.s32 $0x8F2B, s0  }
0xc5: {  	[sflag:s0] =	ssyncadd.remote.s32 $0x1  }
0xc6: {  	_ =	sfence.sel $0xFFFF  }
0xc7: {  	[dreg:$0x0] =	wrdreg $0xFFFFFFFF;
	(pc) =	sbr.abs _section_cstart, $3  }
0xc8: {  	[dreg:$0x1] =	wrdreg $0xFFFFFFFF  }
0xc9: {  	_ =	task.clear_ibuf [dreg:s8], $0x2FFFF;
	_ =	strace $0x9FFFFFFF  }
0xca: {  	(tm) =	ssettm $0x7FFFFFFF  }
0xcb: {  	_ =	shalt  }
tec
execute0_lowered:
.L_overlay_start_1:
0x0: {  	(tag) =	ssettag $0x1  }
0x1: {  	s0 =	rddreg [dreg:$0x0]  }
0x2: {  	s1 =	rddreg [dreg:$0x1]  }
0x3: {  	s13 =	stileid.u32;
	s14 =	rddreg [dreg:$0x3];
	s4 =	simm.s32 $0x0  }
0x4: {  	s5 =	srdreg.scid;
	s2 =	sshrl.u32 s13, $0x3;
	s7 =	smul.u32 $0x280, s13  }
0x5: {  	s3 =	sshll.u32 s13, $0x7;
	s28 =	sand.u32 $0x1, s5;
	s30 =	smul.u32 $0xA000, s13  }
0x6: {  	[smem:$0x7FF] =	sst s4;
	s5 =	sadd.s32 $0x3200, s1;
	s2 =	smul.u32 $0x14000, s2  }
0x7: {  	s9 =	sshll.u32 s13, $0x1;
	s3 =	sand.u32 $0x380, s3;
	s6 =	smul.u32 $0x2800, s28  }
0x8: {  	_ =	strace $0x80000047;
	s10 =	ssub.s32 $0x2, s28;
	s9 =	sadd.s32 s9, s1  }
0x9: {  	s12 =	sshrl.u32 s10, $0x1;
	s31 =	sadd.s32 $0xD200, s9;
	s2 =	sor.u32 s3, s2  }
0xa: {  	s6 =	sadd.s32 s7, s6;
	s10 =	ssub.s32 s10, s12;
	[dreg:$0x7] =	wrdreg s31  }
0xb: {  	s2 =	sshrl.u32 s2, $0x3;
	s11 =	sshrl.u32 s6, $0x3;
	s22 =	smax.u32 s10, $0x1  }
0xc: {  	s8 =	sadd.s32 s2, s1;
	s0 =	sadd.s32 s0, s2;
	[dreg:$0x13] =	wrdreg s22  }
0xd: {  	s6 =	sadd.s32 $0x1C600, s1;
	[dreg:$0x5] =	wrdreg s0;
	s29 =	sadd.s32 $0x17600, s8  }
0xe: {  	s1 =	sadd.s32 s11, s1;
	s8 =	sadd.s32 $0xD400, s9;
	[dreg:$0x6] =	wrdreg s29  }
0xf: {  	s0 =	sshrl.u32 s30, $0x2;
	s1 =	sadd.s32 $0x26600, s1;
	[dreg:$0x8] =	wrdreg s8  }
0x10: {  	s0 =	sadd.s32 s0, s14;
	[dreg:$0x12] =	wrdreg s1  }
0x11: {  	s14 =	sadd.s32 s7, s14;
	[dreg:$0x9] =	wrdreg s0  }
0x12: {  	s15 =	sadd.s32 $0x2800, s14;
	[dreg:$0xa] =	wrdreg s14  }
0x13: {  	s16 =	sadd.s32 $0x5000, s14;
	[dreg:$0xb] =	wrdreg s15  }
0x14: {  	s17 =	sadd.s32 $0x7800, s14;
	[dreg:$0xc] =	wrdreg s16  }
0x15: {  	s18 =	sadd.s32 $0xA000, s14;
	[dreg:$0xd] =	wrdreg s17  }
0x16: {  	s19 =	sadd.s32 $0xC800, s14;
	[dreg:$0xe] =	wrdreg s18  }
0x17: {  	s12 =	sshll.u32 s13, $0x9;
	s20 =	sadd.s32 $0xF000, s14;
	[dreg:$0xf] =	wrdreg s19  }
0x18: {  	s3 =	simm.s32 $0xF800;
	s21 =	sadd.s32 $0x11800, s14;
	[dreg:$0x10] =	wrdreg s20  }
0x19: {  	s10 =	simm.s32 $0x2;
	s23 =	sadd.s32 $0x14000, s14;
	[dreg:$0x11] =	wrdreg s21  }
0x1a: {  	s11 =	smul.u32 $0x28000, s28;
	s24 =	sadd.s32 $0x16800, s14;
	[dreg:$0x14] =	wrdreg s23  }
0x1b: {  	s2 =	simm.s32 $0x5000;
	s26 =	sadd.s32 $0x19000, s14;
	[dreg:$0x15] =	wrdreg s24  }
0x1c: {  	s9 =	sshll.u32 s13, $0xF;
	s28 =	sadd.s32 $0x1B800, s14;
	[dreg:$0x16] =	wrdreg s26  }
0x1d: {  	s13 =	sadd.s32 $0x7800, s12;
	s29 =	sadd.s32 $0x1E000, s14;
	[dreg:$0x17] =	wrdreg s28  }
0x1e: {  	s25 =	sshrl.u32 s9, $0x2;
	s30 =	sadd.s32 $0x20800, s14;
	[dreg:$0x18] =	wrdreg s29  }
0x1f: {  	s8 =	simm.s32 $0x2800;
	s31 =	sadd.s32 $0x23000, s14;
	[dreg:$0x19] =	wrdreg s30  }
0x20: {  	s1 =	simm.s32 $0xF000;
	s0 =	sadd.s32 $0x25800, s14;
	[dreg:$0x1a] =	wrdreg s31  }
0x21: {  	s7 =	simm.s32 $0xF400;
	s14 =	simm.s32 $0x0;
	[dreg:$0x1b] =	wrdreg s0  }
0x22: {  	v0 =	vimm.f32 $0.0e+00;
	s16 =	simm.s32 $0x1;
	s0 =	simm.s32 $0xF200;
	s15 =	simm.s32 $0xF600  }
.LBB2_1:
0x23: {  	[dreg:$0x1c] =	wrdreg s14  }
0x24: {  	s9 =	rddreg [dreg:$0x5];
	s24 =	simm.s32 $0x80;
	s17 =	simm.s32 $0x400  }
0x25: {  	[tilespmem:s4], [sflag:$0x2] =	stream.strided.gather [hbm4b:s9+s24], $0x2800, s17, s24, $0x38;
	[tilespmem:$0x16300] =	vst v63  }
0x26: {  	_ =	swait.ge [sflag:s10], $0x2800  }
0x27: {  	[sflag:s10] =	ssyncset.done $0x0  }
0x28: {  	s26 =	rddreg [dreg:$0x6];
	[sflag:s10] =	ssyncadd.s32 $0xFFFFD800  }
0x29: {  	[tilespmem:s8], [sflag:$0x2] =	stream.strided.gather [hbm4b:s26+s24], $0x2800, s17, s24, $0x38;
	[tilespmem:$0x16300] =	vst v63  }
0x2a: {  	_ =	swait.ge [sflag:s10], $0x2800  }
0x2b: {  	[sflag:s10] =	ssyncset.done $0x0  }
0x2c: {  	s29 =	simm.s32 $0x12200;
	s28 =	rddreg [dreg:$0x7];
	[sflag:s10] =	ssyncadd.s32 $0xFFFFD800  }
0x2d: {  	[tilespmem:s29], [sflag:$0x2] =	stream.linear.gather [hbm4b:s28+s4], $0x10, $0x38;
	[tilespmem:$0x16300] =	vst v63  }
0x2e: {  	_ =	swait.ge [sflag:s10], $0x10  }
0x2f: {  	[sflag:s10] =	ssyncset.done $0x0  }
0x30: {  	s31 =	simm.s32 $0x12280;
	s30 =	rddreg [dreg:$0x8];
	[sflag:s10] =	ssyncadd.s32 $0xFFFFFFF0  }
0x31: {  	[tilespmem:s31], [sflag:$0x2] =	stream.linear.gather [hbm4b:s30+s4], $0x10, $0x38;
	[tilespmem:$0x16300] =	vst v63  }
0x32: {  	_ =	swait.ge [sflag:s10], $0x10  }
0x33: {  	[sflag:s10] =	ssyncset.done $0x0  }
0x34: {  	[sflag:s10] =	ssyncadd.s32 $0xFFFFFFF0  }
0x35: {  	v1 =	vld [tilespmem:$0x12200];
	_ =	sdelay $0x3  }
0x36: {  	s9 =	simm.s32 $0x0;
	v2 =	vld [tilespmem:$0x12280]  }
.LBB2_2:
0x37: {  	p0 =	sne.s32 s9, $0x9FC0  }
.Ltmp0:
0x38: {  	_ = 	snop;
	(pc) =	sbr.rel @p0 .LBB2_2-.Ltmp0, $3  }
0x39: {  	_ =	sdelay $0x1  }
0x3a: {  	s14 =	sshra.s32 s9, $0x2  }
0x3b: {  	s9 =	sadd.s32 $0x40, s9;
	[tilespmem:s14+$0x5000] =	vst v0  }
0x3c: {  	s9 =	simm.s32 $0x0  }
.LBB2_4:
0x3d: {  	s14 =	sshll.u32 s9, $0xD  }
0x3e: {  	s14 =	sadd.s32 s11, s14  }
0x3f: {  	s18 =	rddreg [dreg:$0x2];
	s17 =	sshrl.u32 s14, $0x3  }
0x40: {  	s19 =	simm.s32 $0x7800;
	s18 =	sadd.s32 s18, s17  }
0x41: {  	[tilespmem:s19], [sflag:$0x1] =	stream.linear.gather [hbm4b:s18+s4], $0x2000, $0x38;
	[tilespmem:$0x16300] =	vst v63  }
0x42: {  	s30 =	simm.s32 $0x9800;
	s17 =	sadd.s32 s5, s17  }
0x43: {  	[tilespmem:s30], [sflag:$0x1] =	stream.linear.gather [hbm4b:s17+s4], $0x2000, $0x38;
	[tilespmem:$0x16300] =	vst v63  }
0x44: {  	_ =	swait.ge [sflag:s16], $0x2000  }
0x45: {  	[sflag:s16] =	ssyncset.done $0x0  }
0x46: {  	[sflag:s16] =	ssyncadd.s32 $0xFFFFE000  }
0x47: {  	_ =	swait.ge [sflag:s16], $0x2000  }
0x48: {  	[sflag:s16] =	ssyncset.done $0x0  }
0x49: {  	s31 =	simm.s32 $0x7840;
	[sflag:s16] =	ssyncadd.s32 $0xFFFFE000  }
0x4a: {  	v3 =	vld [tilespmem:s31+$0x30];
	_ =	sdelay $0x1  }
0x4b: {  	v4 =	vld [tilespmem:s31+$0xFFFFFFD0]  }
0x4c: {  	v5 =	vld [tilespmem:s31+$0xFFFFFFE0]  }
0x4d: {  	v6 =	vld [tilespmem:s31+$0xFFFFFFF0]  }
0x4e: {  	v8 =	vld [tilespmem:s31+$0x0];
	v7 =	vand.u32 $0xFFFF, v3  }
0x4f: {  	v9 =	vld [tilespmem:s31+$0xFFFFFFC0];
	v3 =	vshrl.u32 v3, $0x10  }
0x50: {  	v10 =	vld [tilespmem:s31+$0x10];
	v11 =	vand.u32 $0xFFFF, v4  }
0x51: {  	s18 =	simm.s32 $0x9840;
	v12 =	vld [tilespmem:s31+$0x20];
	v4 =	vshrl.u32 v4, $0x10  }
0x52: {  	v15 =	vld [tilespmem:s18+$0x30];
	v13 =	vand.u32 $0xFFFF, v5  }
0x53: {  	v5 =	vshrl.u32 v5, $0x10;
	v7 =	vld.idx.msk [tilespmem:v7+s4+$0x0], $0xffff  }
0x54: {  	v14 =	vand.u32 $0xFFFF, v9;
	v3 =	vld.idx.msk [tilespmem:v3+s8+$0x0], $0xffff  }
0x55: {  	v9 =	vshrl.u32 v9, $0x10;
	v11 =	vld.idx.msk [tilespmem:v11+s4+$0x0], $0xffff  }
0x56: {  	v16 =	vand.u32 $0xFFFF, v6;
	v4 =	vld.idx.msk [tilespmem:v4+s8+$0x0], $0xffff  }
0x57: {  	v6 =	vshrl.u32 v6, $0x10;
	v13 =	vld.idx.msk [tilespmem:v13+s4+$0x0], $0xffff  }
0x58: {  	v17 =	vand.u32 $0xFFFF, v8;
	v5 =	vld.idx.msk [tilespmem:v5+s8+$0x0], $0xffff  }
0x59: {  	v8 =	vshrl.u32 v8, $0x10;
	v18 =	vld.idx.msk [tilespmem:v14+s4+$0x0], $0xffff  }
0x5a: {  	v14 =	vand.u32 $0xFFFF, v10;
	v19 =	vld.idx.msk [tilespmem:v9+s8+$0x0], $0xffff  }
0x5b: {  	v9 =	vshrl.u32 v10, $0x10;
	v16 =	vld.idx.msk [tilespmem:v16+s4+$0x0], $0xffff  }
0x5c: {  	v10 =	vand.u32 $0xFFFF, v12;
	v6 =	vld.idx.msk [tilespmem:v6+s8+$0x0], $0xffff  }
0x5d: {  	v12 =	vshrl.u32 v12, $0x10;
	v17 =	vld.idx.msk [tilespmem:v17+s4+$0x0], $0xffff  }
0x5e: {  	v20 =	vld.idx.msk [tilespmem:v8+s8+$0x0], $0xffff;
	v3 =	vadd.f32 v3, v7;
	v7 =	vmul.f32 v15, v1  }
0x5f: {  	v21 =	vld.idx.msk [tilespmem:v14+s4+$0x0], $0xffff  }
0x60: {  	v22 =	vld.idx.msk [tilespmem:v9+s8+$0x0], $0xffff;
	v3 =	vadd.f32 v3, v7  }
0x61: {  	v8 =	vld.idx.msk [tilespmem:v10+s4+$0x0], $0xffff  }
0x62: {  	v9 =	vld.idx.msk [tilespmem:v12+s8+$0x0], $0xffff;
	v7 =	vmul.f32 $2.000000030e-01, v3  }
0x63: {  	v15 =	vld [tilespmem:s18+$0xFFFFFFC0]  }
0x64: {  	v12 =	vld [tilespmem:s18+$0xFFFFFFD0];
	v3 =	vmax.f32 v3, v7  }
0x65: {  	v4 =	vadd.f32 v4, v11;
	v5 =	vadd.f32 v5, v13;
	v14 =	vld [tilespmem:s18+$0xFFFFFFE0];
	v3 =	vmul.f32 v3, v2  }
0x66: {  	s17 =	simm.s32 $0xB840;
	v10 =	vadd.f32 v19, v18;
	v13 =	vld [tilespmem:s18+$0xFFFFFFF0];
	v7 =	vadd.f32 v6, v16  }
0x67: {  	s20 =	simm.s32 $0x78C0;
	s19 =	simm.s32 $0x0;
	v11 =	vld [tilespmem:s18+$0x0];
	v6 =	vadd.f32 v20, v17;
	[tilespmem:s17+$0x30] =	vst v3;
	v3 =	vadd.f32 v22, v21  }
.LBB2_5:
0x68: {  	v16 =	vld [tilespmem:s20+$0x30];
	v15 =	vmul.f32 v15, v1;
	v8 =	vadd.f32 v9, v8  }
0x69: {  	s19 =	sadd.s32 $0x8, s19;
	v9 =	vld [tilespmem:s20+$0xFFFFFFD0];
	v12 =	vmul.f32 v12, v1  }
0x6a: {  	p0 =	slt.u32 s19, $0x1F8;
	v17 =	vld [tilespmem:s20+$0xFFFFFFE0];
	v10 =	vadd.f32 v10, v15;
	v14 =	vmul.f32 v14, v1  }
0x6b: {  	v15 =	vld [tilespmem:s20+$0xFFFFFFF0];
	v4 =	vadd.f32 v4, v12;
	v12 =	vmul.f32 v13, v1  }
0x6c: {  	v13 =	vld [tilespmem:s20+$0x0];
	v18 =	vmul.f32 $2.000000030e-01, v10;
	v5 =	vadd.f32 v5, v14;
	v11 =	vmul.f32 v11, v1  }
0x6d: {  	v14 =	vld [tilespmem:s20+$0x10];
	v19 =	vand.u32 $0xFFFF, v16;
	v20 =	vmul.f32 $2.000000030e-01, v4;
	v7 =	vadd.f32 v7, v12  }
0x6e: {  	v16 =	vshrl.u32 v16, $0x10;
	v12 =	vshrl.u32 v9, $0x10;
	v9 =	vand.u32 $0xFFFF, v9;
	v21 =	vld [tilespmem:s20+$0x20]  }
0x6f: {  	v6 =	vadd.f32 v6, v11;
	v22 =	vld [tilespmem:s20+$0xFFFFFFC0];
	v23 =	vshrl.u32 v17, $0x10;
	v17 =	vand.u32 $0xFFFF, v17  }
0x70: {  	v24 =	vmul.f32 $2.000000030e-01, v5;
	v11 =	vshrl.u32 v15, $0x10;
	v15 =	vand.u32 $0xFFFF, v15;
	v25 =	vld [tilespmem:s18+$0x10]  }
0x71: {  	v27 =	vmul.f32 $2.000000030e-01, v7;
	v26 =	vshrl.u32 v13, $0x10;
	v13 =	vand.u32 $0xFFFF, v13;
	v28 =	vld [tilespmem:s18+$0x20]  }
0x72: {  	v30 =	vmul.f32 $2.000000030e-01, v6;
	v29 =	vshrl.u32 v14, $0x10;
	v14 =	vand.u32 $0xFFFF, v14;
	v19 =	vld.idx.msk [tilespmem:v19+s4+$0x0], $0xffff  }
0x73: {  	v10 =	vmax.f32 v10, v18;
	s18 =	sadd.s32 $0x80, s18;
	v31 =	vshrl.u32 v21, $0x10;
	v21 =	vand.u32 $0xFFFF, v21;
	v16 =	vld.idx.msk [tilespmem:v16+s8+$0x0], $0xffff  }
0x74: {  	v4 =	vmax.f32 v4, v20;
	v18 =	vshrl.u32 v22, $0x10;
	v22 =	vand.u32 $0xFFFF, v22;
	v32 =	vld [tilespmem:s18+$0x30]  }
0x75: {  	v5 =	vmax.f32 v5, v24;
	v7 =	vmax.f32 v7, v27;
	v9 =	vld.idx.msk [tilespmem:v9+s4+$0x0], $0xffff;
	v20 =	vmul.f32 v25, v1  }
0x76: {  	v10 =	vmul.f32 v10, v2;
	v6 =	vmax.f32 v6, v30;
	v12 =	vld.idx.msk [tilespmem:v12+s8+$0x0], $0xffff;
	v24 =	vmul.f32 v28, v1  }
0x77: {  	v4 =	vmul.f32 v4, v2;
	v5 =	vmul.f32 v5, v2;
	v17 =	vld.idx.msk [tilespmem:v17+s4+$0x0], $0xffff;
	v3 =	vadd.f32 v3, v20  }
0x78: {  	v7 =	vmul.f32 v7, v2;
	v6 =	vmul.f32 v6, v2;
	v20 =	vld.idx.msk [tilespmem:v23+s8+$0x0], $0xffff;
	v8 =	vadd.f32 v8, v24  }
0x79: {  	v16 =	vadd.f32 v16, v19;
	v22 =	vld.idx.msk [tilespmem:v22+s4+$0x0], $0xffff;
	v19 =	vmul.f32 v32, v1;
	[tilespmem:s17+$0xFFFFFFC0] =	vst v10;
	v10 =	vmul.f32 $2.000000030e-01, v3  }
0x7a: {  	v18 =	vld.idx.msk [tilespmem:v18+s8+$0x0], $0xffff;
	[tilespmem:s17+$0xFFFFFFD0] =	vst v4;
	v23 =	vmul.f32 $2.000000030e-01, v8  }
0x7b: {  	v15 =	vld.idx.msk [tilespmem:v15+s4+$0x0], $0xffff;
	v16 =	vadd.f32 v16, v19;
	[tilespmem:s17+$0xFFFFFFE0] =	vst v5;
	v3 =	vmax.f32 v3, v10  }
0x7c: {  	v4 =	vadd.f32 v12, v9;
	v9 =	vld.idx.msk [tilespmem:v11+s8+$0x0], $0xffff;
	v3 =	vmul.f32 v3, v2;
	v5 =	vmax.f32 v8, v23  }
0x7d: {  	v11 =	vld.idx.msk [tilespmem:v13+s4+$0x0], $0xffff;
	v8 =	vmul.f32 $2.000000030e-01, v16;
	[tilespmem:s17+$0xFFFFFFF0] =	vst v7;
	v7 =	vmul.f32 v5, v2  }
0x7e: {  	v5 =	vadd.f32 v20, v17;
	v13 =	vld.idx.msk [tilespmem:v26+s8+$0x0], $0xffff;
	[tilespmem:s17+$0x0] =	vst v6  }
0x7f: {  	v17 =	vld.idx.msk [tilespmem:v14+s4+$0x0], $0xffff;
	v6 =	vmax.f32 v16, v8;
	[tilespmem:s17+$0x10] =	vst v3  }
0x80: {  	v10 =	vadd.f32 v18, v22;
	v3 =	vld.idx.msk [tilespmem:v29+s8+$0x0], $0xffff;
	v6 =	vmul.f32 v6, v2;
	[tilespmem:s17+$0x20] =	vst v7  }
0x81: {  	s17 =	sadd.s32 $0x80, s17;
	v8 =	vld.idx.msk [tilespmem:v21+s4+$0x0], $0xffff  }
0x82: {  	v7 =	vadd.f32 v9, v15;
	v9 =	vld.idx.msk [tilespmem:v31+s8+$0x0], $0xffff;
	[tilespmem:s17+$0x30] =	vst v6  }
.Ltmp1:
0x83: {  	v15 =	vld [tilespmem:s18+$0xFFFFFFC0];
	(pc) =	sbr.rel @p0 .LBB2_5-.Ltmp1, $4  }
0x84: {  	v6 =	vadd.f32 v13, v11;
	v12 =	vld [tilespmem:s18+$0xFFFFFFD0]  }
0x85: {  	v14 =	vld [tilespmem:s18+$0xFFFFFFE0]  }
0x86: {  	v3 =	vadd.f32 v3, v17;
	v13 =	vld [tilespmem:s18+$0xFFFFFFF0]  }
0x87: {  	s20 =	sadd.s32 $0x80, s20;
	v11 =	vld [tilespmem:s18+$0x0]  }
0x88: {  	v15 =	vmul.f32 v15, v1;
	v16 =	vld [tilespmem:s18+$0x10]  }
0x89: {  	v12 =	vmul.f32 v12, v1  }
0x8a: {  	v14 =	vmul.f32 v14, v1;
	v10 =	vadd.f32 v10, v15;
	v15 =	vld [tilespmem:s18+$0x20]  }
0x8b: {  	v8 =	vadd.f32 v9, v8;
	v13 =	vmul.f32 v13, v1;
	v4 =	vadd.f32 v4, v12  }
0x8c: {  	v5 =	vadd.f32 v5, v14;
	v11 =	vmul.f32 v11, v1;
	v12 =	vmul.f32 $2.000000030e-01, v10  }
0x8d: {  	v7 =	vadd.f32 v7, v13;
	v13 =	vmul.f32 $2.000000030e-01, v4;
	v14 =	vmul.f32 v16, v1  }
0x8e: {  	v6 =	vadd.f32 v6, v11;
	v11 =	vmul.f32 $2.000000030e-01, v5;
	v10 =	vmax.f32 v10, v12  }
0x8f: {  	v9 =	vmul.f32 $2.000000030e-01, v7;
	v12 =	vmul.f32 v15, v1;
	v4 =	vmax.f32 v4, v13  }
0x90: {  	v10 =	vmul.f32 v10, v2;
	v3 =	vadd.f32 v3, v14;
	v16 =	vmul.f32 $2.000000030e-01, v6  }
0x91: {  	v5 =	vmax.f32 v5, v11;
	v4 =	vmul.f32 v4, v2;
	v8 =	vadd.f32 v8, v12  }
0x92: {  	v7 =	vmax.f32 v7, v9;
	v5 =	vmul.f32 v5, v2;
	[tilespmem:s17+$0xFFFFFFC0] =	vst v10;
	v9 =	vmul.f32 $2.000000030e-01, v3  }
0x93: {  	v6 =	vmax.f32 v6, v16;
	v7 =	vmul.f32 v7, v2;
	[tilespmem:s17+$0xFFFFFFD0] =	vst v4;
	v4 =	vmul.f32 $2.000000030e-01, v8  }
0x94: {  	v6 =	vmul.f32 v6, v2;
	[tilespmem:s17+$0xFFFFFFE0] =	vst v5;
	v3 =	vmax.f32 v3, v9  }
0x95: {  	s24 =	sshll.u32 s9, $0x11;
	v3 =	vmul.f32 v3, v2;
	[tilespmem:s17+$0xFFFFFFF0] =	vst v7;
	v4 =	vmax.f32 v8, v4  }
0x96: {  	s19 =	rddreg [dreg:$0x3];
	s18 =	sand.u32 $0x20000, s24;
	[tilespmem:s17+$0x0] =	vst v6;
	v4 =	vmul.f32 v4, v2  }
0x97: {  	s18 =	sadd.s32 s18, s19;
	[tilespmem:s17+$0x10] =	vst v3  }
0x98: {  	s28 =	simm.s32 $0xB800;
	s26 =	sadd.s32 s25, s18;
	[tilespmem:s17+$0x20] =	vst v4  }
0x99: {  	[spmem:s26] =	stream.linear.scatter [tilespmem:s28], [sflag:$0x2], $0x2000, $0x38;
	[tilespmem:$0x16300] =	vst v63  }
0x9a: {  	_ =	swait.ge [sflag:s10], $0x2000  }
0x9b: {  	[sflag:s10] =	ssyncset.done $0x0  }
0x9c: {  	[sflag:s10] =	ssyncadd.s32 $0xFFFFE000  }
0x9d: {  	s29 =	simm.s32 $0xD800;
	s17 =	sadd.s32 s12, s18;
	[bflag:$0x0] =	sbarrier.arrive $0xFFFF  }
0x9e: {  	[tilespmem:s29], [sflag:$0x1] =	stream.linear.gather [spmem:s17], $0x200, $0x38;
	[tilespmem:$0x16300] =	vst v63  }
0x9f: {  	s31 =	simm.s32 $0xDA00;
	s30 =	sadd.s32 $0x2000, s17  }
0xa0: {  	[tilespmem:s31], [sflag:$0x1] =	stream.linear.gather [spmem:s30], $0x200, $0x38;
	[tilespmem:$0x16300] =	vst v63  }
0xa1: {  	s21 =	simm.s32 $0xDC00;
	s20 =	sadd.s32 $0x4000, s17  }
0xa2: {  	[tilespmem:s21], [sflag:$0x1] =	stream.linear.gather [spmem:s20], $0x200, $0x38;
	[tilespmem:$0x16300] =	vst v63  }
0xa3: {  	s23 =	simm.s32 $0xDE00;
	s22 =	sadd.s32 $0x6000, s17  }
0xa4: {  	[tilespmem:s23], [sflag:$0x1] =	stream.linear.gather [spmem:s22], $0x200, $0x38;
	[tilespmem:$0x16300] =	vst v63  }
0xa5: {  	s24 =	sadd.s32 $0x8000, s17;
	s26 =	simm.s32 $0xE000  }
0xa6: {  	[tilespmem:s26], [sflag:$0x1] =	stream.linear.gather [spmem:s24], $0x200, $0x38;
	[tilespmem:$0x16300] =	vst v63  }
0xa7: {  	s28 =	sadd.s32 $0xA000, s17;
	s29 =	simm.s32 $0xE200  }
0xa8: {  	[tilespmem:s29], [sflag:$0x1] =	stream.linear.gather [spmem:s28], $0x200, $0x38;
	[tilespmem:$0x16300] =	vst v63  }
0xa9: {  	s30 =	sadd.s32 $0xC000, s17;
	s31 =	simm.s32 $0xE400  }
0xaa: {  	[tilespmem:s31], [sflag:$0x1] =	stream.linear.gather [spmem:s30], $0x200, $0x38;
	[tilespmem:$0x16300] =	vst v63  }
0xab: {  	s20 =	sadd.s32 $0xE000, s17;
	s21 =	simm.s32 $0xE600  }
0xac: {  	[tilespmem:s21], [sflag:$0x1] =	stream.linear.gather [spmem:s20], $0x200, $0x38;
	[tilespmem:$0x16300] =	vst v63  }
0xad: {  	s22 =	sadd.s32 $0x10000, s17;
	s23 =	simm.s32 $0xE800  }
0xae: {  	[tilespmem:s23], [sflag:$0x1] =	stream.linear.gather [spmem:s22], $0x200, $0x38;
	[tilespmem:$0x16300] =	vst v63  }
0xaf: {  	s24 =	sadd.s32 $0x12000, s17;
	s26 =	simm.s32 $0xEA00  }
0xb0: {  	[tilespmem:s26], [sflag:$0x1] =	stream.linear.gather [spmem:s24], $0x200, $0x38;
	[tilespmem:$0x16300] =	vst v63  }
0xb1: {  	s28 =	sadd.s32 $0x14000, s17;
	s29 =	simm.s32 $0xEC00  }
0xb2: {  	[tilespmem:s29], [sflag:$0x1] =	stream.linear.gather [spmem:s28], $0x200, $0x38;
	[tilespmem:$0x16300] =	vst v63  }
0xb3: {  	s30 =	sadd.s32 $0x16000, s17;
	s31 =	simm.s32 $0xEE00  }
0xb4: {  	[tilespmem:s31], [sflag:$0x1] =	stream.linear.gather [spmem:s30], $0x200, $0x38;
	[tilespmem:$0x16300] =	vst v63  }
0xb5: {  	s19 =	sadd.s32 $0x18000, s17  }
0xb6: {  	[tilespmem:s1], [sflag:$0x1] =	stream.linear.gather [spmem:s19], $0x200, $0x38;
	[tilespmem:$0x16300] =	vst v63  }
0xb7: {  	s20 =	sadd.s32 $0x1A000, s17  }
0xb8: {  	[tilespmem:s0], [sflag:$0x1] =	stream.linear.gather [spmem:s20], $0x200, $0x38;
	[tilespmem:$0x16300] =	vst v63  }
0xb9: {  	s21 =	sadd.s32 $0x1C000, s17  }
0xba: {  	[tilespmem:s7], [sflag:$0x1] =	stream.linear.gather [spmem:s21], $0x200, $0x38;
	[tilespmem:$0x16300] =	vst v63  }
0xbb: {  	s17 =	sadd.s32 $0x1E000, s17  }
0xbc: {  	[tilespmem:s15], [sflag:$0x1] =	stream.linear.gather [spmem:s17], $0x200, $0x38;
	[tilespmem:$0x16300] =	vst v63  }
0xbd: {  	_ =	swait.ge [sflag:s16], $0x200  }
0xbe: {  	[sflag:s16] =	ssyncset.done $0x0  }
0xbf: {  	[sflag:s16] =	ssyncadd.s32 $0xFFFFFE00  }
0xc0: {  	_ =	swait.ge [sflag:s16], $0x200  }
0xc1: {  	[sflag:s16] =	ssyncset.done $0x0  }
0xc2: {  	[sflag:s16] =	ssyncadd.s32 $0xFFFFFE00  }
0xc3: {  	_ =	swait.ge [sflag:s16], $0x200  }
0xc4: {  	[sflag:s16] =	ssyncset.done $0x0  }
0xc5: {  	[sflag:s16] =	ssyncadd.s32 $0xFFFFFE00  }
0xc6: {  	_ =	swait.ge [sflag:s16], $0x200  }
0xc7: {  	[sflag:s16] =	ssyncset.done $0x0  }
0xc8: {  	[sflag:s16] =	ssyncadd.s32 $0xFFFFFE00  }
0xc9: {  	_ =	swait.ge [sflag:s16], $0x200  }
0xca: {  	[sflag:s16] =	ssyncset.done $0x0  }
0xcb: {  	[sflag:s16] =	ssyncadd.s32 $0xFFFFFE00  }
0xcc: {  	_ =	swait.ge [sflag:s16], $0x200  }
0xcd: {  	[sflag:s16] =	ssyncset.done $0x0  }
0xce: {  	[sflag:s16] =	ssyncadd.s32 $0xFFFFFE00  }
0xcf: {  	_ =	swait.ge [sflag:s16], $0x200  }
0xd0: {  	[sflag:s16] =	ssyncset.done $0x0  }
0xd1: {  	[sflag:s16] =	ssyncadd.s32 $0xFFFFFE00  }
0xd2: {  	_ =	swait.ge [sflag:s16], $0x200  }
0xd3: {  	[sflag:s16] =	ssyncset.done $0x0  }
0xd4: {  	[sflag:s16] =	ssyncadd.s32 $0xFFFFFE00  }
0xd5: {  	_ =	swait.ge [sflag:s16], $0x200  }
0xd6: {  	[sflag:s16] =	ssyncset.done $0x0  }
0xd7: {  	[sflag:s16] =	ssyncadd.s32 $0xFFFFFE00  }
0xd8: {  	_ =	swait.ge [sflag:s16], $0x200  }
0xd9: {  	[sflag:s16] =	ssyncset.done $0x0  }
0xda: {  	[sflag:s16] =	ssyncadd.s32 $0xFFFFFE00  }
0xdb: {  	_ =	swait.ge [sflag:s16], $0x200  }
0xdc: {  	[sflag:s16] =	ssyncset.done $0x0  }
0xdd: {  	[sflag:s16] =	ssyncadd.s32 $0xFFFFFE00  }
0xde: {  	_ =	swait.ge [sflag:s16], $0x200  }
0xdf: {  	[sflag:s16] =	ssyncset.done $0x0  }
0xe0: {  	[sflag:s16] =	ssyncadd.s32 $0xFFFFFE00  }
0xe1: {  	_ =	swait.ge [sflag:s16], $0x200  }
0xe2: {  	[sflag:s16] =	ssyncset.done $0x0  }
0xe3: {  	[sflag:s16] =	ssyncadd.s32 $0xFFFFFE00  }
0xe4: {  	_ =	swait.ge [sflag:s16], $0x200  }
0xe5: {  	[sflag:s16] =	ssyncset.done $0x0  }
0xe6: {  	[sflag:s16] =	ssyncadd.s32 $0xFFFFFE00  }
0xe7: {  	_ =	swait.ge [sflag:s16], $0x200  }
0xe8: {  	[sflag:s16] =	ssyncset.done $0x0  }
0xe9: {  	[sflag:s16] =	ssyncadd.s32 $0xFFFFFE00  }
0xea: {  	_ =	swait.ge [sflag:s16], $0x200  }
0xeb: {  	[sflag:s16] =	ssyncset.done $0x0  }
0xec: {  	s22 =	simm.s32 $0xE810;
	s23 =	simm.s32 $0x0;
	[sflag:s16] =	ssyncadd.s32 $0xFFFFFE00  }
0xed: {  	s24 =	sand.u32 $0x180, s23;
	s20 =	sand.u32 $0x40, s23;
	v3 =	vld [tilespmem:s22+$0xFFFFF000]  }
0xee: {  	s18 =	sor.u32 s20, s24;
	v4 =	vld [tilespmem:s22+$0xFFFFEFF0]  }
0xef: {  	v5 =	vld [tilespmem:s18+$0xDA00]  }
0xf0: {  	v7 =	vld [tilespmem:s22+$0xFFFFF200]  }
0xf1: {  	v6 =	vld [tilespmem:s18+$0xDC00]  }
0xf2: {  	v9 =	vld [tilespmem:s22+$0xFFFFF010]  }
0xf3: {  	v8 =	vld [tilespmem:s18+$0xDE00]  }
0xf4: {  	v10 =	vld [tilespmem:s22+$0xFFFFF210]  }
0xf5: {  	v11 =	vld [tilespmem:s22+$0xFFFFF020]  }
0xf6: {  	v12 =	vld [tilespmem:s22+$0xFFFFF220]  }
0xf7: {  	v13 =	vld [tilespmem:s22+$0xFFFFF400]  }
0xf8: {  	v14 =	vld [tilespmem:s22+$0xFFFFF410]  }
0xf9: {  	v15 =	vld [tilespmem:s22+$0xFFFFF420]  }
0xfa: {  	v16 =	vld [tilespmem:s22+$0xFFFFF600]  }
0xfb: {  	v17 =	vld [tilespmem:s22+$0xFFFFF610]  }
0xfc: {  	v18 =	vld [tilespmem:s22+$0xFFFFF620]  }
0xfd: {  	v19 =	vld [tilespmem:s22+$0xFFFFF800]  }
0xfe: {  	v20 =	vld [tilespmem:s22+$0xFFFFF810]  }
0xff: {  	v21 =	vld [tilespmem:s22+$0xFFFFF820]  }
0x100: {  	v22 =	vld [tilespmem:s22+$0xFFFFFA00]  }
0x101: {  	v23 =	vld [tilespmem:s22+$0xFFFFFA10]  }
0x102: {  	v24 =	vld [tilespmem:s22+$0xFFFFFA20]  }
0x103: {  	v25 =	vld [tilespmem:s22+$0xFFFFFC00]  }
0x104: {  	v26 =	vld [tilespmem:s22+$0xFFFFFC10]  }
0x105: {  	v27 =	vld [tilespmem:s22+$0xFFFFFC20]  }
0x106: {  	v28 =	vld [tilespmem:s22+$0xFFFFFE00]  }
0x107: {  	v29 =	vld [tilespmem:s22+$0xFFFFFE10]  }
0x108: {  	v30 =	vld [tilespmem:s22+$0xFFFFFE20]  }
0x109: {  	v31 =	vld [tilespmem:s22+$0x0]  }
0x10a: {  	v32 =	vld [tilespmem:s22+$0x10]  }
0x10b: {  	v33 =	vld [tilespmem:s22+$0x20]  }
0x10c: {  	v34 =	vld [tilespmem:s22+$0x200]  }
0x10d: {  	v35 =	vld [tilespmem:s22+$0x210]  }
0x10e: {  	v36 =	vld [tilespmem:s22+$0x220]  }
0x10f: {  	v37 =	vld [tilespmem:s22+$0x400]  }
0x110: {  	v38 =	vld [tilespmem:s22+$0x410]  }
0x111: {  	v39 =	vld [tilespmem:s22+$0x420]  }
0x112: {  	v40 =	vld [tilespmem:s22+$0x600]  }
0x113: {  	v41 =	vld [tilespmem:s22+$0x610]  }
0x114: {  	v42 =	vld [tilespmem:s22+$0x620]  }
0x115: {  	v43 =	vld [tilespmem:s22+$0x800]  }
0x116: {  	v44 =	vld [tilespmem:s22+$0x810]  }
0x117: {  	v45 =	vld [tilespmem:s22+$0x820]  }
0x118: {  	v46 =	vld [tilespmem:s22+$0xA00]  }
0x119: {  	v47 =	vld [tilespmem:s22+$0xA10]  }
0x11a: {  	v48 =	vld [tilespmem:s22+$0xA20]  }
0x11b: {  	v49 =	vld [tilespmem:s22+$0xC00]  }
0x11c: {  	v50 =	vld [tilespmem:s22+$0xC10]  }
0x11d: {  	v51 =	vld [tilespmem:s22+$0xC20]  }
0x11e: {  	s26 =	simm.s32 $0x40;
	v52 =	vld [tilespmem:s22+$0xE00]  }
0x11f: {  	s28 =	sand.u32 $0x180, s26;
	s17 =	sand.u32 $0x40, s26;
	v53 =	vld [tilespmem:s22+$0xE10]  }
0x120: {  	s21 =	sor.u32 s17, s28;
	v54 =	vld [tilespmem:s22+$0xE20]  }
0x121: {  	s22 =	simm.s32 $0xE850;
	v56 =	vld [tilespmem:s21+$0xDA00]  }
0x122: {  	v55 =	vld [tilespmem:s22+$0xFFFFEFF0]  }
0x123: {  	v57 =	vld [tilespmem:s22+$0x10]  }
0x124: {  	v58 =	vld [tilespmem:s22+$0x20]  }
0x125: {  	v59 =	vld [tilespmem:s22+$0x200]  }
0x126: {  	v60 =	vld [tilespmem:s22+$0x210]  }
0x127: {  	v61 =	vld [tilespmem:s22+$0x220]  }
0x128: {  	v62 =	vld [tilespmem:s22+$0x400]  }
0x129: {  	v63 =	vld [tilespmem:s22+$0x410]  }
0x12a: {  	v4 =	vadd.f32 v5, v4;
	v5 =	vld [tilespmem:s18+$0xE000]  }
0x12b: {  	v3 =	vadd.f32 v7, v3;
	v7 =	vld [tilespmem:s21+$0xDC00]  }
0x12c: {  	v9 =	vadd.f32 v10, v9;
	v10 =	vld [tilespmem:s22+$0xFFFFF010]  }
0x12d: {  	v11 =	vadd.f32 v12, v11;
	v12 =	vld [tilespmem:s21+$0xDE00]  }
0x12e: {  	v4 =	vadd.f32 v6, v4;
	v6 =	vld [tilespmem:s18+$0xE200]  }
0x12f: {  	v9 =	vadd.f32 v14, v9;
	v14 =	vld [tilespmem:s22+$0xFFFFF210]  }
0x130: {  	v11 =	vadd.f32 v15, v11;
	v15 =	vld [tilespmem:s21+$0xE000]  }
0x131: {  	v3 =	vadd.f32 v13, v3;
	v13 =	vadd.f32 v56, v55;
	v55 =	vld [tilespmem:s22+$0xFFFFFC00]  }
0x132: {  	v56 =	vld [tilespmem:s22+$0xFFFFFE00]  }
0x133: {  	v4 =	vadd.f32 v8, v4;
	v8 =	vld [tilespmem:s18+$0xE400]  }
0x134: {  	v3 =	vadd.f32 v16, v3;
	v16 =	vld [tilespmem:s21+$0xE200]  }
0x135: {  	v9 =	vadd.f32 v17, v9;
	v17 =	vld [tilespmem:s21+$0xE400]  }
0x136: {  	v11 =	vadd.f32 v18, v11;
	v18 =	vld [tilespmem:s21+$0xE600]  }
0x137: {  	v7 =	vadd.f32 v7, v13;
	v13 =	vld [tilespmem:s22+$0xFFFFF020]  }
0x138: {  	v4 =	vadd.f32 v5, v4;
	v5 =	vld [tilespmem:s18+$0xE600]  }
0x139: {  	v3 =	vadd.f32 v19, v3;
	v19 =	vld [tilespmem:s21+$0xE800]  }
0x13a: {  	v9 =	vadd.f32 v20, v9;
	v20 =	vld [tilespmem:s22+$0xFFFFF620]  }
0x13b: {  	v11 =	vadd.f32 v21, v11;
	v21 =	vld [tilespmem:s22+$0xFFFFF800]  }
0x13c: {  	v7 =	vadd.f32 v12, v7;
	v12 =	vld [tilespmem:s22+$0xFFFFF220]  }
0x13d: {  	v10 =	vadd.f32 v14, v10;
	v14 =	vld [tilespmem:s22+$0x620]  }
0x13e: {  	v4 =	vadd.f32 v6, v4;
	v6 =	vld [tilespmem:s18+$0xE800]  }
0x13f: {  	v3 =	vadd.f32 v22, v3;
	v22 =	vld [tilespmem:s22+$0xFFFFF810]  }
0x140: {  	v9 =	vadd.f32 v23, v9;
	v23 =	vld [tilespmem:s22+$0xFFFFF820]  }
0x141: {  	v11 =	vadd.f32 v24, v11;
	v24 =	vld [tilespmem:s22+$0xFFFFFA00]  }
0x142: {  	v7 =	vadd.f32 v15, v7;
	v15 =	vld [tilespmem:s22+$0xFFFFF400]  }
0x143: {  	v4 =	vadd.f32 v8, v4;
	v8 =	vld [tilespmem:s18+$0xEA00]  }
0x144: {  	v3 =	vadd.f32 v25, v3;
	v11 =	vadd.f32 v27, v11;
	v27 =	vld [tilespmem:s22+$0xFFFFFA10]  }
0x145: {  	v9 =	vadd.f32 v26, v9;
	v25 =	vld [tilespmem:s22+$0xFFFFFA20];
	v7 =	vadd.f32 v16, v7  }
0x146: {  	v26 =	vld [tilespmem:s22+$0xFFFFFC10];
	v4 =	vadd.f32 v5, v4;
	v3 =	vadd.f32 v28, v3  }
0x147: {  	v5 =	vld [tilespmem:s18+$0xEC00];
	v9 =	vadd.f32 v29, v9;
	v11 =	vadd.f32 v30, v11  }
0x148: {  	v16 =	vld [tilespmem:s22+$0xFFFFF410];
	v12 =	vadd.f32 v12, v13;
	v4 =	vadd.f32 v6, v4  }
0x149: {  	v7 =	vadd.f32 v17, v7;
	v6 =	vld [tilespmem:s18+$0xEE00];
	v3 =	vadd.f32 v31, v3  }
0x14a: {  	v17 =	vld [tilespmem:s22+$0xFFFFF420];
	v9 =	vadd.f32 v32, v9;
	v4 =	vadd.f32 v8, v4  }
0x14b: {  	v11 =	vadd.f32 v33, v11;
	v7 =	vadd.f32 v18, v7;
	v8 =	vld [tilespmem:s18+$0xF000]  }
0x14c: {  	v31 =	vld [tilespmem:s21+$0xEA00];
	v3 =	vadd.f32 v34, v3;
	v4 =	vadd.f32 v5, v4  }
0x14d: {  	v9 =	vadd.f32 v35, v9;
	v11 =	vadd.f32 v36, v11;
	v5 =	vld [tilespmem:s18+$0xF200]  }
0x14e: {  	v29 =	vld [tilespmem:s22+$0xFFFFFC20];
	v10 =	vadd.f32 v16, v10;
	v4 =	vadd.f32 v6, v4  }
0x14f: {  	s23 =	simm.s32 $0x80;
	v7 =	vadd.f32 v19, v7;
	v3 =	vadd.f32 v37, v3;
	v6 =	vld [tilespmem:s18+$0xF400]  }
0x150: {  	s19 =	sadd.s32 s24, s13;
	s24 =	sand.u32 $0x180, s23;
	s23 =	sand.u32 $0x40, s23;
	v34 =	vld [tilespmem:s21+$0xEC00];
	v9 =	vadd.f32 v38, v9;
	v4 =	vadd.f32 v8, v4  }
0x151: {  	s26 =	sor.u32 s23, s24;
	v11 =	vadd.f32 v39, v11;
	v12 =	vadd.f32 v17, v12;
	v8 =	vld [tilespmem:s18+$0xF600]  }
0x152: {  	v13 =	vld [tilespmem:s26+$0xDE00];
	v7 =	vadd.f32 v31, v7;
	v4 =	vadd.f32 v5, v4  }
0x153: {  	v19 =	vld [tilespmem:s22+$0xFFFFF610];
	v3 =	vadd.f32 v40, v3;
	v9 =	vadd.f32 v41, v9  }
0x154: {  	v37 =	vld [tilespmem:s21+$0xEE00];
	v11 =	vadd.f32 v42, v11;
	v4 =	vadd.f32 v6, v4  }
0x155: {  	v32 =	vld [tilespmem:s22+$0x0];
	v12 =	vadd.f32 v20, v12;
	v7 =	vadd.f32 v34, v7  }
0x156: {  	v40 =	vld [tilespmem:s21+$0xF000];
	v3 =	vadd.f32 v43, v3;
	v4 =	vadd.f32 v8, v4  }
0x157: {  	v31 =	vld [tilespmem:s22+$0xFFFFFE20];
	v9 =	vadd.f32 v44, v9;
	v11 =	vadd.f32 v45, v11  }
0x158: {  	v43 =	vld [tilespmem:s21+$0xF200];
	v10 =	vadd.f32 v19, v10;
	v12 =	vadd.f32 v23, v12;
	v4 =	vmul.f32 $1.442695020e+00, v4  }
0x159: {  	v7 =	vadd.f32 v37, v7;
	v3 =	vadd.f32 v46, v3;
	v6 =	vld [tilespmem:s22+$0xFFFFF000]  }
0x15a: {  	v9 =	vadd.f32 v47, v9;
	v11 =	vadd.f32 v48, v11;
	v8 =	vld [tilespmem:s22+$0xFFFFF200];
	(erf) = vpow2.f32 v4  }
0x15b: {  	v46 =	vld [tilespmem:s21+$0xF400];
	v12 =	vadd.f32 v25, v12;
	v7 =	vadd.f32 v40, v7  }
0x15c: {  	v18 =	vld [tilespmem:s22+$0xFFFFF600];
	v3 =	vadd.f32 v49, v3;
	v9 =	vadd.f32 v50, v9  }
0x15d: {  	v49 =	vld [tilespmem:s21+$0xF600];
	v11 =	vadd.f32 v51, v11;
	v12 =	vadd.f32 v29, v12  }
0x15e: {  	v16 =	vld [tilespmem:s22+$0x800];
	v7 =	vadd.f32 v43, v7;
	v3 =	vadd.f32 v52, v3  }
0x15f: {  	v17 =	vld [tilespmem:s26+$0xE000];
	v9 =	vadd.f32 v53, v9;
	v6 =	vadd.f32 v8, v6  }
0x160: {  	v19 =	vld [tilespmem:s26+$0xE400];
	v12 =	vadd.f32 v31, v12;
	v7 =	vadd.f32 v46, v7  }
0x161: {  	v48 =	vld [tilespmem:s22+$0x420];
	v11 =	vadd.f32 v54, v11;
	v3 =	vmul.f32 $1.442695020e+00, v3;
	v6 =	vadd.f32 v15, v6  }
0x162: {  	v50 =	vld [tilespmem:s22+$0x600];
	v9 =	vmul.f32 $1.442695020e+00, v9;
	v12 =	vadd.f32 v58, v12;
	v7 =	vadd.f32 v49, v7  }
0x163: {  	v53 =	vld [tilespmem:s26+$0xDA00];
	v11 =	vmul.f32 $1.442695020e+00, v11;
	v6 =	vadd.f32 v18, v6;
	v4 =	vpop (erf);
	(erf) = vpow2.f32 v3  }
0x164: {  	v54 =	vld [tilespmem:s22+$0x610];
	v12 =	vadd.f32 v61, v12;
	v3 =	vmul.f32 $1.442695020e+00, v7;
	(erf) = vpow2.f32 v9  }
0x165: {  	v58 =	vld [tilespmem:s26+$0xEC00];
	v6 =	vadd.f32 v21, v6;
	(erf) = vpow2.f32 v11  }
0x166: {  	v61 =	vld [tilespmem:s22+$0xC20];
	v12 =	vadd.f32 v48, v12;
	(erf) = vpow2.f32 v3  }
0x167: {  	v8 =	vld [tilespmem:s26+$0xDC00];
	v6 =	vadd.f32 v24, v6  }
0x168: {  	v10 =	vadd.f32 v22, v10;
	v12 =	vadd.f32 v14, v12;
	v14 =	vld [tilespmem:s26+$0xF200]  }
0x169: {  	s18 =	simm.s32 $0xF820;
	v11 =	vld [tilespmem:s22+$0xFFFFFE10];
	v6 =	vadd.f32 v55, v6  }
0x16a: {  	s20 =	sadd.s32 s20, s19;
	v10 =	vadd.f32 v27, v10;
	v18 =	vld [tilespmem:s26+$0xE200];
	[tilespmem:s18+$0xFFFFFFE0] =	vst v4  }
0x16b: {  	v5 =	vld [tilespmem:s20+$0x0];
	v6 =	vadd.f32 v56, v6  }
0x16c: {  	v10 =	vadd.f32 v26, v10;
	v55 =	vld [tilespmem:s26+$0xE600];
	v9 =	vpop (erf)  }
0x16d: {  	v56 =	vld [tilespmem:s26+$0xE800];
	v6 =	vadd.f32 v32, v6;
	v7 =	vpop (erf)  }
0x16e: {  	v10 =	vadd.f32 v11, v10;
	v11 =	vld [tilespmem:s22+$0xA20];
	v3 =	vpop (erf)  }
0x16f: {  	s21 =	simm.s32 $0xF860;
	s20 =	sadd.s32 s28, s13;
	v6 =	vadd.f32 v59, v6;
	v59 =	vld [tilespmem:s22+$0xC10];
	v49 =	vpop (erf)  }
0x170: {  	s17 =	sadd.s32 s17, s20;
	v5 =	vshrl.u32 v5, $0x10;
	v10 =	vadd.f32 v57, v10;
	v57 =	vld [tilespmem:s22+$0xC00];
	[tilespmem:s21+$0xFFFFFFE0] =	vst v49  }
0x171: {  	v51 =	vld [tilespmem:s17+$0x0];
	s17 =	simm.s32 $0xE890  }
0x172: {  	v6 =	vadd.f32 v62, v6;
	v52 =	vld [tilespmem:s17+$0xFFFFEFF0]  }
0x173: {  	v62 =	vld [tilespmem:s22+$0xE00]  }
0x174: {  	v10 =	vadd.f32 v60, v10;
	v60 =	vld [tilespmem:s26+$0xEE00];
	v6 =	vadd.f32 v50, v6  }
0x175: {  	[tilespmem:v5+s2+$0x0] =	vst.idx.add.f32.msk $0xffff, v4  }
0x176: {  	v6 =	vadd.f32 v16, v6;
	v16 =	vld [tilespmem:s22+$0xE20]  }
0x177: {  	v10 =	vadd.f32 v63, v10;
	v63 =	vld [tilespmem:s17+$0xFFFFF420];
	v15 =	vadd.f32 v53, v52  }
0x178: {  	v36 =	vld [tilespmem:s17+$0xFFFFF600]  }
0x179: {  	v38 =	vld [tilespmem:s17+$0xFFFFF610];
	v8 =	vadd.f32 v8, v15  }
0x17a: {  	v40 =	vld [tilespmem:s17+$0xFFFFF620]  }
0x17b: {  	v41 =	vld [tilespmem:s17+$0xFFFFF800];
	v8 =	vadd.f32 v13, v8  }
0x17c: {  	v42 =	vld [tilespmem:s17+$0xFFFFF810]  }
0x17d: {  	v43 =	vld [tilespmem:s17+$0xFFFFF820];
	v8 =	vadd.f32 v17, v8  }
0x17e: {  	v44 =	vld [tilespmem:s17+$0xFFFFFA00]  }
0x17f: {  	v45 =	vld [tilespmem:s17+$0xFFFFFA10];
	v8 =	vadd.f32 v18, v8  }
0x180: {  	v46 =	vld [tilespmem:s17+$0xFFFFFA20]  }
0x181: {  	v47 =	vld [tilespmem:s17+$0xFFFFFC00];
	v8 =	vadd.f32 v19, v8  }
0x182: {  	v19 =	vld [tilespmem:s26+$0xEA00]  }
0x183: {  	v48 =	vld [tilespmem:s17+$0xFFFFFC10];
	v8 =	vadd.f32 v55, v8  }
0x184: {  	v15 =	vld [tilespmem:s22+$0x810]  }
0x185: {  	v13 =	vld [tilespmem:s22+$0x820];
	v8 =	vadd.f32 v56, v8  }
0x186: {  	v17 =	vld [tilespmem:s22+$0xA00]  }
0x187: {  	v18 =	vld [tilespmem:s22+$0xA10];
	v8 =	vadd.f32 v19, v8  }
0x188: {  	v10 =	vadd.f32 v54, v10;
	v19 =	vld [tilespmem:s26+$0xF000]  }
0x189: {  	v50 =	vld [tilespmem:s17+$0xFFFFFE00];
	v8 =	vadd.f32 v58, v8  }
0x18a: {  	v54 =	vld [tilespmem:s17+$0x400];
	v10 =	vadd.f32 v15, v10;
	v12 =	vadd.f32 v13, v12  }
0x18b: {  	v15 =	vld [tilespmem:s22+$0xE10];
	v6 =	vadd.f32 v17, v6;
	v8 =	vadd.f32 v60, v8  }
0x18c: {  	v13 =	vld [tilespmem:s26+$0xF400];
	v11 =	vadd.f32 v11, v12;
	v10 =	vadd.f32 v18, v10  }
0x18d: {  	v52 =	vld [tilespmem:s17+$0x210];
	v17 =	vshrl.u32 v51, $0x10;
	v6 =	vadd.f32 v57, v6;
	v8 =	vadd.f32 v19, v8  }
0x18e: {  	v53 =	vld [tilespmem:s17+$0x220];
	v11 =	vadd.f32 v61, v11;
	v10 =	vadd.f32 v59, v10  }
0x18f: {  	v12 =	vld [tilespmem:s26+$0xF600];
	v6 =	vadd.f32 v62, v6;
	v8 =	vadd.f32 v14, v8  }
0x190: {  	v51 =	vld [tilespmem:s17+$0x200];
	v4 =	vadd.f32 v15, v10  }
0x191: {  	v18 =	vld [tilespmem:s17+$0xFFFFF400];
	v6 =	vmul.f32 $1.442695020e+00, v6;
	v5 =	vadd.f32 v13, v8;
	v8 =	vadd.f32 v16, v11  }
0x192: {  	[tilespmem:v17+s2+$0x0] =	vst.idx.add.f32.msk $0xffff, v49;
	v4 =	vmul.f32 $1.442695020e+00, v4  }
0x193: {  	(erf) = vpow2.f32 v6;
	v14 =	vld [tilespmem:s17+$0xFFFFF210];
	v8 =	vmul.f32 $1.442695020e+00, v8  }
0x194: {  	(erf) = vpow2.f32 v4;
	v5 =	vadd.f32 v12, v5;
	v12 =	vld [tilespmem:s17+$0xFFFFF200]  }
0x195: {  	(erf) = vpow2.f32 v8;
	v8 =	vld [tilespmem:s17+$0xFFFFF000]  }
0x196: {  	v13 =	vld [tilespmem:s17+$0xFFFFF010]  }
0x197: {  	v17 =	vld [tilespmem:s17+$0xFFFFF220]  }
0x198: {  	v19 =	vld [tilespmem:s17+$0xFFFFF410]  }
0x199: {  	v16 =	vld [tilespmem:s17+$0xFFFFF020]  }
0x19a: {  	v55 =	vld [tilespmem:s17+$0x410];
	v8 =	vadd.f32 v12, v8  }
0x19b: {  	v57 =	vld [tilespmem:s17+$0x600];
	v13 =	vadd.f32 v14, v13  }
0x19c: {  	v61 =	vld [tilespmem:s17+$0xC00];
	v8 =	vadd.f32 v18, v8  }
0x19d: {  	v56 =	vld [tilespmem:s17+$0x420];
	v13 =	vadd.f32 v19, v13  }
0x19e: {  	s29 =	simm.s32 $0x10;
	v59 =	vld [tilespmem:s17+$0xA10];
	v16 =	vadd.f32 v17, v16;
	v8 =	vadd.f32 v36, v8  }
0x19f: {  	s22 =	sand.u32 $0x50, s29;
	v62 =	vld [tilespmem:s17+$0xC10];
	v13 =	vadd.f32 v38, v13  }
0x1a0: {  	[tilespmem:s18+$0xFFFFFFF0] =	vst v9;
	s22 =	sadd.s32 s22, s19;
	v49 =	vld [tilespmem:s17+$0xFFFFFC20];
	v16 =	vadd.f32 v63, v16;
	v8 =	vadd.f32 v41, v8  }
0x1a1: {  	v10 =	vld [tilespmem:s22+$0x0];
	v4 =	vmul.f32 $1.442695020e+00, v5;
	v13 =	vadd.f32 v42, v13  }
0x1a2: {  	v12 =	vld [tilespmem:s17+$0xFFFFFE10];
	v16 =	vadd.f32 v40, v16;
	v8 =	vadd.f32 v44, v8  }
0x1a3: {  	v17 =	vld [tilespmem:s17+$0x0];
	(erf) = vpow2.f32 v4;
	v13 =	vadd.f32 v45, v13  }
0x1a4: {  	v18 =	vld [tilespmem:s17+$0x10];
	v16 =	vadd.f32 v43, v16;
	v8 =	vadd.f32 v47, v8  }
0x1a5: {  	s30 =	simm.s32 $0x20;
	s31 =	simm.s32 $0x30;
	v14 =	vld [tilespmem:s17+$0xFFFFFE20];
	v13 =	vadd.f32 v48, v13  }
0x1a6: {  	s26 =	sand.u32 $0x60, s30;
	s22 =	sand.u32 $0x70, s31;
	v58 =	vld [tilespmem:s17+$0x610];
	v16 =	vadd.f32 v46, v16;
	v8 =	vadd.f32 v50, v8  }
0x1a7: {  	[tilespmem:s18+$0x10] =	vst v3;
	s26 =	sadd.s32 s26, s19;
	s19 =	sadd.s32 s22, s19;
	v19 =	vld [tilespmem:s17+$0x20];
	v12 =	vadd.f32 v12, v13  }
0x1a8: {  	v15 =	vld [tilespmem:s19+$0x0];
	v16 =	vadd.f32 v49, v16;
	v8 =	vadd.f32 v17, v8  }
0x1a9: {  	v60 =	vld [tilespmem:s17+$0xA20];
	v4 =	vpop (erf);
	v12 =	vadd.f32 v18, v12  }
0x1aa: {  	v5 =	vpop (erf);
	v13 =	vld [tilespmem:s17+$0x620];
	v14 =	vadd.f32 v14, v16;
	v8 =	vadd.f32 v51, v8  }
0x1ab: {  	v6 =	vpop (erf);
	v16 =	vld [tilespmem:s17+$0x800];
	v12 =	vadd.f32 v52, v12  }
0x1ac: {  	[tilespmem:s18+$0x0] =	vst v7;
	s18 =	simm.s32 $0xF8A0;
	s19 =	sadd.s32 s24, s13;
	v37 =	vpop (erf);
	v14 =	vadd.f32 v19, v14;
	v17 =	vld [tilespmem:s17+$0x810];
	v8 =	vadd.f32 v54, v8  }
0x1ad: {  	s28 =	sadd.s32 s23, s19;
	v10 =	vshrl.u32 v10, $0x10;
	[tilespmem:s18+$0xFFFFFFE0] =	vst v37;
	v19 =	vld [tilespmem:s17+$0xA00];
	v12 =	vadd.f32 v55, v12  }
0x1ae: {  	v39 =	vld [tilespmem:s28+$0x0];
	v14 =	vadd.f32 v53, v14;
	v8 =	vadd.f32 v57, v8  }
0x1af: {  	v18 =	vld [tilespmem:s17+$0x820];
	v12 =	vadd.f32 v58, v12  }
0x1b0: {  	v11 =	vld [tilespmem:s26+$0x0];
	v14 =	vadd.f32 v56, v14;
	v8 =	vadd.f32 v16, v8  }
0x1b1: {  	v12 =	vadd.f32 v17, v12;
	v17 =	vld [tilespmem:s17+$0xE00]  }
0x1b2: {  	[tilespmem:v10+s2+$0x0] =	vst.idx.add.f32.msk $0xffff, v9;
	v13 =	vadd.f32 v13, v14;
	v8 =	vadd.f32 v19, v8  }
0x1b3: {  	s29 =	simm.s32 $0x50;
	v16 =	vld [tilespmem:s17+$0xC20]  }
0x1b4: {  	s30 =	simm.s32 $0x60;
	s22 =	sand.u32 $0x50, s29;
	v24 =	vshrl.u32 v39, $0x10;
	v13 =	vadd.f32 v18, v13;
	v18 =	vld [tilespmem:s17+$0xE10];
	v8 =	vadd.f32 v61, v8  }
0x1b5: {  	s31 =	simm.s32 $0x70;
	s22 =	sadd.s32 s22, s20;
	s23 =	sand.u32 $0x60, s30;
	v63 =	vld [tilespmem:s17+$0xE20];
	[tilespmem:s21+$0xFFFFFFF0] =	vst v4;
	v19 =	vshrl.u32 v11, $0x10;
	v11 =	vadd.f32 v59, v12  }
0x1b6: {  	s23 =	sadd.s32 s23, s20;
	s26 =	sand.u32 $0x70, s31;
	[tilespmem:s21+$0x0] =	vst v5;
	v21 =	vadd.f32 v60, v13;
	v12 =	vld [tilespmem:s22+$0x0];
	v17 =	vadd.f32 v17, v8;
	v8 =	vshrl.u32 v15, $0x10  }
0x1b7: {  	s29 =	simm.s32 $0x90;
	s30 =	simm.s32 $0xA0;
	s20 =	sadd.s32 s26, s20;
	[tilespmem:s21+$0x10] =	vst v6;
	v14 =	vld [tilespmem:s23+$0x0];
	v11 =	vadd.f32 v62, v11  }
0x1b8: {  	s31 =	sand.u32 $0x60, s30;
	s21 =	sand.u32 $0x50, s29;
	s28 =	simm.s32 $0xB0;
	v13 =	vld [tilespmem:s20+$0x0];
	v21 =	vadd.f32 v16, v21  }
0x1b9: {  	s24 =	sand.u32 $0x70, s28;
	s23 =	simm.s32 $0xF0;
	[tilespmem:v24+s2+$0x0] =	vst.idx.add.f32.msk $0xffff, v37;
	s20 =	sadd.s32 s21, s19;
	v16 =	vadd.f32 v18, v11  }
0x1ba: {  	s21 =	sadd.s32 s31, s19;
	s19 =	sadd.s32 s24, s19;
	s22 =	simm.s32 $0x8;
	v15 =	vadd.f32 v63, v21;
	[tilespmem:v19+s2+$0x0] =	vst.idx.add.f32.msk $0xffff, v7;
	v11 =	vmul.f32 $1.442695020e+00, v17  }
.LBB2_7:
0x1bb: {  	s24 =	sadd.s32 $0xFFFFFFD0, s23;
	s22 =	sadd.s32 $0x4, s22;
	v10 =	vmul.f32 $1.442695020e+00, v16;
	s17 =	sadd.s32 $0x40, s17;
	v7 =	vshrl.u32 v12, $0x10;
	[tilespmem:v8+s2+$0x0] =	vst.idx.add.f32.msk $0xffff, v3;
	v3 =	vmov v6  }
0x1bc: {  	s26 =	sand.u32 $0x180, s24;
	s24 =	sand.u32 $0x40, s24;
	v6 =	vld [tilespmem:s17+$0xFFFFF000];
	p0 =	slt.u32 s22, $0x1C;
	v12 =	vmul.f32 $1.442695020e+00, v15;
	(erf) = vpow2.f32 v11;
	v9 =	vshrl.u32 v14, $0x10  }
0x1bd: {  	s28 =	sadd.s32 $0xFFFFFFE0, s23;
	s29 =	sadd.s32 $0xFFFFFFF0, s23;
	v11 =	vld [tilespmem:s17+$0xFFFFEFF0];
	s31 =	sor.u32 s24, s26;
	(erf) = vpow2.f32 v10;
	v8 =	vshrl.u32 v13, $0x10  }
0x1be: {  	s30 =	sand.u32 $0x50, s28;
	s29 =	sand.u32 $0x60, s29;
	s28 =	sand.u32 $0x70, s23;
	v10 =	vld [tilespmem:s31+$0xDA00];
	(erf) = vpow2.f32 v12  }
0x1bf: {  	v12 =	vld [tilespmem:s17+$0xFFFFF200]  }
0x1c0: {  	v13 =	vld [tilespmem:s31+$0xDC00]  }
0x1c1: {  	v14 =	vld [tilespmem:s17+$0xFFFFF010]  }
0x1c2: {  	v15 =	vld [tilespmem:s31+$0xDE00]  }
0x1c3: {  	v19 =	vadd.f32 v10, v11;
	v16 =	vld [tilespmem:s17+$0xFFFFF210]  }
0x1c4: {  	v17 =	vld [tilespmem:s31+$0xE000];
	v12 =	vadd.f32 v12, v6  }
0x1c5: {  	v20 =	vadd.f32 v13, v19;
	v13 =	vld [tilespmem:s17+$0xFFFFF020];
	v11 =	vpop (erf)  }
0x1c6: {  	v18 =	vld [tilespmem:s31+$0xE200];
	[tilespmem:s18+$0xFFFFFFF0] =	vst v11;
	v10 =	vpop (erf)  }
0x1c7: {  	v15 =	vadd.f32 v15, v20;
	v19 =	vld [tilespmem:s17+$0xFFFFF220];
	[tilespmem:s18+$0x0] =	vst v10;
	v6 =	vpop (erf)  }
0x1c8: {  	v20 =	vld [tilespmem:s31+$0xE400];
	v14 =	vadd.f32 v16, v14;
	[tilespmem:s18+$0x10] =	vst v6  }
0x1c9: {  	v15 =	vadd.f32 v17, v15;
	v16 =	vld [tilespmem:s17+$0xFFFFF400]  }
0x1ca: {  	v17 =	vld [tilespmem:s31+$0xE600]  }
0x1cb: {  	v15 =	vadd.f32 v18, v15;
	v18 =	vld [tilespmem:s17+$0xFFFFF410]  }
0x1cc: {  	v21 =	vld [tilespmem:s31+$0xE800];
	v13 =	vadd.f32 v19, v13  }
0x1cd: {  	v15 =	vadd.f32 v20, v15;
	v19 =	vld [tilespmem:s17+$0xFFFFF420]  }
0x1ce: {  	v20 =	vld [tilespmem:s31+$0xEA00];
	v12 =	vadd.f32 v16, v12  }
0x1cf: {  	v15 =	vadd.f32 v17, v15;
	v16 =	vld [tilespmem:s17+$0xFFFFF600]  }
0x1d0: {  	v17 =	vld [tilespmem:s31+$0xEC00];
	v14 =	vadd.f32 v18, v14  }
0x1d1: {  	v15 =	vadd.f32 v21, v15;
	v18 =	vld [tilespmem:s17+$0xFFFFF610]  }
0x1d2: {  	v21 =	vld [tilespmem:s31+$0xEE00];
	v13 =	vadd.f32 v19, v13  }
0x1d3: {  	v15 =	vadd.f32 v20, v15;
	v19 =	vld [tilespmem:s17+$0xFFFFF620]  }
0x1d4: {  	v20 =	vld [tilespmem:s31+$0xF000];
	v12 =	vadd.f32 v16, v12  }
0x1d5: {  	v15 =	vadd.f32 v17, v15;
	v16 =	vld [tilespmem:s17+$0xFFFFF800]  }
0x1d6: {  	v17 =	vld [tilespmem:s31+$0xF200];
	v14 =	vadd.f32 v18, v14  }
0x1d7: {  	v15 =	vadd.f32 v21, v15;
	v18 =	vld [tilespmem:s17+$0xFFFFF810]  }
0x1d8: {  	v21 =	vld [tilespmem:s31+$0xF400];
	v13 =	vadd.f32 v19, v13  }
0x1d9: {  	v15 =	vadd.f32 v20, v15;
	v19 =	vld [tilespmem:s17+$0xFFFFF820]  }
0x1da: {  	v20 =	vld [tilespmem:s31+$0xF600];
	v12 =	vadd.f32 v16, v12  }
0x1db: {  	v15 =	vadd.f32 v17, v15;
	v16 =	vld [tilespmem:s17+$0xFFFFFA00]  }
0x1dc: {  	v14 =	vadd.f32 v18, v14;
	v17 =	vld [tilespmem:s17+$0xFFFFFA10]  }
0x1dd: {  	v15 =	vadd.f32 v21, v15;
	v18 =	vld [tilespmem:s17+$0xFFFFFA20]  }
0x1de: {  	v21 =	vld [tilespmem:s17+$0xFFFFFC00];
	v13 =	vadd.f32 v19, v13  }
0x1df: {  	v15 =	vadd.f32 v20, v15;
	v19 =	vld [tilespmem:s17+$0xFFFFFC10]  }
0x1e0: {  	v12 =	vadd.f32 v16, v12;
	v16 =	vld [tilespmem:s17+$0xFFFFFC20]  }
0x1e1: {  	v15 =	vmul.f32 $1.442695020e+00, v15;
	v20 =	vld [tilespmem:s17+$0xFFFFFE00];
	v14 =	vadd.f32 v17, v14  }
0x1e2: {  	v17 =	vld [tilespmem:s17+$0xFFFFFE10];
	v13 =	vadd.f32 v18, v13  }
0x1e3: {  	v12 =	vadd.f32 v21, v12;
	v18 =	vld [tilespmem:s17+$0xFFFFFE20];
	(erf) = vpow2.f32 v15  }
0x1e4: {  	v15 =	vld [tilespmem:s17+$0x0];
	v14 =	vadd.f32 v19, v14  }
0x1e5: {  	v19 =	vld [tilespmem:s17+$0x10];
	v13 =	vadd.f32 v16, v13  }
0x1e6: {  	v12 =	vadd.f32 v20, v12;
	v16 =	vld [tilespmem:s17+$0x20]  }
0x1e7: {  	v20 =	vld [tilespmem:s17+$0x200];
	v14 =	vadd.f32 v17, v14  }
0x1e8: {  	v17 =	vld [tilespmem:s17+$0x210];
	v13 =	vadd.f32 v18, v13  }
0x1e9: {  	v12 =	vadd.f32 v15, v12;
	v15 =	vld [tilespmem:s17+$0x220]  }
0x1ea: {  	v18 =	vld [tilespmem:s17+$0x400];
	v14 =	vadd.f32 v19, v14  }
0x1eb: {  	v19 =	vld [tilespmem:s17+$0x410];
	v13 =	vadd.f32 v16, v13  }
0x1ec: {  	s26 =	sadd.s32 s26, s13;
	s18 =	sadd.s32 $0x40, s18;
	v12 =	vadd.f32 v20, v12;
	v16 =	vld [tilespmem:s17+$0x420];
	v20 =	vpop (erf)  }
0x1ed: {  	s24 =	sadd.s32 s24, s26;
	s30 =	sadd.s32 s30, s26;
	s29 =	sadd.s32 s29, s26;
	[tilespmem:s18+$0xFFFFFFE0] =	vst v20;
	v21 =	vld [tilespmem:s17+$0x600];
	v14 =	vadd.f32 v17, v14  }
0x1ee: {  	v17 =	vld [tilespmem:s24+$0x0];
	v13 =	vadd.f32 v15, v13;
	s24 =	sadd.s32 s28, s26  }
0x1ef: {  	v12 =	vadd.f32 v18, v12;
	v15 =	vld [tilespmem:s17+$0x610]  }
0x1f0: {  	v14 =	vadd.f32 v19, v14;
	v18 =	vld [tilespmem:s17+$0x620]  }
0x1f1: {  	v19 =	vld [tilespmem:s17+$0x800];
	v13 =	vadd.f32 v16, v13  }
0x1f2: {  	v12 =	vadd.f32 v21, v12;
	v16 =	vld [tilespmem:s17+$0x810]  }
0x1f3: {  	v17 =	vshrl.u32 v17, $0x10;
	v21 =	vld [tilespmem:s17+$0x820]  }
0x1f4: {  	v22 =	vld [tilespmem:s17+$0xA00];
	v14 =	vadd.f32 v15, v14  }
0x1f5: {  	v15 =	vld [tilespmem:s17+$0xA10];
	v13 =	vadd.f32 v18, v13  }
0x1f6: {  	v12 =	vadd.f32 v19, v12;
	v18 =	vld [tilespmem:s17+$0xA20]  }
0x1f7: {  	v19 =	vld [tilespmem:s17+$0xC00];
	v14 =	vadd.f32 v16, v14  }
0x1f8: {  	[tilespmem:v17+s2+$0x0] =	vst.idx.add.f32.msk $0xffff, v20;
	v13 =	vadd.f32 v21, v13  }
0x1f9: {  	v12 =	vadd.f32 v22, v12;
	v16 =	vld [tilespmem:s17+$0xC10]  }
0x1fa: {  	v14 =	vadd.f32 v15, v14;
	v15 =	vld [tilespmem:s17+$0xC20]  }
0x1fb: {  	v17 =	vld [tilespmem:s17+$0xE00];
	v13 =	vadd.f32 v18, v13  }
0x1fc: {  	v18 =	vadd.f32 v19, v12;
	v19 =	vld [tilespmem:s17+$0xE10]  }
0x1fd: {  	v20 =	vld [tilespmem:s17+$0xE20]  }
.Ltmp2:
0x1fe: {  	v16 =	vadd.f32 v16, v14;
	v12 =	vld [tilespmem:s20+$0x0];
	s20 =	smov.u32 s30;
	(pc) =	sbr.rel @p0 .LBB2_7-.Ltmp2, $4  }
0x1ff: {  	v15 =	vadd.f32 v15, v13;
	v14 =	vld [tilespmem:s21+$0x0];
	s21 =	smov.u32 s29  }
0x200: {  	v17 =	vadd.f32 v17, v18;
	v13 =	vld [tilespmem:s19+$0x0];
	s19 =	smov.u32 s24  }
0x201: {  	v16 =	vadd.f32 v19, v16;
	[tilespmem:v7+s2+$0x0] =	vst.idx.add.f32.msk $0xffff, v4;
	v4 =	vmov v11  }
0x202: {  	s23 =	sadd.s32 $0x40, s23;
	v11 =	vmul.f32 $1.442695020e+00, v17;
	v15 =	vadd.f32 v20, v15;
	[tilespmem:v9+s2+$0x0] =	vst.idx.add.f32.msk $0xffff, v5;
	v5 =	vmov v10  }
0x203: {  	v7 =	vmul.f32 $1.442695020e+00, v16  }
0x204: {  	v9 =	vmul.f32 $1.442695020e+00, v15;
	(erf) = vpow2.f32 v11  }
0x205: {  	(erf) = vpow2.f32 v7  }
0x206: {  	(erf) = vpow2.f32 v9;
	_ =	sdelay $0x6  }
0x207: {  	v58 =	vpop (erf)  }
0x208: {  	[tilespmem:s18+$0xFFFFFFF0] =	vst v58;
	v59 =	vpop (erf)  }
0x209: {  	[tilespmem:s18+$0x0] =	vst v59;
	v10 =	vpop (erf);
	v60 =	vld [tilespmem:s20+$0x0]  }
0x20a: {  	[tilespmem:s18+$0x10] =	vst v10;
	v61 =	vld [tilespmem:s21+$0x0]  }
0x20b: {  	v12 =	vshrl.u32 v12, $0x10;
	v62 =	vld [tilespmem:s19+$0x0]  }
0x20c: {  	v14 =	vshrl.u32 v14, $0x10  }
0x20d: {  	v13 =	vshrl.u32 v13, $0x10  }
0x20e: {  	v11 =	vshrl.u32 v60, $0x10  }
0x20f: {  	[tilespmem:v8+s2+$0x0] =	vst.idx.add.f32.msk $0xffff, v3;
	v3 =	vshrl.u32 v61, $0x10  }
0x210: {  	[tilespmem:v12+s2+$0x0] =	vst.idx.add.f32.msk $0xffff, v4;
	v63 =	vshrl.u32 v62, $0x10  }
0x211: {  	[tilespmem:v14+s2+$0x0] =	vst.idx.add.f32.msk $0xffff, v5  }
0x212: {  	[tilespmem:v13+s2+$0x0] =	vst.idx.add.f32.msk $0xffff, v6  }
0x213: {  	s14 =	sor.u32 s12, s14;
	s9 =	sadd.s32 $0x1, s9;
	[tilespmem:v11+s2+$0x0] =	vst.idx.add.f32.msk $0xffff, v58  }
0x214: {  	s14 =	sshrl.u32 s14, $0x3;
	p0 =	sne.s32 s9, $0x14;
	[tilespmem:v3+s2+$0x0] =	vst.idx.add.f32.msk $0xffff, v59  }
.Ltmp3:
0x215: {  	s14 =	sadd.s32 s6, s14;
	[tilespmem:v63+s2+$0x0] =	vst.idx.add.f32.msk $0xffff, v10;
	(pc) =	sbr.rel @p0 .LBB2_4-.Ltmp3, $4  }
0x216: {  	[hbm4b:s14+s4] =	stream.linear.scatter [tilespmem:s3], [sflag:$0x2], $0x200, $0x38;
	[tilespmem:$0x16300] =	vst v63  }
0x217: {  	_ =	swait.ge [sflag:s10], $0x200  }
0x218: {  	[sflag:s10] =	ssyncset.done $0x0  }
0x219: {  	[sflag:s10] =	ssyncadd.s32 $0xFFFFFE00  }
0x21a: {  	[bflag:$0x0] =	sbarrier.arrive $0xFFFF  }
0x21b: {  	s9 =	rddreg [dreg:$0x9]  }
0x21c: {  	[spmem:s9] =	stream.linear.scatter [tilespmem:s2], [sflag:$0x2], $0x2800, $0x38;
	[tilespmem:$0x16300] =	vst v63  }
0x21d: {  	_ =	swait.ge [sflag:s10], $0x2800  }
0x21e: {  	[sflag:s10] =	ssyncset.done $0x0  }
0x21f: {  	[sflag:s10] =	ssyncadd.s32 $0xFFFFD800  }
0x220: {  	[bflag:$0x0] =	sbarrier.arrive $0xFFFF  }
0x221: {  	s14 =	simm.s32 $0xFA00;
	s26 =	rddreg [dreg:$0xa]  }
0x222: {  	[tilespmem:s14], [sflag:$0x1] =	stream.linear.gather [spmem:s26], $0x280, $0x38;
	[tilespmem:$0x16300] =	vst v63  }
0x223: {  	s29 =	simm.s32 $0xFC80;
	s28 =	rddreg [dreg:$0xb]  }
0x224: {  	[tilespmem:s29], [sflag:$0x1] =	stream.linear.gather [spmem:s28], $0x280, $0x38;
	[tilespmem:$0x16300] =	vst v63  }
0x225: {  	s31 =	simm.s32 $0xFF00;
	s30 =	rddreg [dreg:$0xc]  }
0x226: {  	[tilespmem:s31], [sflag:$0x1] =	stream.linear.gather [spmem:s30], $0x280, $0x38;
	[tilespmem:$0x16300] =	vst v63  }
0x227: {  	s17 =	simm.s32 $0x10180;
	s14 =	rddreg [dreg:$0xd]  }
0x228: {  	[tilespmem:s17], [sflag:$0x1] =	stream.linear.gather [spmem:s14], $0x280, $0x38;
	[tilespmem:$0x16300] =	vst v63  }
0x229: {  	s19 =	simm.s32 $0x10400;
	s18 =	rddreg [dreg:$0xe]  }
0x22a: {  	[tilespmem:s19], [sflag:$0x1] =	stream.linear.gather [spmem:s18], $0x280, $0x38;
	[tilespmem:$0x16300] =	vst v63  }
0x22b: {  	s21 =	simm.s32 $0x10680;
	s20 =	rddreg [dreg:$0xf]  }
0x22c: {  	[tilespmem:s21], [sflag:$0x1] =	stream.linear.gather [spmem:s20], $0x280, $0x38;
	[tilespmem:$0x16300] =	vst v63  }
0x22d: {  	s23 =	simm.s32 $0x10900;
	s22 =	rddreg [dreg:$0x10]  }
0x22e: {  	[tilespmem:s23], [sflag:$0x1] =	stream.linear.gather [spmem:s22], $0x280, $0x38;
	[tilespmem:$0x16300] =	vst v63  }
0x22f: {  	s24 =	rddreg [dreg:$0x11];
	s26 =	simm.s32 $0x10B80  }
0x230: {  	[tilespmem:s26], [sflag:$0x1] =	stream.linear.gather [spmem:s24], $0x280, $0x38;
	[tilespmem:$0x16300] =	vst v63  }
0x231: {  	s28 =	rddreg [dreg:$0x14];
	s29 =	simm.s32 $0x10E00  }
0x232: {  	[tilespmem:s29], [sflag:$0x1] =	stream.linear.gather [spmem:s28], $0x280, $0x38;
	[tilespmem:$0x16300] =	vst v63  }
0x233: {  	s30 =	rddreg [dreg:$0x15];
	s31 =	simm.s32 $0x11080  }
0x234: {  	[tilespmem:s31], [sflag:$0x1] =	stream.linear.gather [spmem:s30], $0x280, $0x38;
	[tilespmem:$0x16300] =	vst v63  }
0x235: {  	s17 =	rddreg [dreg:$0x16];
	s18 =	simm.s32 $0x11300  }
0x236: {  	[tilespmem:s18], [sflag:$0x1] =	stream.linear.gather [spmem:s17], $0x280, $0x38;
	[tilespmem:$0x16300] =	vst v63  }
0x237: {  	s19 =	rddreg [dreg:$0x17];
	s20 =	simm.s32 $0x11580  }
0x238: {  	[tilespmem:s20], [sflag:$0x1] =	stream.linear.gather [spmem:s19], $0x280, $0x38;
	[tilespmem:$0x16300] =	vst v63  }
0x239: {  	s21 =	rddreg [dreg:$0x18];
	s22 =	simm.s32 $0x11800  }
0x23a: {  	[tilespmem:s22], [sflag:$0x1] =	stream.linear.gather [spmem:s21], $0x280, $0x38;
	[tilespmem:$0x16300] =	vst v63  }
0x23b: {  	s23 =	rddreg [dreg:$0x19];
	s24 =	simm.s32 $0x11A80  }
0x23c: {  	[tilespmem:s24], [sflag:$0x1] =	stream.linear.gather [spmem:s23], $0x280, $0x38;
	[tilespmem:$0x16300] =	vst v63  }
0x23d: {  	s26 =	rddreg [dreg:$0x1a];
	s28 =	simm.s32 $0x11D00  }
0x23e: {  	[tilespmem:s28], [sflag:$0x1] =	stream.linear.gather [spmem:s26], $0x280, $0x38;
	[tilespmem:$0x16300] =	vst v63  }
0x23f: {  	s29 =	rddreg [dreg:$0x1b];
	s30 =	simm.s32 $0x11F80  }
0x240: {  	[tilespmem:s30], [sflag:$0x1] =	stream.linear.gather [spmem:s29], $0x280, $0x38;
	[tilespmem:$0x16300] =	vst v63  }
0x241: {  	_ =	swait.ge [sflag:s16], $0x280  }
0x242: {  	[sflag:s16] =	ssyncset.done $0x0  }
0x243: {  	[sflag:s16] =	ssyncadd.s32 $0xFFFFFD80  }
0x244: {  	_ =	swait.ge [sflag:s16], $0x280  }
0x245: {  	[sflag:s16] =	ssyncset.done $0x0  }
0x246: {  	[sflag:s16] =	ssyncadd.s32 $0xFFFFFD80  }
0x247: {  	_ =	swait.ge [sflag:s16], $0x280  }
0x248: {  	[sflag:s16] =	ssyncset.done $0x0  }
0x249: {  	[sflag:s16] =	ssyncadd.s32 $0xFFFFFD80  }
0x24a: {  	_ =	swait.ge [sflag:s16], $0x280  }
0x24b: {  	[sflag:s16] =	ssyncset.done $0x0  }
0x24c: {  	[sflag:s16] =	ssyncadd.s32 $0xFFFFFD80  }
0x24d: {  	_ =	swait.ge [sflag:s16], $0x280  }
0x24e: {  	[sflag:s16] =	ssyncset.done $0x0  }
0x24f: {  	[sflag:s16] =	ssyncadd.s32 $0xFFFFFD80  }
0x250: {  	_ =	swait.ge [sflag:s16], $0x280  }
0x251: {  	[sflag:s16] =	ssyncset.done $0x0  }
0x252: {  	[sflag:s16] =	ssyncadd.s32 $0xFFFFFD80  }
0x253: {  	_ =	swait.ge [sflag:s16], $0x280  }
0x254: {  	[sflag:s16] =	ssyncset.done $0x0  }
0x255: {  	[sflag:s16] =	ssyncadd.s32 $0xFFFFFD80  }
0x256: {  	_ =	swait.ge [sflag:s16], $0x280  }
0x257: {  	[sflag:s16] =	ssyncset.done $0x0  }
0x258: {  	[sflag:s16] =	ssyncadd.s32 $0xFFFFFD80  }
0x259: {  	_ =	swait.ge [sflag:s16], $0x280  }
0x25a: {  	[sflag:s16] =	ssyncset.done $0x0  }
0x25b: {  	[sflag:s16] =	ssyncadd.s32 $0xFFFFFD80  }
0x25c: {  	_ =	swait.ge [sflag:s16], $0x280  }
0x25d: {  	[sflag:s16] =	ssyncset.done $0x0  }
0x25e: {  	[sflag:s16] =	ssyncadd.s32 $0xFFFFFD80  }
0x25f: {  	_ =	swait.ge [sflag:s16], $0x280  }
0x260: {  	[sflag:s16] =	ssyncset.done $0x0  }
0x261: {  	[sflag:s16] =	ssyncadd.s32 $0xFFFFFD80  }
0x262: {  	_ =	swait.ge [sflag:s16], $0x280  }
0x263: {  	[sflag:s16] =	ssyncset.done $0x0  }
0x264: {  	[sflag:s16] =	ssyncadd.s32 $0xFFFFFD80  }
0x265: {  	_ =	swait.ge [sflag:s16], $0x280  }
0x266: {  	[sflag:s16] =	ssyncset.done $0x0  }
0x267: {  	[sflag:s16] =	ssyncadd.s32 $0xFFFFFD80  }
0x268: {  	_ =	swait.ge [sflag:s16], $0x280  }
0x269: {  	[sflag:s16] =	ssyncset.done $0x0  }
0x26a: {  	[sflag:s16] =	ssyncadd.s32 $0xFFFFFD80  }
0x26b: {  	_ =	swait.ge [sflag:s16], $0x280  }
0x26c: {  	[sflag:s16] =	ssyncset.done $0x0  }
0x26d: {  	[sflag:s16] =	ssyncadd.s32 $0xFFFFFD80  }
0x26e: {  	_ =	swait.ge [sflag:s16], $0x280  }
0x26f: {  	[sflag:s16] =	ssyncset.done $0x0  }
0x270: {  	s31 =	simm.s32 $0x0;
	s17 =	simm.s32 $0x10E10;
	[sflag:s16] =	ssyncadd.s32 $0xFFFFFD80  }
0x271: {  	s9 =	sand.u32 $0x3C0, s31;
	v1 =	vld [tilespmem:s17+$0xFFFFEBF0]  }
0x272: {  	v2 =	vld [tilespmem:s9+$0xFC80]  }
0x273: {  	v3 =	vld [tilespmem:s17+$0xFFFFEC00]  }
0x274: {  	v4 =	vld [tilespmem:s9+$0xFF00]  }
0x275: {  	v5 =	vld [tilespmem:s17+$0xFFFFEE80]  }
0x276: {  	v6 =	vld [tilespmem:s9+$0x10180]  }
0x277: {  	v7 =	vld [tilespmem:s17+$0xFFFFEC10]  }
0x278: {  	v8 =	vld [tilespmem:s9+$0x10400]  }
0x279: {  	v9 =	vld [tilespmem:s17+$0xFFFFEE90]  }
0x27a: {  	v10 =	vld [tilespmem:s9+$0x10680]  }
0x27b: {  	v11 =	vld [tilespmem:s17+$0xFFFFEC20]  }
0x27c: {  	v12 =	vld [tilespmem:s9+$0x10900]  }
0x27d: {  	v13 =	vld [tilespmem:s17+$0xFFFFEEA0]  }
0x27e: {  	v14 =	vld [tilespmem:s9+$0x10B80]  }
0x27f: {  	v15 =	vld [tilespmem:s17+$0xFFFFF100]  }
0x280: {  	v16 =	vld [tilespmem:s9+$0x10E00]  }
0x281: {  	v17 =	vld [tilespmem:s17+$0xFFFFF110]  }
0x282: {  	v18 =	vld [tilespmem:s9+$0x11080]  }
0x283: {  	v19 =	vld [tilespmem:s17+$0xFFFFF120]  }
0x284: {  	v20 =	vld [tilespmem:s9+$0x11300]  }
0x285: {  	v21 =	vld [tilespmem:s17+$0xFFFFF380]  }
0x286: {  	v22 =	vld [tilespmem:s9+$0x11580]  }
0x287: {  	v23 =	vld [tilespmem:s17+$0xFFFFF390]  }
0x288: {  	v24 =	vld [tilespmem:s9+$0x11800]  }
0x289: {  	v25 =	vld [tilespmem:s17+$0xFFFFF3A0]  }
0x28a: {  	v26 =	vld [tilespmem:s9+$0x11A80]  }
0x28b: {  	v27 =	vld [tilespmem:s17+$0xFFFFF600]  }
0x28c: {  	v28 =	vld [tilespmem:s9+$0x11D00]  }
0x28d: {  	v29 =	vld [tilespmem:s17+$0xFFFFF610]  }
0x28e: {  	v30 =	vld [tilespmem:s9+$0x11F80]  }
0x28f: {  	v31 =	vld [tilespmem:s17+$0xFFFFF620]  }
0x290: {  	v32 =	vld [tilespmem:s17+$0xFFFFF880]  }
0x291: {  	v33 =	vld [tilespmem:s17+$0xFFFFF8A0]  }
0x292: {  	v34 =	vld [tilespmem:s17+$0xFFFFFB10];
	v1 =	vadd.f32 v2, v1  }
0x293: {  	v55 =	vld [tilespmem:s17+$0x10]  }
0x294: {  	v56 =	vld [tilespmem:s17+$0x20];
	v1 =	vadd.f32 v4, v1  }
0x295: {  	v57 =	vld [tilespmem:s17+$0x280]  }
0x296: {  	v58 =	vld [tilespmem:s17+$0x290];
	v3 =	vadd.f32 v5, v3;
	v1 =	vadd.f32 v6, v1  }
0x297: {  	v59 =	vld [tilespmem:s17+$0x2A0];
	v7 =	vadd.f32 v9, v7;
	v9 =	vadd.f32 v13, v11  }
0x298: {  	v60 =	vld [tilespmem:s17+$0x520];
	v3 =	vadd.f32 v15, v3;
	v1 =	vadd.f32 v8, v1  }
0x299: {  	v2 =	vld [tilespmem:s17+$0xFFFFF890];
	v7 =	vadd.f32 v17, v7;
	v9 =	vadd.f32 v19, v9  }
0x29a: {  	v5 =	vld [tilespmem:s17+$0xFFFFFD80];
	v3 =	vadd.f32 v21, v3;
	v1 =	vadd.f32 v10, v1  }
0x29b: {  	v4 =	vld [tilespmem:s17+$0xFFFFFB00];
	v7 =	vadd.f32 v23, v7;
	v9 =	vadd.f32 v25, v9  }
0x29c: {  	v6 =	vld [tilespmem:s17+$0xFFFFFB20];
	v3 =	vadd.f32 v27, v3;
	v1 =	vadd.f32 v12, v1  }
0x29d: {  	v11 =	vld [tilespmem:s17+$0xFFFFFDA0];
	v7 =	vadd.f32 v29, v7;
	v9 =	vadd.f32 v31, v9  }
0x29e: {  	v8 =	vld [tilespmem:s17+$0xFFFFFD90];
	v3 =	vadd.f32 v32, v3;
	v1 =	vadd.f32 v14, v1  }
0x29f: {  	v10 =	vld [tilespmem:s17+$0x0];
	v2 =	vadd.f32 v2, v7;
	v9 =	vadd.f32 v33, v9  }
0x2a0: {  	v61 =	vld [tilespmem:s17+$0xA20];
	v3 =	vadd.f32 v4, v3;
	v1 =	vadd.f32 v16, v1  }
0x2a1: {  	v63 =	vld [tilespmem:s17+$0xF00];
	v2 =	vadd.f32 v34, v2;
	v6 =	vadd.f32 v6, v9  }
0x2a2: {  	v7 =	vld [tilespmem:s17+$0x500];
	v3 =	vadd.f32 v5, v3;
	v1 =	vadd.f32 v18, v1  }
0x2a3: {  	v4 =	vld [tilespmem:s17+$0x510];
	v2 =	vadd.f32 v8, v2;
	v6 =	vadd.f32 v11, v6  }
0x2a4: {  	v9 =	vld [tilespmem:s17+$0x7A0];
	v3 =	vadd.f32 v10, v3;
	v1 =	vadd.f32 v20, v1  }
0x2a5: {  	v5 =	vld [tilespmem:s17+$0x780];
	v2 =	vadd.f32 v55, v2;
	v6 =	vadd.f32 v56, v6  }
0x2a6: {  	v8 =	vld [tilespmem:s17+$0x790];
	v3 =	vadd.f32 v57, v3;
	v1 =	vadd.f32 v22, v1  }
0x2a7: {  	v10 =	vld [tilespmem:s17+$0xA00];
	v2 =	vadd.f32 v58, v2;
	v6 =	vadd.f32 v59, v6  }
0x2a8: {  	v11 =	vld [tilespmem:s17+$0xA10];
	v3 =	vadd.f32 v7, v3;
	v1 =	vadd.f32 v24, v1  }
0x2a9: {  	v7 =	vld [tilespmem:s17+$0xC80];
	v2 =	vadd.f32 v4, v2;
	v6 =	vadd.f32 v60, v6  }
0x2aa: {  	v4 =	vld [tilespmem:s17+$0xC90];
	v3 =	vadd.f32 v5, v3;
	v1 =	vadd.f32 v26, v1  }
0x2ab: {  	v5 =	vld [tilespmem:s17+$0xCA0];
	v2 =	vadd.f32 v8, v2;
	v6 =	vadd.f32 v9, v6  }
0x2ac: {  	v3 =	vadd.f32 v10, v3;
	v62 =	vadd.f32 v28, v1;
	v1 =	vld [tilespmem:s17+$0xF10]  }
0x2ad: {  	v9 =	vadd.f32 v11, v2;
	v2 =	vld [tilespmem:s17+$0xF20];
	v10 =	vadd.f32 v61, v6  }
0x2ae: {  	v7 =	vadd.f32 v7, v3;
	v3 =	vld [tilespmem:s17+$0x1180];
	v8 =	vadd.f32 v30, v62  }
0x2af: {  	s9 =	simm.s32 $0x5020;
	v6 =	vadd.f32 v4, v9;
	v4 =	vld [tilespmem:s17+$0x1190]  }
0x2b0: {  	s14 =	simm.s32 $0x0;
	s18 =	simm.s32 $0x40;
	v7 =	vadd.f32 v63, v7;
	[tilespmem:s9+$0xFFFFFFE0] =	vst v8;
	v8 =	vadd.f32 v5, v10;
	v5 =	vld [tilespmem:s17+$0x11A0];
	s17 =	simm.s32 $0x10E50  }
.LBB2_10:
0x2b1: {  	v9 =	vld [tilespmem:s17+$0xFFFFEBF0];
	s19 =	sand.u32 $0x3C0, s18;
	s14 =	sadd.s32 $0x4, s14;
	v1 =	vadd.f32 v1, v6  }
0x2b2: {  	v6 =	vld [tilespmem:s19+$0xFC80];
	p0 =	slt.u32 s14, $0x24;
	v2 =	vadd.f32 v2, v8  }
0x2b3: {  	v8 =	vld [tilespmem:s17+$0xFFFFEC00];
	v3 =	vadd.f32 v3, v7  }
0x2b4: {  	v7 =	vld [tilespmem:s19+$0xFF00];
	v1 =	vadd.f32 v4, v1  }
0x2b5: {  	v4 =	vld [tilespmem:s17+$0xFFFFEE80];
	[tilespmem:s9+$0xFFFFFFF0] =	vst v3;
	v2 =	vadd.f32 v5, v2  }
0x2b6: {  	v3 =	vld [tilespmem:s19+$0x10180];
	[tilespmem:s9+$0x0] =	vst v1  }
0x2b7: {  	v1 =	vadd.f32 v6, v9;
	v5 =	vld [tilespmem:s17+$0xFFFFEC10];
	[tilespmem:s9+$0x10] =	vst v2  }
0x2b8: {  	v2 =	vld [tilespmem:s19+$0x10400]  }
0x2b9: {  	v1 =	vadd.f32 v7, v1;
	v6 =	vld [tilespmem:s17+$0xFFFFEE90]  }
0x2ba: {  	v7 =	vld [tilespmem:s19+$0x10680];
	v4 =	vadd.f32 v4, v8  }
0x2bb: {  	v1 =	vadd.f32 v3, v1;
	v3 =	vld [tilespmem:s17+$0xFFFFEC20]  }
0x2bc: {  	v8 =	vld [tilespmem:s19+$0x10900]  }
0x2bd: {  	v1 =	vadd.f32 v2, v1;
	v2 =	vld [tilespmem:s17+$0xFFFFEEA0]  }
0x2be: {  	v9 =	vld [tilespmem:s19+$0x10B80];
	v5 =	vadd.f32 v6, v5  }
0x2bf: {  	v1 =	vadd.f32 v7, v1;
	v6 =	vld [tilespmem:s17+$0xFFFFF100]  }
0x2c0: {  	v7 =	vld [tilespmem:s19+$0x10E00]  }
0x2c1: {  	v1 =	vadd.f32 v8, v1;
	v8 =	vld [tilespmem:s17+$0xFFFFF110]  }
0x2c2: {  	v10 =	vld [tilespmem:s19+$0x11080];
	v2 =	vadd.f32 v2, v3  }
0x2c3: {  	v1 =	vadd.f32 v9, v1;
	v3 =	vld [tilespmem:s17+$0xFFFFF120]  }
0x2c4: {  	v9 =	vld [tilespmem:s19+$0x11300];
	v4 =	vadd.f32 v6, v4  }
0x2c5: {  	v1 =	vadd.f32 v7, v1;
	v6 =	vld [tilespmem:s17+$0xFFFFF380]  }
0x2c6: {  	v7 =	vld [tilespmem:s19+$0x11580];
	v5 =	vadd.f32 v8, v5  }
0x2c7: {  	v1 =	vadd.f32 v10, v1;
	v8 =	vld [tilespmem:s17+$0xFFFFF390]  }
0x2c8: {  	v10 =	vld [tilespmem:s19+$0x11800];
	v2 =	vadd.f32 v3, v2  }
0x2c9: {  	v1 =	vadd.f32 v9, v1;
	v3 =	vld [tilespmem:s17+$0xFFFFF3A0]  }
0x2ca: {  	v9 =	vld [tilespmem:s19+$0x11A80];
	v4 =	vadd.f32 v6, v4  }
0x2cb: {  	v1 =	vadd.f32 v7, v1;
	v6 =	vld [tilespmem:s17+$0xFFFFF600]  }
0x2cc: {  	v7 =	vld [tilespmem:s19+$0x11D00];
	v5 =	vadd.f32 v8, v5  }
0x2cd: {  	v1 =	vadd.f32 v10, v1;
	v8 =	vld [tilespmem:s17+$0xFFFFF610]  }
0x2ce: {  	v10 =	vld [tilespmem:s19+$0x11F80];
	v2 =	vadd.f32 v3, v2  }
0x2cf: {  	v1 =	vadd.f32 v9, v1;
	v3 =	vld [tilespmem:s17+$0xFFFFF620]  }
0x2d0: {  	v4 =	vadd.f32 v6, v4;
	v6 =	vld [tilespmem:s17+$0xFFFFF880]  }
0x2d1: {  	v1 =	vadd.f32 v7, v1;
	v7 =	vld [tilespmem:s17+$0xFFFFF890]  }
0x2d2: {  	v5 =	vadd.f32 v8, v5;
	v8 =	vld [tilespmem:s17+$0xFFFFF8A0]  }
0x2d3: {  	v1 =	vadd.f32 v10, v1;
	v9 =	vld [tilespmem:s17+$0xFFFFFB00]  }
0x2d4: {  	s9 =	sadd.s32 $0x40, s9;
	v10 =	vld [tilespmem:s17+$0xFFFFFB10];
	v2 =	vadd.f32 v3, v2  }
0x2d5: {  	[tilespmem:s9+$0xFFFFFFE0] =	vst v1;
	v1 =	vadd.f32 v6, v4;
	v3 =	vld [tilespmem:s17+$0xFFFFFB20]  }
0x2d6: {  	v4 =	vld [tilespmem:s17+$0xFFFFFD80];
	v5 =	vadd.f32 v7, v5  }
0x2d7: {  	v6 =	vld [tilespmem:s17+$0xFFFFFD90];
	v2 =	vadd.f32 v8, v2  }
0x2d8: {  	v1 =	vadd.f32 v9, v1;
	v7 =	vld [tilespmem:s17+$0xFFFFFDA0]  }
0x2d9: {  	v8 =	vld [tilespmem:s17+$0x0];
	v5 =	vadd.f32 v10, v5  }
0x2da: {  	v9 =	vld [tilespmem:s17+$0x10];
	v2 =	vadd.f32 v3, v2  }
0x2db: {  	v1 =	vadd.f32 v4, v1;
	v3 =	vld [tilespmem:s17+$0x20]  }
0x2dc: {  	v4 =	vld [tilespmem:s17+$0x280];
	v5 =	vadd.f32 v6, v5  }
0x2dd: {  	v6 =	vld [tilespmem:s17+$0x290];
	v2 =	vadd.f32 v7, v2  }
0x2de: {  	v1 =	vadd.f32 v8, v1;
	v7 =	vld [tilespmem:s17+$0x2A0]  }
0x2df: {  	v8 =	vld [tilespmem:s17+$0x500];
	v5 =	vadd.f32 v9, v5  }
0x2e0: {  	v9 =	vld [tilespmem:s17+$0x510];
	v2 =	vadd.f32 v3, v2  }
0x2e1: {  	v1 =	vadd.f32 v4, v1;
	v3 =	vld [tilespmem:s17+$0x520]  }
0x2e2: {  	v4 =	vld [tilespmem:s17+$0x780];
	v5 =	vadd.f32 v6, v5  }
0x2e3: {  	v6 =	vld [tilespmem:s17+$0x790];
	v2 =	vadd.f32 v7, v2  }
0x2e4: {  	v1 =	vadd.f32 v8, v1;
	v7 =	vld [tilespmem:s17+$0x7A0]  }
0x2e5: {  	v8 =	vld [tilespmem:s17+$0xA00];
	v5 =	vadd.f32 v9, v5  }
0x2e6: {  	v9 =	vld [tilespmem:s17+$0xA10];
	v2 =	vadd.f32 v3, v2  }
0x2e7: {  	v1 =	vadd.f32 v4, v1;
	v3 =	vld [tilespmem:s17+$0xA20]  }
0x2e8: {  	v4 =	vld [tilespmem:s17+$0xC80];
	v5 =	vadd.f32 v6, v5  }
0x2e9: {  	v6 =	vld [tilespmem:s17+$0xC90];
	v2 =	vadd.f32 v7, v2  }
0x2ea: {  	v7 =	vadd.f32 v8, v1;
	v8 =	vld [tilespmem:s17+$0xCA0]  }
0x2eb: {  	v10 =	vld [tilespmem:s17+$0xF00];
	v5 =	vadd.f32 v9, v5  }
.Ltmp4:
0x2ec: {  	v1 =	vld [tilespmem:s17+$0xF10];
	v9 =	vadd.f32 v3, v2;
	(pc) =	sbr.rel @p0 .LBB2_10-.Ltmp4, $4  }
0x2ed: {  	v7 =	vadd.f32 v4, v7;
	v2 =	vld [tilespmem:s17+$0xF20]  }
0x2ee: {  	v3 =	vld [tilespmem:s17+$0x1180];
	v6 =	vadd.f32 v6, v5  }
0x2ef: {  	v4 =	vld [tilespmem:s17+$0x1190];
	v8 =	vadd.f32 v8, v9  }
0x2f0: {  	s18 =	sadd.s32 $0x40, s18;
	v7 =	vadd.f32 v10, v7;
	v5 =	vld [tilespmem:s17+$0x11A0];
	s17 =	sadd.s32 $0x40, s17  }
0x2f1: {  	_ = 	snop  }
0x2f2: {  	v1 =	vadd.f32 v1, v6  }
0x2f3: {  	v2 =	vadd.f32 v2, v8;
	v3 =	vadd.f32 v3, v7  }
0x2f4: {  	v1 =	vadd.f32 v4, v1  }
0x2f5: {  	[tilespmem:s9+$0xFFFFFFF0] =	vst v3;
	v2 =	vadd.f32 v5, v2  }
0x2f6: {  	[tilespmem:s9+$0x0] =	vst v1  }
0x2f7: {  	[tilespmem:s9+$0x10] =	vst v2  }
0x2f8: {  	s9 =	rddreg [dreg:$0x12]  }
0x2f9: {  	[hbm4b:s9+s4] =	stream.linear.scatter [tilespmem:s2], [sflag:$0x2], $0x280, $0x38;
	[tilespmem:$0x16300] =	vst v63  }
0x2fa: {  	_ =	swait.ge [sflag:s10], $0x280  }
0x2fb: {  	s14 =	rddreg [dreg:$0x1c]  }
0x2fc: {  	s31 =	rddreg [dreg:$0x13];
	s14 =	sadd.s32 $0x1, s14  }
0x2fd: {  	p0 =	sne.s32 s14, s31  }
.Ltmp5:
0x2fe: {  	_ = 	snop;
	(pc) =	sbr.rel @p0 .LBB2_1-.Ltmp5, $3  }
0x2ff: {  	_ =	sdelay $0x1  }
0x300: {  	[sflag:s10] =	ssyncset.done $0x0  }
0x301: {  	[sflag:s10] =	ssyncadd.s32 $0xFFFFFD80  }
0x302: {  	_ =	sfence.sel $0x180000  }
0x303: {  	[bflag:$0x0] =	sbarrier.arrive $0xFFFF  }
0x304: {  	_ =	strace $0x90000047  }
0x305: {  	s0 =	stileid.u32;
	[bflag:$0x2] =	sbarrier.arrive $0xFFFF  }
0x306: {  	p0 =	sne.s32 s0, $0x0;
	s0 =	rddreg [dreg:$0x4]  }
0x307: {  	s0 =	sadd.s32 @!p0 $0x100000, s0  }
0x308: {  	[sflag:s0] =	ssyncadd.tile.s32 @!p0 $0x1;
	_ =	shalt  }
.Lfunc_end2:
_tile_overlayer_lowered:
.L_overlay_start_2:
0x309: {  	(tag) =	ssettag $0x2  }
0x30a: {  	s0 =	rddreg [dreg:$0x0];
	s2 =	stileid.u32  }
0x30b: {  	s1 =	rddreg [dreg:$0x1];
	p0 =	sne.s32 s2, $0x0  }
0x30c: {  	s3 =	rddreg [dreg:$0x2];
	[bflag:$0x3] =	sbarrier.arrive $0xFFFF;
	s2 =	simm.s32 @!p0 $0x1C02  }
0x30d: {  	[timem:s3], [sflag:s2] =	dma.local @!p0 [hbm:s0], s1  }
0x30e: {  	s0 =	simm.s32 @!p0 $0x2  }
0x30f: {  	_ =	swait.ge @!p0 [sflag:s0], s1  }
0x310: {  	s1 =	ssub.s32 @!p0 $0x0, s1;
	[sflag:s0] =	ssyncset.done @!p0 $0x0  }
0x311: {  	[sflag:s0] =	ssyncadd.s32 @!p0 s1  }
0x312: {  	[bflag:$0x3] =	sbarrier.arrive $0xFFFF  }
0x313: {  	_ =	shalt  }

</sc_bundles>
